<compile_context>
chip_gen: v7x
topology: tpu7x:2x2x1
jax: 0.10.2.dev20260603
libtpu: 0.0.44.dev20260713+nightly
codegen_flags: <defaults>
</compile_context>

<pallas_src>
import jax
import jax.numpy as jnp
from jax import lax
from jax.experimental import pallas as pl
from jax.experimental.pallas import tpu as pltpu
from jax.experimental.pallas import tpu_sc as plsc

D = 1024
H = 2048
E = 16
T = 2048
P = 2 * T
BT = 256
G = 31
GP = G * BT



def _route_kernel(x_ref, gw_ref, gb_ref, pos_ref, w_ref, be_ref):
    f32 = jnp.float32
    xf = x_ref[...]
    logits = jax.lax.dot_general(
        xf, gw_ref[...], (((1,), (1,)), ((), ())),
        preferred_element_type=f32) + gb_ref[...][None, :]
    s = (logits > 1.0).astype(jnp.int32)
    e_iota = jax.lax.broadcasted_iota(jnp.int32, (T, E), 1)
    f1 = e_iota + (1 - s) * E
    m1 = jnp.min(f1, axis=1)
    idx1 = jnp.where(m1 < E, m1, 0)
    v1 = (m1 < E).astype(f32)
    f2 = f1 + jnp.where(e_iota == idx1[:, None], 16 * E, 0)
    m2 = jnp.min(f2, axis=1)
    idx2 = jnp.where(m2 < E, m2, m2 - E)
    v2 = (m2 < E).astype(f32)
    w1 = 1.0 / (1.0 + jnp.exp(v2 - v1))
    w2 = 1.0 - w1

    oh1 = (idx1[:, None] == e_iota).astype(f32)
    oh2 = (idx2[:, None] == e_iota).astype(f32)
    oh = jnp.concatenate([oh1, oh2], axis=0)

    RB = 256
    nb = P // RB
    ltb = (jax.lax.broadcasted_iota(jnp.int32, (RB, RB), 1)
           < jax.lax.broadcasted_iota(jnp.int32, (RB, RB), 0)).astype(f32)
    parts = []
    sums = []
    for b in range(nb):
        ohb = oh[b * RB:(b + 1) * RB]
        parts.append(jnp.dot(ltb, ohb, preferred_element_type=f32))
        sums.append(jnp.sum(ohb, axis=0)[None, :])
    excl_in = jnp.concatenate(parts, axis=0)
    bsums = jnp.concatenate(sums, axis=0)
    ltn = (jax.lax.broadcasted_iota(jnp.int32, (nb, nb), 1)
           < jax.lax.broadcasted_iota(jnp.int32, (nb, nb), 0)).astype(f32)
    bpre = jnp.dot(ltn, bsums, preferred_element_type=f32)
    bases = [jnp.broadcast_to(bpre[b][None, :], (RB, E)) for b in range(nb)]
    excl = excl_in + jnp.concatenate(bases, axis=0)
    rank = jnp.sum(oh * excl, axis=1)

    counts = jnp.sum(oh, axis=0)
    nblk = jnp.floor((counts + (BT - 1)) * (1.0 / BT))
    lte = (jax.lax.broadcasted_iota(jnp.int32, (E, E), 1)
           < jax.lax.broadcasted_iota(jnp.int32, (E, E), 0)).astype(f32)
    blk_start = jnp.dot(lte, nblk[:, None],
                        preferred_element_type=f32)[:, 0]
    pad_off = blk_start * BT
    pos = rank + jnp.sum(oh * pad_off[None, :], axis=1)

    blk_end = blk_start + nblk
    b_iota = jax.lax.broadcasted_iota(jnp.int32, (64, E), 0).astype(f32)
    be = jnp.sum((blk_end[None, :] <= b_iota).astype(f32), axis=1)
    be = jnp.minimum(be, float(E - 1))
    used = jnp.sum(nblk)
    slot = jax.lax.broadcasted_iota(jnp.int32, (64,), 0)
    be = jnp.where(slot == 63, used, be)

    pos_ref[...] = pos.astype(jnp.int32)
    wcat = jnp.concatenate([w1, w2], axis=0)
    w_ref[...] = jnp.broadcast_to(wcat[:, None], (P, 16))
    be_ref[...] = be.astype(jnp.int32)


def _route(xf, gate_W, gate_b):
    return pl.pallas_call(
        _route_kernel,
        out_shape=(
            jax.ShapeDtypeStruct((P,), jnp.int32),
            jax.ShapeDtypeStruct((P, 16), jnp.float32),
            jax.ShapeDtypeStruct((64,), jnp.int32),
        ),
    )(xf, gate_W, gate_b)



def _cb(b, be):
    return jnp.minimum(b, be[63] - 1)


def _ffn_kernel(be_ref, xs_ref, wg_ref, bg_ref, wu_ref, bu_ref,
                wd_ref, bd_ref, ys_ref):
    f32 = jnp.float32
    xb = xs_ref[...]
    h = jax.lax.dot_general(
        xb, wg_ref[0], (((1,), (1,)), ((), ())),
        preferred_element_type=f32) + bg_ref[0]
    sp = (h > 1.0).astype(f32)
    up = jax.lax.dot_general(
        xb, wu_ref[0], (((1,), (1,)), ((), ())),
        preferred_element_type=f32) + bu_ref[0]
    prod = sp * up
    ys_ref[...] = jax.lax.dot_general(
        prod, wd_ref[0], (((1,), (1,)), ((), ())),
        preferred_element_type=f32) + bd_ref[0]


def _ffn_kernel_skip(be_ref, xs_ref, wg_ref, bg_ref, wu_ref, bu_ref,
                     wd_ref, bd_ref, ys_ref):
    @pl.when(pl.program_id(0) < be_ref[63])
    def _():
        _ffn_kernel(be_ref, xs_ref, wg_ref, bg_ref, wu_ref, bu_ref,
                    wd_ref, bd_ref, ys_ref)


def _ffn(be, xs, Wg, bg, Wu, bu, Wd, bd):
    grid_spec = pltpu.PrefetchScalarGridSpec(
        num_scalar_prefetch=1,
        grid=(G,),
        in_specs=[
            pl.BlockSpec((BT, D), lambda b, be: (_cb(b, be), 0)),
            pl.BlockSpec((1, H, D), lambda b, be: (be[_cb(b, be)], 0, 0)),
            pl.BlockSpec((1, 1, H), lambda b, be: (be[_cb(b, be)], 0, 0)),
            pl.BlockSpec((1, H, D), lambda b, be: (be[_cb(b, be)], 0, 0)),
            pl.BlockSpec((1, 1, H), lambda b, be: (be[_cb(b, be)], 0, 0)),
            pl.BlockSpec((1, D, H), lambda b, be: (be[_cb(b, be)], 0, 0)),
            pl.BlockSpec((1, 1, D), lambda b, be: (be[_cb(b, be)], 0, 0)),
        ],
        out_specs=pl.BlockSpec((BT, D), lambda b, be: (_cb(b, be), 0)),
    )
    return pl.pallas_call(
        _ffn_kernel_skip,
        grid_spec=grid_spec,
        out_shape=jax.ShapeDtypeStruct((GP, D), jnp.float32),
        compiler_params=pltpu.CompilerParams(
            dimension_semantics=("arbitrary",),
            vmem_limit_bytes=64 * 1024 * 1024,
        ),
    )(be, xs, Wg, bg.reshape(E, 1, H),
      Wu, bu.reshape(E, 1, H),
      Wd, bd.reshape(E, 1, D))



def _sc_disperse(pos2d, xf):
    mesh = plsc.VectorSubcoreMesh(core_axis_name="c", subcore_axis_name="s")

    def body(pos_hbm, x_hbm, xs_hbm, posv, rows, sem):
        cid = lax.axis_index("c")
        sid = lax.axis_index("s")
        wid = sid * 2 + cid
        tok0 = (wid * 128) % T
        pltpu.sync_copy(pos_hbm.at[pl.ds(wid * 2, 2)], posv)
        for c in range(2):
            pltpu.sync_copy(x_hbm.at[pl.ds(tok0 + c * 64, 64)], rows)
            pltpu.async_copy(rows, xs_hbm.at[posv.at[c]], sem).wait()

    return pl.kernel(
        body,
        mesh=mesh,
        out_type=jax.ShapeDtypeStruct((GP, D), jnp.float32),
        scratch_types=[
            pltpu.VMEM((2, 64), jnp.int32),
            pltpu.VMEM((64, D), jnp.float32),
            pltpu.SemaphoreType.DMA,
        ],
    )(pos2d, xf)



def _sc_combine(pos, wexp, ys):
    mesh = plsc.VectorSubcoreMesh(core_axis_name="c", subcore_axis_name="s")

    def body(pos_hbm, w_hbm, ys_hbm, out_hbm, i1, i2, w1s, w2s, r1, r2, o,
             sem):
        cid = lax.axis_index("c")
        sid = lax.axis_index("s")
        wid = sid * 2 + cid
        base = wid * 64
        pltpu.sync_copy(pos_hbm.at[pl.ds(base, 64)], i1)
        pltpu.sync_copy(pos_hbm.at[pl.ds(T + base, 64)], i2)
        pltpu.sync_copy(w_hbm.at[pl.ds(base, 64)], w1s)
        pltpu.sync_copy(w_hbm.at[pl.ds(T + base, 64)], w2s)
        lanes = pl.ds(0, 16)
        for c in range(2):
            pltpu.async_copy(ys_hbm.at[i1.at[pl.ds(c * 32, 32)]], r1,
                             sem).wait()
            pltpu.async_copy(ys_hbm.at[i2.at[pl.ds(c * 32, 32)]], r2,
                             sem).wait()

            def tok(t, carry):
                a1 = w1s[c * 32 + t, lanes]
                a2 = w2s[c * 32 + t, lanes]
                for v in range(D // 16):
                    sl = pl.ds(v * 16, 16)
                    o[t, sl] = a1 * r1[t, sl] + a2 * r2[t, sl]
                return carry

            lax.fori_loop(0, 32, tok, 0)
            pltpu.sync_copy(o, out_hbm.at[pl.ds(base + c * 32, 32)])

    return pl.kernel(
        body,
        mesh=mesh,
        out_type=jax.ShapeDtypeStruct((T, D), jnp.float32),
        scratch_types=[
            pltpu.VMEM((64,), jnp.int32),
            pltpu.VMEM((64,), jnp.int32),
            pltpu.VMEM((64, 16), jnp.float32),
            pltpu.VMEM((64, 16), jnp.float32),
            pltpu.VMEM((32, D), jnp.float32),
            pltpu.VMEM((32, D), jnp.float32),
            pltpu.VMEM((32, D), jnp.float32),
            pltpu.SemaphoreType.DMA,
        ],
    )(pos, wexp, ys)



def kernel(x, gate_W, gate_b, Wg, bg, Wu, bu, Wd, bd):
    B, S, _ = x.shape
    xf = x.reshape(T, D)
    pos, wexp, be = _route(xf, gate_W, gate_b)

    xs = _sc_disperse(pos.reshape(64, 64), xf)
    ys = _ffn(be, xs, Wg, bg, Wu, bu, Wd, bd)
    out = _sc_combine(pos, wexp, ys)
    return out.reshape(B, S, D)

# --- scband reference (transcript-rebuilt; emitter-appended) ---
"""Pipeline reference for scband-spiking-mo-effn-11897059410879 (READ-ONLY COPY).

The authoritative reference and input builder live on the scoring server;
editing this copy changes nothing except your own understanding.
"""

import jax, jax.numpy as jnp
import numpy as np

D_MODEL = 1024
HIDDEN = 2048
E = 16
TOPK = 2
BETA = 0.95
THRESH = 1.0
BATCH, SEQ = 1, 2048


def setup_inputs(seed: int = 0) -> dict:
    key = jax.random.key(seed)
    ks = jax.random.split(key, 10)
    x = jax.random.normal(ks[0], (BATCH, SEQ, D_MODEL), dtype=jnp.float32)
    s = 1.0 / np.sqrt(D_MODEL)
    sh = 1.0 / np.sqrt(HIDDEN)
    gate_W = jax.random.uniform(ks[1], (E, D_MODEL), jnp.float32, -s, s)
    gate_b = jax.random.uniform(ks[2], (E,), jnp.float32, -s, s)
    Wg = jax.random.uniform(ks[3], (E, HIDDEN, D_MODEL), jnp.float32, -s, s)
    bg = jax.random.uniform(ks[4], (E, HIDDEN), jnp.float32, -s, s)
    Wu = jax.random.uniform(ks[5], (E, HIDDEN, D_MODEL), jnp.float32, -s, s)
    bu = jax.random.uniform(ks[6], (E, HIDDEN), jnp.float32, -s, s)
    Wd = jax.random.uniform(ks[7], (E, D_MODEL, HIDDEN), jnp.float32, -sh, sh)
    bd = jax.random.uniform(ks[8], (E, D_MODEL), jnp.float32, -sh, sh)
    return {"x": x, "gate_W": gate_W, "gate_b": gate_b, "Wg": Wg, "bg": bg,
            "Wu": Wu, "bu": bu, "Wd": Wd, "bd": bd}


def _lif_spike(inp):
    # snn.Leaky single step with zero initial membrane: mem = beta*0 + inp = inp
    # spike = heaviside(mem - threshold)
    return (inp > THRESH).astype(jnp.float32)


def reference(x, gate_W, gate_b, Wg, bg, Wu, bu, Wd, bd):
    B, S, D = x.shape
    xf = x.reshape(-1, D)
    gate_logits = xf @ gate_W.T + gate_b
    spike_out = _lif_spike(gate_logits)
    topk_vals, topk_idx = jax.lax.top_k(spike_out, TOPK)
    topk_w = jax.nn.softmax(topk_vals, axis=-1)
    out = jnp.zeros_like(xf)
    for i in range(TOPK):
        for e in range(E):
            mask = (topk_idx[:, i] == e).astype(xf.dtype)
            # SpikingSwiGLU: down( spike(gate_proj(x)) * up_proj(x) )
            h_gate = xf @ Wg[e].T + bg[e]
            sp = _lif_spike(h_gate)
            up = xf @ Wu[e].T + bu[e]
            eo = (sp * up) @ Wd[e].T + bd[e]
            out = out + (mask * topk_w[:, i])[:, None] * eo
    return out.reshape(B, S, D)

if __name__ == "__main__":
    import jax
    _d = setup_inputs()
    print(jax.jit(kernel)(*tuple(_d.values())))

</pallas_src>

<mosaic_0001>
#map = affine_map<(d0, d1) -> (0, 0)>
module attributes {stable_mosaic.version = 14 : i64} {
  func.func @body(%arg0: i32, %arg1: i32, %arg2: memref<64x64xi32, #tpu.memory_space<hbm>>, %arg3: memref<2048x1024xf32, #tpu.memory_space<hbm>>, %arg4: memref<7936x1024xf32, #tpu.memory_space<hbm>>, %arg5: memref<2x64xi32, #tpu.memory_space<vmem>>, %arg6: memref<64x1024xf32, #tpu.memory_space<vmem>>, %arg7: memref<!tpu.dma_semaphore, #tpu.memory_space<semaphore_mem>>) attributes {dimension_semantics = [#tpu.dimension_semantics<core_parallel>, #tpu.dimension_semantics<subcore_parallel>], iteration_bounds = array<i64: 2, 16>, scalar_prefetch = 0 : i64, scratch_operands = 3 : i64, tpu.core_type = #tpu.core_type<sc_vector_subcore>, window_params = [{transform_indices = #map}, {transform_indices = #map}, {transform_indices = #map}]} {
    %mul3A = arith.constant 2 : i32
    %mul3A_0 = arith.muli %arg1, %mul3A : i32
    %add3A = arith.addi %mul3A_0, %arg0 : i32
    %mul3A_1 = arith.constant 128 : i32
    %mul3A_2 = arith.muli %add3A, %mul3A_1 : i32
    %jit3A = arith.constant 2048 : i32
    %eq3A = arith.constant 0 : i32
    %eq3A_3 = arith.cmpi eq, %jit3A, %eq3A : i32
    %jit3A_4 = arith.constant 1 : i32
    %select_n3A = arith.select %eq3A_3, %jit3A_4, %jit3A : i32
    %rem3A = arith.remsi %mul3A_2, %select_n3A : i32
    %ne3A = arith.constant 0 : i32
    %ne3A_5 = arith.cmpi ne, %rem3A, %ne3A : i32
    %lt3A = arith.constant 0 : i32
    %lt3A_6 = arith.cmpi slt, %rem3A, %lt3A : i32
    %lt3A_7 = arith.constant 0 : i32
    %lt3A_8 = arith.cmpi slt, %select_n3A, %lt3A_7 : i32
    %ne3A_9 = arith.xori %lt3A_6, %lt3A_8 : i1
    %and3A = arith.andi %ne3A_9, %ne3A_5 : i1
    %add3A_10 = arith.addi %rem3A, %select_n3A : i32
    %select_n3A_11 = arith.select %and3A, %add3A_10, %rem3A : i32
    %mul3A_12 = arith.constant 2 : i32
    %mul3A_13 = arith.muli %add3A, %mul3A_12 : i32
    "tpu.region"() ({
      %run_scoped3A = tpu.sem_alloc : memref<!tpu.dma_semaphore, #tpu.memory_space<semaphore_mem>>
      %dma_start3A_44 = arith.constant 0 : i32
      %dma_start3A_45 = tpu.memref_slice %arg2[%mul3A_13, %dma_start3A_44] : memref<64x64xi32, #tpu.memory_space<hbm>> -> memref<2x64xi32, #tpu.memory_space<hbm>>
      %dma_start3A_46 = arith.constant 0 : i32
      %dma_start3A_47 = tpu.memref_slice %arg2[%mul3A_13, %dma_start3A_46] : memref<64x64xi32, #tpu.memory_space<hbm>> -> memref<2x64xi32, #tpu.memory_space<hbm>>
      tpu.enqueue_dma source(%dma_start3A_47 : memref<2x64xi32, #tpu.memory_space<hbm>>) target(%arg5 : memref<2x64xi32, #tpu.memory_space<vmem>>) target_semaphore(%run_scoped3A : memref<!tpu.dma_semaphore, #tpu.memory_space<semaphore_mem>>)
      %dma_wait3A_48 = arith.constant 0 : i32
      %dma_wait3A_49 = tpu.memref_slice %arg2[%mul3A_13, %dma_wait3A_48] : memref<64x64xi32, #tpu.memory_space<hbm>> -> memref<2x64xi32, #tpu.memory_space<hbm>>
      %dma_wait3A_50 = arith.constant 0 : i32
      %dma_wait3A_51 = tpu.memref_slice %arg2[%mul3A_13, %dma_wait3A_50] : memref<64x64xi32, #tpu.memory_space<hbm>> -> memref<2x64xi32, #tpu.memory_space<hbm>>
      tpu.wait_dma2 semaphore(%run_scoped3A : memref<!tpu.dma_semaphore, #tpu.memory_space<semaphore_mem>>) src(%dma_wait3A_51 : memref<2x64xi32, #tpu.memory_space<hbm>>) dst(%arg5 : memref<2x64xi32, #tpu.memory_space<vmem>>)
      tpu.yield
    }) : () -> ()
    %add3A_14 = arith.constant 0 : i32
    %add3A_15 = arith.addi %select_n3A_11, %add3A_14 : i32
    "tpu.region"() ({
      %run_scoped3A = tpu.sem_alloc : memref<!tpu.dma_semaphore, #tpu.memory_space<semaphore_mem>>
      %dma_start3A_44 = arith.constant 0 : i32
      %dma_start3A_45 = tpu.memref_slice %arg3[%add3A_15, %dma_start3A_44] : memref<2048x1024xf32, #tpu.memory_space<hbm>> -> memref<64x1024xf32, #tpu.memory_space<hbm>>
      %dma_start3A_46 = arith.constant 0 : i32
      %dma_start3A_47 = tpu.memref_slice %arg3[%add3A_15, %dma_start3A_46] : memref<2048x1024xf32, #tpu.memory_space<hbm>> -> memref<64x1024xf32, #tpu.memory_space<hbm>>
      tpu.enqueue_dma source(%dma_start3A_47 : memref<64x1024xf32, #tpu.memory_space<hbm>>) target(%arg6 : memref<64x1024xf32, #tpu.memory_space<vmem>>) target_semaphore(%run_scoped3A : memref<!tpu.dma_semaphore, #tpu.memory_space<semaphore_mem>>)
      %dma_wait3A_48 = arith.constant 0 : i32
      %dma_wait3A_49 = tpu.memref_slice %arg3[%add3A_15, %dma_wait3A_48] : memref<2048x1024xf32, #tpu.memory_space<hbm>> -> memref<64x1024xf32, #tpu.memory_space<hbm>>
      %dma_wait3A_50 = arith.constant 0 : i32
      %dma_wait3A_51 = tpu.memref_slice %arg3[%add3A_15, %dma_wait3A_50] : memref<2048x1024xf32, #tpu.memory_space<hbm>> -> memref<64x1024xf32, #tpu.memory_space<hbm>>
      tpu.wait_dma2 semaphore(%run_scoped3A : memref<!tpu.dma_semaphore, #tpu.memory_space<semaphore_mem>>) src(%dma_wait3A_51 : memref<64x1024xf32, #tpu.memory_space<hbm>>) dst(%arg6 : memref<64x1024xf32, #tpu.memory_space<vmem>>)
      tpu.yield
    }) : () -> ()
    %dma_start3A = arith.constant 0 : i32
    %dma_start3A_16 = arith.constant 0 : i32
    %dma_start3A_17 = tpu.memref_slice %arg5[%dma_start3A, %dma_start3A_16] : memref<2x64xi32, #tpu.memory_space<vmem>> -> memref<1x64xi32, #tpu.memory_space<vmem>>
    %dma_start3A_18 = tpu.memref_squeeze %dma_start3A_17 : memref<1x64xi32, #tpu.memory_space<vmem>> -> memref<64xi32, #tpu.memory_space<vmem>>
    %dma_start3A_19 = arith.constant 0 : i32
    %dma_start3A_20 = arith.constant 0 : i32
    %dma_start3A_21 = tpu.memref_slice %arg4[%dma_start3A_19, %dma_start3A_20] : memref<7936x1024xf32, #tpu.memory_space<hbm>> -> memref<7936x1024xf32, #tpu.memory_space<hbm>>
    tpu.enqueue_indirect_dma source(%arg6 : memref<64x1024xf32, #tpu.memory_space<vmem>>) target(%dma_start3A_21 : memref<7936x1024xf32, #tpu.memory_space<hbm>>) offsets(%dma_start3A_18 : memref<64xi32, #tpu.memory_space<vmem>>) semaphore(%arg7 : memref<!tpu.dma_semaphore, #tpu.memory_space<semaphore_mem>>)
    %dma_wait3A = arith.constant 0 : i32
    %dma_wait3A_22 = arith.constant 0 : i32
    %dma_wait3A_23 = tpu.memref_slice %arg5[%dma_wait3A, %dma_wait3A_22] : memref<2x64xi32, #tpu.memory_space<vmem>> -> memref<1x64xi32, #tpu.memory_space<vmem>>
    %dma_wait3A_24 = tpu.memref_squeeze %dma_wait3A_23 : memref<1x64xi32, #tpu.memory_space<vmem>> -> memref<64xi32, #tpu.memory_space<vmem>>
    %dma_wait3A_25 = arith.constant 0 : i32
    %dma_wait3A_26 = arith.constant 0 : i32
    %dma_wait3A_27 = tpu.memref_slice %arg4[%dma_wait3A_25, %dma_wait3A_26] : memref<7936x1024xf32, #tpu.memory_space<hbm>> -> memref<7936x1024xf32, #tpu.memory_space<hbm>>
    tpu.wait_indirect_dma semaphore(%arg7 : memref<!tpu.dma_semaphore, #tpu.memory_space<semaphore_mem>>) src(%arg6 : memref<64x1024xf32, #tpu.memory_space<vmem>>) dst(%dma_wait3A_27 : memref<7936x1024xf32, #tpu.memory_space<hbm>>)
    %add3A_28 = arith.constant 64 : i32
    %add3A_29 = arith.addi %select_n3A_11, %add3A_28 : i32
    "tpu.region"() ({
      %run_scoped3A = tpu.sem_alloc : memref<!tpu.dma_semaphore, #tpu.memory_space<semaphore_mem>>
      %dma_start3A_44 = arith.constant 0 : i32
      %dma_start3A_45 = tpu.memref_slice %arg3[%add3A_29, %dma_start3A_44] : memref<2048x1024xf32, #tpu.memory_space<hbm>> -> memref<64x1024xf32, #tpu.memory_space<hbm>>
      %dma_start3A_46 = arith.constant 0 : i32
      %dma_start3A_47 = tpu.memref_slice %arg3[%add3A_29, %dma_start3A_46] : memref<2048x1024xf32, #tpu.memory_space<hbm>> -> memref<64x1024xf32, #tpu.memory_space<hbm>>
      tpu.enqueue_dma source(%dma_start3A_47 : memref<64x1024xf32, #tpu.memory_space<hbm>>) target(%arg6 : memref<64x1024xf32, #tpu.memory_space<vmem>>) target_semaphore(%run_scoped3A : memref<!tpu.dma_semaphore, #tpu.memory_space<semaphore_mem>>)
      %dma_wait3A_48 = arith.constant 0 : i32
      %dma_wait3A_49 = tpu.memref_slice %arg3[%add3A_29, %dma_wait3A_48] : memref<2048x1024xf32, #tpu.memory_space<hbm>> -> memref<64x1024xf32, #tpu.memory_space<hbm>>
      %dma_wait3A_50 = arith.constant 0 : i32
      %dma_wait3A_51 = tpu.memref_slice %arg3[%add3A_29, %dma_wait3A_50] : memref<2048x1024xf32, #tpu.memory_space<hbm>> -> memref<64x1024xf32, #tpu.memory_space<hbm>>
      tpu.wait_dma2 semaphore(%run_scoped3A : memref<!tpu.dma_semaphore, #tpu.memory_space<semaphore_mem>>) src(%dma_wait3A_51 : memref<64x1024xf32, #tpu.memory_space<hbm>>) dst(%arg6 : memref<64x1024xf32, #tpu.memory_space<vmem>>)
      tpu.yield
    }) : () -> ()
    %dma_start3A_30 = arith.constant 1 : i32
    %dma_start3A_31 = arith.constant 0 : i32
    %dma_start3A_32 = tpu.memref_slice %arg5[%dma_start3A_30, %dma_start3A_31] : memref<2x64xi32, #tpu.memory_space<vmem>> -> memref<1x64xi32, #tpu.memory_space<vmem>>
    %dma_start3A_33 = tpu.memref_squeeze %dma_start3A_32 : memref<1x64xi32, #tpu.memory_space<vmem>> -> memref<64xi32, #tpu.memory_space<vmem>>
    %dma_start3A_34 = arith.constant 0 : i32
    %dma_start3A_35 = arith.constant 0 : i32
    %dma_start3A_36 = tpu.memref_slice %arg4[%dma_start3A_34, %dma_start3A_35] : memref<7936x1024xf32, #tpu.memory_space<hbm>> -> memref<7936x1024xf32, #tpu.memory_space<hbm>>
    tpu.enqueue_indirect_dma source(%arg6 : memref<64x1024xf32, #tpu.memory_space<vmem>>) target(%dma_start3A_36 : memref<7936x1024xf32, #tpu.memory_space<hbm>>) offsets(%dma_start3A_33 : memref<64xi32, #tpu.memory_space<vmem>>) semaphore(%arg7 : memref<!tpu.dma_semaphore, #tpu.memory_space<semaphore_mem>>)
    %dma_wait3A_37 = arith.constant 1 : i32
    %dma_wait3A_38 = arith.constant 0 : i32
    %dma_wait3A_39 = tpu.memref_slice %arg5[%dma_wait3A_37, %dma_wait3A_38] : memref<2x64xi32, #tpu.memory_space<vmem>> -> memref<1x64xi32, #tpu.memory_space<vmem>>
    %dma_wait3A_40 = tpu.memref_squeeze %dma_wait3A_39 : memref<1x64xi32, #tpu.memory_space<vmem>> -> memref<64xi32, #tpu.memory_space<vmem>>
    %dma_wait3A_41 = arith.constant 0 : i32
    %dma_wait3A_42 = arith.constant 0 : i32
    %dma_wait3A_43 = tpu.memref_slice %arg4[%dma_wait3A_41, %dma_wait3A_42] : memref<7936x1024xf32, #tpu.memory_space<hbm>> -> memref<7936x1024xf32, #tpu.memory_space<hbm>>
    tpu.wait_indirect_dma semaphore(%arg7 : memref<!tpu.dma_semaphore, #tpu.memory_space<semaphore_mem>>) src(%arg6 : memref<64x1024xf32, #tpu.memory_space<vmem>>) dst(%dma_wait3A_43 : memref<7936x1024xf32, #tpu.memory_space<hbm>>)
    return
  }
}

#map = affine_map<(d0, d1) -> (0)>
#map1 = affine_map<(d0, d1) -> (0, 0)>
module attributes {stable_mosaic.version = 14 : i64} {
  func.func @body(%arg0: i32, %arg1: i32, %arg2: memref<4096xi32, #tpu.memory_space<hbm>>, %arg3: memref<4096x16xf32, #tpu.memory_space<hbm>>, %arg4: memref<7936x1024xf32, #tpu.memory_space<hbm>>, %arg5: memref<2048x1024xf32, #tpu.memory_space<hbm>>, %arg6: memref<64xi32, #tpu.memory_space<vmem>>, %arg7: memref<64xi32, #tpu.memory_space<vmem>>, %arg8: memref<64x16xf32, #tpu.memory_space<vmem>>, %arg9: memref<64x16xf32, #tpu.memory_space<vmem>>, %arg10: memref<32x1024xf32, #tpu.memory_space<vmem>>, %arg11: memref<32x1024xf32, #tpu.memory_space<vmem>>, %arg12: memref<32x1024xf32, #tpu.memory_space<vmem>>, %arg13: memref<!tpu.dma_semaphore, #tpu.memory_space<semaphore_mem>>) attributes {dimension_semantics = [#tpu.dimension_semantics<core_parallel>, #tpu.dimension_semantics<subcore_parallel>], iteration_bounds = array<i64: 2, 16>, scalar_prefetch = 0 : i64, scratch_operands = 8 : i64, tpu.core_type = #tpu.core_type<sc_vector_subcore>, window_params = [{transform_indices = #map}, {transform_indices = #map1}, {transform_indices = #map1}, {transform_indices = #map1}]} {
    %mul3A = arith.constant 2 : i32
    %mul3A_0 = arith.muli %arg1, %mul3A : i32
    %add3A = arith.addi %mul3A_0, %arg0 : i32
    %mul3A_1 = arith.constant 64 : i32
    %mul3A_2 = arith.muli %add3A, %mul3A_1 : i32
    "tpu.region"() ({
      %run_scoped3A = tpu.sem_alloc : memref<!tpu.dma_semaphore, #tpu.memory_space<semaphore_mem>>
      %dma_start3A_60 = tpu.memref_slice %arg2[%mul3A_2] : memref<4096xi32, #tpu.memory_space<hbm>> -> memref<64xi32, #tpu.memory_space<hbm>>
      %dma_start3A_61 = tpu.memref_slice %arg2[%mul3A_2] : memref<4096xi32, #tpu.memory_space<hbm>> -> memref<64xi32, #tpu.memory_space<hbm>>
      tpu.enqueue_dma source(%dma_start3A_61 : memref<64xi32, #tpu.memory_space<hbm>>) target(%arg6 : memref<64xi32, #tpu.memory_space<vmem>>) target_semaphore(%run_scoped3A : memref<!tpu.dma_semaphore, #tpu.memory_space<semaphore_mem>>)
      %dma_wait3A_62 = tpu.memref_slice %arg2[%mul3A_2] : memref<4096xi32, #tpu.memory_space<hbm>> -> memref<64xi32, #tpu.memory_space<hbm>>
      %dma_wait3A_63 = tpu.memref_slice %arg2[%mul3A_2] : memref<4096xi32, #tpu.memory_space<hbm>> -> memref<64xi32, #tpu.memory_space<hbm>>
      tpu.wait_dma2 semaphore(%run_scoped3A : memref<!tpu.dma_semaphore, #tpu.memory_space<semaphore_mem>>) src(%dma_wait3A_63 : memref<64xi32, #tpu.memory_space<hbm>>) dst(%arg6 : memref<64xi32, #tpu.memory_space<vmem>>)
      tpu.yield
    }) : () -> ()
    %add3A_3 = arith.constant 2048 : i32
    %add3A_4 = arith.addi %add3A_3, %mul3A_2 : i32
    "tpu.region"() ({
      %run_scoped3A = tpu.sem_alloc : memref<!tpu.dma_semaphore, #tpu.memory_space<semaphore_mem>>
      %dma_start3A_60 = tpu.memref_slice %arg2[%add3A_4] : memref<4096xi32, #tpu.memory_space<hbm>> -> memref<64xi32, #tpu.memory_space<hbm>>
      %dma_start3A_61 = tpu.memref_slice %arg2[%add3A_4] : memref<4096xi32, #tpu.memory_space<hbm>> -> memref<64xi32, #tpu.memory_space<hbm>>
      tpu.enqueue_dma source(%dma_start3A_61 : memref<64xi32, #tpu.memory_space<hbm>>) target(%arg7 : memref<64xi32, #tpu.memory_space<vmem>>) target_semaphore(%run_scoped3A : memref<!tpu.dma_semaphore, #tpu.memory_space<semaphore_mem>>)
      %dma_wait3A_62 = tpu.memref_slice %arg2[%add3A_4] : memref<4096xi32, #tpu.memory_space<hbm>> -> memref<64xi32, #tpu.memory_space<hbm>>
      %dma_wait3A_63 = tpu.memref_slice %arg2[%add3A_4] : memref<4096xi32, #tpu.memory_space<hbm>> -> memref<64xi32, #tpu.memory_space<hbm>>
      tpu.wait_dma2 semaphore(%run_scoped3A : memref<!tpu.dma_semaphore, #tpu.memory_space<semaphore_mem>>) src(%dma_wait3A_63 : memref<64xi32, #tpu.memory_space<hbm>>) dst(%arg7 : memref<64xi32, #tpu.memory_space<vmem>>)
      tpu.yield
    }) : () -> ()
    "tpu.region"() ({
      %run_scoped3A = tpu.sem_alloc : memref<!tpu.dma_semaphore, #tpu.memory_space<semaphore_mem>>
      %dma_start3A_60 = arith.constant 0 : i32
      %dma_start3A_61 = tpu.memref_slice %arg3[%mul3A_2, %dma_start3A_60] : memref<4096x16xf32, #tpu.memory_space<hbm>> -> memref<64x16xf32, #tpu.memory_space<hbm>>
      %dma_start3A_62 = arith.constant 0 : i32
      %dma_start3A_63 = tpu.memref_slice %arg3[%mul3A_2, %dma_start3A_62] : memref<4096x16xf32, #tpu.memory_space<hbm>> -> memref<64x16xf32, #tpu.memory_space<hbm>>
      tpu.enqueue_dma source(%dma_start3A_63 : memref<64x16xf32, #tpu.memory_space<hbm>>) target(%arg8 : memref<64x16xf32, #tpu.memory_space<vmem>>) target_semaphore(%run_scoped3A : memref<!tpu.dma_semaphore, #tpu.memory_space<semaphore_mem>>)
      %dma_wait3A_64 = arith.constant 0 : i32
      %dma_wait3A_65 = tpu.memref_slice %arg3[%mul3A_2, %dma_wait3A_64] : memref<4096x16xf32, #tpu.memory_space<hbm>> -> memref<64x16xf32, #tpu.memory_space<hbm>>
      %dma_wait3A_66 = arith.constant 0 : i32
      %dma_wait3A_67 = tpu.memref_slice %arg3[%mul3A_2, %dma_wait3A_66] : memref<4096x16xf32, #tpu.memory_space<hbm>> -> memref<64x16xf32, #tpu.memory_space<hbm>>
      tpu.wait_dma2 semaphore(%run_scoped3A : memref<!tpu.dma_semaphore, #tpu.memory_space<semaphore_mem>>) src(%dma_wait3A_67 : memref<64x16xf32, #tpu.memory_space<hbm>>) dst(%arg8 : memref<64x16xf32, #tpu.memory_space<vmem>>)
      tpu.yield
    }) : () -> ()
    %add3A_5 = arith.constant 2048 : i32
    %add3A_6 = arith.addi %add3A_5, %mul3A_2 : i32
    "tpu.region"() ({
      %run_scoped3A = tpu.sem_alloc : memref<!tpu.dma_semaphore, #tpu.memory_space<semaphore_mem>>
      %dma_start3A_60 = arith.constant 0 : i32
      %dma_start3A_61 = tpu.memref_slice %arg3[%add3A_6, %dma_start3A_60] : memref<4096x16xf32, #tpu.memory_space<hbm>> -> memref<64x16xf32, #tpu.memory_space<hbm>>
      %dma_start3A_62 = arith.constant 0 : i32
      %dma_start3A_63 = tpu.memref_slice %arg3[%add3A_6, %dma_start3A_62] : memref<4096x16xf32, #tpu.memory_space<hbm>> -> memref<64x16xf32, #tpu.memory_space<hbm>>
      tpu.enqueue_dma source(%dma_start3A_63 : memref<64x16xf32, #tpu.memory_space<hbm>>) target(%arg9 : memref<64x16xf32, #tpu.memory_space<vmem>>) target_semaphore(%run_scoped3A : memref<!tpu.dma_semaphore, #tpu.memory_space<semaphore_mem>>)
      %dma_wait3A_64 = arith.constant 0 : i32
      %dma_wait3A_65 = tpu.memref_slice %arg3[%add3A_6, %dma_wait3A_64] : memref<4096x16xf32, #tpu.memory_space<hbm>> -> memref<64x16xf32, #tpu.memory_space<hbm>>
      %dma_wait3A_66 = arith.constant 0 : i32
      %dma_wait3A_67 = tpu.memref_slice %arg3[%add3A_6, %dma_wait3A_66] : memref<4096x16xf32, #tpu.memory_space<hbm>> -> memref<64x16xf32, #tpu.memory_space<hbm>>
      tpu.wait_dma2 semaphore(%run_scoped3A : memref<!tpu.dma_semaphore, #tpu.memory_space<semaphore_mem>>) src(%dma_wait3A_67 : memref<64x16xf32, #tpu.memory_space<hbm>>) dst(%arg9 : memref<64x16xf32, #tpu.memory_space<vmem>>)
      tpu.yield
    }) : () -> ()
    %dma_start3A = arith.constant 0 : i32
    %dma_start3A_7 = tpu.memref_slice %arg6[%dma_start3A] : memref<64xi32, #tpu.memory_space<vmem>> -> memref<32xi32, #tpu.memory_space<vmem>>
    %dma_start3A_8 = arith.constant 0 : i32
    %dma_start3A_9 = arith.constant 0 : i32
    %dma_start3A_10 = tpu.memref_slice %arg4[%dma_start3A_8, %dma_start3A_9] : memref<7936x1024xf32, #tpu.memory_space<hbm>> -> memref<7936x1024xf32, #tpu.memory_space<hbm>>
    tpu.enqueue_indirect_dma source(%dma_start3A_10 : memref<7936x1024xf32, #tpu.memory_space<hbm>>) target(%arg10 : memref<32x1024xf32, #tpu.memory_space<vmem>>) offsets(%dma_start3A_7 : memref<32xi32, #tpu.memory_space<vmem>>) semaphore(%arg13 : memref<!tpu.dma_semaphore, #tpu.memory_space<semaphore_mem>>)
    %dma_wait3A = arith.constant 0 : i32
    %dma_wait3A_11 = tpu.memref_slice %arg6[%dma_wait3A] : memref<64xi32, #tpu.memory_space<vmem>> -> memref<32xi32, #tpu.memory_space<vmem>>
    %dma_wait3A_12 = arith.constant 0 : i32
    %dma_wait3A_13 = arith.constant 0 : i32
    %dma_wait3A_14 = tpu.memref_slice %arg4[%dma_wait3A_12, %dma_wait3A_13] : memref<7936x1024xf32, #tpu.memory_space<hbm>> -> memref<7936x1024xf32, #tpu.memory_space<hbm>>
    tpu.wait_indirect_dma semaphore(%arg13 : memref<!tpu.dma_semaphore, #tpu.memory_space<semaphore_mem>>) src(%dma_wait3A_14 : memref<7936x1024xf32, #tpu.memory_space<hbm>>) dst(%arg10 : memref<32x1024xf32, #tpu.memory_space<vmem>>)
    %dma_start3A_15 = arith.constant 0 : i32
    %dma_start3A_16 = tpu.memref_slice %arg7[%dma_start3A_15] : memref<64xi32, #tpu.memory_space<vmem>> -> memref<32xi32, #tpu.memory_space<vmem>>
    %dma_start3A_17 = arith.constant 0 : i32
    %dma_start3A_18 = arith.constant 0 : i32
    %dma_start3A_19 = tpu.memref_slice %arg4[%dma_start3A_17, %dma_start3A_18] : memref<7936x1024xf32, #tpu.memory_space<hbm>> -> memref<7936x1024xf32, #tpu.memory_space<hbm>>
    tpu.enqueue_indirect_dma source(%dma_start3A_19 : memref<7936x1024xf32, #tpu.memory_space<hbm>>) target(%arg11 : memref<32x1024xf32, #tpu.memory_space<vmem>>) offsets(%dma_start3A_16 : memref<32xi32, #tpu.memory_space<vmem>>) semaphore(%arg13 : memref<!tpu.dma_semaphore, #tpu.memory_space<semaphore_mem>>)
    %dma_wait3A_20 = arith.constant 0 : i32
    %dma_wait3A_21 = tpu.memref_slice %arg7[%dma_wait3A_20] : memref<64xi32, #tpu.memory_space<vmem>> -> memref<32xi32, #tpu.memory_space<vmem>>
    %dma_wait3A_22 = arith.constant 0 : i32
    %dma_wait3A_23 = arith.constant 0 : i32
    %dma_wait3A_24 = tpu.memref_slice %arg4[%dma_wait3A_22, %dma_wait3A_23] : memref<7936x1024xf32, #tpu.memory_space<hbm>> -> memref<7936x1024xf32, #tpu.memory_space<hbm>>
    tpu.wait_indirect_dma semaphore(%arg13 : memref<!tpu.dma_semaphore, #tpu.memory_space<semaphore_mem>>) src(%dma_wait3A_24 : memref<7936x1024xf32, #tpu.memory_space<hbm>>) dst(%arg11 : memref<32x1024xf32, #tpu.memory_space<vmem>>)
    %scan3A = arith.constant 0 : i32
    %scan3A_25 = arith.constant 0 : i32
    %scan3A_26 = arith.constant 32 : i32
    %scan3A_27 = arith.addi %scan3A_25, %scan3A_26 : i32
    %scan3A_28 = arith.constant 1 : i32
    scf.for %scan3A_60 = %scan3A_25 to %scan3A_27 step %scan3A_28  : i32 {
      %add3A_61 = arith.constant 0 : i32
      %add3A_62 = arith.addi %add3A_61, %scan3A_60 : i32
      %get3A = arith.index_cast %add3A_62 : i32 to index
      %get3A_63 = arith.constant 0 : index
      %get3A_64 = tpu.vector_load %arg8[%get3A, %get3A_63] {strides = array<i32>} : memref<64x16xf32, #tpu.memory_space<vmem>>, vector<1x16xf32>,
      %get3A_65 = vector.shape_cast %get3A_64 : vector<1x16xf32> to vector<16xf32>
      %add3A_66 = arith.constant 0 : i32
      %add3A_67 = arith.addi %add3A_66, %scan3A_60 : i32
      %get3A_68 = arith.index_cast %add3A_67 : i32 to index
      %get3A_69 = arith.constant 0 : index
      %get3A_70 = tpu.vector_load %arg9[%get3A_68, %get3A_69] {strides = array<i32>} : memref<64x16xf32, #tpu.memory_space<vmem>>, vector<1x16xf32>,
      %get3A_71 = vector.shape_cast %get3A_70 : vector<1x16xf32> to vector<16xf32>
      %get3A_72 = arith.index_cast %scan3A_60 : i32 to index
      %get3A_73 = arith.constant 0 : index
      %get3A_74 = tpu.vector_load %arg10[%get3A_72, %get3A_73] {strides = array<i32>} : memref<32x1024xf32, #tpu.memory_space<vmem>>, vector<1x16xf32>,
      %get3A_75 = vector.shape_cast %get3A_74 : vector<1x16xf32> to vector<16xf32>
      %mul3A_76 = arith.mulf %get3A_65, %get3A_75 : vector<16xf32>
      %get3A_77 = arith.index_cast %scan3A_60 : i32 to index
      %get3A_78 = arith.constant 0 : index
      %get3A_79 = tpu.vector_load %arg11[%get3A_77, %get3A_78] {strides = array<i32>} : memref<32x1024xf32, #tpu.memory_space<vmem>>, vector<1x16xf32>,
      %get3A_80 = vector.shape_cast %get3A_79 : vector<1x16xf32> to vector<16xf32>
      %mul3A_81 = arith.mulf %get3A_71, %get3A_80 : vector<16xf32>
      %add3A_82 = arith.addf %mul3A_76, %mul3A_81 : vector<16xf32>
      %swap3A = arith.index_cast %scan3A_60 : i32 to index
      %swap3A_83 = arith.constant 0 : index
      %swap3A_84 = tpu.vector_load %arg12[%swap3A, %swap3A_83] {strides = array<i32>} : memref<32x1024xf32, #tpu.memory_space<vmem>>, vector<1x16xf32>,
      %swap3A_85 = vector.shape_cast %swap3A_84 : vector<1x16xf32> to vector<16xf32>
      %swap3A_86 = vector.shape_cast %add3A_82 : vector<16xf32> to vector<1x16xf32>
      tpu.vector_store %arg12[%swap3A, %swap3A_83], %swap3A_86 {strides = array<i32>} : memref<32x1024xf32, #tpu.memory_space<vmem>>, vector<1x16xf32>,
      %get3A_87 = arith.index_cast %scan3A_60 : i32 to index
      %get3A_88 = arith.constant 16 : index
      %get3A_89 = tpu.vector_load %arg10[%get3A_87, %get3A_88] {strides = array<i32>} : memref<32x1024xf32, #tpu.memory_space<vmem>>, vector<1x16xf32>,
      %get3A_90 = vector.shape_cast %get3A_89 : vector<1x16xf32> to vector<16xf32>
      %mul3A_91 = arith.mulf %get3A_65, %get3A_90 : vector<16xf32>
      %get3A_92 = arith.index_cast %scan3A_60 : i32 to index
      %get3A_93 = arith.constant 16 : index
      %get3A_94 = tpu.vector_load %arg11[%get3A_92, %get3A_93] {strides = array<i32>} : memref<32x1024xf32, #tpu.memory_space<vmem>>, vector<1x16xf32>,
      %get3A_95 = vector.shape_cast %get3A_94 : vector<1x16xf32> to vector<16xf32>
      %mul3A_96 = arith.mulf %get3A_71, %get3A_95 : vector<16xf32>
      %add3A_97 = arith.addf %mul3A_91, %mul3A_96 : vector<16xf32>
      %swap3A_98 = arith.index_cast %scan3A_60 : i32 to index
      %swap3A_99 = arith.constant 16 : index
      %swap3A_100 = tpu.vector_load %arg12[%swap3A_98, %swap3A_99] {strides = array<i32>} : memref<32x1024xf32, #tpu.memory_space<vmem>>, vector<1x16xf32>,
      %swap3A_101 = vector.shape_cast %swap3A_100 : vector<1x16xf32> to vector<16xf32>
      %swap3A_102 = vector.shape_cast %add3A_97 : vector<16xf32> to vector<1x16xf32>
      tpu.vector_store %arg12[%swap3A_98, %swap3A_99], %swap3A_102 {strides = array<i32>} : memref<32x1024xf32, #tpu.memory_space<vmem>>, vector<1x16xf32>,
      %get3A_103 = arith.index_cast %scan3A_60 : i32 to index
      %get3A_104 = arith.constant 32 : index
      %get3A_105 = tpu.vector_load %arg10[%get3A_103, %get3A_104] {strides = array<i32>} : memref<32x1024xf32, #tpu.memory_space<vmem>>, vector<1x16xf32>,
      %get3A_106 = vector.shape_cast %get3A_105 : vector<1x16xf32> to vector<16xf32>
      %mul3A_107 = arith.mulf %get3A_65, %get3A_106 : vector<16xf32>
      %get3A_108 = arith.index_cast %scan3A_60 : i32 to index
      %get3A_109 = arith.constant 32 : index
      %get3A_110 = tpu.vector_load %arg11[%get3A_108, %get3A_109] {strides = array<i32>} : memref<32x1024xf32, #tpu.memory_space<vmem>>, vector<1x16xf32>,
      %get3A_111 = vector.shape_cast %get3A_110 : vector<1x16xf32> to vector<16xf32>
      %mul3A_112 = arith.mulf %get3A_71, %get3A_111 : vector<16xf32>
      %add3A_113 = arith.addf %mul3A_107, %mul3A_112 : vector<16xf32>
      %swap3A_114 = arith.index_cast %scan3A_60 : i32 to index
      %swap3A_115 = arith.constant 32 : index
      %swap3A_116 = tpu.vector_load %arg12[%swap3A_114, %swap3A_115] {strides = array<i32>} : memref<32x1024xf32, #tpu.memory_space<vmem>>, vector<1x16xf32>,
      %swap3A_117 = vector.shape_cast %swap3A_116 : vector<1x16xf32> to vector<16xf32>
      %swap3A_118 = vector.shape_cast %add3A_113 : vector<16xf32> to vector<1x16xf32>
      tpu.vector_store %arg12[%swap3A_114, %swap3A_115], %swap3A_118 {strides = array<i32>} : memref<32x1024xf32, #tpu.memory_space<vmem>>, vector<1x16xf32>,
      %get3A_119 = arith.index_cast %scan3A_60 : i32 to index
      %get3A_120 = arith.constant 48 : index
      %get3A_121 = tpu.vector_load %arg10[%get3A_119, %get3A_120] {strides = array<i32>} : memref<32x1024xf32, #tpu.memory_space<vmem>>, vector<1x16xf32>,
      %get3A_122 = vector.shape_cast %get3A_121 : vector<1x16xf32> to vector<16xf32>
      %mul3A_123 = arith.mulf %get3A_65, %get3A_122 : vector<16xf32>
      %get3A_124 = arith.index_cast %scan3A_60 : i32 to index
      %get3A_125 = arith.constant 48 : index
      %get3A_126 = tpu.vector_load %arg11[%get3A_124, %get3A_125] {strides = array<i32>} : memref<32x1024xf32, #tpu.memory_space<vmem>>, vector<1x16xf32>,
      %get3A_127 = vector.shape_cast %get3A_126 : vector<1x16xf32> to vector<16xf32>
      %mul3A_128 = arith.mulf %get3A_71, %get3A_127 : vector<16xf32>
      %add3A_129 = arith.addf %mul3A_123, %mul3A_128 : vector<16xf32>
      %swap3A_130 = arith.index_cast %scan3A_60 : i32 to index
      %swap3A_131 = arith.constant 48 : index
      %swap3A_132 = tpu.vector_load %arg12[%swap3A_130, %swap3A_131] {strides = array<i32>} : memref<32x1024xf32, #tpu.memory_space<vmem>>, vector<1x16xf32>,
      %swap3A_133 = vector.shape_cast %swap3A_132 : vector<1x16xf32> to vector<16xf32>
      %swap3A_134 = vector.shape_cast %add3A_129 : vector<16xf32> to vector<1x16xf32>
      tpu.vector_store %arg12[%swap3A_130, %swap3A_131], %swap3A_134 {strides = array<i32>} : memref<32x1024xf32, #tpu.memory_space<vmem>>, vector<1x16xf32>,
      %get3A_135 = arith.index_cast %scan3A_60 : i32 to index
      %get3A_136 = arith.constant 64 : index
      %get3A_137 = tpu.vector_load %arg10[%get3A_135, %get3A_136] {strides = array<i32>} : memref<32x1024xf32, #tpu.memory_space<vmem>>, vector<1x16xf32>,
      %get3A_138 = vector.shape_cast %get3A_137 : vector<1x16xf32> to vector<16xf32>
      %mul3A_139 = arith.mulf %get3A_65, %get3A_138 : vector<16xf32>
      %get3A_140 = arith.index_cast %scan3A_60 : i32 to index
      %get3A_141 = arith.constant 64 : index
      %get3A_142 = tpu.vector_load %arg11[%get3A_140, %get3A_141] {strides = array<i32>} : memref<32x1024xf32, #tpu.memory_space<vmem>>, vector<1x16xf32>,
      %get3A_143 = vector.shape_cast %get3A_142 : vector<1x16xf32> to vector<16xf32>
      %mul3A_144 = arith.mulf %get3A_71, %get3A_143 : vector<16xf32>
      %add3A_145 = arith.addf %mul3A_139, %mul3A_144 : vector<16xf32>
      %swap3A_146 = arith.index_cast %scan3A_60 : i32 to index
      %swap3A_147 = arith.constant 64 : index
      %swap3A_148 = tpu.vector_load %arg12[%swap3A_146, %swap3A_147] {strides = array<i32>} : memref<32x1024xf32, #tpu.memory_space<vmem>>, vector<1x16xf32>,
      %swap3A_149 = vector.shape_cast %swap3A_148 : vector<1x16xf32> to vector<16xf32>
      %swap3A_150 = vector.shape_cast %add3A_145 : vector<16xf32> to vector<1x16xf32>
      tpu.vector_store %arg12[%swap3A_146, %swap3A_147], %swap3A_150 {strides = array<i32>} : memref<32x1024xf32, #tpu.memory_space<vmem>>, vector<1x16xf32>,
      %get3A_151 = arith.index_cast %scan3A_60 : i32 to index
      %get3A_152 = arith.constant 80 : index
      %get3A_153 = tpu.vector_load %arg10[%get3A_151, %get3A_152] {strides = array<i32>} : memref<32x1024xf32, #tpu.memory_space<vmem>>, vector<1x16xf32>,
      %get3A_154 = vector.shape_cast %get3A_153 : vector<1x16xf32> to vector<16xf32>
      %mul3A_155 = arith.mulf %get3A_65, %get3A_154 : vector<16xf32>
      %get3A_156 = arith.index_cast %scan3A_60 : i32 to index
      %get3A_157 = arith.constant 80 : index
      %get3A_158 = tpu.vector_load %arg11[%get3A_156, %get3A_157] {strides = array<i32>} : memref<32x1024xf32, #tpu.memory_space<vmem>>, vector<1x16xf32>,
      %get3A_159 = vector.shape_cast %get3A_158 : vector<1x16xf32> to vector<16xf32>
      %mul3A_160 = arith.mulf %get3A_71, %get3A_159 : vector<16xf32>
      %add3A_161 = arith.addf %mul3A_155, %mul3A_160 : vector<16xf32>
      %swap3A_162 = arith.index_cast %scan3A_60 : i32 to index
      %swap3A_163 = arith.constant 80 : index
      %swap3A_164 = tpu.vector_load %arg12[%swap3A_162, %swap3A_163] {strides = array<i32>} : memref<32x1024xf32, #tpu.memory_space<vmem>>, vector<1x16xf32>,
      %swap3A_165 = vector.shape_cast %swap3A_164 : vector<1x16xf32> to vector<16xf32>
      %swap3A_166 = vector.shape_cast %add3A_161 : vector<16xf32> to vector<1x16xf32>
      tpu.vector_store %arg12[%swap3A_162, %swap3A_163], %swap3A_166 {strides = array<i32>} : memref<32x1024xf32, #tpu.memory_space<vmem>>, vector<1x16xf32>,
      %get3A_167 = arith.index_cast %scan3A_60 : i32 to index
      %get3A_168 = arith.constant 96 : index
      %get3A_169 = tpu.vector_load %arg10[%get3A_167, %get3A_168] {strides = array<i32>} : memref<32x1024xf32, #tpu.memory_space<vmem>>, vector<1x16xf32>,
      %get3A_170 = vector.shape_cast %get3A_169 : vector<1x16xf32> to vector<16xf32>
      %mul3A_171 = arith.mulf %get3A_65, %get3A_170 : vector<16xf32>
      %get3A_172 = arith.index_cast %scan3A_60 : i32 to index
      %get3A_173 = arith.constant 96 : index
      %get3A_174 = tpu.vector_load %arg11[%get3A_172, %get3A_173] {strides = array<i32>} : memref<32x1024xf32, #tpu.memory_space<vmem>>, vector<1x16xf32>,
      %get3A_175 = vector.shape_cast %get3A_174 : vector<1x16xf32> to vector<16xf32>
      %mul3A_176 = arith.mulf %get3A_71, %get3A_175 : vector<16xf32>
      %add3A_177 = arith.addf %mul3A_171, %mul3A_176 : vector<16xf32>
      %swap3A_178 = arith.index_cast %scan3A_60 : i32 to index
      %swap3A_179 = arith.constant 96 : index
      %swap3A_180 = tpu.vector_load %arg12[%swap3A_178, %swap3A_179] {strides = array<i32>} : memref<32x1024xf32, #tpu.memory_space<vmem>>, vector<1x16xf32>,
      %swap3A_181 = vector.shape_cast %swap3A_180 : vector<1x16xf32> to vector<16xf32>
      %swap3A_182 = vector.shape_cast %add3A_177 : vector<16xf32> to vector<1x16xf32>
      tpu.vector_store %arg12[%swap3A_178, %swap3A_179], %swap3A_182 {strides = array<i32>} : memref<32x1024xf32, #tpu.memory_space<vmem>>, vector<1x16xf32>,
      %get3A_183 = arith.index_cast %scan3A_60 : i32 to index
      %get3A_184 = arith.constant 112 : index
      %get3A_185 = tpu.vector_load %arg10[%get3A_183, %get3A_184] {strides = array<i32>} : memref<32x1024xf32, #tpu.memory_space<vmem>>, vector<1x16xf32>,
      %get3A_186 = vector.shape_cast %get3A_185 : vector<1x16xf32> to vector<16xf32>
      %mul3A_187 = arith.mulf %get3A_65, %get3A_186 : vector<16xf32>
      %get3A_188 = arith.index_cast %scan3A_60 : i32 to index
      %get3A_189 = arith.constant 112 : index
      %get3A_190 = tpu.vector_load %arg11[%get3A_188, %get3A_189] {strides = array<i32>} : memref<32x1024xf32, #tpu.memory_space<vmem>>, vector<1x16xf32>,
      %get3A_191 = vector.shape_cast %get3A_190 : vector<1x16xf32> to vector<16xf32>
      %mul3A_192 = arith.mulf %get3A_71, %get3A_191 : vector<16xf32>
      %add3A_193 = arith.addf %mul3A_187, %mul3A_192 : vector<16xf32>
      %swap3A_194 = arith.index_cast %scan3A_60 : i32 to index
      %swap3A_195 = arith.constant 112 : index
      %swap3A_196 = tpu.vector_load %arg12[%swap3A_194, %swap3A_195] {strides = array<i32>} : memref<32x1024xf32, #tpu.memory_space<vmem>>, vector<1x16xf32>,
      %swap3A_197 = vector.shape_cast %swap3A_196 : vector<1x16xf32> to vector<16xf32>
      %swap3A_198 = vector.shape_cast %add3A_193 : vector<16xf32> to vector<1x16xf32>
      tpu.vector_store %arg12[%swap3A_194, %swap3A_195], %swap3A_198 {strides = array<i32>} : memref<32x1024xf32, #tpu.memory_space<vmem>>, vector<1x16xf32>,
      %get3A_199 = arith.index_cast %scan3A_60 : i32 to index
      %get3A_200 = arith.constant 128 : index
      %get3A_201 = tpu.vector_load %arg10[%get3A_199, %get3A_200] {strides = array<i32>} : memref<32x1024xf32, #tpu.memory_space<vmem>>, vector<1x16xf32>,
      %get3A_202 = vector.shape_cast %get3A_201 : vector<1x16xf32> to vector<16xf32>
      %mul3A_203 = arith.mulf %get3A_65, %get3A_202 : vector<16xf32>
      %get3A_204 = arith.index_cast %scan3A_60 : i32 to index
      %get3A_205 = arith.constant 128 : index
      %get3A_206 = tpu.vector_load %arg11[%get3A_204, %get3A_205] {strides = array<i32>} : memref<32x1024xf32, #tpu.memory_space<vmem>>, vector<1x16xf32>,
      %get3A_207 = vector.shape_cast %get3A_206 : vector<1x16xf32> to vector<16xf32>
      %mul3A_208 = arith.mulf %get3A_71, %get3A_207 : vector<16xf32>
      %add3A_209 = arith.addf %mul3A_203, %mul3A_208 : vector<16xf32>
      %swap3A_210 = arith.index_cast %scan3A_60 : i32 to index
      %swap3A_211 = arith.constant 128 : index
      %swap3A_212 = tpu.vector_load %arg12[%swap3A_210, %swap3A_211] {strides = array<i32>} : memref<32x1024xf32, #tpu.memory_space<vmem>>, vector<1x16xf32>,
      %swap3A_213 = vector.shape_cast %swap3A_212 : vector<1x16xf32> to vector<16xf32>
      %swap3A_214 = vector.shape_cast %add3A_209 : vector<16xf32> to vector<1x16xf32>
      tpu.vector_store %arg12[%swap3A_210, %swap3A_211], %swap3A_214 {strides = array<i32>} : memref<32x1024xf32, #tpu.memory_space<vmem>>, vector<1x16xf32>,
      %get3A_215 = arith.index_cast %scan3A_60 : i32 to index
      %get3A_216 = arith.constant 144 : index
      %get3A_217 = tpu.vector_load %arg10[%get3A_215, %get3A_216] {strides = array<i32>} : memref<32x1024xf32, #tpu.memory_space<vmem>>, vector<1x16xf32>,
      %get3A_218 = vector.shape_cast %get3A_217 : vector<1x16xf32> to vector<16xf32>
      %mul3A_219 = arith.mulf %get3A_65, %get3A_218 : vector<16xf32>
      %get3A_220 = arith.index_cast %scan3A_60 : i32 to index
      %get3A_221 = arith.constant 144 : index
      %get3A_222 = tpu.vector_load %arg11[%get3A_220, %get3A_221] {strides = array<i32>} : memref<32x1024xf32, #tpu.memory_space<vmem>>, vector<1x16xf32>,
      %get3A_223 = vector.shape_cast %get3A_222 : vector<1x16xf32> to vector<16xf32>
      %mul3A_224 = arith.mulf %get3A_71, %get3A_223 : vector<16xf32>
      %add3A_225 = arith.addf %mul3A_219, %mul3A_224 : vector<16xf32>
      %swap3A_226 = arith.index_cast %scan3A_60 : i32 to index
      %swap3A_227 = arith.constant 144 : index
      %swap3A_228 = tpu.vector_load %arg12[%swap3A_226, %swap3A_227] {strides = array<i32>} : memref<32x1024xf32, #tpu.memory_space<vmem>>, vector<1x16xf32>,
      %swap3A_229 = vector.shape_cast %swap3A_228 : vector<1x16xf32> to vector<16xf32>
      %swap3A_230 = vector.shape_cast %add3A_225 : vector<16xf32> to vector<1x16xf32>
      tpu.vector_store %arg12[%swap3A_226, %swap3A_227], %swap3A_230 {strides = array<i32>} : memref<32x1024xf32, #tpu.memory_space<vmem>>, vector<1x16xf32>,
      %get3A_231 = arith.index_cast %scan3A_60 : i32 to index
      %get3A_232 = arith.constant 160 : index
      %get3A_233 = tpu.vector_load %arg10[%get3A_231, %get3A_232] {strides = array<i32>} : memref<32x1024xf32, #tpu.memory_space<vmem>>, vector<1x16xf32>,
      %get3A_234 = vector.shape_cast %get3A_233 : vector<1x16xf32> to vector<16xf32>
      %mul3A_235 = arith.mulf %get3A_65, %get3A_234 : vector<16xf32>
      %get3A_236 = arith.index_cast %scan3A_60 : i32 to index
      %get3A_237 = arith.constant 160 : index
      %get3A_238 = tpu.vector_load %arg11[%get3A_236, %get3A_237] {strides = array<i32>} : memref<32x1024xf32, #tpu.memory_space<vmem>>, vector<1x16xf32>,
      %get3A_239 = vector.shape_cast %get3A_238 : vector<1x16xf32> to vector<16xf32>
      %mul3A_240 = arith.mulf %get3A_71, %get3A_239 : vector<16xf32>
      %add3A_241 = arith.addf %mul3A_235, %mul3A_240 : vector<16xf32>
      %swap3A_242 = arith.index_cast %scan3A_60 : i32 to index
      %swap3A_243 = arith.constant 160 : index
      %swap3A_244 = tpu.vector_load %arg12[%swap3A_242, %swap3A_243] {strides = array<i32>} : memref<32x1024xf32, #tpu.memory_space<vmem>>, vector<1x16xf32>,
      %swap3A_245 = vector.shape_cast %swap3A_244 : vector<1x16xf32> to vector<16xf32>
      %swap3A_246 = vector.shape_cast %add3A_241 : vector<16xf32> to vector<1x16xf32>
      tpu.vector_store %arg12[%swap3A_242, %swap3A_243], %swap3A_246 {strides = array<i32>} : memref<32x1024xf32, #tpu.memory_space<vmem>>, vector<1x16xf32>,
      %get3A_247 = arith.index_cast %scan3A_60 : i32 to index
      %get3A_248 = arith.constant 176 : index
      %get3A_249 = tpu.vector_load %arg10[%get3A_247, %get3A_248] {strides = array<i32>} : memref<32x1024xf32, #tpu.memory_space<vmem>>, vector<1x16xf32>,
      %get3A_250 = vector.shape_cast %get3A_249 : vector<1x16xf32> to vector<16xf32>
      %mul3A_251 = arith.mulf %get3A_65, %get3A_250 : vector<16xf32>
      %get3A_252 = arith.index_cast %scan3A_60 : i32 to index
      %get3A_253 = arith.constant 176 : index
      %get3A_254 = tpu.vector_load %arg11[%get3A_252, %get3A_253] {strides = array<i32>} : memref<32x1024xf32, #tpu.memory_space<vmem>>, vector<1x16xf32>,
      %get3A_255 = vector.shape_cast %get3A_254 : vector<1x16xf32> to vector<16xf32>
      %mul3A_256 = arith.mulf %get3A_71, %get3A_255 : vector<16xf32>
      %add3A_257 = arith.addf %mul3A_251, %mul3A_256 : vector<16xf32>
      %swap3A_258 = arith.index_cast %scan3A_60 : i32 to index
      %swap3A_259 = arith.constant 176 : index
      %swap3A_260 = tpu.vector_load %arg12[%swap3A_258, %swap3A_259] {strides = array<i32>} : memref<32x1024xf32, #tpu.memory_space<vmem>>, vector<1x16xf32>,
      %swap3A_261 = vector.shape_cast %swap3A_260 : vector<1x16xf32> to vector<16xf32>
      %swap3A_262 = vector.shape_cast %add3A_257 : vector<16xf32> to vector<1x16xf32>
      tpu.vector_store %arg12[%swap3A_258, %swap3A_259], %swap3A_262 {strides = array<i32>} : memref<32x1024xf32, #tpu.memory_space<vmem>>, vector<1x16xf32>,
      %get3A_263 = arith.index_cast %scan3A_60 : i32 to index
      %get3A_264 = arith.constant 192 : index
      %get3A_265 = tpu.vector_load %arg10[%get3A_263, %get3A_264] {strides = array<i32>} : memref<32x1024xf32, #tpu.memory_space<vmem>>, vector<1x16xf32>,
      %get3A_266 = vector.shape_cast %get3A_265 : vector<1x16xf32> to vector<16xf32>
      %mul3A_267 = arith.mulf %get3A_65, %get3A_266 : vector<16xf32>
      %get3A_268 = arith.index_cast %scan3A_60 : i32 to index
      %get3A_269 = arith.constant 192 : index
      %get3A_270 = tpu.vector_load %arg11[%get3A_268, %get3A_269] {strides = array<i32>} : memref<32x1024xf32, #tpu.memory_space<vmem>>, vector<1x16xf32>,
      %get3A_271 = vector.shape_cast %get3A_270 : vector<1x16xf32> to vector<16xf32>
      %mul3A_272 = arith.mulf %get3A_71, %get3A_271 : vector<16xf32>
      %add3A_273 = arith.addf %mul3A_267, %mul3A_272 : vector<16xf32>
      %swap3A_274 = arith.index_cast %scan3A_60 : i32 to index
      %swap3A_275 = arith.constant 192 : index
      %swap3A_276 = tpu.vector_load %arg12[%swap3A_274, %swap3A_275] {strides = array<i32>} : memref<32x1024xf32, #tpu.memory_space<vmem>>, vector<1x16xf32>,
      %swap3A_277 = vector.shape_cast %swap3A_276 : vector<1x16xf32> to vector<16xf32>
      %swap3A_278 = vector.shape_cast %add3A_273 : vector<16xf32> to vector<1x16xf32>
      tpu.vector_store %arg12[%swap3A_274, %swap3A_275], %swap3A_278 {strides = array<i32>} : memref<32x1024xf32, #tpu.memory_space<vmem>>, vector<1x16xf32>,
      %get3A_279 = arith.index_cast %scan3A_60 : i32 to index
      %get3A_280 = arith.constant 208 : index
      %get3A_281 = tpu.vector_load %arg10[%get3A_279, %get3A_280] {strides = array<i32>} : memref<32x1024xf32, #tpu.memory_space<vmem>>, vector<1x16xf32>,
      %get3A_282 = vector.shape_cast %get3A_281 : vector<1x16xf32> to vector<16xf32>
      %mul3A_283 = arith.mulf %get3A_65, %get3A_282 : vector<16xf32>
      %get3A_284 = arith.index_cast %scan3A_60 : i32 to index
      %get3A_285 = arith.constant 208 : index
      %get3A_286 = tpu.vector_load %arg11[%get3A_284, %get3A_285] {strides = array<i32>} : memref<32x1024xf32, #tpu.memory_space<vmem>>, vector<1x16xf32>,
      %get3A_287 = vector.shape_cast %get3A_286 : vector<1x16xf32> to vector<16xf32>
      %mul3A_288 = arith.mulf %get3A_71, %get3A_287 : vector<16xf32>
      %add3A_289 = arith.addf %mul3A_283, %mul3A_288 : vector<16xf32>
      %swap3A_290 = arith.index_cast %scan3A_60 : i32 to index
      %swap3A_291 = arith.constant 208 : index
      %swap3A_292 = tpu.vector_load %arg12[%swap3A_290, %swap3A_291] {strides = array<i32>} : memref<32x1024xf32, #tpu.memory_space<vmem>>, vector<1x16xf32>,
      %swap3A_293 = vector.shape_cast %swap3A_292 : vector<1x16xf32> to vector<16xf32>
      %swap3A_294 = vector.shape_cast %add3A_289 : vector<16xf32> to vector<1x16xf32>
      tpu.vector_store %arg12[%swap3A_290, %swap3A_291], %swap3A_294 {strides = array<i32>} : memref<32x1024xf32, #tpu.memory_space<vmem>>, vector<1x16xf32>,
      %get3A_295 = arith.index_cast %scan3A_60 : i32 to index
      %get3A_296 = arith.constant 224 : index
      %get3A_297 = tpu.vector_load %arg10[%get3A_295, %get3A_296] {strides = array<i32>} : memref<32x1024xf32, #tpu.memory_space<vmem>>, vector<1x16xf32>,
      %get3A_298 = vector.shape_cast %get3A_297 : vector<1x16xf32> to vector<16xf32>
      %mul3A_299 = arith.mulf %get3A_65, %get3A_298 : vector<16xf32>
      %get3A_300 = arith.index_cast %scan3A_60 : i32 to index
      %get3A_301 = arith.constant 224 : index
      %get3A_302 = tpu.vector_load %arg11[%get3A_300, %get3A_301] {strides = array<i32>} : memref<32x1024xf32, #tpu.memory_space<vmem>>, vector<1x16xf32>,
      %get3A_303 = vector.shape_cast %get3A_302 : vector<1x16xf32> to vector<16xf32>
      %mul3A_304 = arith.mulf %get3A_71, %get3A_303 : vector<16xf32>
      %add3A_305 = arith.addf %mul3A_299, %mul3A_304 : vector<16xf32>
      %swap3A_306 = arith.index_cast %scan3A_60 : i32 to index
      %swap3A_307 = arith.constant 224 : index
      %swap3A_308 = tpu.vector_load %arg12[%swap3A_306, %swap3A_307] {strides = array<i32>} : memref<32x1024xf32, #tpu.memory_space<vmem>>, vector<1x16xf32>,
      %swap3A_309 = vector.shape_cast %swap3A_308 : vector<1x16xf32> to vector<16xf32>
      %swap3A_310 = vector.shape_cast %add3A_305 : vector<16xf32> to vector<1x16xf32>
      tpu.vector_store %arg12[%swap3A_306, %swap3A_307], %swap3A_310 {strides = array<i32>} : memref<32x1024xf32, #tpu.memory_space<vmem>>, vector<1x16xf32>,
      %get3A_311 = arith.index_cast %scan3A_60 : i32 to index
      %get3A_312 = arith.constant 240 : index
      %get3A_313 = tpu.vector_load %arg10[%get3A_311, %get3A_312] {strides = array<i32>} : memref<32x1024xf32, #tpu.memory_space<vmem>>, vector<1x16xf32>,
      %get3A_314 = vector.shape_cast %get3A_313 : vector<1x16xf32> to vector<16xf32>
      %mul3A_315 = arith.mulf %get3A_65, %get3A_314 : vector<16xf32>
      %get3A_316 = arith.index_cast %scan3A_60 : i32 to index
      %get3A_317 = arith.constant 240 : index
      %get3A_318 = tpu.vector_load %arg11[%get3A_316, %get3A_317] {strides = array<i32>} : memref<32x1024xf32, #tpu.memory_space<vmem>>, vector<1x16xf32>,
      %get3A_319 = vector.shape_cast %get3A_318 : vector<1x16xf32> to vector<16xf32>
      %mul3A_320 = arith.mulf %get3A_71, %get3A_319 : vector<16xf32>
      %add3A_321 = arith.addf %mul3A_315, %mul3A_320 : vector<16xf32>
      %swap3A_322 = arith.index_cast %scan3A_60 : i32 to index
      %swap3A_323 = arith.constant 240 : index
      %swap3A_324 = tpu.vector_load %arg12[%swap3A_322, %swap3A_323] {strides = array<i32>} : memref<32x1024xf32, #tpu.memory_space<vmem>>, vector<1x16xf32>,
      %swap3A_325 = vector.shape_cast %swap3A_324 : vector<1x16xf32> to vector<16xf32>
      %swap3A_326 = vector.shape_cast %add3A_321 : vector<16xf32> to vector<1x16xf32>
      tpu.vector_store %arg12[%swap3A_322, %swap3A_323], %swap3A_326 {strides = array<i32>} : memref<32x1024xf32, #tpu.memory_space<vmem>>, vector<1x16xf32>,
      %get3A_327 = arith.index_cast %scan3A_60 : i32 to index
      %get3A_328 = arith.constant 256 : index
      %get3A_329 = tpu.vector_load %arg10[%get3A_327, %get3A_328] {strides = array<i32>} : memref<32x1024xf32, #tpu.memory_space<vmem>>, vector<1x16xf32>,
      %get3A_330 = vector.shape_cast %get3A_329 : vector<1x16xf32> to vector<16xf32>
      %mul3A_331 = arith.mulf %get3A_65, %get3A_330 : vector<16xf32>
      %get3A_332 = arith.index_cast %scan3A_60 : i32 to index
      %get3A_333 = arith.constant 256 : index
      %get3A_334 = tpu.vector_load %arg11[%get3A_332, %get3A_333] {strides = array<i32>} : memref<32x1024xf32, #tpu.memory_space<vmem>>, vector<1x16xf32>,
      %get3A_335 = vector.shape_cast %get3A_334 : vector<1x16xf32> to vector<16xf32>
      %mul3A_336 = arith.mulf %get3A_71, %get3A_335 : vector<16xf32>
      %add3A_337 = arith.addf %mul3A_331, %mul3A_336 : vector<16xf32>
      %swap3A_338 = arith.index_cast %scan3A_60 : i32 to index
      %swap3A_339 = arith.constant 256 : index
      %swap3A_340 = tpu.vector_load %arg12[%swap3A_338, %swap3A_339] {strides = array<i32>} : memref<32x1024xf32, #tpu.memory_space<vmem>>, vector<1x16xf32>,
      %swap3A_341 = vector.shape_cast %swap3A_340 : vector<1x16xf32> to vector<16xf32>
      %swap3A_342 = vector.shape_cast %add3A_337 : vector<16xf32> to vector<1x16xf32>
      tpu.vector_store %arg12[%swap3A_338, %swap3A_339], %swap3A_342 {strides = array<i32>} : memref<32x1024xf32, #tpu.memory_space<vmem>>, vector<1x16xf32>,
      %get3A_343 = arith.index_cast %scan3A_60 : i32 to index
      %get3A_344 = arith.constant 272 : index
      %get3A_345 = tpu.vector_load %arg10[%get3A_343, %get3A_344] {strides = array<i32>} : memref<32x1024xf32, #tpu.memory_space<vmem>>, vector<1x16xf32>,
      %get3A_346 = vector.shape_cast %get3A_345 : vector<1x16xf32> to vector<16xf32>
      %mul3A_347 = arith.mulf %get3A_65, %get3A_346 : vector<16xf32>
      %get3A_348 = arith.index_cast %scan3A_60 : i32 to index
      %get3A_349 = arith.constant 272 : index
      %get3A_350 = tpu.vector_load %arg11[%get3A_348, %get3A_349] {strides = array<i32>} : memref<32x1024xf32, #tpu.memory_space<vmem>>, vector<1x16xf32>,
      %get3A_351 = vector.shape_cast %get3A_350 : vector<1x16xf32> to vector<16xf32>
      %mul3A_352 = arith.mulf %get3A_71, %get3A_351 : vector<16xf32>
      %add3A_353 = arith.addf %mul3A_347, %mul3A_352 : vector<16xf32>
      %swap3A_354 = arith.index_cast %scan3A_60 : i32 to index
      %swap3A_355 = arith.constant 272 : index
      %swap3A_356 = tpu.vector_load %arg12[%swap3A_354, %swap3A_355] {strides = array<i32>} : memref<32x1024xf32, #tpu.memory_space<vmem>>, vector<1x16xf32>,
      %swap3A_357 = vector.shape_cast %swap3A_356 : vector<1x16xf32> to vector<16xf32>
      %swap3A_358 = vector.shape_cast %add3A_353 : vector<16xf32> to vector<1x16xf32>
      tpu.vector_store %arg12[%swap3A_354, %swap3A_355], %swap3A_358 {strides = array<i32>} : memref<32x1024xf32, #tpu.memory_space<vmem>>, vector<1x16xf32>,
      %get3A_359 = arith.index_cast %scan3A_60 : i32 to index
      %get3A_360 = arith.constant 288 : index
      %get3A_361 = tpu.vector_load %arg10[%get3A_359, %get3A_360] {strides = array<i32>} : memref<32x1024xf32, #tpu.memory_space<vmem>>, vector<1x16xf32>,
      %get3A_362 = vector.shape_cast %get3A_361 : vector<1x16xf32> to vector<16xf32>
      %mul3A_363 = arith.mulf %get3A_65, %get3A_362 : vector<16xf32>
      %get3A_364 = arith.index_cast %scan3A_60 : i32 to index
      %get3A_365 = arith.constant 288 : index
      %get3A_366 = tpu.vector_load %arg11[%get3A_364, %get3A_365] {strides = array<i32>} : memref<32x1024xf32, #tpu.memory_space<vmem>>, vector<1x16xf32>,
      %get3A_367 = vector.shape_cast %get3A_366 : vector<1x16xf32> to vector<16xf32>
      %mul3A_368 = arith.mulf %get3A_71, %get3A_367 : vector<16xf32>
      %add3A_369 = arith.addf %mul3A_363, %mul3A_368 : vector<16xf32>
      %swap3A_370 = arith.index_cast %scan3A_60 : i32 to index
      %swap3A_371 = arith.constant 288 : index
      %swap3A_372 = tpu.vector_load %arg12[%swap3A_370, %swap3A_371] {strides = array<i32>} : memref<32x1024xf32, #tpu.memory_space<vmem>>, vector<1x16xf32>,
      %swap3A_373 = vector.shape_cast %swap3A_372 : vector<1x16xf32> to vector<16xf32>
      %swap3A_374 = vector.shape_cast %add3A_369 : vector<16xf32> to vector<1x16xf32>
      tpu.vector_store %arg12[%swap3A_370, %swap3A_371], %swap3A_374 {strides = array<i32>} : memref<32x1024xf32, #tpu.memory_space<vmem>>, vector<1x16xf32>,
      %get3A_375 = arith.index_cast %scan3A_60 : i32 to index
      %get3A_376 = arith.constant 304 : index
      %get3A_377 = tpu.vector_load %arg10[%get3A_375, %get3A_376] {strides = array<i32>} : memref<32x1024xf32, #tpu.memory_space<vmem>>, vector<1x16xf32>,
      %get3A_378 = vector.shape_cast %get3A_377 : vector<1x16xf32> to vector<16xf32>
      %mul3A_379 = arith.mulf %get3A_65, %get3A_378 : vector<16xf32>
      %get3A_380 = arith.index_cast %scan3A_60 : i32 to index
      %get3A_381 = arith.constant 304 : index
      %get3A_382 = tpu.vector_load %arg11[%get3A_380, %get3A_381] {strides = array<i32>} : memref<32x1024xf32, #tpu.memory_space<vmem>>, vector<1x16xf32>,
      %get3A_383 = vector.shape_cast %get3A_382 : vector<1x16xf32> to vector<16xf32>
      %mul3A_384 = arith.mulf %get3A_71, %get3A_383 : vector<16xf32>
      %add3A_385 = arith.addf %mul3A_379, %mul3A_384 : vector<16xf32>
      %swap3A_386 = arith.index_cast %scan3A_60 : i32 to index
      %swap3A_387 = arith.constant 304 : index
      %swap3A_388 = tpu.vector_load %arg12[%swap3A_386, %swap3A_387] {strides = array<i32>} : memref<32x1024xf32, #tpu.memory_space<vmem>>, vector<1x16xf32>,
      %swap3A_389 = vector.shape_cast %swap3A_388 : vector<1x16xf32> to vector<16xf32>
      %swap3A_390 = vector.shape_cast %add3A_385 : vector<16xf32> to vector<1x16xf32>
      tpu.vector_store %arg12[%swap3A_386, %swap3A_387], %swap3A_390 {strides = array<i32>} : memref<32x1024xf32, #tpu.memory_space<vmem>>, vector<1x16xf32>,
      %get3A_391 = arith.index_cast %scan3A_60 : i32 to index
      %get3A_392 = arith.constant 320 : index
      %get3A_393 = tpu.vector_load %arg10[%get3A_391, %get3A_392] {strides = array<i32>} : memref<32x1024xf32, #tpu.memory_space<vmem>>, vector<1x16xf32>,
      %get3A_394 = vector.shape_cast %get3A_393 : vector<1x16xf32> to vector<16xf32>
      %mul3A_395 = arith.mulf %get3A_65, %get3A_394 : vector<16xf32>
      %get3A_396 = arith.index_cast %scan3A_60 : i32 to index
      %get3A_397 = arith.constant 320 : index
      %get3A_398 = tpu.vector_load %arg11[%get3A_396, %get3A_397] {strides = array<i32>} : memref<32x1024xf32, #tpu.memory_space<vmem>>, vector<1x16xf32>,
      %get3A_399 = vector.shape_cast %get3A_398 : vector<1x16xf32> to vector<16xf32>
      %mul3A_400 = arith.mulf %get3A_71, %get3A_399 : vector<16xf32>
      %add3A_401 = arith.addf %mul3A_395, %mul3A_400 : vector<16xf32>
      %swap3A_402 = arith.index_cast %scan3A_60 : i32 to index
      %swap3A_403 = arith.constant 320 : index
      %swap3A_404 = tpu.vector_load %arg12[%swap3A_402, %swap3A_403] {strides = array<i32>} : memref<32x1024xf32, #tpu.memory_space<vmem>>, vector<1x16xf32>,
      %swap3A_405 = vector.shape_cast %swap3A_404 : vector<1x16xf32> to vector<16xf32>
      %swap3A_406 = vector.shape_cast %add3A_401 : vector<16xf32> to vector<1x16xf32>
      tpu.vector_store %arg12[%swap3A_402, %swap3A_403], %swap3A_406 {strides = array<i32>} : memref<32x1024xf32, #tpu.memory_space<vmem>>, vector<1x16xf32>,
      %get3A_407 = arith.index_cast %scan3A_60 : i32 to index
      %get3A_408 = arith.constant 336 : index
      %get3A_409 = tpu.vector_load %arg10[%get3A_407, %get3A_408] {strides = array<i32>} : memref<32x1024xf32, #tpu.memory_space<vmem>>, vector<1x16xf32>,
      %get3A_410 = vector.shape_cast %get3A_409 : vector<1x16xf32> to vector<16xf32>
      %mul3A_411 = arith.mulf %get3A_65, %get3A_410 : vector<16xf32>
      %get3A_412 = arith.index_cast %scan3A_60 : i32 to index
      %get3A_413 = arith.constant 336 : index
      %get3A_414 = tpu.vector_load %arg11[%get3A_412, %get3A_413] {strides = array<i32>} : memref<32x1024xf32, #tpu.memory_space<vmem>>, vector<1x16xf32>,
      %get3A_415 = vector.shape_cast %get3A_414 : vector<1x16xf32> to vector<16xf32>
      %mul3A_416 = arith.mulf %get3A_71, %get3A_415 : vector<16xf32>
      %add3A_417 = arith.addf %mul3A_411, %mul3A_416 : vector<16xf32>
      %swap3A_418 = arith.index_cast %scan3A_60 : i32 to index
      %swap3A_419 = arith.constant 336 : index
      %swap3A_420 = tpu.vector_load %arg12[%swap3A_418, %swap3A_419] {strides = array<i32>} : memref<32x1024xf32, #tpu.memory_space<vmem>>, vector<1x16xf32>,
      %swap3A_421 = vector.shape_cast %swap3A_420 : vector<1x16xf32> to vector<16xf32>
      %swap3A_422 = vector.shape_cast %add3A_417 : vector<16xf32> to vector<1x16xf32>
      tpu.vector_store %arg12[%swap3A_418, %swap3A_419], %swap3A_422 {strides = array<i32>} : memref<32x1024xf32, #tpu.memory_space<vmem>>, vector<1x16xf32>,
      %get3A_423 = arith.index_cast %scan3A_60 : i32 to index
      %get3A_424 = arith.constant 352 : index
      %get3A_425 = tpu.vector_load %arg10[%get3A_423, %get3A_424] {strides = array<i32>} : memref<32x1024xf32, #tpu.memory_space<vmem>>, vector<1x16xf32>,
      %get3A_426 = vector.shape_cast %get3A_425 : vector<1x16xf32> to vector<16xf32>
      %mul3A_427 = arith.mulf %get3A_65, %get3A_426 : vector<16xf32>
      %get3A_428 = arith.index_cast %scan3A_60 : i32 to index
      %get3A_429 = arith.constant 352 : index
      %get3A_430 = tpu.vector_load %arg11[%get3A_428, %get3A_429] {strides = array<i32>} : memref<32x1024xf32, #tpu.memory_space<vmem>>, vector<1x16xf32>,
      %get3A_431 = vector.shape_cast %get3A_430 : vector<1x16xf32> to vector<16xf32>
      %mul3A_432 = arith.mulf %get3A_71, %get3A_431 : vector<16xf32>
      %add3A_433 = arith.addf %mul3A_427, %mul3A_432 : vector<16xf32>
      %swap3A_434 = arith.index_cast %scan3A_60 : i32 to index
      %swap3A_435 = arith.constant 352 : index
      %swap3A_436 = tpu.vector_load %arg12[%swap3A_434, %swap3A_435] {strides = array<i32>} : memref<32x1024xf32, #tpu.memory_space<vmem>>, vector<1x16xf32>,
      %swap3A_437 = vector.shape_cast %swap3A_436 : vector<1x16xf32> to vector<16xf32>
      %swap3A_438 = vector.shape_cast %add3A_433 : vector<16xf32> to vector<1x16xf32>
      tpu.vector_store %arg12[%swap3A_434, %swap3A_435], %swap3A_438 {strides = array<i32>} : memref<32x1024xf32, #tpu.memory_space<vmem>>, vector<1x16xf32>,
      %get3A_439 = arith.index_cast %scan3A_60 : i32 to index
      %get3A_440 = arith.constant 368 : index
      %get3A_441 = tpu.vector_load %arg10[%get3A_439, %get3A_440] {strides = array<i32>} : memref<32x1024xf32, #tpu.memory_space<vmem>>, vector<1x16xf32>,
      %get3A_442 = vector.shape_cast %get3A_441 : vector<1x16xf32> to vector<16xf32>
      %mul3A_443 = arith.mulf %get3A_65, %get3A_442 : vector<16xf32>
      %get3A_444 = arith.index_cast %scan3A_60 : i32 to index
      %get3A_445 = arith.constant 368 : index
      %get3A_446 = tpu.vector_load %arg11[%get3A_444, %get3A_445] {strides = array<i32>} : memref<32x1024xf32, #tpu.memory_space<vmem>>, vector<1x16xf32>,
      %get3A_447 = vector.shape_cast %get3A_446 : vector<1x16xf32> to vector<16xf32>
      %mul3A_448 = arith.mulf %get3A_71, %get3A_447 : vector<16xf32>
      %add3A_449 = arith.addf %mul3A_443, %mul3A_448 : vector<16xf32>
      %swap3A_450 = arith.index_cast %scan3A_60 : i32 to index
      %swap3A_451 = arith.constant 368 : index
      %swap3A_452 = tpu.vector_load %arg12[%swap3A_450, %swap3A_451] {strides = array<i32>} : memref<32x1024xf32, #tpu.memory_space<vmem>>, vector<1x16xf32>,
      %swap3A_453 = vector.shape_cast %swap3A_452 : vector<1x16xf32> to vector<16xf32>
      %swap3A_454 = vector.shape_cast %add3A_449 : vector<16xf32> to vector<1x16xf32>
      tpu.vector_store %arg12[%swap3A_450, %swap3A_451], %swap3A_454 {strides = array<i32>} : memref<32x1024xf32, #tpu.memory_space<vmem>>, vector<1x16xf32>,
      %get3A_455 = arith.index_cast %scan3A_60 : i32 to index
      %get3A_456 = arith.constant 384 : index
      %get3A_457 = tpu.vector_load %arg10[%get3A_455, %get3A_456] {strides = array<i32>} : memref<32x1024xf32, #tpu.memory_space<vmem>>, vector<1x16xf32>,
      %get3A_458 = vector.shape_cast %get3A_457 : vector<1x16xf32> to vector<16xf32>
      %mul3A_459 = arith.mulf %get3A_65, %get3A_458 : vector<16xf32>
      %get3A_460 = arith.index_cast %scan3A_60 : i32 to index
      %get3A_461 = arith.constant 384 : index
      %get3A_462 = tpu.vector_load %arg11[%get3A_460, %get3A_461] {strides = array<i32>} : memref<32x1024xf32, #tpu.memory_space<vmem>>, vector<1x16xf32>,
      %get3A_463 = vector.shape_cast %get3A_462 : vector<1x16xf32> to vector<16xf32>
      %mul3A_464 = arith.mulf %get3A_71, %get3A_463 : vector<16xf32>
      %add3A_465 = arith.addf %mul3A_459, %mul3A_464 : vector<16xf32>
      %swap3A_466 = arith.index_cast %scan3A_60 : i32 to index
      %swap3A_467 = arith.constant 384 : index
      %swap3A_468 = tpu.vector_load %arg12[%swap3A_466, %swap3A_467] {strides = array<i32>} : memref<32x1024xf32, #tpu.memory_space<vmem>>, vector<1x16xf32>,
      %swap3A_469 = vector.shape_cast %swap3A_468 : vector<1x16xf32> to vector<16xf32>
      %swap3A_470 = vector.shape_cast %add3A_465 : vector<16xf32> to vector<1x16xf32>
      tpu.vector_store %arg12[%swap3A_466, %swap3A_467], %swap3A_470 {strides = array<i32>} : memref<32x1024xf32, #tpu.memory_space<vmem>>, vector<1x16xf32>,
      %get3A_471 = arith.index_cast %scan3A_60 : i32 to index
      %get3A_472 = arith.constant 400 : index
      %get3A_473 = tpu.vector_load %arg10[%get3A_471, %get3A_472] {strides = array<i32>} : memref<32x1024xf32, #tpu.memory_space<vmem>>, vector<1x16xf32>,
      %get3A_474 = vector.shape_cast %get3A_473 : vector<1x16xf32> to vector<16xf32>
      %mul3A_475 = arith.mulf %get3A_65, %get3A_474 : vector<16xf32>
      %get3A_476 = arith.index_cast %scan3A_60 : i32 to index
      %get3A_477 = arith.constant 400 : index
      %get3A_478 = tpu.vector_load %arg11[%get3A_476, %get3A_477] {strides = array<i32>} : memref<32x1024xf32, #tpu.memory_space<vmem>>, vector<1x16xf32>,
      %get3A_479 = vector.shape_cast %get3A_478 : vector<1x16xf32> to vector<16xf32>
      %mul3A_480 = arith.mulf %get3A_71, %get3A_479 : vector<16xf32>
      %add3A_481 = arith.addf %mul3A_475, %mul3A_480 : vector<16xf32>
      %swap3A_482 = arith.index_cast %scan3A_60 : i32 to index
      %swap3A_483 = arith.constant 400 : index
      %swap3A_484 = tpu.vector_load %arg12[%swap3A_482, %swap3A_483] {strides = array<i32>} : memref<32x1024xf32, #tpu.memory_space<vmem>>, vector<1x16xf32>,
      %swap3A_485 = vector.shape_cast %swap3A_484 : vector<1x16xf32> to vector<16xf32>
      %swap3A_486 = vector.shape_cast %add3A_481 : vector<16xf32> to vector<1x16xf32>
      tpu.vector_store %arg12[%swap3A_482, %swap3A_483], %swap3A_486 {strides = array<i32>} : memref<32x1024xf32, #tpu.memory_space<vmem>>, vector<1x16xf32>,
      %get3A_487 = arith.index_cast %scan3A_60 : i32 to index
      %get3A_488 = arith.constant 416 : index
      %get3A_489 = tpu.vector_load %arg10[%get3A_487, %get3A_488] {strides = array<i32>} : memref<32x1024xf32, #tpu.memory_space<vmem>>, vector<1x16xf32>,
      %get3A_490 = vector.shape_cast %get3A_489 : vector<1x16xf32> to vector<16xf32>
      %mul3A_491 = arith.mulf %get3A_65, %get3A_490 : vector<16xf32>
      %get3A_492 = arith.index_cast %scan3A_60 : i32 to index
      %get3A_493 = arith.constant 416 : index
      %get3A_494 = tpu.vector_load %arg11[%get3A_492, %get3A_493] {strides = array<i32>} : memref<32x1024xf32, #tpu.memory_space<vmem>>, vector<1x16xf32>,
      %get3A_495 = vector.shape_cast %get3A_494 : vector<1x16xf32> to vector<16xf32>
      %mul3A_496 = arith.mulf %get3A_71, %get3A_495 : vector<16xf32>
      %add3A_497 = arith.addf %mul3A_491, %mul3A_496 : vector<16xf32>
      %swap3A_498 = arith.index_cast %scan3A_60 : i32 to index
      %swap3A_499 = arith.constant 416 : index
      %swap3A_500 = tpu.vector_load %arg12[%swap3A_498, %swap3A_499] {strides = array<i32>} : memref<32x1024xf32, #tpu.memory_space<vmem>>, vector<1x16xf32>,
      %swap3A_501 = vector.shape_cast %swap3A_500 : vector<1x16xf32> to vector<16xf32>
      %swap3A_502 = vector.shape_cast %add3A_497 : vector<16xf32> to vector<1x16xf32>
      tpu.vector_store %arg12[%swap3A_498, %swap3A_499], %swap3A_502 {strides = array<i32>} : memref<32x1024xf32, #tpu.memory_space<vmem>>, vector<1x16xf32>,
      %get3A_503 = arith.index_cast %scan3A_60 : i32 to index
      %get3A_504 = arith.constant 432 : index
      %get3A_505 = tpu.vector_load %arg10[%get3A_503, %get3A_504] {strides = array<i32>} : memref<32x1024xf32, #tpu.memory_space<vmem>>, vector<1x16xf32>,
      %get3A_506 = vector.shape_cast %get3A_505 : vector<1x16xf32> to vector<16xf32>
      %mul3A_507 = arith.mulf %get3A_65, %get3A_506 : vector<16xf32>
      %get3A_508 = arith.index_cast %scan3A_60 : i32 to index
      %get3A_509 = arith.constant 432 : index
      %get3A_510 = tpu.vector_load %arg11[%get3A_508, %get3A_509] {strides = array<i32>} : memref<32x1024xf32, #tpu.memory_space<vmem>>, vector<1x16xf32>,
      %get3A_511 = vector.shape_cast %get3A_510 : vector<1x16xf32> to vector<16xf32>
      %mul3A_512 = arith.mulf %get3A_71, %get3A_511 : vector<16xf32>
      %add3A_513 = arith.addf %mul3A_507, %mul3A_512 : vector<16xf32>
      %swap3A_514 = arith.index_cast %scan3A_60 : i32 to index
      %swap3A_515 = arith.constant 432 : index
      %swap3A_516 = tpu.vector_load %arg12[%swap3A_514, %swap3A_515] {strides = array<i32>} : memref<32x1024xf32, #tpu.memory_space<vmem>>, vector<1x16xf32>,
      %swap3A_517 = vector.shape_cast %swap3A_516 : vector<1x16xf32> to vector<16xf32>
      %swap3A_518 = vector.shape_cast %add3A_513 : vector<16xf32> to vector<1x16xf32>
      tpu.vector_store %arg12[%swap3A_514, %swap3A_515], %swap3A_518 {strides = array<i32>} : memref<32x1024xf32, #tpu.memory_space<vmem>>, vector<1x16xf32>,
      %get3A_519 = arith.index_cast %scan3A_60 : i32 to index
      %get3A_520 = arith.constant 448 : index
      %get3A_521 = tpu.vector_load %arg10[%get3A_519, %get3A_520] {strides = array<i32>} : memref<32x1024xf32, #tpu.memory_space<vmem>>, vector<1x16xf32>,
      %get3A_522 = vector.shape_cast %get3A_521 : vector<1x16xf32> to vector<16xf32>
      %mul3A_523 = arith.mulf %get3A_65, %get3A_522 : vector<16xf32>
      %get3A_524 = arith.index_cast %scan3A_60 : i32 to index
      %get3A_525 = arith.constant 448 : index
      %get3A_526 = tpu.vector_load %arg11[%get3A_524, %get3A_525] {strides = array<i32>} : memref<32x1024xf32, #tpu.memory_space<vmem>>, vector<1x16xf32>,
      %get3A_527 = vector.shape_cast %get3A_526 : vector<1x16xf32> to vector<16xf32>
      %mul3A_528 = arith.mulf %get3A_71, %get3A_527 : vector<16xf32>
      %add3A_529 = arith.addf %mul3A_523, %mul3A_528 : vector<16xf32>
      %swap3A_530 = arith.index_cast %scan3A_60 : i32 to index
      %swap3A_531 = arith.constant 448 : index
      %swap3A_532 = tpu.vector_load %arg12[%swap3A_530, %swap3A_531] {strides = array<i32>} : memref<32x1024xf32, #tpu.memory_space<vmem>>, vector<1x16xf32>,
      %swap3A_533 = vector.shape_cast %swap3A_532 : vector<1x16xf32> to vector<16xf32>
      %swap3A_534 = vector.shape_cast %add3A_529 : vector<16xf32> to vector<1x16xf32>
      tpu.vector_store %arg12[%swap3A_530, %swap3A_531], %swap3A_534 {strides = array<i32>} : memref<32x1024xf32, #tpu.memory_space<vmem>>, vector<1x16xf32>,
      %get3A_535 = arith.index_cast %scan3A_60 : i32 to index
      %get3A_536 = arith.constant 464 : index
      %get3A_537 = tpu.vector_load %arg10[%get3A_535, %get3A_536] {strides = array<i32>} : memref<32x1024xf32, #tpu.memory_space<vmem>>, vector<1x16xf32>,
      %get3A_538 = vector.shape_cast %get3A_537 : vector<1x16xf32> to vector<16xf32>
      %mul3A_539 = arith.mulf %get3A_65, %get3A_538 : vector<16xf32>
      %get3A_540 = arith.index_cast %scan3A_60 : i32 to index
      %get3A_541 = arith.constant 464 : index
      %get3A_542 = tpu.vector_load %arg11[%get3A_540, %get3A_541] {strides = array<i32>} : memref<32x1024xf32, #tpu.memory_space<vmem>>, vector<1x16xf32>,
      %get3A_543 = vector.shape_cast %get3A_542 : vector<1x16xf32> to vector<16xf32>
      %mul3A_544 = arith.mulf %get3A_71, %get3A_543 : vector<16xf32>
      %add3A_545 = arith.addf %mul3A_539, %mul3A_544 : vector<16xf32>
      %swap3A_546 = arith.index_cast %scan3A_60 : i32 to index
      %swap3A_547 = arith.constant 464 : index
      %swap3A_548 = tpu.vector_load %arg12[%swap3A_546, %swap3A_547] {strides = array<i32>} : memref<32x1024xf32, #tpu.memory_space<vmem>>, vector<1x16xf32>,
      %swap3A_549 = vector.shape_cast %swap3A_548 : vector<1x16xf32> to vector<16xf32>
      %swap3A_550 = vector.shape_cast %add3A_545 : vector<16xf32> to vector<1x16xf32>
      tpu.vector_store %arg12[%swap3A_546, %swap3A_547], %swap3A_550 {strides = array<i32>} : memref<32x1024xf32, #tpu.memory_space<vmem>>, vector<1x16xf32>,
      %get3A_551 = arith.index_cast %scan3A_60 : i32 to index
      %get3A_552 = arith.constant 480 : index
      %get3A_553 = tpu.vector_load %arg10[%get3A_551, %get3A_552] {strides = array<i32>} : memref<32x1024xf32, #tpu.memory_space<vmem>>, vector<1x16xf32>,
      %get3A_554 = vector.shape_cast %get3A_553 : vector<1x16xf32> to vector<16xf32>
      %mul3A_555 = arith.mulf %get3A_65, %get3A_554 : vector<16xf32>
      %get3A_556 = arith.index_cast %scan3A_60 : i32 to index
      %get3A_557 = arith.constant 480 : index
      %get3A_558 = tpu.vector_load %arg11[%get3A_556, %get3A_557] {strides = array<i32>} : memref<32x1024xf32, #tpu.memory_space<vmem>>, vector<1x16xf32>,
      %get3A_559 = vector.shape_cast %get3A_558 : vector<1x16xf32> to vector<16xf32>
      %mul3A_560 = arith.mulf %get3A_71, %get3A_559 : vector<16xf32>
      %add3A_561 = arith.addf %mul3A_555, %mul3A_560 : vector<16xf32>
      %swap3A_562 = arith.index_cast %scan3A_60 : i32 to index
      %swap3A_563 = arith.constant 480 : index
      %swap3A_564 = tpu.vector_load %arg12[%swap3A_562, %swap3A_563] {strides = array<i32>} : memref<32x1024xf32, #tpu.memory_space<vmem>>, vector<1x16xf32>,
      %swap3A_565 = vector.shape_cast %swap3A_564 : vector<1x16xf32> to vector<16xf32>
      %swap3A_566 = vector.shape_cast %add3A_561 : vector<16xf32> to vector<1x16xf32>
      tpu.vector_store %arg12[%swap3A_562, %swap3A_563], %swap3A_566 {strides = array<i32>} : memref<32x1024xf32, #tpu.memory_space<vmem>>, vector<1x16xf32>,
      %get3A_567 = arith.index_cast %scan3A_60 : i32 to index
      %get3A_568 = arith.constant 496 : index
      %get3A_569 = tpu.vector_load %arg10[%get3A_567, %get3A_568] {strides = array<i32>} : memref<32x1024xf32, #tpu.memory_space<vmem>>, vector<1x16xf32>,
      %get3A_570 = vector.shape_cast %get3A_569 : vector<1x16xf32> to vector<16xf32>
      %mul3A_571 = arith.mulf %get3A_65, %get3A_570 : vector<16xf32>
      %get3A_572 = arith.index_cast %scan3A_60 : i32 to index
      %get3A_573 = arith.constant 496 : index
      %get3A_574 = tpu.vector_load %arg11[%get3A_572, %get3A_573] {strides = array<i32>} : memref<32x1024xf32, #tpu.memory_space<vmem>>, vector<1x16xf32>,
      %get3A_575 = vector.shape_cast %get3A_574 : vector<1x16xf32> to vector<16xf32>
      %mul3A_576 = arith.mulf %get3A_71, %get3A_575 : vector<16xf32>
      %add3A_577 = arith.addf %mul3A_571, %mul3A_576 : vector<16xf32>
      %swap3A_578 = arith.index_cast %scan3A_60 : i32 to index
      %swap3A_579 = arith.constant 496 : index
      %swap3A_580 = tpu.vector_load %arg12[%swap3A_578, %swap3A_579] {strides = array<i32>} : memref<32x1024xf32, #tpu.memory_space<vmem>>, vector<1x16xf32>,
      %swap3A_581 = vector.shape_cast %swap3A_580 : vector<1x16xf32> to vector<16xf32>
      %swap3A_582 = vector.shape_cast %add3A_577 : vector<16xf32> to vector<1x16xf32>
      tpu.vector_store %arg12[%swap3A_578, %swap3A_579], %swap3A_582 {strides = array<i32>} : memref<32x1024xf32, #tpu.memory_space<vmem>>, vector<1x16xf32>,
      %get3A_583 = arith.index_cast %scan3A_60 : i32 to index
      %get3A_584 = arith.constant 512 : index
      %get3A_585 = tpu.vector_load %arg10[%get3A_583, %get3A_584] {strides = array<i32>} : memref<32x1024xf32, #tpu.memory_space<vmem>>, vector<1x16xf32>,
      %get3A_586 = vector.shape_cast %get3A_585 : vector<1x16xf32> to vector<16xf32>
      %mul3A_587 = arith.mulf %get3A_65, %get3A_586 : vector<16xf32>
      %get3A_588 = arith.index_cast %scan3A_60 : i32 to index
      %get3A_589 = arith.constant 512 : index
      %get3A_590 = tpu.vector_load %arg11[%get3A_588, %get3A_589] {strides = array<i32>} : memref<32x1024xf32, #tpu.memory_space<vmem>>, vector<1x16xf32>,
      %get3A_591 = vector.shape_cast %get3A_590 : vector<1x16xf32> to vector<16xf32>
      %mul3A_592 = arith.mulf %get3A_71, %get3A_591 : vector<16xf32>
      %add3A_593 = arith.addf %mul3A_587, %mul3A_592 : vector<16xf32>
      %swap3A_594 = arith.index_cast %scan3A_60 : i32 to index
      %swap3A_595 = arith.constant 512 : index
      %swap3A_596 = tpu.vector_load %arg12[%swap3A_594, %swap3A_595] {strides = array<i32>} : memref<32x1024xf32, #tpu.memory_space<vmem>>, vector<1x16xf32>,
      %swap3A_597 = vector.shape_cast %swap3A_596 : vector<1x16xf32> to vector<16xf32>
      %swap3A_598 = vector.shape_cast %add3A_593 : vector<16xf32> to vector<1x16xf32>
      tpu.vector_store %arg12[%swap3A_594, %swap3A_595], %swap3A_598 {strides = array<i32>} : memref<32x1024xf32, #tpu.memory_space<vmem>>, vector<1x16xf32>,
      %get3A_599 = arith.index_cast %scan3A_60 : i32 to index
      %get3A_600 = arith.constant 528 : index
      %get3A_601 = tpu.vector_load %arg10[%get3A_599, %get3A_600] {strides = array<i32>} : memref<32x1024xf32, #tpu.memory_space<vmem>>, vector<1x16xf32>,
      %get3A_602 = vector.shape_cast %get3A_601 : vector<1x16xf32> to vector<16xf32>
      %mul3A_603 = arith.mulf %get3A_65, %get3A_602 : vector<16xf32>
      %get3A_604 = arith.index_cast %scan3A_60 : i32 to index
      %get3A_605 = arith.constant 528 : index
      %get3A_606 = tpu.vector_load %arg11[%get3A_604, %get3A_605] {strides = array<i32>} : memref<32x1024xf32, #tpu.memory_space<vmem>>, vector<1x16xf32>,
      %get3A_607 = vector.shape_cast %get3A_606 : vector<1x16xf32> to vector<16xf32>
      %mul3A_608 = arith.mulf %get3A_71, %get3A_607 : vector<16xf32>
      %add3A_609 = arith.addf %mul3A_603, %mul3A_608 : vector<16xf32>
      %swap3A_610 = arith.index_cast %scan3A_60 : i32 to index
      %swap3A_611 = arith.constant 528 : index
      %swap3A_612 = tpu.vector_load %arg12[%swap3A_610, %swap3A_611] {strides = array<i32>} : memref<32x1024xf32, #tpu.memory_space<vmem>>, vector<1x16xf32>,
      %swap3A_613 = vector.shape_cast %swap3A_612 : vector<1x16xf32> to vector<16xf32>
      %swap3A_614 = vector.shape_cast %add3A_609 : vector<16xf32> to vector<1x16xf32>
      tpu.vector_store %arg12[%swap3A_610, %swap3A_611], %swap3A_614 {strides = array<i32>} : memref<32x1024xf32, #tpu.memory_space<vmem>>, vector<1x16xf32>,
      %get3A_615 = arith.index_cast %scan3A_60 : i32 to index
      %get3A_616 = arith.constant 544 : index
      %get3A_617 = tpu.vector_load %arg10[%get3A_615, %get3A_616] {strides = array<i32>} : memref<32x1024xf32, #tpu.memory_space<vmem>>, vector<1x16xf32>,
      %get3A_618 = vector.shape_cast %get3A_617 : vector<1x16xf32> to vector<16xf32>
      %mul3A_619 = arith.mulf %get3A_65, %get3A_618 : vector<16xf32>
      %get3A_620 = arith.index_cast %scan3A_60 : i32 to index
      %get3A_621 = arith.constant 544 : index
      %get3A_622 = tpu.vector_load %arg11[%get3A_620, %get3A_621] {strides = array<i32>} : memref<32x1024xf32, #tpu.memory_space<vmem>>, vector<1x16xf32>,
      %get3A_623 = vector.shape_cast %get3A_622 : vector<1x16xf32> to vector<16xf32>
      %mul3A_624 = arith.mulf %get3A_71, %get3A_623 : vector<16xf32>
      %add3A_625 = arith.addf %mul3A_619, %mul3A_624 : vector<16xf32>
      %swap3A_626 = arith.index_cast %scan3A_60 : i32 to index
      %swap3A_627 = arith.constant 544 : index
      %swap3A_628 = tpu.vector_load %arg12[%swap3A_626, %swap3A_627] {strides = array<i32>} : memref<32x1024xf32, #tpu.memory_space<vmem>>, vector<1x16xf32>,
      %swap3A_629 = vector.shape_cast %swap3A_628 : vector<1x16xf32> to vector<16xf32>
      %swap3A_630 = vector.shape_cast %add3A_625 : vector<16xf32> to vector<1x16xf32>
      tpu.vector_store %arg12[%swap3A_626, %swap3A_627], %swap3A_630 {strides = array<i32>} : memref<32x1024xf32, #tpu.memory_space<vmem>>, vector<1x16xf32>,
      %get3A_631 = arith.index_cast %scan3A_60 : i32 to index
      %get3A_632 = arith.constant 560 : index
      %get3A_633 = tpu.vector_load %arg10[%get3A_631, %get3A_632] {strides = array<i32>} : memref<32x1024xf32, #tpu.memory_space<vmem>>, vector<1x16xf32>,
      %get3A_634 = vector.shape_cast %get3A_633 : vector<1x16xf32> to vector<16xf32>
      %mul3A_635 = arith.mulf %get3A_65, %get3A_634 : vector<16xf32>
      %get3A_636 = arith.index_cast %scan3A_60 : i32 to index
      %get3A_637 = arith.constant 560 : index
      %get3A_638 = tpu.vector_load %arg11[%get3A_636, %get3A_637] {strides = array<i32>} : memref<32x1024xf32, #tpu.memory_space<vmem>>, vector<1x16xf32>,
      %get3A_639 = vector.shape_cast %get3A_638 : vector<1x16xf32> to vector<16xf32>
      %mul3A_640 = arith.mulf %get3A_71, %get3A_639 : vector<16xf32>
      %add3A_641 = arith.addf %mul3A_635, %mul3A_640 : vector<16xf32>
      %swap3A_642 = arith.index_cast %scan3A_60 : i32 to index
      %swap3A_643 = arith.constant 560 : index
      %swap3A_644 = tpu.vector_load %arg12[%swap3A_642, %swap3A_643] {strides = array<i32>} : memref<32x1024xf32, #tpu.memory_space<vmem>>, vector<1x16xf32>,
      %swap3A_645 = vector.shape_cast %swap3A_644 : vector<1x16xf32> to vector<16xf32>
      %swap3A_646 = vector.shape_cast %add3A_641 : vector<16xf32> to vector<1x16xf32>
      tpu.vector_store %arg12[%swap3A_642, %swap3A_643], %swap3A_646 {strides = array<i32>} : memref<32x1024xf32, #tpu.memory_space<vmem>>, vector<1x16xf32>,
      %get3A_647 = arith.index_cast %scan3A_60 : i32 to index
      %get3A_648 = arith.constant 576 : index
      %get3A_649 = tpu.vector_load %arg10[%get3A_647, %get3A_648] {strides = array<i32>} : memref<32x1024xf32, #tpu.memory_space<vmem>>, vector<1x16xf32>,
      %get3A_650 = vector.shape_cast %get3A_649 : vector<1x16xf32> to vector<16xf32>
      %mul3A_651 = arith.mulf %get3A_65, %get3A_650 : vector<16xf32>
      %get3A_652 = arith.index_cast %scan3A_60 : i32 to index
      %get3A_653 = arith.constant 576 : index
      %get3A_654 = tpu.vector_load %arg11[%get3A_652, %get3A_653] {strides = array<i32>} : memref<32x1024xf32, #tpu.memory_space<vmem>>, vector<1x16xf32>,
      %get3A_655 = vector.shape_cast %get3A_654 : vector<1x16xf32> to vector<16xf32>
      %mul3A_656 = arith.mulf %get3A_71, %get3A_655 : vector<16xf32>
      %add3A_657 = arith.addf %mul3A_651, %mul3A_656 : vector<16xf32>
      %swap3A_658 = arith.index_cast %scan3A_60 : i32 to index
      %swap3A_659 = arith.constant 576 : index
      %swap3A_660 = tpu.vector_load %arg12[%swap3A_658, %swap3A_659] {strides = array<i32>} : memref<32x1024xf32, #tpu.memory_space<vmem>>, vector<1x16xf32>,
      %swap3A_661 = vector.shape_cast %swap3A_660 : vector<1x16xf32> to vector<16xf32>
      %swap3A_662 = vector.shape_cast %add3A_657 : vector<16xf32> to vector<1x16xf32>
      tpu.vector_store %arg12[%swap3A_658, %swap3A_659], %swap3A_662 {strides = array<i32>} : memref<32x1024xf32, #tpu.memory_space<vmem>>, vector<1x16xf32>,
      %get3A_663 = arith.index_cast %scan3A_60 : i32 to index
      %get3A_664 = arith.constant 592 : index
      %get3A_665 = tpu.vector_load %arg10[%get3A_663, %get3A_664] {strides = array<i32>} : memref<32x1024xf32, #tpu.memory_space<vmem>>, vector<1x16xf32>,
      %get3A_666 = vector.shape_cast %get3A_665 : vector<1x16xf32> to vector<16xf32>
      %mul3A_667 = arith.mulf %get3A_65, %get3A_666 : vector<16xf32>
      %get3A_668 = arith.index_cast %scan3A_60 : i32 to index
      %get3A_669 = arith.constant 592 : index
      %get3A_670 = tpu.vector_load %arg11[%get3A_668, %get3A_669] {strides = array<i32>} : memref<32x1024xf32, #tpu.memory_space<vmem>>, vector<1x16xf32>,
      %get3A_671 = vector.shape_cast %get3A_670 : vector<1x16xf32> to vector<16xf32>
      %mul3A_672 = arith.mulf %get3A_71, %get3A_671 : vector<16xf32>
      %add3A_673 = arith.addf %mul3A_667, %mul3A_672 : vector<16xf32>
      %swap3A_674 = arith.index_cast %scan3A_60 : i32 to index
      %swap3A_675 = arith.constant 592 : index
      %swap3A_676 = tpu.vector_load %arg12[%swap3A_674, %swap3A_675] {strides = array<i32>} : memref<32x1024xf32, #tpu.memory_space<vmem>>, vector<1x16xf32>,
      %swap3A_677 = vector.shape_cast %swap3A_676 : vector<1x16xf32> to vector<16xf32>
      %swap3A_678 = vector.shape_cast %add3A_673 : vector<16xf32> to vector<1x16xf32>
      tpu.vector_store %arg12[%swap3A_674, %swap3A_675], %swap3A_678 {strides = array<i32>} : memref<32x1024xf32, #tpu.memory_space<vmem>>, vector<1x16xf32>,
      %get3A_679 = arith.index_cast %scan3A_60 : i32 to index
      %get3A_680 = arith.constant 608 : index
      %get3A_681 = tpu.vector_load %arg10[%get3A_679, %get3A_680] {strides = array<i32>} : memref<32x1024xf32, #tpu.memory_space<vmem>>, vector<1x16xf32>,
      %get3A_682 = vector.shape_cast %get3A_681 : vector<1x16xf32> to vector<16xf32>
      %mul3A_683 = arith.mulf %get3A_65, %get3A_682 : vector<16xf32>
      %get3A_684 = arith.index_cast %scan3A_60 : i32 to index
      %get3A_685 = arith.constant 608 : index
      %get3A_686 = tpu.vector_load %arg11[%get3A_684, %get3A_685] {strides = array<i32>} : memref<32x1024xf32, #tpu.memory_space<vmem>>, vector<1x16xf32>,
      %get3A_687 = vector.shape_cast %get3A_686 : vector<1x16xf32> to vector<16xf32>
      %mul3A_688 = arith.mulf %get3A_71, %get3A_687 : vector<16xf32>
      %add3A_689 = arith.addf %mul3A_683, %mul3A_688 : vector<16xf32>
      %swap3A_690 = arith.index_cast %scan3A_60 : i32 to index
      %swap3A_691 = arith.constant 608 : index
      %swap3A_692 = tpu.vector_load %arg12[%swap3A_690, %swap3A_691] {strides = array<i32>} : memref<32x1024xf32, #tpu.memory_space<vmem>>, vector<1x16xf32>,
      %swap3A_693 = vector.shape_cast %swap3A_692 : vector<1x16xf32> to vector<16xf32>
      %swap3A_694 = vector.shape_cast %add3A_689 : vector<16xf32> to vector<1x16xf32>
      tpu.vector_store %arg12[%swap3A_690, %swap3A_691], %swap3A_694 {strides = array<i32>} : memref<32x1024xf32, #tpu.memory_space<vmem>>, vector<1x16xf32>,
      %get3A_695 = arith.index_cast %scan3A_60 : i32 to index
      %get3A_696 = arith.constant 624 : index
      %get3A_697 = tpu.vector_load %arg10[%get3A_695, %get3A_696] {strides = array<i32>} : memref<32x1024xf32, #tpu.memory_space<vmem>>, vector<1x16xf32>,
      %get3A_698 = vector.shape_cast %get3A_697 : vector<1x16xf32> to vector<16xf32>
      %mul3A_699 = arith.mulf %get3A_65, %get3A_698 : vector<16xf32>
      %get3A_700 = arith.index_cast %scan3A_60 : i32 to index
      %get3A_701 = arith.constant 624 : index
      %get3A_702 = tpu.vector_load %arg11[%get3A_700, %get3A_701] {strides = array<i32>} : memref<32x1024xf32, #tpu.memory_space<vmem>>, vector<1x16xf32>,
      %get3A_703 = vector.shape_cast %get3A_702 : vector<1x16xf32> to vector<16xf32>
      %mul3A_704 = arith.mulf %get3A_71, %get3A_703 : vector<16xf32>
      %add3A_705 = arith.addf %mul3A_699, %mul3A_704 : vector<16xf32>
      %swap3A_706 = arith.index_cast %scan3A_60 : i32 to index
      %swap3A_707 = arith.constant 624 : index
      %swap3A_708 = tpu.vector_load %arg12[%swap3A_706, %swap3A_707] {strides = array<i32>} : memref<32x1024xf32, #tpu.memory_space<vmem>>, vector<1x16xf32>,
      %swap3A_709 = vector.shape_cast %swap3A_708 : vector<1x16xf32> to vector<16xf32>
      %swap3A_710 = vector.shape_cast %add3A_705 : vector<16xf32> to vector<1x16xf32>
      tpu.vector_store %arg12[%swap3A_706, %swap3A_707], %swap3A_710 {strides = array<i32>} : memref<32x1024xf32, #tpu.memory_space<vmem>>, vector<1x16xf32>,
      %get3A_711 = arith.index_cast %scan3A_60 : i32 to index
      %get3A_712 = arith.constant 640 : index
      %get3A_713 = tpu.vector_load %arg10[%get3A_711, %get3A_712] {strides = array<i32>} : memref<32x1024xf32, #tpu.memory_space<vmem>>, vector<1x16xf32>,
      %get3A_714 = vector.shape_cast %get3A_713 : vector<1x16xf32> to vector<16xf32>
      %mul3A_715 = arith.mulf %get3A_65, %get3A_714 : vector<16xf32>
      %get3A_716 = arith.index_cast %scan3A_60 : i32 to index
      %get3A_717 = arith.constant 640 : index
      %get3A_718 = tpu.vector_load %arg11[%get3A_716, %get3A_717] {strides = array<i32>} : memref<32x1024xf32, #tpu.memory_space<vmem>>, vector<1x16xf32>,
      %get3A_719 = vector.shape_cast %get3A_718 : vector<1x16xf32> to vector<16xf32>
      %mul3A_720 = arith.mulf %get3A_71, %get3A_719 : vector<16xf32>
      %add3A_721 = arith.addf %mul3A_715, %mul3A_720 : vector<16xf32>
      %swap3A_722 = arith.index_cast %scan3A_60 : i32 to index
      %swap3A_723 = arith.constant 640 : index
      %swap3A_724 = tpu.vector_load %arg12[%swap3A_722, %swap3A_723] {strides = array<i32>} : memref<32x1024xf32, #tpu.memory_space<vmem>>, vector<1x16xf32>,
      %swap3A_725 = vector.shape_cast %swap3A_724 : vector<1x16xf32> to vector<16xf32>
      %swap3A_726 = vector.shape_cast %add3A_721 : vector<16xf32> to vector<1x16xf32>
      tpu.vector_store %arg12[%swap3A_722, %swap3A_723], %swap3A_726 {strides = array<i32>} : memref<32x1024xf32, #tpu.memory_space<vmem>>, vector<1x16xf32>,
      %get3A_727 = arith.index_cast %scan3A_60 : i32 to index
      %get3A_728 = arith.constant 656 : index
      %get3A_729 = tpu.vector_load %arg10[%get3A_727, %get3A_728] {strides = array<i32>} : memref<32x1024xf32, #tpu.memory_space<vmem>>, vector<1x16xf32>,
      %get3A_730 = vector.shape_cast %get3A_729 : vector<1x16xf32> to vector<16xf32>
      %mul3A_731 = arith.mulf %get3A_65, %get3A_730 : vector<16xf32>
      %get3A_732 = arith.index_cast %scan3A_60 : i32 to index
      %get3A_733 = arith.constant 656 : index
      %get3A_734 = tpu.vector_load %arg11[%get3A_732, %get3A_733] {strides = array<i32>} : memref<32x1024xf32, #tpu.memory_space<vmem>>, vector<1x16xf32>,
      %get3A_735 = vector.shape_cast %get3A_734 : vector<1x16xf32> to vector<16xf32>
      %mul3A_736 = arith.mulf %get3A_71, %get3A_735 : vector<16xf32>
      %add3A_737 = arith.addf %mul3A_731, %mul3A_736 : vector<16xf32>
      %swap3A_738 = arith.index_cast %scan3A_60 : i32 to index
      %swap3A_739 = arith.constant 656 : index
      %swap3A_740 = tpu.vector_load %arg12[%swap3A_738, %swap3A_739] {strides = array<i32>} : memref<32x1024xf32, #tpu.memory_space<vmem>>, vector<1x16xf32>,
      %swap3A_741 = vector.shape_cast %swap3A_740 : vector<1x16xf32> to vector<16xf32>
      %swap3A_742 = vector.shape_cast %add3A_737 : vector<16xf32> to vector<1x16xf32>
      tpu.vector_store %arg12[%swap3A_738, %swap3A_739], %swap3A_742 {strides = array<i32>} : memref<32x1024xf32, #tpu.memory_space<vmem>>, vector<1x16xf32>,
      %get3A_743 = arith.index_cast %scan3A_60 : i32 to index
      %get3A_744 = arith.constant 672 : index
      %get3A_745 = tpu.vector_load %arg10[%get3A_743, %get3A_744] {strides = array<i32>} : memref<32x1024xf32, #tpu.memory_space<vmem>>, vector<1x16xf32>,
      %get3A_746 = vector.shape_cast %get3A_745 : vector<1x16xf32> to vector<16xf32>
      %mul3A_747 = arith.mulf %get3A_65, %get3A_746 : vector<16xf32>
      %get3A_748 = arith.index_cast %scan3A_60 : i32 to index
      %get3A_749 = arith.constant 672 : index
      %get3A_750 = tpu.vector_load %arg11[%get3A_748, %get3A_749] {strides = array<i32>} : memref<32x1024xf32, #tpu.memory_space<vmem>>, vector<1x16xf32>,
      %get3A_751 = vector.shape_cast %get3A_750 : vector<1x16xf32> to vector<16xf32>
      %mul3A_752 = arith.mulf %get3A_71, %get3A_751 : vector<16xf32>
      %add3A_753 = arith.addf %mul3A_747, %mul3A_752 : vector<16xf32>
      %swap3A_754 = arith.index_cast %scan3A_60 : i32 to index
      %swap3A_755 = arith.constant 672 : index
      %swap3A_756 = tpu.vector_load %arg12[%swap3A_754, %swap3A_755] {strides = array<i32>} : memref<32x1024xf32, #tpu.memory_space<vmem>>, vector<1x16xf32>,
      %swap3A_757 = vector.shape_cast %swap3A_756 : vector<1x16xf32> to vector<16xf32>
      %swap3A_758 = vector.shape_cast %add3A_753 : vector<16xf32> to vector<1x16xf32>
      tpu.vector_store %arg12[%swap3A_754, %swap3A_755], %swap3A_758 {strides = array<i32>} : memref<32x1024xf32, #tpu.memory_space<vmem>>, vector<1x16xf32>,
      %get3A_759 = arith.index_cast %scan3A_60 : i32 to index
      %get3A_760 = arith.constant 688 : index
      %get3A_761 = tpu.vector_load %arg10[%get3A_759, %get3A_760] {strides = array<i32>} : memref<32x1024xf32, #tpu.memory_space<vmem>>, vector<1x16xf32>,
      %get3A_762 = vector.shape_cast %get3A_761 : vector<1x16xf32> to vector<16xf32>
      %mul3A_763 = arith.mulf %get3A_65, %get3A_762 : vector<16xf32>
      %get3A_764 = arith.index_cast %scan3A_60 : i32 to index
      %get3A_765 = arith.constant 688 : index
      %get3A_766 = tpu.vector_load %arg11[%get3A_764, %get3A_765] {strides = array<i32>} : memref<32x1024xf32, #tpu.memory_space<vmem>>, vector<1x16xf32>,
      %get3A_767 = vector.shape_cast %get3A_766 : vector<1x16xf32> to vector<16xf32>
      %mul3A_768 = arith.mulf %get3A_71, %get3A_767 : vector<16xf32>
      %add3A_769 = arith.addf %mul3A_763, %mul3A_768 : vector<16xf32>
      %swap3A_770 = arith.index_cast %scan3A_60 : i32 to index
      %swap3A_771 = arith.constant 688 : index
      %swap3A_772 = tpu.vector_load %arg12[%swap3A_770, %swap3A_771] {strides = array<i32>} : memref<32x1024xf32, #tpu.memory_space<vmem>>, vector<1x16xf32>,
      %swap3A_773 = vector.shape_cast %swap3A_772 : vector<1x16xf32> to vector<16xf32>
      %swap3A_774 = vector.shape_cast %add3A_769 : vector<16xf32> to vector<1x16xf32>
      tpu.vector_store %arg12[%swap3A_770, %swap3A_771], %swap3A_774 {strides = array<i32>} : memref<32x1024xf32, #tpu.memory_space<vmem>>, vector<1x16xf32>,
      %get3A_775 = arith.index_cast %scan3A_60 : i32 to index
      %get3A_776 = arith.constant 704 : index
      %get3A_777 = tpu.vector_load %arg10[%get3A_775, %get3A_776] {strides = array<i32>} : memref<32x1024xf32, #tpu.memory_space<vmem>>, vector<1x16xf32>,
      %get3A_778 = vector.shape_cast %get3A_777 : vector<1x16xf32> to vector<16xf32>
      %mul3A_779 = arith.mulf %get3A_65, %get3A_778 : vector<16xf32>
      %get3A_780 = arith.index_cast %scan3A_60 : i32 to index
      %get3A_781 = arith.constant 704 : index
      %get3A_782 = tpu.vector_load %arg11[%get3A_780, %get3A_781] {strides = array<i32>} : memref<32x1024xf32, #tpu.memory_space<vmem>>, vector<1x16xf32>,
      %get3A_783 = vector.shape_cast %get3A_782 : vector<1x16xf32> to vector<16xf32>
      %mul3A_784 = arith.mulf %get3A_71, %get3A_783 : vector<16xf32>
      %add3A_785 = arith.addf %mul3A_779, %mul3A_784 : vector<16xf32>
      %swap3A_786 = arith.index_cast %scan3A_60 : i32 to index
      %swap3A_787 = arith.constant 704 : index
      %swap3A_788 = tpu.vector_load %arg12[%swap3A_786, %swap3A_787] {strides = array<i32>} : memref<32x1024xf32, #tpu.memory_space<vmem>>, vector<1x16xf32>,
      %swap3A_789 = vector.shape_cast %swap3A_788 : vector<1x16xf32> to vector<16xf32>
      %swap3A_790 = vector.shape_cast %add3A_785 : vector<16xf32> to vector<1x16xf32>
      tpu.vector_store %arg12[%swap3A_786, %swap3A_787], %swap3A_790 {strides = array<i32>} : memref<32x1024xf32, #tpu.memory_space<vmem>>, vector<1x16xf32>,
      %get3A_791 = arith.index_cast %scan3A_60 : i32 to index
      %get3A_792 = arith.constant 720 : index
      %get3A_793 = tpu.vector_load %arg10[%get3A_791, %get3A_792] {strides = array<i32>} : memref<32x1024xf32, #tpu.memory_space<vmem>>, vector<1x16xf32>,
      %get3A_794 = vector.shape_cast %get3A_793 : vector<1x16xf32> to vector<16xf32>
      %mul3A_795 = arith.mulf %get3A_65, %get3A_794 : vector<16xf32>
      %get3A_796 = arith.index_cast %scan3A_60 : i32 to index
      %get3A_797 = arith.constant 720 : index
      %get3A_798 = tpu.vector_load %arg11[%get3A_796, %get3A_797] {strides = array<i32>} : memref<32x1024xf32, #tpu.memory_space<vmem>>, vector<1x16xf32>,
      %get3A_799 = vector.shape_cast %get3A_798 : vector<1x16xf32> to vector<16xf32>
      %mul3A_800 = arith.mulf %get3A_71, %get3A_799 : vector<16xf32>
      %add3A_801 = arith.addf %mul3A_795, %mul3A_800 : vector<16xf32>
      %swap3A_802 = arith.index_cast %scan3A_60 : i32 to index
      %swap3A_803 = arith.constant 720 : index
      %swap3A_804 = tpu.vector_load %arg12[%swap3A_802, %swap3A_803] {strides = array<i32>} : memref<32x1024xf32, #tpu.memory_space<vmem>>, vector<1x16xf32>,
      %swap3A_805 = vector.shape_cast %swap3A_804 : vector<1x16xf32> to vector<16xf32>
      %swap3A_806 = vector.shape_cast %add3A_801 : vector<16xf32> to vector<1x16xf32>
      tpu.vector_store %arg12[%swap3A_802, %swap3A_803], %swap3A_806 {strides = array<i32>} : memref<32x1024xf32, #tpu.memory_space<vmem>>, vector<1x16xf32>,
      %get3A_807 = arith.index_cast %scan3A_60 : i32 to index
      %get3A_808 = arith.constant 736 : index
      %get3A_809 = tpu.vector_load %arg10[%get3A_807, %get3A_808] {strides = array<i32>} : memref<32x1024xf32, #tpu.memory_space<vmem>>, vector<1x16xf32>,
      %get3A_810 = vector.shape_cast %get3A_809 : vector<1x16xf32> to vector<16xf32>
      %mul3A_811 = arith.mulf %get3A_65, %get3A_810 : vector<16xf32>
      %get3A_812 = arith.index_cast %scan3A_60 : i32 to index
      %get3A_813 = arith.constant 736 : index
      %get3A_814 = tpu.vector_load %arg11[%get3A_812, %get3A_813] {strides = array<i32>} : memref<32x1024xf32, #tpu.memory_space<vmem>>, vector<1x16xf32>,
      %get3A_815 = vector.shape_cast %get3A_814 : vector<1x16xf32> to vector<16xf32>
      %mul3A_816 = arith.mulf %get3A_71, %get3A_815 : vector<16xf32>
      %add3A_817 = arith.addf %mul3A_811, %mul3A_816 : vector<16xf32>
      %swap3A_818 = arith.index_cast %scan3A_60 : i32 to index
      %swap3A_819 = arith.constant 736 : index
      %swap3A_820 = tpu.vector_load %arg12[%swap3A_818, %swap3A_819] {strides = array<i32>} : memref<32x1024xf32, #tpu.memory_space<vmem>>, vector<1x16xf32>,
      %swap3A_821 = vector.shape_cast %swap3A_820 : vector<1x16xf32> to vector<16xf32>
      %swap3A_822 = vector.shape_cast %add3A_817 : vector<16xf32> to vector<1x16xf32>
      tpu.vector_store %arg12[%swap3A_818, %swap3A_819], %swap3A_822 {strides = array<i32>} : memref<32x1024xf32, #tpu.memory_space<vmem>>, vector<1x16xf32>,
      %get3A_823 = arith.index_cast %scan3A_60 : i32 to index
      %get3A_824 = arith.constant 752 : index
      %get3A_825 = tpu.vector_load %arg10[%get3A_823, %get3A_824] {strides = array<i32>} : memref<32x1024xf32, #tpu.memory_space<vmem>>, vector<1x16xf32>,
      %get3A_826 = vector.shape_cast %get3A_825 : vector<1x16xf32> to vector<16xf32>
      %mul3A_827 = arith.mulf %get3A_65, %get3A_826 : vector<16xf32>
      %get3A_828 = arith.index_cast %scan3A_60 : i32 to index
      %get3A_829 = arith.constant 752 : index
      %get3A_830 = tpu.vector_load %arg11[%get3A_828, %get3A_829] {strides = array<i32>} : memref<32x1024xf32, #tpu.memory_space<vmem>>, vector<1x16xf32>,
      %get3A_831 = vector.shape_cast %get3A_830 : vector<1x16xf32> to vector<16xf32>
      %mul3A_832 = arith.mulf %get3A_71, %get3A_831 : vector<16xf32>
      %add3A_833 = arith.addf %mul3A_827, %mul3A_832 : vector<16xf32>
      %swap3A_834 = arith.index_cast %scan3A_60 : i32 to index
      %swap3A_835 = arith.constant 752 : index
      %swap3A_836 = tpu.vector_load %arg12[%swap3A_834, %swap3A_835] {strides = array<i32>} : memref<32x1024xf32, #tpu.memory_space<vmem>>, vector<1x16xf32>,
      %swap3A_837 = vector.shape_cast %swap3A_836 : vector<1x16xf32> to vector<16xf32>
      %swap3A_838 = vector.shape_cast %add3A_833 : vector<16xf32> to vector<1x16xf32>
      tpu.vector_store %arg12[%swap3A_834, %swap3A_835], %swap3A_838 {strides = array<i32>} : memref<32x1024xf32, #tpu.memory_space<vmem>>, vector<1x16xf32>,
      %get3A_839 = arith.index_cast %scan3A_60 : i32 to index
      %get3A_840 = arith.constant 768 : index
      %get3A_841 = tpu.vector_load %arg10[%get3A_839, %get3A_840] {strides = array<i32>} : memref<32x1024xf32, #tpu.memory_space<vmem>>, vector<1x16xf32>,
      %get3A_842 = vector.shape_cast %get3A_841 : vector<1x16xf32> to vector<16xf32>
      %mul3A_843 = arith.mulf %get3A_65, %get3A_842 : vector<16xf32>
      %get3A_844 = arith.index_cast %scan3A_60 : i32 to index
      %get3A_845 = arith.constant 768 : index
      %get3A_846 = tpu.vector_load %arg11[%get3A_844, %get3A_845] {strides = array<i32>} : memref<32x1024xf32, #tpu.memory_space<vmem>>, vector<1x16xf32>,
      %get3A_847 = vector.shape_cast %get3A_846 : vector<1x16xf32> to vector<16xf32>
      %mul3A_848 = arith.mulf %get3A_71, %get3A_847 : vector<16xf32>
      %add3A_849 = arith.addf %mul3A_843, %mul3A_848 : vector<16xf32>
      %swap3A_850 = arith.index_cast %scan3A_60 : i32 to index
      %swap3A_851 = arith.constant 768 : index
      %swap3A_852 = tpu.vector_load %arg12[%swap3A_850, %swap3A_851] {strides = array<i32>} : memref<32x1024xf32, #tpu.memory_space<vmem>>, vector<1x16xf32>,
      %swap3A_853 = vector.shape_cast %swap3A_852 : vector<1x16xf32> to vector<16xf32>
      %swap3A_854 = vector.shape_cast %add3A_849 : vector<16xf32> to vector<1x16xf32>
      tpu.vector_store %arg12[%swap3A_850, %swap3A_851], %swap3A_854 {strides = array<i32>} : memref<32x1024xf32, #tpu.memory_space<vmem>>, vector<1x16xf32>,
      %get3A_855 = arith.index_cast %scan3A_60 : i32 to index
      %get3A_856 = arith.constant 784 : index
      %get3A_857 = tpu.vector_load %arg10[%get3A_855, %get3A_856] {strides = array<i32>} : memref<32x1024xf32, #tpu.memory_space<vmem>>, vector<1x16xf32>,
      %get3A_858 = vector.shape_cast %get3A_857 : vector<1x16xf32> to vector<16xf32>
      %mul3A_859 = arith.mulf %get3A_65, %get3A_858 : vector<16xf32>
      %get3A_860 = arith.index_cast %scan3A_60 : i32 to index
      %get3A_861 = arith.constant 784 : index
      %get3A_862 = tpu.vector_load %arg11[%get3A_860, %get3A_861] {strides = array<i32>} : memref<32x1024xf32, #tpu.memory_space<vmem>>, vector<1x16xf32>,
      %get3A_863 = vector.shape_cast %get3A_862 : vector<1x16xf32> to vector<16xf32>
      %mul3A_864 = arith.mulf %get3A_71, %get3A_863 : vector<16xf32>
      %add3A_865 = arith.addf %mul3A_859, %mul3A_864 : vector<16xf32>
      %swap3A_866 = arith.index_cast %scan3A_60 : i32 to index
      %swap3A_867 = arith.constant 784 : index
      %swap3A_868 = tpu.vector_load %arg12[%swap3A_866, %swap3A_867] {strides = array<i32>} : memref<32x1024xf32, #tpu.memory_space<vmem>>, vector<1x16xf32>,
      %swap3A_869 = vector.shape_cast %swap3A_868 : vector<1x16xf32> to vector<16xf32>
      %swap3A_870 = vector.shape_cast %add3A_865 : vector<16xf32> to vector<1x16xf32>
      tpu.vector_store %arg12[%swap3A_866, %swap3A_867], %swap3A_870 {strides = array<i32>} : memref<32x1024xf32, #tpu.memory_space<vmem>>, vector<1x16xf32>,
      %get3A_871 = arith.index_cast %scan3A_60 : i32 to index
      %get3A_872 = arith.constant 800 : index
      %get3A_873 = tpu.vector_load %arg10[%get3A_871, %get3A_872] {strides = array<i32>} : memref<32x1024xf32, #tpu.memory_space<vmem>>, vector<1x16xf32>,
      %get3A_874 = vector.shape_cast %get3A_873 : vector<1x16xf32> to vector<16xf32>
      %mul3A_875 = arith.mulf %get3A_65, %get3A_874 : vector<16xf32>
      %get3A_876 = arith.index_cast %scan3A_60 : i32 to index
      %get3A_877 = arith.constant 800 : index
      %get3A_878 = tpu.vector_load %arg11[%get3A_876, %get3A_877] {strides = array<i32>} : memref<32x1024xf32, #tpu.memory_space<vmem>>, vector<1x16xf32>,
      %get3A_879 = vector.shape_cast %get3A_878 : vector<1x16xf32> to vector<16xf32>
      %mul3A_880 = arith.mulf %get3A_71, %get3A_879 : vector<16xf32>
      %add3A_881 = arith.addf %mul3A_875, %mul3A_880 : vector<16xf32>
      %swap3A_882 = arith.index_cast %scan3A_60 : i32 to index
      %swap3A_883 = arith.constant 800 : index
      %swap3A_884 = tpu.vector_load %arg12[%swap3A_882, %swap3A_883] {strides = array<i32>} : memref<32x1024xf32, #tpu.memory_space<vmem>>, vector<1x16xf32>,
      %swap3A_885 = vector.shape_cast %swap3A_884 : vector<1x16xf32> to vector<16xf32>
      %swap3A_886 = vector.shape_cast %add3A_881 : vector<16xf32> to vector<1x16xf32>
      tpu.vector_store %arg12[%swap3A_882, %swap3A_883], %swap3A_886 {strides = array<i32>} : memref<32x1024xf32, #tpu.memory_space<vmem>>, vector<1x16xf32>,
      %get3A_887 = arith.index_cast %scan3A_60 : i32 to index
      %get3A_888 = arith.constant 816 : index
      %get3A_889 = tpu.vector_load %arg10[%get3A_887, %get3A_888] {strides = array<i32>} : memref<32x1024xf32, #tpu.memory_space<vmem>>, vector<1x16xf32>,
      %get3A_890 = vector.shape_cast %get3A_889 : vector<1x16xf32> to vector<16xf32>
      %mul3A_891 = arith.mulf %get3A_65, %get3A_890 : vector<16xf32>
      %get3A_892 = arith.index_cast %scan3A_60 : i32 to index
      %get3A_893 = arith.constant 816 : index
      %get3A_894 = tpu.vector_load %arg11[%get3A_892, %get3A_893] {strides = array<i32>} : memref<32x1024xf32, #tpu.memory_space<vmem>>, vector<1x16xf32>,
      %get3A_895 = vector.shape_cast %get3A_894 : vector<1x16xf32> to vector<16xf32>
      %mul3A_896 = arith.mulf %get3A_71, %get3A_895 : vector<16xf32>
      %add3A_897 = arith.addf %mul3A_891, %mul3A_896 : vector<16xf32>
      %swap3A_898 = arith.index_cast %scan3A_60 : i32 to index
      %swap3A_899 = arith.constant 816 : index
      %swap3A_900 = tpu.vector_load %arg12[%swap3A_898, %swap3A_899] {strides = array<i32>} : memref<32x1024xf32, #tpu.memory_space<vmem>>, vector<1x16xf32>,
      %swap3A_901 = vector.shape_cast %swap3A_900 : vector<1x16xf32> to vector<16xf32>
      %swap3A_902 = vector.shape_cast %add3A_897 : vector<16xf32> to vector<1x16xf32>
      tpu.vector_store %arg12[%swap3A_898, %swap3A_899], %swap3A_902 {strides = array<i32>} : memref<32x1024xf32, #tpu.memory_space<vmem>>, vector<1x16xf32>,
      %get3A_903 = arith.index_cast %scan3A_60 : i32 to index
      %get3A_904 = arith.constant 832 : index
      %get3A_905 = tpu.vector_load %arg10[%get3A_903, %get3A_904] {strides = array<i32>} : memref<32x1024xf32, #tpu.memory_space<vmem>>, vector<1x16xf32>,
      %get3A_906 = vector.shape_cast %get3A_905 : vector<1x16xf32> to vector<16xf32>
      %mul3A_907 = arith.mulf %get3A_65, %get3A_906 : vector<16xf32>
      %get3A_908 = arith.index_cast %scan3A_60 : i32 to index
      %get3A_909 = arith.constant 832 : index
      %get3A_910 = tpu.vector_load %arg11[%get3A_908, %get3A_909] {strides = array<i32>} : memref<32x1024xf32, #tpu.memory_space<vmem>>, vector<1x16xf32>,
      %get3A_911 = vector.shape_cast %get3A_910 : vector<1x16xf32> to vector<16xf32>
      %mul3A_912 = arith.mulf %get3A_71, %get3A_911 : vector<16xf32>
      %add3A_913 = arith.addf %mul3A_907, %mul3A_912 : vector<16xf32>
      %swap3A_914 = arith.index_cast %scan3A_60 : i32 to index
      %swap3A_915 = arith.constant 832 : index
      %swap3A_916 = tpu.vector_load %arg12[%swap3A_914, %swap3A_915] {strides = array<i32>} : memref<32x1024xf32, #tpu.memory_space<vmem>>, vector<1x16xf32>,
      %swap3A_917 = vector.shape_cast %swap3A_916 : vector<1x16xf32> to vector<16xf32>
      %swap3A_918 = vector.shape_cast %add3A_913 : vector<16xf32> to vector<1x16xf32>
      tpu.vector_store %arg12[%swap3A_914, %swap3A_915], %swap3A_918 {strides = array<i32>} : memref<32x1024xf32, #tpu.memory_space<vmem>>, vector<1x16xf32>,
      %get3A_919 = arith.index_cast %scan3A_60 : i32 to index
      %get3A_920 = arith.constant 848 : index
      %get3A_921 = tpu.vector_load %arg10[%get3A_919, %get3A_920] {strides = array<i32>} : memref<32x1024xf32, #tpu.memory_space<vmem>>, vector<1x16xf32>,
      %get3A_922 = vector.shape_cast %get3A_921 : vector<1x16xf32> to vector<16xf32>
      %mul3A_923 = arith.mulf %get3A_65, %get3A_922 : vector<16xf32>
      %get3A_924 = arith.index_cast %scan3A_60 : i32 to index
      %get3A_925 = arith.constant 848 : index
      %get3A_926 = tpu.vector_load %arg11[%get3A_924, %get3A_925] {strides = array<i32>} : memref<32x1024xf32, #tpu.memory_space<vmem>>, vector<1x16xf32>,
      %get3A_927 = vector.shape_cast %get3A_926 : vector<1x16xf32> to vector<16xf32>
      %mul3A_928 = arith.mulf %get3A_71, %get3A_927 : vector<16xf32>
      %add3A_929 = arith.addf %mul3A_923, %mul3A_928 : vector<16xf32>
      %swap3A_930 = arith.index_cast %scan3A_60 : i32 to index
      %swap3A_931 = arith.constant 848 : index
      %swap3A_932 = tpu.vector_load %arg12[%swap3A_930, %swap3A_931] {strides = array<i32>} : memref<32x1024xf32, #tpu.memory_space<vmem>>, vector<1x16xf32>,
      %swap3A_933 = vector.shape_cast %swap3A_932 : vector<1x16xf32> to vector<16xf32>
      %swap3A_934 = vector.shape_cast %add3A_929 : vector<16xf32> to vector<1x16xf32>
      tpu.vector_store %arg12[%swap3A_930, %swap3A_931], %swap3A_934 {strides = array<i32>} : memref<32x1024xf32, #tpu.memory_space<vmem>>, vector<1x16xf32>,
      %get3A_935 = arith.index_cast %scan3A_60 : i32 to index
      %get3A_936 = arith.constant 864 : index
      %get3A_937 = tpu.vector_load %arg10[%get3A_935, %get3A_936] {strides = array<i32>} : memref<32x1024xf32, #tpu.memory_space<vmem>>, vector<1x16xf32>,
      %get3A_938 = vector.shape_cast %get3A_937 : vector<1x16xf32> to vector<16xf32>
      %mul3A_939 = arith.mulf %get3A_65, %get3A_938 : vector<16xf32>
      %get3A_940 = arith.index_cast %scan3A_60 : i32 to index
      %get3A_941 = arith.constant 864 : index
      %get3A_942 = tpu.vector_load %arg11[%get3A_940, %get3A_941] {strides = array<i32>} : memref<32x1024xf32, #tpu.memory_space<vmem>>, vector<1x16xf32>,
      %get3A_943 = vector.shape_cast %get3A_942 : vector<1x16xf32> to vector<16xf32>
      %mul3A_944 = arith.mulf %get3A_71, %get3A_943 : vector<16xf32>
      %add3A_945 = arith.addf %mul3A_939, %mul3A_944 : vector<16xf32>
      %swap3A_946 = arith.index_cast %scan3A_60 : i32 to index
      %swap3A_947 = arith.constant 864 : index
      %swap3A_948 = tpu.vector_load %arg12[%swap3A_946, %swap3A_947] {strides = array<i32>} : memref<32x1024xf32, #tpu.memory_space<vmem>>, vector<1x16xf32>,
      %swap3A_949 = vector.shape_cast %swap3A_948 : vector<1x16xf32> to vector<16xf32>
      %swap3A_950 = vector.shape_cast %add3A_945 : vector<16xf32> to vector<1x16xf32>
      tpu.vector_store %arg12[%swap3A_946, %swap3A_947], %swap3A_950 {strides = array<i32>} : memref<32x1024xf32, #tpu.memory_space<vmem>>, vector<1x16xf32>,
      %get3A_951 = arith.index_cast %scan3A_60 : i32 to index
      %get3A_952 = arith.constant 880 : index
      %get3A_953 = tpu.vector_load %arg10[%get3A_951, %get3A_952] {strides = array<i32>} : memref<32x1024xf32, #tpu.memory_space<vmem>>, vector<1x16xf32>,
      %get3A_954 = vector.shape_cast %get3A_953 : vector<1x16xf32> to vector<16xf32>
      %mul3A_955 = arith.mulf %get3A_65, %get3A_954 : vector<16xf32>
      %get3A_956 = arith.index_cast %scan3A_60 : i32 to index
      %get3A_957 = arith.constant 880 : index
      %get3A_958 = tpu.vector_load %arg11[%get3A_956, %get3A_957] {strides = array<i32>} : memref<32x1024xf32, #tpu.memory_space<vmem>>, vector<1x16xf32>,
      %get3A_959 = vector.shape_cast %get3A_958 : vector<1x16xf32> to vector<16xf32>
      %mul3A_960 = arith.mulf %get3A_71, %get3A_959 : vector<16xf32>
      %add3A_961 = arith.addf %mul3A_955, %mul3A_960 : vector<16xf32>
      %swap3A_962 = arith.index_cast %scan3A_60 : i32 to index
      %swap3A_963 = arith.constant 880 : index
      %swap3A_964 = tpu.vector_load %arg12[%swap3A_962, %swap3A_963] {strides = array<i32>} : memref<32x1024xf32, #tpu.memory_space<vmem>>, vector<1x16xf32>,
      %swap3A_965 = vector.shape_cast %swap3A_964 : vector<1x16xf32> to vector<16xf32>
      %swap3A_966 = vector.shape_cast %add3A_961 : vector<16xf32> to vector<1x16xf32>
      tpu.vector_store %arg12[%swap3A_962, %swap3A_963], %swap3A_966 {strides = array<i32>} : memref<32x1024xf32, #tpu.memory_space<vmem>>, vector<1x16xf32>,
      %get3A_967 = arith.index_cast %scan3A_60 : i32 to index
      %get3A_968 = arith.constant 896 : index
      %get3A_969 = tpu.vector_load %arg10[%get3A_967, %get3A_968] {strides = array<i32>} : memref<32x1024xf32, #tpu.memory_space<vmem>>, vector<1x16xf32>,
      %get3A_970 = vector.shape_cast %get3A_969 : vector<1x16xf32> to vector<16xf32>
      %mul3A_971 = arith.mulf %get3A_65, %get3A_970 : vector<16xf32>
      %get3A_972 = arith.index_cast %scan3A_60 : i32 to index
      %get3A_973 = arith.constant 896 : index
      %get3A_974 = tpu.vector_load %arg11[%get3A_972, %get3A_973] {strides = array<i32>} : memref<32x1024xf32, #tpu.memory_space<vmem>>, vector<1x16xf32>,
      %get3A_975 = vector.shape_cast %get3A_974 : vector<1x16xf32> to vector<16xf32>
      %mul3A_976 = arith.mulf %get3A_71, %get3A_975 : vector<16xf32>
      %add3A_977 = arith.addf %mul3A_971, %mul3A_976 : vector<16xf32>
      %swap3A_978 = arith.index_cast %scan3A_60 : i32 to index
      %swap3A_979 = arith.constant 896 : index
      %swap3A_980 = tpu.vector_load %arg12[%swap3A_978, %swap3A_979] {strides = array<i32>} : memref<32x1024xf32, #tpu.memory_space<vmem>>, vector<1x16xf32>,
      %swap3A_981 = vector.shape_cast %swap3A_980 : vector<1x16xf32> to vector<16xf32>
      %swap3A_982 = vector.shape_cast %add3A_977 : vector<16xf32> to vector<1x16xf32>
      tpu.vector_store %arg12[%swap3A_978, %swap3A_979], %swap3A_982 {strides = array<i32>} : memref<32x1024xf32, #tpu.memory_space<vmem>>, vector<1x16xf32>,
      %get3A_983 = arith.index_cast %scan3A_60 : i32 to index
      %get3A_984 = arith.constant 912 : index
      %get3A_985 = tpu.vector_load %arg10[%get3A_983, %get3A_984] {strides = array<i32>} : memref<32x1024xf32, #tpu.memory_space<vmem>>, vector<1x16xf32>,
      %get3A_986 = vector.shape_cast %get3A_985 : vector<1x16xf32> to vector<16xf32>
      %mul3A_987 = arith.mulf %get3A_65, %get3A_986 : vector<16xf32>
      %get3A_988 = arith.index_cast %scan3A_60 : i32 to index
      %get3A_989 = arith.constant 912 : index
      %get3A_990 = tpu.vector_load %arg11[%get3A_988, %get3A_989] {strides = array<i32>} : memref<32x1024xf32, #tpu.memory_space<vmem>>, vector<1x16xf32>,
      %get3A_991 = vector.shape_cast %get3A_990 : vector<1x16xf32> to vector<16xf32>
      %mul3A_992 = arith.mulf %get3A_71, %get3A_991 : vector<16xf32>
      %add3A_993 = arith.addf %mul3A_987, %mul3A_992 : vector<16xf32>
      %swap3A_994 = arith.index_cast %scan3A_60 : i32 to index
      %swap3A_995 = arith.constant 912 : index
      %swap3A_996 = tpu.vector_load %arg12[%swap3A_994, %swap3A_995] {strides = array<i32>} : memref<32x1024xf32, #tpu.memory_space<vmem>>, vector<1x16xf32>,
      %swap3A_997 = vector.shape_cast %swap3A_996 : vector<1x16xf32> to vector<16xf32>
      %swap3A_998 = vector.shape_cast %add3A_993 : vector<16xf32> to vector<1x16xf32>
      tpu.vector_store %arg12[%swap3A_994, %swap3A_995], %swap3A_998 {strides = array<i32>} : memref<32x1024xf32, #tpu.memory_space<vmem>>, vector<1x16xf32>,
      %get3A_999 = arith.index_cast %scan3A_60 : i32 to index
      %get3A_1000 = arith.constant 928 : index
      %get3A_1001 = tpu.vector_load %arg10[%get3A_999, %get3A_1000] {strides = array<i32>} : memref<32x1024xf32, #tpu.memory_space<vmem>>, vector<1x16xf32>,
      %get3A_1002 = vector.shape_cast %get3A_1001 : vector<1x16xf32> to vector<16xf32>
      %mul3A_1003 = arith.mulf %get3A_65, %get3A_1002 : vector<16xf32>
      %get3A_1004 = arith.index_cast %scan3A_60 : i32 to index
      %get3A_1005 = arith.constant 928 : index
      %get3A_1006 = tpu.vector_load %arg11[%get3A_1004, %get3A_1005] {strides = array<i32>} : memref<32x1024xf32, #tpu.memory_space<vmem>>, vector<1x16xf32>,
      %get3A_1007 = vector.shape_cast %get3A_1006 : vector<1x16xf32> to vector<16xf32>
      %mul3A_1008 = arith.mulf %get3A_71, %get3A_1007 : vector<16xf32>
      %add3A_1009 = arith.addf %mul3A_1003, %mul3A_1008 : vector<16xf32>
      %swap3A_1010 = arith.index_cast %scan3A_60 : i32 to index
      %swap3A_1011 = arith.constant 928 : index
      %swap3A_1012 = tpu.vector_load %arg12[%swap3A_1010, %swap3A_1011] {strides = array<i32>} : memref<32x1024xf32, #tpu.memory_space<vmem>>, vector<1x16xf32>,
      %swap3A_1013 = vector.shape_cast %swap3A_1012 : vector<1x16xf32> to vector<16xf32>
      %swap3A_1014 = vector.shape_cast %add3A_1009 : vector<16xf32> to vector<1x16xf32>
      tpu.vector_store %arg12[%swap3A_1010, %swap3A_1011], %swap3A_1014 {strides = array<i32>} : memref<32x1024xf32, #tpu.memory_space<vmem>>, vector<1x16xf32>,
      %get3A_1015 = arith.index_cast %scan3A_60 : i32 to index
      %get3A_1016 = arith.constant 944 : index
      %get3A_1017 = tpu.vector_load %arg10[%get3A_1015, %get3A_1016] {strides = array<i32>} : memref<32x1024xf32, #tpu.memory_space<vmem>>, vector<1x16xf32>,
      %get3A_1018 = vector.shape_cast %get3A_1017 : vector<1x16xf32> to vector<16xf32>
      %mul3A_1019 = arith.mulf %get3A_65, %get3A_1018 : vector<16xf32>
      %get3A_1020 = arith.index_cast %scan3A_60 : i32 to index
      %get3A_1021 = arith.constant 944 : index
      %get3A_1022 = tpu.vector_load %arg11[%get3A_1020, %get3A_1021] {strides = array<i32>} : memref<32x1024xf32, #tpu.memory_space<vmem>>, vector<1x16xf32>,
      %get3A_1023 = vector.shape_cast %get3A_1022 : vector<1x16xf32> to vector<16xf32>
      %mul3A_1024 = arith.mulf %get3A_71, %get3A_1023 : vector<16xf32>
      %add3A_1025 = arith.addf %mul3A_1019, %mul3A_1024 : vector<16xf32>
      %swap3A_1026 = arith.index_cast %scan3A_60 : i32 to index
      %swap3A_1027 = arith.constant 944 : index
      %swap3A_1028 = tpu.vector_load %arg12[%swap3A_1026, %swap3A_1027] {strides = array<i32>} : memref<32x1024xf32, #tpu.memory_space<vmem>>, vector<1x16xf32>,
      %swap3A_1029 = vector.shape_cast %swap3A_1028 : vector<1x16xf32> to vector<16xf32>
      %swap3A_1030 = vector.shape_cast %add3A_1025 : vector<16xf32> to vector<1x16xf32>
      tpu.vector_store %arg12[%swap3A_1026, %swap3A_1027], %swap3A_1030 {strides = array<i32>} : memref<32x1024xf32, #tpu.memory_space<vmem>>, vector<1x16xf32>,
      %get3A_1031 = arith.index_cast %scan3A_60 : i32 to index
      %get3A_1032 = arith.constant 960 : index
      %get3A_1033 = tpu.vector_load %arg10[%get3A_1031, %get3A_1032] {strides = array<i32>} : memref<32x1024xf32, #tpu.memory_space<vmem>>, vector<1x16xf32>,
      %get3A_1034 = vector.shape_cast %get3A_1033 : vector<1x16xf32> to vector<16xf32>
      %mul3A_1035 = arith.mulf %get3A_65, %get3A_1034 : vector<16xf32>
      %get3A_1036 = arith.index_cast %scan3A_60 : i32 to index
      %get3A_1037 = arith.constant 960 : index
      %get3A_1038 = tpu.vector_load %arg11[%get3A_1036, %get3A_1037] {strides = array<i32>} : memref<32x1024xf32, #tpu.memory_space<vmem>>, vector<1x16xf32>,
      %get3A_1039 = vector.shape_cast %get3A_1038 : vector<1x16xf32> to vector<16xf32>
      %mul3A_1040 = arith.mulf %get3A_71, %get3A_1039 : vector<16xf32>
      %add3A_1041 = arith.addf %mul3A_1035, %mul3A_1040 : vector<16xf32>
      %swap3A_1042 = arith.index_cast %scan3A_60 : i32 to index
      %swap3A_1043 = arith.constant 960 : index
      %swap3A_1044 = tpu.vector_load %arg12[%swap3A_1042, %swap3A_1043] {strides = array<i32>} : memref<32x1024xf32, #tpu.memory_space<vmem>>, vector<1x16xf32>,
      %swap3A_1045 = vector.shape_cast %swap3A_1044 : vector<1x16xf32> to vector<16xf32>
      %swap3A_1046 = vector.shape_cast %add3A_1041 : vector<16xf32> to vector<1x16xf32>
      tpu.vector_store %arg12[%swap3A_1042, %swap3A_1043], %swap3A_1046 {strides = array<i32>} : memref<32x1024xf32, #tpu.memory_space<vmem>>, vector<1x16xf32>,
      %get3A_1047 = arith.index_cast %scan3A_60 : i32 to index
      %get3A_1048 = arith.constant 976 : index
      %get3A_1049 = tpu.vector_load %arg10[%get3A_1047, %get3A_1048] {strides = array<i32>} : memref<32x1024xf32, #tpu.memory_space<vmem>>, vector<1x16xf32>,
      %get3A_1050 = vector.shape_cast %get3A_1049 : vector<1x16xf32> to vector<16xf32>
      %mul3A_1051 = arith.mulf %get3A_65, %get3A_1050 : vector<16xf32>
      %get3A_1052 = arith.index_cast %scan3A_60 : i32 to index
      %get3A_1053 = arith.constant 976 : index
      %get3A_1054 = tpu.vector_load %arg11[%get3A_1052, %get3A_1053] {strides = array<i32>} : memref<32x1024xf32, #tpu.memory_space<vmem>>, vector<1x16xf32>,
      %get3A_1055 = vector.shape_cast %get3A_1054 : vector<1x16xf32> to vector<16xf32>
      %mul3A_1056 = arith.mulf %get3A_71, %get3A_1055 : vector<16xf32>
      %add3A_1057 = arith.addf %mul3A_1051, %mul3A_1056 : vector<16xf32>
      %swap3A_1058 = arith.index_cast %scan3A_60 : i32 to index
      %swap3A_1059 = arith.constant 976 : index
      %swap3A_1060 = tpu.vector_load %arg12[%swap3A_1058, %swap3A_1059] {strides = array<i32>} : memref<32x1024xf32, #tpu.memory_space<vmem>>, vector<1x16xf32>,
      %swap3A_1061 = vector.shape_cast %swap3A_1060 : vector<1x16xf32> to vector<16xf32>
      %swap3A_1062 = vector.shape_cast %add3A_1057 : vector<16xf32> to vector<1x16xf32>
      tpu.vector_store %arg12[%swap3A_1058, %swap3A_1059], %swap3A_1062 {strides = array<i32>} : memref<32x1024xf32, #tpu.memory_space<vmem>>, vector<1x16xf32>,
      %get3A_1063 = arith.index_cast %scan3A_60 : i32 to index
      %get3A_1064 = arith.constant 992 : index
      %get3A_1065 = tpu.vector_load %arg10[%get3A_1063, %get3A_1064] {strides = array<i32>} : memref<32x1024xf32, #tpu.memory_space<vmem>>, vector<1x16xf32>,
      %get3A_1066 = vector.shape_cast %get3A_1065 : vector<1x16xf32> to vector<16xf32>
      %mul3A_1067 = arith.mulf %get3A_65, %get3A_1066 : vector<16xf32>
      %get3A_1068 = arith.index_cast %scan3A_60 : i32 to index
      %get3A_1069 = arith.constant 992 : index
      %get3A_1070 = tpu.vector_load %arg11[%get3A_1068, %get3A_1069] {strides = array<i32>} : memref<32x1024xf32, #tpu.memory_space<vmem>>, vector<1x16xf32>,
      %get3A_1071 = vector.shape_cast %get3A_1070 : vector<1x16xf32> to vector<16xf32>
      %mul3A_1072 = arith.mulf %get3A_71, %get3A_1071 : vector<16xf32>
      %add3A_1073 = arith.addf %mul3A_1067, %mul3A_1072 : vector<16xf32>
      %swap3A_1074 = arith.index_cast %scan3A_60 : i32 to index
      %swap3A_1075 = arith.constant 992 : index
      %swap3A_1076 = tpu.vector_load %arg12[%swap3A_1074, %swap3A_1075] {strides = array<i32>} : memref<32x1024xf32, #tpu.memory_space<vmem>>, vector<1x16xf32>,
      %swap3A_1077 = vector.shape_cast %swap3A_1076 : vector<1x16xf32> to vector<16xf32>
      %swap3A_1078 = vector.shape_cast %add3A_1073 : vector<16xf32> to vector<1x16xf32>
      tpu.vector_store %arg12[%swap3A_1074, %swap3A_1075], %swap3A_1078 {strides = array<i32>} : memref<32x1024xf32, #tpu.memory_space<vmem>>, vector<1x16xf32>,
      %get3A_1079 = arith.index_cast %scan3A_60 : i32 to index
      %get3A_1080 = arith.constant 1008 : index
      %get3A_1081 = tpu.vector_load %arg10[%get3A_1079, %get3A_1080] {strides = array<i32>} : memref<32x1024xf32, #tpu.memory_space<vmem>>, vector<1x16xf32>,
      %get3A_1082 = vector.shape_cast %get3A_1081 : vector<1x16xf32> to vector<16xf32>
      %mul3A_1083 = arith.mulf %get3A_65, %get3A_1082 : vector<16xf32>
      %get3A_1084 = arith.index_cast %scan3A_60 : i32 to index
      %get3A_1085 = arith.constant 1008 : index
      %get3A_1086 = tpu.vector_load %arg11[%get3A_1084, %get3A_1085] {strides = array<i32>} : memref<32x1024xf32, #tpu.memory_space<vmem>>, vector<1x16xf32>,
      %get3A_1087 = vector.shape_cast %get3A_1086 : vector<1x16xf32> to vector<16xf32>
      %mul3A_1088 = arith.mulf %get3A_71, %get3A_1087 : vector<16xf32>
      %add3A_1089 = arith.addf %mul3A_1083, %mul3A_1088 : vector<16xf32>
      %swap3A_1090 = arith.index_cast %scan3A_60 : i32 to index
      %swap3A_1091 = arith.constant 1008 : index
      %swap3A_1092 = tpu.vector_load %arg12[%swap3A_1090, %swap3A_1091] {strides = array<i32>} : memref<32x1024xf32, #tpu.memory_space<vmem>>, vector<1x16xf32>,
      %swap3A_1093 = vector.shape_cast %swap3A_1092 : vector<1x16xf32> to vector<16xf32>
      %swap3A_1094 = vector.shape_cast %add3A_1089 : vector<16xf32> to vector<1x16xf32>
      tpu.vector_store %arg12[%swap3A_1090, %swap3A_1091], %swap3A_1094 {strides = array<i32>} : memref<32x1024xf32, #tpu.memory_space<vmem>>, vector<1x16xf32>,
    }
    %scan3A_29 = arith.constant 32 : i32
    %add3A_30 = arith.constant 0 : i32
    %add3A_31 = arith.addi %mul3A_2, %add3A_30 : i32
    "tpu.region"() ({
      %run_scoped3A = tpu.sem_alloc : memref<!tpu.dma_semaphore, #tpu.memory_space<semaphore_mem>>
      %dma_start3A_60 = arith.constant 0 : i32
      %dma_start3A_61 = tpu.memref_slice %arg5[%add3A_31, %dma_start3A_60] : memref<2048x1024xf32, #tpu.memory_space<hbm>> -> memref<32x1024xf32, #tpu.memory_space<hbm>>
      %dma_start3A_62 = arith.constant 0 : i32
      %dma_start3A_63 = tpu.memref_slice %arg5[%add3A_31, %dma_start3A_62] : memref<2048x1024xf32, #tpu.memory_space<hbm>> -> memref<32x1024xf32, #tpu.memory_space<hbm>>
      tpu.enqueue_dma source(%arg12 : memref<32x1024xf32, #tpu.memory_space<vmem>>) target(%dma_start3A_63 : memref<32x1024xf32, #tpu.memory_space<hbm>>) target_semaphore(%run_scoped3A : memref<!tpu.dma_semaphore, #tpu.memory_space<semaphore_mem>>)
      %dma_wait3A_64 = arith.constant 0 : i32
      %dma_wait3A_65 = tpu.memref_slice %arg5[%add3A_31, %dma_wait3A_64] : memref<2048x1024xf32, #tpu.memory_space<hbm>> -> memref<32x1024xf32, #tpu.memory_space<hbm>>
      %dma_wait3A_66 = arith.constant 0 : i32
      %dma_wait3A_67 = tpu.memref_slice %arg5[%add3A_31, %dma_wait3A_66] : memref<2048x1024xf32, #tpu.memory_space<hbm>> -> memref<32x1024xf32, #tpu.memory_space<hbm>>
      tpu.wait_dma2 semaphore(%run_scoped3A : memref<!tpu.dma_semaphore, #tpu.memory_space<semaphore_mem>>) src(%arg12 : memref<32x1024xf32, #tpu.memory_space<vmem>>) dst(%dma_wait3A_67 : memref<32x1024xf32, #tpu.memory_space<hbm>>)
      tpu.yield
    }) : () -> ()
    %dma_start3A_32 = arith.constant 32 : i32
    %dma_start3A_33 = tpu.memref_slice %arg6[%dma_start3A_32] : memref<64xi32, #tpu.memory_space<vmem>> -> memref<32xi32, #tpu.memory_space<vmem>>
    %dma_start3A_34 = arith.constant 0 : i32
    %dma_start3A_35 = arith.constant 0 : i32
    %dma_start3A_36 = tpu.memref_slice %arg4[%dma_start3A_34, %dma_start3A_35] : memref<7936x1024xf32, #tpu.memory_space<hbm>> -> memref<7936x1024xf32, #tpu.memory_space<hbm>>
    tpu.enqueue_indirect_dma source(%dma_start3A_36 : memref<7936x1024xf32, #tpu.memory_space<hbm>>) target(%arg10 : memref<32x1024xf32, #tpu.memory_space<vmem>>) offsets(%dma_start3A_33 : memref<32xi32, #tpu.memory_space<vmem>>) semaphore(%arg13 : memref<!tpu.dma_semaphore, #tpu.memory_space<semaphore_mem>>)
    %dma_wait3A_37 = arith.constant 32 : i32
    %dma_wait3A_38 = tpu.memref_slice %arg6[%dma_wait3A_37] : memref<64xi32, #tpu.memory_space<vmem>> -> memref<32xi32, #tpu.memory_space<vmem>>
    %dma_wait3A_39 = arith.constant 0 : i32
    %dma_wait3A_40 = arith.constant 0 : i32
    %dma_wait3A_41 = tpu.memref_slice %arg4[%dma_wait3A_39, %dma_wait3A_40] : memref<7936x1024xf32, #tpu.memory_space<hbm>> -> memref<7936x1024xf32, #tpu.memory_space<hbm>>
    tpu.wait_indirect_dma semaphore(%arg13 : memref<!tpu.dma_semaphore, #tpu.memory_space<semaphore_mem>>) src(%dma_wait3A_41 : memref<7936x1024xf32, #tpu.memory_space<hbm>>) dst(%arg10 : memref<32x1024xf32, #tpu.memory_space<vmem>>)
    %dma_start3A_42 = arith.constant 32 : i32
    %dma_start3A_43 = tpu.memref_slice %arg7[%dma_start3A_42] : memref<64xi32, #tpu.memory_space<vmem>> -> memref<32xi32, #tpu.memory_space<vmem>>
    %dma_start3A_44 = arith.constant 0 : i32
    %dma_start3A_45 = arith.constant 0 : i32
    %dma_start3A_46 = tpu.memref_slice %arg4[%dma_start3A_44, %dma_start3A_45] : memref<7936x1024xf32, #tpu.memory_space<hbm>> -> memref<7936x1024xf32, #tpu.memory_space<hbm>>
    tpu.enqueue_indirect_dma source(%dma_start3A_46 : memref<7936x1024xf32, #tpu.memory_space<hbm>>) target(%arg11 : memref<32x1024xf32, #tpu.memory_space<vmem>>) offsets(%dma_start3A_43 : memref<32xi32, #tpu.memory_space<vmem>>) semaphore(%arg13 : memref<!tpu.dma_semaphore, #tpu.memory_space<semaphore_mem>>)
    %dma_wait3A_47 = arith.constant 32 : i32
    %dma_wait3A_48 = tpu.memref_slice %arg7[%dma_wait3A_47] : memref<64xi32, #tpu.memory_space<vmem>> -> memref<32xi32, #tpu.memory_space<vmem>>
    %dma_wait3A_49 = arith.constant 0 : i32
    %dma_wait3A_50 = arith.constant 0 : i32
    %dma_wait3A_51 = tpu.memref_slice %arg4[%dma_wait3A_49, %dma_wait3A_50] : memref<7936x1024xf32, #tpu.memory_space<hbm>> -> memref<7936x1024xf32, #tpu.memory_space<hbm>>
    tpu.wait_indirect_dma semaphore(%arg13 : memref<!tpu.dma_semaphore, #tpu.memory_space<semaphore_mem>>) src(%dma_wait3A_51 : memref<7936x1024xf32, #tpu.memory_space<hbm>>) dst(%arg11 : memref<32x1024xf32, #tpu.memory_space<vmem>>)
    %scan3A_52 = arith.constant 0 : i32
    %scan3A_53 = arith.constant 0 : i32
    %scan3A_54 = arith.constant 32 : i32
    %scan3A_55 = arith.addi %scan3A_53, %scan3A_54 : i32
    %scan3A_56 = arith.constant 1 : i32
    scf.for %scan3A_60 = %scan3A_53 to %scan3A_55 step %scan3A_56  : i32 {
      %add3A_61 = arith.constant 32 : i32
      %add3A_62 = arith.addi %add3A_61, %scan3A_60 : i32
      %get3A = arith.index_cast %add3A_62 : i32 to index
      %get3A_63 = arith.constant 0 : index
      %get3A_64 = tpu.vector_load %arg8[%get3A, %get3A_63] {strides = array<i32>} : memref<64x16xf32, #tpu.memory_space<vmem>>, vector<1x16xf32>,
      %get3A_65 = vector.shape_cast %get3A_64 : vector<1x16xf32> to vector<16xf32>
      %add3A_66 = arith.constant 32 : i32
      %add3A_67 = arith.addi %add3A_66, %scan3A_60 : i32
      %get3A_68 = arith.index_cast %add3A_67 : i32 to index
      %get3A_69 = arith.constant 0 : index
      %get3A_70 = tpu.vector_load %arg9[%get3A_68, %get3A_69] {strides = array<i32>} : memref<64x16xf32, #tpu.memory_space<vmem>>, vector<1x16xf32>,
      %get3A_71 = vector.shape_cast %get3A_70 : vector<1x16xf32> to vector<16xf32>
      %get3A_72 = arith.index_cast %scan3A_60 : i32 to index
      %get3A_73 = arith.constant 0 : index
      %get3A_74 = tpu.vector_load %arg10[%get3A_72, %get3A_73] {strides = array<i32>} : memref<32x1024xf32, #tpu.memory_space<vmem>>, vector<1x16xf32>,
      %get3A_75 = vector.shape_cast %get3A_74 : vector<1x16xf32> to vector<16xf32>
      %mul3A_76 = arith.mulf %get3A_65, %get3A_75 : vector<16xf32>
      %get3A_77 = arith.index_cast %scan3A_60 : i32 to index
      %get3A_78 = arith.constant 0 : index
      %get3A_79 = tpu.vector_load %arg11[%get3A_77, %get3A_78] {strides = array<i32>} : memref<32x1024xf32, #tpu.memory_space<vmem>>, vector<1x16xf32>,
      %get3A_80 = vector.shape_cast %get3A_79 : vector<1x16xf32> to vector<16xf32>
      %mul3A_81 = arith.mulf %get3A_71, %get3A_80 : vector<16xf32>
      %add3A_82 = arith.addf %mul3A_76, %mul3A_81 : vector<16xf32>
      %swap3A = arith.index_cast %scan3A_60 : i32 to index
      %swap3A_83 = arith.constant 0 : index
      %swap3A_84 = tpu.vector_load %arg12[%swap3A, %swap3A_83] {strides = array<i32>} : memref<32x1024xf32, #tpu.memory_space<vmem>>, vector<1x16xf32>,
      %swap3A_85 = vector.shape_cast %swap3A_84 : vector<1x16xf32> to vector<16xf32>
      %swap3A_86 = vector.shape_cast %add3A_82 : vector<16xf32> to vector<1x16xf32>
      tpu.vector_store %arg12[%swap3A, %swap3A_83], %swap3A_86 {strides = array<i32>} : memref<32x1024xf32, #tpu.memory_space<vmem>>, vector<1x16xf32>,
      %get3A_87 = arith.index_cast %scan3A_60 : i32 to index
      %get3A_88 = arith.constant 16 : index
      %get3A_89 = tpu.vector_load %arg10[%get3A_87, %get3A_88] {strides = array<i32>} : memref<32x1024xf32, #tpu.memory_space<vmem>>, vector<1x16xf32>,
      %get3A_90 = vector.shape_cast %get3A_89 : vector<1x16xf32> to vector<16xf32>
      %mul3A_91 = arith.mulf %get3A_65, %get3A_90 : vector<16xf32>
      %get3A_92 = arith.index_cast %scan3A_60 : i32 to index
      %get3A_93 = arith.constant 16 : index
      %get3A_94 = tpu.vector_load %arg11[%get3A_92, %get3A_93] {strides = array<i32>} : memref<32x1024xf32, #tpu.memory_space<vmem>>, vector<1x16xf32>,
      %get3A_95 = vector.shape_cast %get3A_94 : vector<1x16xf32> to vector<16xf32>
      %mul3A_96 = arith.mulf %get3A_71, %get3A_95 : vector<16xf32>
      %add3A_97 = arith.addf %mul3A_91, %mul3A_96 : vector<16xf32>
      %swap3A_98 = arith.index_cast %scan3A_60 : i32 to index
      %swap3A_99 = arith.constant 16 : index
      %swap3A_100 = tpu.vector_load %arg12[%swap3A_98, %swap3A_99] {strides = array<i32>} : memref<32x1024xf32, #tpu.memory_space<vmem>>, vector<1x16xf32>,
      %swap3A_101 = vector.shape_cast %swap3A_100 : vector<1x16xf32> to vector<16xf32>
      %swap3A_102 = vector.shape_cast %add3A_97 : vector<16xf32> to vector<1x16xf32>
      tpu.vector_store %arg12[%swap3A_98, %swap3A_99], %swap3A_102 {strides = array<i32>} : memref<32x1024xf32, #tpu.memory_space<vmem>>, vector<1x16xf32>,
      %get3A_103 = arith.index_cast %scan3A_60 : i32 to index
      %get3A_104 = arith.constant 32 : index
      %get3A_105 = tpu.vector_load %arg10[%get3A_103, %get3A_104] {strides = array<i32>} : memref<32x1024xf32, #tpu.memory_space<vmem>>, vector<1x16xf32>,
      %get3A_106 = vector.shape_cast %get3A_105 : vector<1x16xf32> to vector<16xf32>
      %mul3A_107 = arith.mulf %get3A_65, %get3A_106 : vector<16xf32>
      %get3A_108 = arith.index_cast %scan3A_60 : i32 to index
      %get3A_109 = arith.constant 32 : index
      %get3A_110 = tpu.vector_load %arg11[%get3A_108, %get3A_109] {strides = array<i32>} : memref<32x1024xf32, #tpu.memory_space<vmem>>, vector<1x16xf32>,
      %get3A_111 = vector.shape_cast %get3A_110 : vector<1x16xf32> to vector<16xf32>
      %mul3A_112 = arith.mulf %get3A_71, %get3A_111 : vector<16xf32>
      %add3A_113 = arith.addf %mul3A_107, %mul3A_112 : vector<16xf32>
      %swap3A_114 = arith.index_cast %scan3A_60 : i32 to index
      %swap3A_115 = arith.constant 32 : index
      %swap3A_116 = tpu.vector_load %arg12[%swap3A_114, %swap3A_115] {strides = array<i32>} : memref<32x1024xf32, #tpu.memory_space<vmem>>, vector<1x16xf32>,
      %swap3A_117 = vector.shape_cast %swap3A_116 : vector<1x16xf32> to vector<16xf32>
      %swap3A_118 = vector.shape_cast %add3A_113 : vector<16xf32> to vector<1x16xf32>
      tpu.vector_store %arg12[%swap3A_114, %swap3A_115], %swap3A_118 {strides = array<i32>} : memref<32x1024xf32, #tpu.memory_space<vmem>>, vector<1x16xf32>,
      %get3A_119 = arith.index_cast %scan3A_60 : i32 to index
      %get3A_120 = arith.constant 48 : index
      %get3A_121 = tpu.vector_load %arg10[%get3A_119, %get3A_120] {strides = array<i32>} : memref<32x1024xf32, #tpu.memory_space<vmem>>, vector<1x16xf32>,
      %get3A_122 = vector.shape_cast %get3A_121 : vector<1x16xf32> to vector<16xf32>
      %mul3A_123 = arith.mulf %get3A_65, %get3A_122 : vector<16xf32>
      %get3A_124 = arith.index_cast %scan3A_60 : i32 to index
      %get3A_125 = arith.constant 48 : index
      %get3A_126 = tpu.vector_load %arg11[%get3A_124, %get3A_125] {strides = array<i32>} : memref<32x1024xf32, #tpu.memory_space<vmem>>, vector<1x16xf32>,
      %get3A_127 = vector.shape_cast %get3A_126 : vector<1x16xf32> to vector<16xf32>
      %mul3A_128 = arith.mulf %get3A_71, %get3A_127 : vector<16xf32>
      %add3A_129 = arith.addf %mul3A_123, %mul3A_128 : vector<16xf32>
      %swap3A_130 = arith.index_cast %scan3A_60 : i32 to index
      %swap3A_131 = arith.constant 48 : index
      %swap3A_132 = tpu.vector_load %arg12[%swap3A_130, %swap3A_131] {strides = array<i32>} : memref<32x1024xf32, #tpu.memory_space<vmem>>, vector<1x16xf32>,
      %swap3A_133 = vector.shape_cast %swap3A_132 : vector<1x16xf32> to vector<16xf32>
      %swap3A_134 = vector.shape_cast %add3A_129 : vector<16xf32> to vector<1x16xf32>
      tpu.vector_store %arg12[%swap3A_130, %swap3A_131], %swap3A_134 {strides = array<i32>} : memref<32x1024xf32, #tpu.memory_space<vmem>>, vector<1x16xf32>,
      %get3A_135 = arith.index_cast %scan3A_60 : i32 to index
      %get3A_136 = arith.constant 64 : index
      %get3A_137 = tpu.vector_load %arg10[%get3A_135, %get3A_136] {strides = array<i32>} : memref<32x1024xf32, #tpu.memory_space<vmem>>, vector<1x16xf32>,
      %get3A_138 = vector.shape_cast %get3A_137 : vector<1x16xf32> to vector<16xf32>
      %mul3A_139 = arith.mulf %get3A_65, %get3A_138 : vector<16xf32>
      %get3A_140 = arith.index_cast %scan3A_60 : i32 to index
      %get3A_141 = arith.constant 64 : index
      %get3A_142 = tpu.vector_load %arg11[%get3A_140, %get3A_141] {strides = array<i32>} : memref<32x1024xf32, #tpu.memory_space<vmem>>, vector<1x16xf32>,
      %get3A_143 = vector.shape_cast %get3A_142 : vector<1x16xf32> to vector<16xf32>
      %mul3A_144 = arith.mulf %get3A_71, %get3A_143 : vector<16xf32>
      %add3A_145 = arith.addf %mul3A_139, %mul3A_144 : vector<16xf32>
      %swap3A_146 = arith.index_cast %scan3A_60 : i32 to index
      %swap3A_147 = arith.constant 64 : index
      %swap3A_148 = tpu.vector_load %arg12[%swap3A_146, %swap3A_147] {strides = array<i32>} : memref<32x1024xf32, #tpu.memory_space<vmem>>, vector<1x16xf32>,
      %swap3A_149 = vector.shape_cast %swap3A_148 : vector<1x16xf32> to vector<16xf32>
      %swap3A_150 = vector.shape_cast %add3A_145 : vector<16xf32> to vector<1x16xf32>
      tpu.vector_store %arg12[%swap3A_146, %swap3A_147], %swap3A_150 {strides = array<i32>} : memref<32x1024xf32, #tpu.memory_space<vmem>>, vector<1x16xf32>,
      %get3A_151 = arith.index_cast %scan3A_60 : i32 to index
      %get3A_152 = arith.constant 80 : index
      %get3A_153 = tpu.vector_load %arg10[%get3A_151, %get3A_152] {strides = array<i32>} : memref<32x1024xf32, #tpu.memory_space<vmem>>, vector<1x16xf32>,
      %get3A_154 = vector.shape_cast %get3A_153 : vector<1x16xf32> to vector<16xf32>
      %mul3A_155 = arith.mulf %get3A_65, %get3A_154 : vector<16xf32>
      %get3A_156 = arith.index_cast %scan3A_60 : i32 to index
      %get3A_157 = arith.constant 80 : index
      %get3A_158 = tpu.vector_load %arg11[%get3A_156, %get3A_157] {strides = array<i32>} : memref<32x1024xf32, #tpu.memory_space<vmem>>, vector<1x16xf32>,
      %get3A_159 = vector.shape_cast %get3A_158 : vector<1x16xf32> to vector<16xf32>
      %mul3A_160 = arith.mulf %get3A_71, %get3A_159 : vector<16xf32>
      %add3A_161 = arith.addf %mul3A_155, %mul3A_160 : vector<16xf32>
      %swap3A_162 = arith.index_cast %scan3A_60 : i32 to index
      %swap3A_163 = arith.constant 80 : index
      %swap3A_164 = tpu.vector_load %arg12[%swap3A_162, %swap3A_163] {strides = array<i32>} : memref<32x1024xf32, #tpu.memory_space<vmem>>, vector<1x16xf32>,
      %swap3A_165 = vector.shape_cast %swap3A_164 : vector<1x16xf32> to vector<16xf32>
      %swap3A_166 = vector.shape_cast %add3A_161 : vector<16xf32> to vector<1x16xf32>
      tpu.vector_store %arg12[%swap3A_162, %swap3A_163], %swap3A_166 {strides = array<i32>} : memref<32x1024xf32, #tpu.memory_space<vmem>>, vector<1x16xf32>,
      %get3A_167 = arith.index_cast %scan3A_60 : i32 to index
      %get3A_168 = arith.constant 96 : index
      %get3A_169 = tpu.vector_load %arg10[%get3A_167, %get3A_168] {strides = array<i32>} : memref<32x1024xf32, #tpu.memory_space<vmem>>, vector<1x16xf32>,
      %get3A_170 = vector.shape_cast %get3A_169 : vector<1x16xf32> to vector<16xf32>
      %mul3A_171 = arith.mulf %get3A_65, %get3A_170 : vector<16xf32>
      %get3A_172 = arith.index_cast %scan3A_60 : i32 to index
      %get3A_173 = arith.constant 96 : index
      %get3A_174 = tpu.vector_load %arg11[%get3A_172, %get3A_173] {strides = array<i32>} : memref<32x1024xf32, #tpu.memory_space<vmem>>, vector<1x16xf32>,
      %get3A_175 = vector.shape_cast %get3A_174 : vector<1x16xf32> to vector<16xf32>
      %mul3A_176 = arith.mulf %get3A_71, %get3A_175 : vector<16xf32>
      %add3A_177 = arith.addf %mul3A_171, %mul3A_176 : vector<16xf32>
      %swap3A_178 = arith.index_cast %scan3A_60 : i32 to index
      %swap3A_179 = arith.constant 96 : index
      %swap3A_180 = tpu.vector_load %arg12[%swap3A_178, %swap3A_179] {strides = array<i32>} : memref<32x1024xf32, #tpu.memory_space<vmem>>, vector<1x16xf32>,
      %swap3A_181 = vector.shape_cast %swap3A_180 : vector<1x16xf32> to vector<16xf32>
      %swap3A_182 = vector.shape_cast %add3A_177 : vector<16xf32> to vector<1x16xf32>
      tpu.vector_store %arg12[%swap3A_178, %swap3A_179], %swap3A_182 {strides = array<i32>} : memref<32x1024xf32, #tpu.memory_space<vmem>>, vector<1x16xf32>,
      %get3A_183 = arith.index_cast %scan3A_60 : i32 to index
      %get3A_184 = arith.constant 112 : index
      %get3A_185 = tpu.vector_load %arg10[%get3A_183, %get3A_184] {strides = array<i32>} : memref<32x1024xf32, #tpu.memory_space<vmem>>, vector<1x16xf32>,
      %get3A_186 = vector.shape_cast %get3A_185 : vector<1x16xf32> to vector<16xf32>
      %mul3A_187 = arith.mulf %get3A_65, %get3A_186 : vector<16xf32>
      %get3A_188 = arith.index_cast %scan3A_60 : i32 to index
      %get3A_189 = arith.constant 112 : index
      %get3A_190 = tpu.vector_load %arg11[%get3A_188, %get3A_189] {strides = array<i32>} : memref<32x1024xf32, #tpu.memory_space<vmem>>, vector<1x16xf32>,
      %get3A_191 = vector.shape_cast %get3A_190 : vector<1x16xf32> to vector<16xf32>
      %mul3A_192 = arith.mulf %get3A_71, %get3A_191 : vector<16xf32>
      %add3A_193 = arith.addf %mul3A_187, %mul3A_192 : vector<16xf32>
      %swap3A_194 = arith.index_cast %scan3A_60 : i32 to index
      %swap3A_195 = arith.constant 112 : index
      %swap3A_196 = tpu.vector_load %arg12[%swap3A_194, %swap3A_195] {strides = array<i32>} : memref<32x1024xf32, #tpu.memory_space<vmem>>, vector<1x16xf32>,
      %swap3A_197 = vector.shape_cast %swap3A_196 : vector<1x16xf32> to vector<16xf32>
      %swap3A_198 = vector.shape_cast %add3A_193 : vector<16xf32> to vector<1x16xf32>
      tpu.vector_store %arg12[%swap3A_194, %swap3A_195], %swap3A_198 {strides = array<i32>} : memref<32x1024xf32, #tpu.memory_space<vmem>>, vector<1x16xf32>,
      %get3A_199 = arith.index_cast %scan3A_60 : i32 to index
      %get3A_200 = arith.constant 128 : index
      %get3A_201 = tpu.vector_load %arg10[%get3A_199, %get3A_200] {strides = array<i32>} : memref<32x1024xf32, #tpu.memory_space<vmem>>, vector<1x16xf32>,
      %get3A_202 = vector.shape_cast %get3A_201 : vector<1x16xf32> to vector<16xf32>
      %mul3A_203 = arith.mulf %get3A_65, %get3A_202 : vector<16xf32>
      %get3A_204 = arith.index_cast %scan3A_60 : i32 to index
      %get3A_205 = arith.constant 128 : index
      %get3A_206 = tpu.vector_load %arg11[%get3A_204, %get3A_205] {strides = array<i32>} : memref<32x1024xf32, #tpu.memory_space<vmem>>, vector<1x16xf32>,
      %get3A_207 = vector.shape_cast %get3A_206 : vector<1x16xf32> to vector<16xf32>
      %mul3A_208 = arith.mulf %get3A_71, %get3A_207 : vector<16xf32>
      %add3A_209 = arith.addf %mul3A_203, %mul3A_208 : vector<16xf32>
      %swap3A_210 = arith.index_cast %scan3A_60 : i32 to index
      %swap3A_211 = arith.constant 128 : index
      %swap3A_212 = tpu.vector_load %arg12[%swap3A_210, %swap3A_211] {strides = array<i32>} : memref<32x1024xf32, #tpu.memory_space<vmem>>, vector<1x16xf32>,
      %swap3A_213 = vector.shape_cast %swap3A_212 : vector<1x16xf32> to vector<16xf32>
      %swap3A_214 = vector.shape_cast %add3A_209 : vector<16xf32> to vector<1x16xf32>
      tpu.vector_store %arg12[%swap3A_210, %swap3A_211], %swap3A_214 {strides = array<i32>} : memref<32x1024xf32, #tpu.memory_space<vmem>>, vector<1x16xf32>,
      %get3A_215 = arith.index_cast %scan3A_60 : i32 to index
      %get3A_216 = arith.constant 144 : index
      %get3A_217 = tpu.vector_load %arg10[%get3A_215, %get3A_216] {strides = array<i32>} : memref<32x1024xf32, #tpu.memory_space<vmem>>, vector<1x16xf32>,
      %get3A_218 = vector.shape_cast %get3A_217 : vector<1x16xf32> to vector<16xf32>
      %mul3A_219 = arith.mulf %get3A_65, %get3A_218 : vector<16xf32>
      %get3A_220 = arith.index_cast %scan3A_60 : i32 to index
      %get3A_221 = arith.constant 144 : index
      %get3A_222 = tpu.vector_load %arg11[%get3A_220, %get3A_221] {strides = array<i32>} : memref<32x1024xf32, #tpu.memory_space<vmem>>, vector<1x16xf32>,
      %get3A_223 = vector.shape_cast %get3A_222 : vector<1x16xf32> to vector<16xf32>
      %mul3A_224 = arith.mulf %get3A_71, %get3A_223 : vector<16xf32>
      %add3A_225 = arith.addf %mul3A_219, %mul3A_224 : vector<16xf32>
      %swap3A_226 = arith.index_cast %scan3A_60 : i32 to index
      %swap3A_227 = arith.constant 144 : index
      %swap3A_228 = tpu.vector_load %arg12[%swap3A_226, %swap3A_227] {strides = array<i32>} : memref<32x1024xf32, #tpu.memory_space<vmem>>, vector<1x16xf32>,
      %swap3A_229 = vector.shape_cast %swap3A_228 : vector<1x16xf32> to vector<16xf32>
      %swap3A_230 = vector.shape_cast %add3A_225 : vector<16xf32> to vector<1x16xf32>
      tpu.vector_store %arg12[%swap3A_226, %swap3A_227], %swap3A_230 {strides = array<i32>} : memref<32x1024xf32, #tpu.memory_space<vmem>>, vector<1x16xf32>,
      %get3A_231 = arith.index_cast %scan3A_60 : i32 to index
      %get3A_232 = arith.constant 160 : index
      %get3A_233 = tpu.vector_load %arg10[%get3A_231, %get3A_232] {strides = array<i32>} : memref<32x1024xf32, #tpu.memory_space<vmem>>, vector<1x16xf32>,
      %get3A_234 = vector.shape_cast %get3A_233 : vector<1x16xf32> to vector<16xf32>
      %mul3A_235 = arith.mulf %get3A_65, %get3A_234 : vector<16xf32>
      %get3A_236 = arith.index_cast %scan3A_60 : i32 to index
      %get3A_237 = arith.constant 160 : index
      %get3A_238 = tpu.vector_load %arg11[%get3A_236, %get3A_237] {strides = array<i32>} : memref<32x1024xf32, #tpu.memory_space<vmem>>, vector<1x16xf32>,
      %get3A_239 = vector.shape_cast %get3A_238 : vector<1x16xf32> to vector<16xf32>
      %mul3A_240 = arith.mulf %get3A_71, %get3A_239 : vector<16xf32>
      %add3A_241 = arith.addf %mul3A_235, %mul3A_240 : vector<16xf32>
      %swap3A_242 = arith.index_cast %scan3A_60 : i32 to index
      %swap3A_243 = arith.constant 160 : index
      %swap3A_244 = tpu.vector_load %arg12[%swap3A_242, %swap3A_243] {strides = array<i32>} : memref<32x1024xf32, #tpu.memory_space<vmem>>, vector<1x16xf32>,
      %swap3A_245 = vector.shape_cast %swap3A_244 : vector<1x16xf32> to vector<16xf32>
      %swap3A_246 = vector.shape_cast %add3A_241 : vector<16xf32> to vector<1x16xf32>
      tpu.vector_store %arg12[%swap3A_242, %swap3A_243], %swap3A_246 {strides = array<i32>} : memref<32x1024xf32, #tpu.memory_space<vmem>>, vector<1x16xf32>,
      %get3A_247 = arith.index_cast %scan3A_60 : i32 to index
      %get3A_248 = arith.constant 176 : index
      %get3A_249 = tpu.vector_load %arg10[%get3A_247, %get3A_248] {strides = array<i32>} : memref<32x1024xf32, #tpu.memory_space<vmem>>, vector<1x16xf32>,
      %get3A_250 = vector.shape_cast %get3A_249 : vector<1x16xf32> to vector<16xf32>
      %mul3A_251 = arith.mulf %get3A_65, %get3A_250 : vector<16xf32>
      %get3A_252 = arith.index_cast %scan3A_60 : i32 to index
      %get3A_253 = arith.constant 176 : index
      %get3A_254 = tpu.vector_load %arg11[%get3A_252, %get3A_253] {strides = array<i32>} : memref<32x1024xf32, #tpu.memory_space<vmem>>, vector<1x16xf32>,
      %get3A_255 = vector.shape_cast %get3A_254 : vector<1x16xf32> to vector<16xf32>
      %mul3A_256 = arith.mulf %get3A_71, %get3A_255 : vector<16xf32>
      %add3A_257 = arith.addf %mul3A_251, %mul3A_256 : vector<16xf32>
      %swap3A_258 = arith.index_cast %scan3A_60 : i32 to index
      %swap3A_259 = arith.constant 176 : index
      %swap3A_260 = tpu.vector_load %arg12[%swap3A_258, %swap3A_259] {strides = array<i32>} : memref<32x1024xf32, #tpu.memory_space<vmem>>, vector<1x16xf32>,
      %swap3A_261 = vector.shape_cast %swap3A_260 : vector<1x16xf32> to vector<16xf32>
      %swap3A_262 = vector.shape_cast %add3A_257 : vector<16xf32> to vector<1x16xf32>
      tpu.vector_store %arg12[%swap3A_258, %swap3A_259], %swap3A_262 {strides = array<i32>} : memref<32x1024xf32, #tpu.memory_space<vmem>>, vector<1x16xf32>,
      %get3A_263 = arith.index_cast %scan3A_60 : i32 to index
      %get3A_264 = arith.constant 192 : index
      %get3A_265 = tpu.vector_load %arg10[%get3A_263, %get3A_264] {strides = array<i32>} : memref<32x1024xf32, #tpu.memory_space<vmem>>, vector<1x16xf32>,
      %get3A_266 = vector.shape_cast %get3A_265 : vector<1x16xf32> to vector<16xf32>
      %mul3A_267 = arith.mulf %get3A_65, %get3A_266 : vector<16xf32>
      %get3A_268 = arith.index_cast %scan3A_60 : i32 to index
      %get3A_269 = arith.constant 192 : index
      %get3A_270 = tpu.vector_load %arg11[%get3A_268, %get3A_269] {strides = array<i32>} : memref<32x1024xf32, #tpu.memory_space<vmem>>, vector<1x16xf32>,
      %get3A_271 = vector.shape_cast %get3A_270 : vector<1x16xf32> to vector<16xf32>
      %mul3A_272 = arith.mulf %get3A_71, %get3A_271 : vector<16xf32>
      %add3A_273 = arith.addf %mul3A_267, %mul3A_272 : vector<16xf32>
      %swap3A_274 = arith.index_cast %scan3A_60 : i32 to index
      %swap3A_275 = arith.constant 192 : index
      %swap3A_276 = tpu.vector_load %arg12[%swap3A_274, %swap3A_275] {strides = array<i32>} : memref<32x1024xf32, #tpu.memory_space<vmem>>, vector<1x16xf32>,
      %swap3A_277 = vector.shape_cast %swap3A_276 : vector<1x16xf32> to vector<16xf32>
      %swap3A_278 = vector.shape_cast %add3A_273 : vector<16xf32> to vector<1x16xf32>
      tpu.vector_store %arg12[%swap3A_274, %swap3A_275], %swap3A_278 {strides = array<i32>} : memref<32x1024xf32, #tpu.memory_space<vmem>>, vector<1x16xf32>,
      %get3A_279 = arith.index_cast %scan3A_60 : i32 to index
      %get3A_280 = arith.constant 208 : index
      %get3A_281 = tpu.vector_load %arg10[%get3A_279, %get3A_280] {strides = array<i32>} : memref<32x1024xf32, #tpu.memory_space<vmem>>, vector<1x16xf32>,
      %get3A_282 = vector.shape_cast %get3A_281 : vector<1x16xf32> to vector<16xf32>
      %mul3A_283 = arith.mulf %get3A_65, %get3A_282 : vector<16xf32>
      %get3A_284 = arith.index_cast %scan3A_60 : i32 to index
      %get3A_285 = arith.constant 208 : index
      %get3A_286 = tpu.vector_load %arg11[%get3A_284, %get3A_285] {strides = array<i32>} : memref<32x1024xf32, #tpu.memory_space<vmem>>, vector<1x16xf32>,
      %get3A_287 = vector.shape_cast %get3A_286 : vector<1x16xf32> to vector<16xf32>
      %mul3A_288 = arith.mulf %get3A_71, %get3A_287 : vector<16xf32>
      %add3A_289 = arith.addf %mul3A_283, %mul3A_288 : vector<16xf32>
      %swap3A_290 = arith.index_cast %scan3A_60 : i32 to index
      %swap3A_291 = arith.constant 208 : index
      %swap3A_292 = tpu.vector_load %arg12[%swap3A_290, %swap3A_291] {strides = array<i32>} : memref<32x1024xf32, #tpu.memory_space<vmem>>, vector<1x16xf32>,
      %swap3A_293 = vector.shape_cast %swap3A_292 : vector<1x16xf32> to vector<16xf32>
      %swap3A_294 = vector.shape_cast %add3A_289 : vector<16xf32> to vector<1x16xf32>
      tpu.vector_store %arg12[%swap3A_290, %swap3A_291], %swap3A_294 {strides = array<i32>} : memref<32x1024xf32, #tpu.memory_space<vmem>>, vector<1x16xf32>,
      %get3A_295 = arith.index_cast %scan3A_60 : i32 to index
      %get3A_296 = arith.constant 224 : index
      %get3A_297 = tpu.vector_load %arg10[%get3A_295, %get3A_296] {strides = array<i32>} : memref<32x1024xf32, #tpu.memory_space<vmem>>, vector<1x16xf32>,
      %get3A_298 = vector.shape_cast %get3A_297 : vector<1x16xf32> to vector<16xf32>
      %mul3A_299 = arith.mulf %get3A_65, %get3A_298 : vector<16xf32>
      %get3A_300 = arith.index_cast %scan3A_60 : i32 to index
      %get3A_301 = arith.constant 224 : index
      %get3A_302 = tpu.vector_load %arg11[%get3A_300, %get3A_301] {strides = array<i32>} : memref<32x1024xf32, #tpu.memory_space<vmem>>, vector<1x16xf32>,
      %get3A_303 = vector.shape_cast %get3A_302 : vector<1x16xf32> to vector<16xf32>
      %mul3A_304 = arith.mulf %get3A_71, %get3A_303 : vector<16xf32>
      %add3A_305 = arith.addf %mul3A_299, %mul3A_304 : vector<16xf32>
      %swap3A_306 = arith.index_cast %scan3A_60 : i32 to index
      %swap3A_307 = arith.constant 224 : index
      %swap3A_308 = tpu.vector_load %arg12[%swap3A_306, %swap3A_307] {strides = array<i32>} : memref<32x1024xf32, #tpu.memory_space<vmem>>, vector<1x16xf32>,
      %swap3A_309 = vector.shape_cast %swap3A_308 : vector<1x16xf32> to vector<16xf32>
      %swap3A_310 = vector.shape_cast %add3A_305 : vector<16xf32> to vector<1x16xf32>
      tpu.vector_store %arg12[%swap3A_306, %swap3A_307], %swap3A_310 {strides = array<i32>} : memref<32x1024xf32, #tpu.memory_space<vmem>>, vector<1x16xf32>,
      %get3A_311 = arith.index_cast %scan3A_60 : i32 to index
      %get3A_312 = arith.constant 240 : index
      %get3A_313 = tpu.vector_load %arg10[%get3A_311, %get3A_312] {strides = array<i32>} : memref<32x1024xf32, #tpu.memory_space<vmem>>, vector<1x16xf32>,
      %get3A_314 = vector.shape_cast %get3A_313 : vector<1x16xf32> to vector<16xf32>
      %mul3A_315 = arith.mulf %get3A_65, %get3A_314 : vector<16xf32>
      %get3A_316 = arith.index_cast %scan3A_60 : i32 to index
      %get3A_317 = arith.constant 240 : index
      %get3A_318 = tpu.vector_load %arg11[%get3A_316, %get3A_317] {strides = array<i32>} : memref<32x1024xf32, #tpu.memory_space<vmem>>, vector<1x16xf32>,
      %get3A_319 = vector.shape_cast %get3A_318 : vector<1x16xf32> to vector<16xf32>
      %mul3A_320 = arith.mulf %get3A_71, %get3A_319 : vector<16xf32>
      %add3A_321 = arith.addf %mul3A_315, %mul3A_320 : vector<16xf32>
      %swap3A_322 = arith.index_cast %scan3A_60 : i32 to index
      %swap3A_323 = arith.constant 240 : index
      %swap3A_324 = tpu.vector_load %arg12[%swap3A_322, %swap3A_323] {strides = array<i32>} : memref<32x1024xf32, #tpu.memory_space<vmem>>, vector<1x16xf32>,
      %swap3A_325 = vector.shape_cast %swap3A_324 : vector<1x16xf32> to vector<16xf32>
      %swap3A_326 = vector.shape_cast %add3A_321 : vector<16xf32> to vector<1x16xf32>
      tpu.vector_store %arg12[%swap3A_322, %swap3A_323], %swap3A_326 {strides = array<i32>} : memref<32x1024xf32, #tpu.memory_space<vmem>>, vector<1x16xf32>,
      %get3A_327 = arith.index_cast %scan3A_60 : i32 to index
      %get3A_328 = arith.constant 256 : index
      %get3A_329 = tpu.vector_load %arg10[%get3A_327, %get3A_328] {strides = array<i32>} : memref<32x1024xf32, #tpu.memory_space<vmem>>, vector<1x16xf32>,
      %get3A_330 = vector.shape_cast %get3A_329 : vector<1x16xf32> to vector<16xf32>
      %mul3A_331 = arith.mulf %get3A_65, %get3A_330 : vector<16xf32>
      %get3A_332 = arith.index_cast %scan3A_60 : i32 to index
      %get3A_333 = arith.constant 256 : index
      %get3A_334 = tpu.vector_load %arg11[%get3A_332, %get3A_333] {strides = array<i32>} : memref<32x1024xf32, #tpu.memory_space<vmem>>, vector<1x16xf32>,
      %get3A_335 = vector.shape_cast %get3A_334 : vector<1x16xf32> to vector<16xf32>
      %mul3A_336 = arith.mulf %get3A_71, %get3A_335 : vector<16xf32>
      %add3A_337 = arith.addf %mul3A_331, %mul3A_336 : vector<16xf32>
      %swap3A_338 = arith.index_cast %scan3A_60 : i32 to index
      %swap3A_339 = arith.constant 256 : index
      %swap3A_340 = tpu.vector_load %arg12[%swap3A_338, %swap3A_339] {strides = array<i32>} : memref<32x1024xf32, #tpu.memory_space<vmem>>, vector<1x16xf32>,
      %swap3A_341 = vector.shape_cast %swap3A_340 : vector<1x16xf32> to vector<16xf32>
      %swap3A_342 = vector.shape_cast %add3A_337 : vector<16xf32> to vector<1x16xf32>
      tpu.vector_store %arg12[%swap3A_338, %swap3A_339], %swap3A_342 {strides = array<i32>} : memref<32x1024xf32, #tpu.memory_space<vmem>>, vector<1x16xf32>,
      %get3A_343 = arith.index_cast %scan3A_60 : i32 to index
      %get3A_344 = arith.constant 272 : index
      %get3A_345 = tpu.vector_load %arg10[%get3A_343, %get3A_344] {strides = array<i32>} : memref<32x1024xf32, #tpu.memory_space<vmem>>, vector<1x16xf32>,
      %get3A_346 = vector.shape_cast %get3A_345 : vector<1x16xf32> to vector<16xf32>
      %mul3A_347 = arith.mulf %get3A_65, %get3A_346 : vector<16xf32>
      %get3A_348 = arith.index_cast %scan3A_60 : i32 to index
      %get3A_349 = arith.constant 272 : index
      %get3A_350 = tpu.vector_load %arg11[%get3A_348, %get3A_349] {strides = array<i32>} : memref<32x1024xf32, #tpu.memory_space<vmem>>, vector<1x16xf32>,
      %get3A_351 = vector.shape_cast %get3A_350 : vector<1x16xf32> to vector<16xf32>
      %mul3A_352 = arith.mulf %get3A_71, %get3A_351 : vector<16xf32>
      %add3A_353 = arith.addf %mul3A_347, %mul3A_352 : vector<16xf32>
      %swap3A_354 = arith.index_cast %scan3A_60 : i32 to index
      %swap3A_355 = arith.constant 272 : index
      %swap3A_356 = tpu.vector_load %arg12[%swap3A_354, %swap3A_355] {strides = array<i32>} : memref<32x1024xf32, #tpu.memory_space<vmem>>, vector<1x16xf32>,
      %swap3A_357 = vector.shape_cast %swap3A_356 : vector<1x16xf32> to vector<16xf32>
      %swap3A_358 = vector.shape_cast %add3A_353 : vector<16xf32> to vector<1x16xf32>
      tpu.vector_store %arg12[%swap3A_354, %swap3A_355], %swap3A_358 {strides = array<i32>} : memref<32x1024xf32, #tpu.memory_space<vmem>>, vector<1x16xf32>,
      %get3A_359 = arith.index_cast %scan3A_60 : i32 to index
      %get3A_360 = arith.constant 288 : index
      %get3A_361 = tpu.vector_load %arg10[%get3A_359, %get3A_360] {strides = array<i32>} : memref<32x1024xf32, #tpu.memory_space<vmem>>, vector<1x16xf32>,
      %get3A_362 = vector.shape_cast %get3A_361 : vector<1x16xf32> to vector<16xf32>
      %mul3A_363 = arith.mulf %get3A_65, %get3A_362 : vector<16xf32>
      %get3A_364 = arith.index_cast %scan3A_60 : i32 to index
      %get3A_365 = arith.constant 288 : index
      %get3A_366 = tpu.vector_load %arg11[%get3A_364, %get3A_365] {strides = array<i32>} : memref<32x1024xf32, #tpu.memory_space<vmem>>, vector<1x16xf32>,
      %get3A_367 = vector.shape_cast %get3A_366 : vector<1x16xf32> to vector<16xf32>
      %mul3A_368 = arith.mulf %get3A_71, %get3A_367 : vector<16xf32>
      %add3A_369 = arith.addf %mul3A_363, %mul3A_368 : vector<16xf32>
      %swap3A_370 = arith.index_cast %scan3A_60 : i32 to index
      %swap3A_371 = arith.constant 288 : index
      %swap3A_372 = tpu.vector_load %arg12[%swap3A_370, %swap3A_371] {strides = array<i32>} : memref<32x1024xf32, #tpu.memory_space<vmem>>, vector<1x16xf32>,
      %swap3A_373 = vector.shape_cast %swap3A_372 : vector<1x16xf32> to vector<16xf32>
      %swap3A_374 = vector.shape_cast %add3A_369 : vector<16xf32> to vector<1x16xf32>
      tpu.vector_store %arg12[%swap3A_370, %swap3A_371], %swap3A_374 {strides = array<i32>} : memref<32x1024xf32, #tpu.memory_space<vmem>>, vector<1x16xf32>,
      %get3A_375 = arith.index_cast %scan3A_60 : i32 to index
      %get3A_376 = arith.constant 304 : index
      %get3A_377 = tpu.vector_load %arg10[%get3A_375, %get3A_376] {strides = array<i32>} : memref<32x1024xf32, #tpu.memory_space<vmem>>, vector<1x16xf32>,
      %get3A_378 = vector.shape_cast %get3A_377 : vector<1x16xf32> to vector<16xf32>
      %mul3A_379 = arith.mulf %get3A_65, %get3A_378 : vector<16xf32>
      %get3A_380 = arith.index_cast %scan3A_60 : i32 to index
      %get3A_381 = arith.constant 304 : index
      %get3A_382 = tpu.vector_load %arg11[%get3A_380, %get3A_381] {strides = array<i32>} : memref<32x1024xf32, #tpu.memory_space<vmem>>, vector<1x16xf32>,
      %get3A_383 = vector.shape_cast %get3A_382 : vector<1x16xf32> to vector<16xf32>
      %mul3A_384 = arith.mulf %get3A_71, %get3A_383 : vector<16xf32>
      %add3A_385 = arith.addf %mul3A_379, %mul3A_384 : vector<16xf32>
      %swap3A_386 = arith.index_cast %scan3A_60 : i32 to index
      %swap3A_387 = arith.constant 304 : index
      %swap3A_388 = tpu.vector_load %arg12[%swap3A_386, %swap3A_387] {strides = array<i32>} : memref<32x1024xf32, #tpu.memory_space<vmem>>, vector<1x16xf32>,
      %swap3A_389 = vector.shape_cast %swap3A_388 : vector<1x16xf32> to vector<16xf32>
      %swap3A_390 = vector.shape_cast %add3A_385 : vector<16xf32> to vector<1x16xf32>
      tpu.vector_store %arg12[%swap3A_386, %swap3A_387], %swap3A_390 {strides = array<i32>} : memref<32x1024xf32, #tpu.memory_space<vmem>>, vector<1x16xf32>,
      %get3A_391 = arith.index_cast %scan3A_60 : i32 to index
      %get3A_392 = arith.constant 320 : index
      %get3A_393 = tpu.vector_load %arg10[%get3A_391, %get3A_392] {strides = array<i32>} : memref<32x1024xf32, #tpu.memory_space<vmem>>, vector<1x16xf32>,
      %get3A_394 = vector.shape_cast %get3A_393 : vector<1x16xf32> to vector<16xf32>
      %mul3A_395 = arith.mulf %get3A_65, %get3A_394 : vector<16xf32>
      %get3A_396 = arith.index_cast %scan3A_60 : i32 to index
      %get3A_397 = arith.constant 320 : index
      %get3A_398 = tpu.vector_load %arg11[%get3A_396, %get3A_397] {strides = array<i32>} : memref<32x1024xf32, #tpu.memory_space<vmem>>, vector<1x16xf32>,
      %get3A_399 = vector.shape_cast %get3A_398 : vector<1x16xf32> to vector<16xf32>
      %mul3A_400 = arith.mulf %get3A_71, %get3A_399 : vector<16xf32>
      %add3A_401 = arith.addf %mul3A_395, %mul3A_400 : vector<16xf32>
      %swap3A_402 = arith.index_cast %scan3A_60 : i32 to index
      %swap3A_403 = arith.constant 320 : index
      %swap3A_404 = tpu.vector_load %arg12[%swap3A_402, %swap3A_403] {strides = array<i32>} : memref<32x1024xf32, #tpu.memory_space<vmem>>, vector<1x16xf32>,
      %swap3A_405 = vector.shape_cast %swap3A_404 : vector<1x16xf32> to vector<16xf32>
      %swap3A_406 = vector.shape_cast %add3A_401 : vector<16xf32> to vector<1x16xf32>
      tpu.vector_store %arg12[%swap3A_402, %swap3A_403], %swap3A_406 {strides = array<i32>} : memref<32x1024xf32, #tpu.memory_space<vmem>>, vector<1x16xf32>,
      %get3A_407 = arith.index_cast %scan3A_60 : i32 to index
      %get3A_408 = arith.constant 336 : index
      %get3A_409 = tpu.vector_load %arg10[%get3A_407, %get3A_408] {strides = array<i32>} : memref<32x1024xf32, #tpu.memory_space<vmem>>, vector<1x16xf32>,
      %get3A_410 = vector.shape_cast %get3A_409 : vector<1x16xf32> to vector<16xf32>
      %mul3A_411 = arith.mulf %get3A_65, %get3A_410 : vector<16xf32>
      %get3A_412 = arith.index_cast %scan3A_60 : i32 to index
      %get3A_413 = arith.constant 336 : index
      %get3A_414 = tpu.vector_load %arg11[%get3A_412, %get3A_413] {strides = array<i32>} : memref<32x1024xf32, #tpu.memory_space<vmem>>, vector<1x16xf32>,
      %get3A_415 = vector.shape_cast %get3A_414 : vector<1x16xf32> to vector<16xf32>
      %mul3A_416 = arith.mulf %get3A_71, %get3A_415 : vector<16xf32>
      %add3A_417 = arith.addf %mul3A_411, %mul3A_416 : vector<16xf32>
      %swap3A_418 = arith.index_cast %scan3A_60 : i32 to index
      %swap3A_419 = arith.constant 336 : index
      %swap3A_420 = tpu.vector_load %arg12[%swap3A_418, %swap3A_419] {strides = array<i32>} : memref<32x1024xf32, #tpu.memory_space<vmem>>, vector<1x16xf32>,
      %swap3A_421 = vector.shape_cast %swap3A_420 : vector<1x16xf32> to vector<16xf32>
      %swap3A_422 = vector.shape_cast %add3A_417 : vector<16xf32> to vector<1x16xf32>
      tpu.vector_store %arg12[%swap3A_418, %swap3A_419], %swap3A_422 {strides = array<i32>} : memref<32x1024xf32, #tpu.memory_space<vmem>>, vector<1x16xf32>,
      %get3A_423 = arith.index_cast %scan3A_60 : i32 to index
      %get3A_424 = arith.constant 352 : index
      %get3A_425 = tpu.vector_load %arg10[%get3A_423, %get3A_424] {strides = array<i32>} : memref<32x1024xf32, #tpu.memory_space<vmem>>, vector<1x16xf32>,
      %get3A_426 = vector.shape_cast %get3A_425 : vector<1x16xf32> to vector<16xf32>
      %mul3A_427 = arith.mulf %get3A_65, %get3A_426 : vector<16xf32>
      %get3A_428 = arith.index_cast %scan3A_60 : i32 to index
      %get3A_429 = arith.constant 352 : index
      %get3A_430 = tpu.vector_load %arg11[%get3A_428, %get3A_429] {strides = array<i32>} : memref<32x1024xf32, #tpu.memory_space<vmem>>, vector<1x16xf32>,
      %get3A_431 = vector.shape_cast %get3A_430 : vector<1x16xf32> to vector<16xf32>
      %mul3A_432 = arith.mulf %get3A_71, %get3A_431 : vector<16xf32>
      %add3A_433 = arith.addf %mul3A_427, %mul3A_432 : vector<16xf32>
      %swap3A_434 = arith.index_cast %scan3A_60 : i32 to index
      %swap3A_435 = arith.constant 352 : index
      %swap3A_436 = tpu.vector_load %arg12[%swap3A_434, %swap3A_435] {strides = array<i32>} : memref<32x1024xf32, #tpu.memory_space<vmem>>, vector<1x16xf32>,
      %swap3A_437 = vector.shape_cast %swap3A_436 : vector<1x16xf32> to vector<16xf32>
      %swap3A_438 = vector.shape_cast %add3A_433 : vector<16xf32> to vector<1x16xf32>
      tpu.vector_store %arg12[%swap3A_434, %swap3A_435], %swap3A_438 {strides = array<i32>} : memref<32x1024xf32, #tpu.memory_space<vmem>>, vector<1x16xf32>,
      %get3A_439 = arith.index_cast %scan3A_60 : i32 to index
      %get3A_440 = arith.constant 368 : index
      %get3A_441 = tpu.vector_load %arg10[%get3A_439, %get3A_440] {strides = array<i32>} : memref<32x1024xf32, #tpu.memory_space<vmem>>, vector<1x16xf32>,
      %get3A_442 = vector.shape_cast %get3A_441 : vector<1x16xf32> to vector<16xf32>
      %mul3A_443 = arith.mulf %get3A_65, %get3A_442 : vector<16xf32>
      %get3A_444 = arith.index_cast %scan3A_60 : i32 to index
      %get3A_445 = arith.constant 368 : index
      %get3A_446 = tpu.vector_load %arg11[%get3A_444, %get3A_445] {strides = array<i32>} : memref<32x1024xf32, #tpu.memory_space<vmem>>, vector<1x16xf32>,
      %get3A_447 = vector.shape_cast %get3A_446 : vector<1x16xf32> to vector<16xf32>
      %mul3A_448 = arith.mulf %get3A_71, %get3A_447 : vector<16xf32>
      %add3A_449 = arith.addf %mul3A_443, %mul3A_448 : vector<16xf32>
      %swap3A_450 = arith.index_cast %scan3A_60 : i32 to index
      %swap3A_451 = arith.constant 368 : index
      %swap3A_452 = tpu.vector_load %arg12[%swap3A_450, %swap3A_451] {strides = array<i32>} : memref<32x1024xf32, #tpu.memory_space<vmem>>, vector<1x16xf32>,
      %swap3A_453 = vector.shape_cast %swap3A_452 : vector<1x16xf32> to vector<16xf32>
      %swap3A_454 = vector.shape_cast %add3A_449 : vector<16xf32> to vector<1x16xf32>
      tpu.vector_store %arg12[%swap3A_450, %swap3A_451], %swap3A_454 {strides = array<i32>} : memref<32x1024xf32, #tpu.memory_space<vmem>>, vector<1x16xf32>,
      %get3A_455 = arith.index_cast %scan3A_60 : i32 to index
      %get3A_456 = arith.constant 384 : index
      %get3A_457 = tpu.vector_load %arg10[%get3A_455, %get3A_456] {strides = array<i32>} : memref<32x1024xf32, #tpu.memory_space<vmem>>, vector<1x16xf32>,
      %get3A_458 = vector.shape_cast %get3A_457 : vector<1x16xf32> to vector<16xf32>
      %mul3A_459 = arith.mulf %get3A_65, %get3A_458 : vector<16xf32>
      %get3A_460 = arith.index_cast %scan3A_60 : i32 to index
      %get3A_461 = arith.constant 384 : index
      %get3A_462 = tpu.vector_load %arg11[%get3A_460, %get3A_461] {strides = array<i32>} : memref<32x1024xf32, #tpu.memory_space<vmem>>, vector<1x16xf32>,
      %get3A_463 = vector.shape_cast %get3A_462 : vector<1x16xf32> to vector<16xf32>
      %mul3A_464 = arith.mulf %get3A_71, %get3A_463 : vector<16xf32>
      %add3A_465 = arith.addf %mul3A_459, %mul3A_464 : vector<16xf32>
      %swap3A_466 = arith.index_cast %scan3A_60 : i32 to index
      %swap3A_467 = arith.constant 384 : index
      %swap3A_468 = tpu.vector_load %arg12[%swap3A_466, %swap3A_467] {strides = array<i32>} : memref<32x1024xf32, #tpu.memory_space<vmem>>, vector<1x16xf32>,
      %swap3A_469 = vector.shape_cast %swap3A_468 : vector<1x16xf32> to vector<16xf32>
      %swap3A_470 = vector.shape_cast %add3A_465 : vector<16xf32> to vector<1x16xf32>
      tpu.vector_store %arg12[%swap3A_466, %swap3A_467], %swap3A_470 {strides = array<i32>} : memref<32x1024xf32, #tpu.memory_space<vmem>>, vector<1x16xf32>,
      %get3A_471 = arith.index_cast %scan3A_60 : i32 to index
      %get3A_472 = arith.constant 400 : index
      %get3A_473 = tpu.vector_load %arg10[%get3A_471, %get3A_472] {strides = array<i32>} : memref<32x1024xf32, #tpu.memory_space<vmem>>, vector<1x16xf32>,
      %get3A_474 = vector.shape_cast %get3A_473 : vector<1x16xf32> to vector<16xf32>
      %mul3A_475 = arith.mulf %get3A_65, %get3A_474 : vector<16xf32>
      %get3A_476 = arith.index_cast %scan3A_60 : i32 to index
      %get3A_477 = arith.constant 400 : index
      %get3A_478 = tpu.vector_load %arg11[%get3A_476, %get3A_477] {strides = array<i32>} : memref<32x1024xf32, #tpu.memory_space<vmem>>, vector<1x16xf32>,
      %get3A_479 = vector.shape_cast %get3A_478 : vector<1x16xf32> to vector<16xf32>
      %mul3A_480 = arith.mulf %get3A_71, %get3A_479 : vector<16xf32>
      %add3A_481 = arith.addf %mul3A_475, %mul3A_480 : vector<16xf32>
      %swap3A_482 = arith.index_cast %scan3A_60 : i32 to index
      %swap3A_483 = arith.constant 400 : index
      %swap3A_484 = tpu.vector_load %arg12[%swap3A_482, %swap3A_483] {strides = array<i32>} : memref<32x1024xf32, #tpu.memory_space<vmem>>, vector<1x16xf32>,
      %swap3A_485 = vector.shape_cast %swap3A_484 : vector<1x16xf32> to vector<16xf32>
      %swap3A_486 = vector.shape_cast %add3A_481 : vector<16xf32> to vector<1x16xf32>
      tpu.vector_store %arg12[%swap3A_482, %swap3A_483], %swap3A_486 {strides = array<i32>} : memref<32x1024xf32, #tpu.memory_space<vmem>>, vector<1x16xf32>,
      %get3A_487 = arith.index_cast %scan3A_60 : i32 to index
      %get3A_488 = arith.constant 416 : index
      %get3A_489 = tpu.vector_load %arg10[%get3A_487, %get3A_488] {strides = array<i32>} : memref<32x1024xf32, #tpu.memory_space<vmem>>, vector<1x16xf32>,
      %get3A_490 = vector.shape_cast %get3A_489 : vector<1x16xf32> to vector<16xf32>
      %mul3A_491 = arith.mulf %get3A_65, %get3A_490 : vector<16xf32>
      %get3A_492 = arith.index_cast %scan3A_60 : i32 to index
      %get3A_493 = arith.constant 416 : index
      %get3A_494 = tpu.vector_load %arg11[%get3A_492, %get3A_493] {strides = array<i32>} : memref<32x1024xf32, #tpu.memory_space<vmem>>, vector<1x16xf32>,
      %get3A_495 = vector.shape_cast %get3A_494 : vector<1x16xf32> to vector<16xf32>
      %mul3A_496 = arith.mulf %get3A_71, %get3A_495 : vector<16xf32>
      %add3A_497 = arith.addf %mul3A_491, %mul3A_496 : vector<16xf32>
      %swap3A_498 = arith.index_cast %scan3A_60 : i32 to index
      %swap3A_499 = arith.constant 416 : index
      %swap3A_500 = tpu.vector_load %arg12[%swap3A_498, %swap3A_499] {strides = array<i32>} : memref<32x1024xf32, #tpu.memory_space<vmem>>, vector<1x16xf32>,
      %swap3A_501 = vector.shape_cast %swap3A_500 : vector<1x16xf32> to vector<16xf32>
      %swap3A_502 = vector.shape_cast %add3A_497 : vector<16xf32> to vector<1x16xf32>
      tpu.vector_store %arg12[%swap3A_498, %swap3A_499], %swap3A_502 {strides = array<i32>} : memref<32x1024xf32, #tpu.memory_space<vmem>>, vector<1x16xf32>,
      %get3A_503 = arith.index_cast %scan3A_60 : i32 to index
      %get3A_504 = arith.constant 432 : index
      %get3A_505 = tpu.vector_load %arg10[%get3A_503, %get3A_504] {strides = array<i32>} : memref<32x1024xf32, #tpu.memory_space<vmem>>, vector<1x16xf32>,
      %get3A_506 = vector.shape_cast %get3A_505 : vector<1x16xf32> to vector<16xf32>
      %mul3A_507 = arith.mulf %get3A_65, %get3A_506 : vector<16xf32>
      %get3A_508 = arith.index_cast %scan3A_60 : i32 to index
      %get3A_509 = arith.constant 432 : index
      %get3A_510 = tpu.vector_load %arg11[%get3A_508, %get3A_509] {strides = array<i32>} : memref<32x1024xf32, #tpu.memory_space<vmem>>, vector<1x16xf32>,
      %get3A_511 = vector.shape_cast %get3A_510 : vector<1x16xf32> to vector<16xf32>
      %mul3A_512 = arith.mulf %get3A_71, %get3A_511 : vector<16xf32>
      %add3A_513 = arith.addf %mul3A_507, %mul3A_512 : vector<16xf32>
      %swap3A_514 = arith.index_cast %scan3A_60 : i32 to index
      %swap3A_515 = arith.constant 432 : index
      %swap3A_516 = tpu.vector_load %arg12[%swap3A_514, %swap3A_515] {strides = array<i32>} : memref<32x1024xf32, #tpu.memory_space<vmem>>, vector<1x16xf32>,
      %swap3A_517 = vector.shape_cast %swap3A_516 : vector<1x16xf32> to vector<16xf32>
      %swap3A_518 = vector.shape_cast %add3A_513 : vector<16xf32> to vector<1x16xf32>
      tpu.vector_store %arg12[%swap3A_514, %swap3A_515], %swap3A_518 {strides = array<i32>} : memref<32x1024xf32, #tpu.memory_space<vmem>>, vector<1x16xf32>,
      %get3A_519 = arith.index_cast %scan3A_60 : i32 to index
      %get3A_520 = arith.constant 448 : index
      %get3A_521 = tpu.vector_load %arg10[%get3A_519, %get3A_520] {strides = array<i32>} : memref<32x1024xf32, #tpu.memory_space<vmem>>, vector<1x16xf32>,
      %get3A_522 = vector.shape_cast %get3A_521 : vector<1x16xf32> to vector<16xf32>
      %mul3A_523 = arith.mulf %get3A_65, %get3A_522 : vector<16xf32>
      %get3A_524 = arith.index_cast %scan3A_60 : i32 to index
      %get3A_525 = arith.constant 448 : index
      %get3A_526 = tpu.vector_load %arg11[%get3A_524, %get3A_525] {strides = array<i32>} : memref<32x1024xf32, #tpu.memory_space<vmem>>, vector<1x16xf32>,
      %get3A_527 = vector.shape_cast %get3A_526 : vector<1x16xf32> to vector<16xf32>
      %mul3A_528 = arith.mulf %get3A_71, %get3A_527 : vector<16xf32>
      %add3A_529 = arith.addf %mul3A_523, %mul3A_528 : vector<16xf32>
      %swap3A_530 = arith.index_cast %scan3A_60 : i32 to index
      %swap3A_531 = arith.constant 448 : index
      %swap3A_532 = tpu.vector_load %arg12[%swap3A_530, %swap3A_531] {strides = array<i32>} : memref<32x1024xf32, #tpu.memory_space<vmem>>, vector<1x16xf32>,
      %swap3A_533 = vector.shape_cast %swap3A_532 : vector<1x16xf32> to vector<16xf32>
      %swap3A_534 = vector.shape_cast %add3A_529 : vector<16xf32> to vector<1x16xf32>
      tpu.vector_store %arg12[%swap3A_530, %swap3A_531], %swap3A_534 {strides = array<i32>} : memref<32x1024xf32, #tpu.memory_space<vmem>>, vector<1x16xf32>,
      %get3A_535 = arith.index_cast %scan3A_60 : i32 to index
      %get3A_536 = arith.constant 464 : index
      %get3A_537 = tpu.vector_load %arg10[%get3A_535, %get3A_536] {strides = array<i32>} : memref<32x1024xf32, #tpu.memory_space<vmem>>, vector<1x16xf32>,
      %get3A_538 = vector.shape_cast %get3A_537 : vector<1x16xf32> to vector<16xf32>
      %mul3A_539 = arith.mulf %get3A_65, %get3A_538 : vector<16xf32>
      %get3A_540 = arith.index_cast %scan3A_60 : i32 to index
      %get3A_541 = arith.constant 464 : index
      %get3A_542 = tpu.vector_load %arg11[%get3A_540, %get3A_541] {strides = array<i32>} : memref<32x1024xf32, #tpu.memory_space<vmem>>, vector<1x16xf32>,
      %get3A_543 = vector.shape_cast %get3A_542 : vector<1x16xf32> to vector<16xf32>
      %mul3A_544 = arith.mulf %get3A_71, %get3A_543 : vector<16xf32>
      %add3A_545 = arith.addf %mul3A_539, %mul3A_544 : vector<16xf32>
      %swap3A_546 = arith.index_cast %scan3A_60 : i32 to index
      %swap3A_547 = arith.constant 464 : index
      %swap3A_548 = tpu.vector_load %arg12[%swap3A_546, %swap3A_547] {strides = array<i32>} : memref<32x1024xf32, #tpu.memory_space<vmem>>, vector<1x16xf32>,
      %swap3A_549 = vector.shape_cast %swap3A_548 : vector<1x16xf32> to vector<16xf32>
      %swap3A_550 = vector.shape_cast %add3A_545 : vector<16xf32> to vector<1x16xf32>
      tpu.vector_store %arg12[%swap3A_546, %swap3A_547], %swap3A_550 {strides = array<i32>} : memref<32x1024xf32, #tpu.memory_space<vmem>>, vector<1x16xf32>,
      %get3A_551 = arith.index_cast %scan3A_60 : i32 to index
      %get3A_552 = arith.constant 480 : index
      %get3A_553 = tpu.vector_load %arg10[%get3A_551, %get3A_552] {strides = array<i32>} : memref<32x1024xf32, #tpu.memory_space<vmem>>, vector<1x16xf32>,
      %get3A_554 = vector.shape_cast %get3A_553 : vector<1x16xf32> to vector<16xf32>
      %mul3A_555 = arith.mulf %get3A_65, %get3A_554 : vector<16xf32>
      %get3A_556 = arith.index_cast %scan3A_60 : i32 to index
      %get3A_557 = arith.constant 480 : index
      %get3A_558 = tpu.vector_load %arg11[%get3A_556, %get3A_557] {strides = array<i32>} : memref<32x1024xf32, #tpu.memory_space<vmem>>, vector<1x16xf32>,
      %get3A_559 = vector.shape_cast %get3A_558 : vector<1x16xf32> to vector<16xf32>
      %mul3A_560 = arith.mulf %get3A_71, %get3A_559 : vector<16xf32>
      %add3A_561 = arith.addf %mul3A_555, %mul3A_560 : vector<16xf32>
      %swap3A_562 = arith.index_cast %scan3A_60 : i32 to index
      %swap3A_563 = arith.constant 480 : index
      %swap3A_564 = tpu.vector_load %arg12[%swap3A_562, %swap3A_563] {strides = array<i32>} : memref<32x1024xf32, #tpu.memory_space<vmem>>, vector<1x16xf32>,
      %swap3A_565 = vector.shape_cast %swap3A_564 : vector<1x16xf32> to vector<16xf32>
      %swap3A_566 = vector.shape_cast %add3A_561 : vector<16xf32> to vector<1x16xf32>
      tpu.vector_store %arg12[%swap3A_562, %swap3A_563], %swap3A_566 {strides = array<i32>} : memref<32x1024xf32, #tpu.memory_space<vmem>>, vector<1x16xf32>,
      %get3A_567 = arith.index_cast %scan3A_60 : i32 to index
      %get3A_568 = arith.constant 496 : index
      %get3A_569 = tpu.vector_load %arg10[%get3A_567, %get3A_568] {strides = array<i32>} : memref<32x1024xf32, #tpu.memory_space<vmem>>, vector<1x16xf32>,
      %get3A_570 = vector.shape_cast %get3A_569 : vector<1x16xf32> to vector<16xf32>
      %mul3A_571 = arith.mulf %get3A_65, %get3A_570 : vector<16xf32>
      %get3A_572 = arith.index_cast %scan3A_60 : i32 to index
      %get3A_573 = arith.constant 496 : index
      %get3A_574 = tpu.vector_load %arg11[%get3A_572, %get3A_573] {strides = array<i32>} : memref<32x1024xf32, #tpu.memory_space<vmem>>, vector<1x16xf32>,
      %get3A_575 = vector.shape_cast %get3A_574 : vector<1x16xf32> to vector<16xf32>
      %mul3A_576 = arith.mulf %get3A_71, %get3A_575 : vector<16xf32>
      %add3A_577 = arith.addf %mul3A_571, %mul3A_576 : vector<16xf32>
      %swap3A_578 = arith.index_cast %scan3A_60 : i32 to index
      %swap3A_579 = arith.constant 496 : index
      %swap3A_580 = tpu.vector_load %arg12[%swap3A_578, %swap3A_579] {strides = array<i32>} : memref<32x1024xf32, #tpu.memory_space<vmem>>, vector<1x16xf32>,
      %swap3A_581 = vector.shape_cast %swap3A_580 : vector<1x16xf32> to vector<16xf32>
      %swap3A_582 = vector.shape_cast %add3A_577 : vector<16xf32> to vector<1x16xf32>
      tpu.vector_store %arg12[%swap3A_578, %swap3A_579], %swap3A_582 {strides = array<i32>} : memref<32x1024xf32, #tpu.memory_space<vmem>>, vector<1x16xf32>,
      %get3A_583 = arith.index_cast %scan3A_60 : i32 to index
      %get3A_584 = arith.constant 512 : index
      %get3A_585 = tpu.vector_load %arg10[%get3A_583, %get3A_584] {strides = array<i32>} : memref<32x1024xf32, #tpu.memory_space<vmem>>, vector<1x16xf32>,
      %get3A_586 = vector.shape_cast %get3A_585 : vector<1x16xf32> to vector<16xf32>
      %mul3A_587 = arith.mulf %get3A_65, %get3A_586 : vector<16xf32>
      %get3A_588 = arith.index_cast %scan3A_60 : i32 to index
      %get3A_589 = arith.constant 512 : index
      %get3A_590 = tpu.vector_load %arg11[%get3A_588, %get3A_589] {strides = array<i32>} : memref<32x1024xf32, #tpu.memory_space<vmem>>, vector<1x16xf32>,
      %get3A_591 = vector.shape_cast %get3A_590 : vector<1x16xf32> to vector<16xf32>
      %mul3A_592 = arith.mulf %get3A_71, %get3A_591 : vector<16xf32>
      %add3A_593 = arith.addf %mul3A_587, %mul3A_592 : vector<16xf32>
      %swap3A_594 = arith.index_cast %scan3A_60 : i32 to index
      %swap3A_595 = arith.constant 512 : index
      %swap3A_596 = tpu.vector_load %arg12[%swap3A_594, %swap3A_595] {strides = array<i32>} : memref<32x1024xf32, #tpu.memory_space<vmem>>, vector<1x16xf32>,
      %swap3A_597 = vector.shape_cast %swap3A_596 : vector<1x16xf32> to vector<16xf32>
      %swap3A_598 = vector.shape_cast %add3A_593 : vector<16xf32> to vector<1x16xf32>
      tpu.vector_store %arg12[%swap3A_594, %swap3A_595], %swap3A_598 {strides = array<i32>} : memref<32x1024xf32, #tpu.memory_space<vmem>>, vector<1x16xf32>,
      %get3A_599 = arith.index_cast %scan3A_60 : i32 to index
      %get3A_600 = arith.constant 528 : index
      %get3A_601 = tpu.vector_load %arg10[%get3A_599, %get3A_600] {strides = array<i32>} : memref<32x1024xf32, #tpu.memory_space<vmem>>, vector<1x16xf32>,
      %get3A_602 = vector.shape_cast %get3A_601 : vector<1x16xf32> to vector<16xf32>
      %mul3A_603 = arith.mulf %get3A_65, %get3A_602 : vector<16xf32>
      %get3A_604 = arith.index_cast %scan3A_60 : i32 to index
      %get3A_605 = arith.constant 528 : index
      %get3A_606 = tpu.vector_load %arg11[%get3A_604, %get3A_605] {strides = array<i32>} : memref<32x1024xf32, #tpu.memory_space<vmem>>, vector<1x16xf32>,
      %get3A_607 = vector.shape_cast %get3A_606 : vector<1x16xf32> to vector<16xf32>
      %mul3A_608 = arith.mulf %get3A_71, %get3A_607 : vector<16xf32>
      %add3A_609 = arith.addf %mul3A_603, %mul3A_608 : vector<16xf32>
      %swap3A_610 = arith.index_cast %scan3A_60 : i32 to index
      %swap3A_611 = arith.constant 528 : index
      %swap3A_612 = tpu.vector_load %arg12[%swap3A_610, %swap3A_611] {strides = array<i32>} : memref<32x1024xf32, #tpu.memory_space<vmem>>, vector<1x16xf32>,
      %swap3A_613 = vector.shape_cast %swap3A_612 : vector<1x16xf32> to vector<16xf32>
      %swap3A_614 = vector.shape_cast %add3A_609 : vector<16xf32> to vector<1x16xf32>
      tpu.vector_store %arg12[%swap3A_610, %swap3A_611], %swap3A_614 {strides = array<i32>} : memref<32x1024xf32, #tpu.memory_space<vmem>>, vector<1x16xf32>,
      %get3A_615 = arith.index_cast %scan3A_60 : i32 to index
      %get3A_616 = arith.constant 544 : index
      %get3A_617 = tpu.vector_load %arg10[%get3A_615, %get3A_616] {strides = array<i32>} : memref<32x1024xf32, #tpu.memory_space<vmem>>, vector<1x16xf32>,
      %get3A_618 = vector.shape_cast %get3A_617 : vector<1x16xf32> to vector<16xf32>
      %mul3A_619 = arith.mulf %get3A_65, %get3A_618 : vector<16xf32>
      %get3A_620 = arith.index_cast %scan3A_60 : i32 to index
      %get3A_621 = arith.constant 544 : index
      %get3A_622 = tpu.vector_load %arg11[%get3A_620, %get3A_621] {strides = array<i32>} : memref<32x1024xf32, #tpu.memory_space<vmem>>, vector<1x16xf32>,
      %get3A_623 = vector.shape_cast %get3A_622 : vector<1x16xf32> to vector<16xf32>
      %mul3A_624 = arith.mulf %get3A_71, %get3A_623 : vector<16xf32>
      %add3A_625 = arith.addf %mul3A_619, %mul3A_624 : vector<16xf32>
      %swap3A_626 = arith.index_cast %scan3A_60 : i32 to index
      %swap3A_627 = arith.constant 544 : index
      %swap3A_628 = tpu.vector_load %arg12[%swap3A_626, %swap3A_627] {strides = array<i32>} : memref<32x1024xf32, #tpu.memory_space<vmem>>, vector<1x16xf32>,
      %swap3A_629 = vector.shape_cast %swap3A_628 : vector<1x16xf32> to vector<16xf32>
      %swap3A_630 = vector.shape_cast %add3A_625 : vector<16xf32> to vector<1x16xf32>
      tpu.vector_store %arg12[%swap3A_626, %swap3A_627], %swap3A_630 {strides = array<i32>} : memref<32x1024xf32, #tpu.memory_space<vmem>>, vector<1x16xf32>,
      %get3A_631 = arith.index_cast %scan3A_60 : i32 to index
      %get3A_632 = arith.constant 560 : index
      %get3A_633 = tpu.vector_load %arg10[%get3A_631, %get3A_632] {strides = array<i32>} : memref<32x1024xf32, #tpu.memory_space<vmem>>, vector<1x16xf32>,
      %get3A_634 = vector.shape_cast %get3A_633 : vector<1x16xf32> to vector<16xf32>
      %mul3A_635 = arith.mulf %get3A_65, %get3A_634 : vector<16xf32>
      %get3A_636 = arith.index_cast %scan3A_60 : i32 to index
      %get3A_637 = arith.constant 560 : index
      %get3A_638 = tpu.vector_load %arg11[%get3A_636, %get3A_637] {strides = array<i32>} : memref<32x1024xf32, #tpu.memory_space<vmem>>, vector<1x16xf32>,
      %get3A_639 = vector.shape_cast %get3A_638 : vector<1x16xf32> to vector<16xf32>
      %mul3A_640 = arith.mulf %get3A_71, %get3A_639 : vector<16xf32>
      %add3A_641 = arith.addf %mul3A_635, %mul3A_640 : vector<16xf32>
      %swap3A_642 = arith.index_cast %scan3A_60 : i32 to index
      %swap3A_643 = arith.constant 560 : index
      %swap3A_644 = tpu.vector_load %arg12[%swap3A_642, %swap3A_643] {strides = array<i32>} : memref<32x1024xf32, #tpu.memory_space<vmem>>, vector<1x16xf32>,
      %swap3A_645 = vector.shape_cast %swap3A_644 : vector<1x16xf32> to vector<16xf32>
      %swap3A_646 = vector.shape_cast %add3A_641 : vector<16xf32> to vector<1x16xf32>
      tpu.vector_store %arg12[%swap3A_642, %swap3A_643], %swap3A_646 {strides = array<i32>} : memref<32x1024xf32, #tpu.memory_space<vmem>>, vector<1x16xf32>,
      %get3A_647 = arith.index_cast %scan3A_60 : i32 to index
      %get3A_648 = arith.constant 576 : index
      %get3A_649 = tpu.vector_load %arg10[%get3A_647, %get3A_648] {strides = array<i32>} : memref<32x1024xf32, #tpu.memory_space<vmem>>, vector<1x16xf32>,
      %get3A_650 = vector.shape_cast %get3A_649 : vector<1x16xf32> to vector<16xf32>
      %mul3A_651 = arith.mulf %get3A_65, %get3A_650 : vector<16xf32>
      %get3A_652 = arith.index_cast %scan3A_60 : i32 to index
      %get3A_653 = arith.constant 576 : index
      %get3A_654 = tpu.vector_load %arg11[%get3A_652, %get3A_653] {strides = array<i32>} : memref<32x1024xf32, #tpu.memory_space<vmem>>, vector<1x16xf32>,
      %get3A_655 = vector.shape_cast %get3A_654 : vector<1x16xf32> to vector<16xf32>
      %mul3A_656 = arith.mulf %get3A_71, %get3A_655 : vector<16xf32>
      %add3A_657 = arith.addf %mul3A_651, %mul3A_656 : vector<16xf32>
      %swap3A_658 = arith.index_cast %scan3A_60 : i32 to index
      %swap3A_659 = arith.constant 576 : index
      %swap3A_660 = tpu.vector_load %arg12[%swap3A_658, %swap3A_659] {strides = array<i32>} : memref<32x1024xf32, #tpu.memory_space<vmem>>, vector<1x16xf32>,
      %swap3A_661 = vector.shape_cast %swap3A_660 : vector<1x16xf32> to vector<16xf32>
      %swap3A_662 = vector.shape_cast %add3A_657 : vector<16xf32> to vector<1x16xf32>
      tpu.vector_store %arg12[%swap3A_658, %swap3A_659], %swap3A_662 {strides = array<i32>} : memref<32x1024xf32, #tpu.memory_space<vmem>>, vector<1x16xf32>,
      %get3A_663 = arith.index_cast %scan3A_60 : i32 to index
      %get3A_664 = arith.constant 592 : index
      %get3A_665 = tpu.vector_load %arg10[%get3A_663, %get3A_664] {strides = array<i32>} : memref<32x1024xf32, #tpu.memory_space<vmem>>, vector<1x16xf32>,
      %get3A_666 = vector.shape_cast %get3A_665 : vector<1x16xf32> to vector<16xf32>
      %mul3A_667 = arith.mulf %get3A_65, %get3A_666 : vector<16xf32>
      %get3A_668 = arith.index_cast %scan3A_60 : i32 to index
      %get3A_669 = arith.constant 592 : index
      %get3A_670 = tpu.vector_load %arg11[%get3A_668, %get3A_669] {strides = array<i32>} : memref<32x1024xf32, #tpu.memory_space<vmem>>, vector<1x16xf32>,
      %get3A_671 = vector.shape_cast %get3A_670 : vector<1x16xf32> to vector<16xf32>
      %mul3A_672 = arith.mulf %get3A_71, %get3A_671 : vector<16xf32>
      %add3A_673 = arith.addf %mul3A_667, %mul3A_672 : vector<16xf32>
      %swap3A_674 = arith.index_cast %scan3A_60 : i32 to index
      %swap3A_675 = arith.constant 592 : index
      %swap3A_676 = tpu.vector_load %arg12[%swap3A_674, %swap3A_675] {strides = array<i32>} : memref<32x1024xf32, #tpu.memory_space<vmem>>, vector<1x16xf32>,
      %swap3A_677 = vector.shape_cast %swap3A_676 : vector<1x16xf32> to vector<16xf32>
      %swap3A_678 = vector.shape_cast %add3A_673 : vector<16xf32> to vector<1x16xf32>
      tpu.vector_store %arg12[%swap3A_674, %swap3A_675], %swap3A_678 {strides = array<i32>} : memref<32x1024xf32, #tpu.memory_space<vmem>>, vector<1x16xf32>,
      %get3A_679 = arith.index_cast %scan3A_60 : i32 to index
      %get3A_680 = arith.constant 608 : index
      %get3A_681 = tpu.vector_load %arg10[%get3A_679, %get3A_680] {strides = array<i32>} : memref<32x1024xf32, #tpu.memory_space<vmem>>, vector<1x16xf32>,
      %get3A_682 = vector.shape_cast %get3A_681 : vector<1x16xf32> to vector<16xf32>
      %mul3A_683 = arith.mulf %get3A_65, %get3A_682 : vector<16xf32>
      %get3A_684 = arith.index_cast %scan3A_60 : i32 to index
      %get3A_685 = arith.constant 608 : index
      %get3A_686 = tpu.vector_load %arg11[%get3A_684, %get3A_685] {strides = array<i32>} : memref<32x1024xf32, #tpu.memory_space<vmem>>, vector<1x16xf32>,
      %get3A_687 = vector.shape_cast %get3A_686 : vector<1x16xf32> to vector<16xf32>
      %mul3A_688 = arith.mulf %get3A_71, %get3A_687 : vector<16xf32>
      %add3A_689 = arith.addf %mul3A_683, %mul3A_688 : vector<16xf32>
      %swap3A_690 = arith.index_cast %scan3A_60 : i32 to index
      %swap3A_691 = arith.constant 608 : index
      %swap3A_692 = tpu.vector_load %arg12[%swap3A_690, %swap3A_691] {strides = array<i32>} : memref<32x1024xf32, #tpu.memory_space<vmem>>, vector<1x16xf32>,
      %swap3A_693 = vector.shape_cast %swap3A_692 : vector<1x16xf32> to vector<16xf32>
      %swap3A_694 = vector.shape_cast %add3A_689 : vector<16xf32> to vector<1x16xf32>
      tpu.vector_store %arg12[%swap3A_690, %swap3A_691], %swap3A_694 {strides = array<i32>} : memref<32x1024xf32, #tpu.memory_space<vmem>>, vector<1x16xf32>,
      %get3A_695 = arith.index_cast %scan3A_60 : i32 to index
      %get3A_696 = arith.constant 624 : index
      %get3A_697 = tpu.vector_load %arg10[%get3A_695, %get3A_696] {strides = array<i32>} : memref<32x1024xf32, #tpu.memory_space<vmem>>, vector<1x16xf32>,
      %get3A_698 = vector.shape_cast %get3A_697 : vector<1x16xf32> to vector<16xf32>
      %mul3A_699 = arith.mulf %get3A_65, %get3A_698 : vector<16xf32>
      %get3A_700 = arith.index_cast %scan3A_60 : i32 to index
      %get3A_701 = arith.constant 624 : index
      %get3A_702 = tpu.vector_load %arg11[%get3A_700, %get3A_701] {strides = array<i32>} : memref<32x1024xf32, #tpu.memory_space<vmem>>, vector<1x16xf32>,
      %get3A_703 = vector.shape_cast %get3A_702 : vector<1x16xf32> to vector<16xf32>
      %mul3A_704 = arith.mulf %get3A_71, %get3A_703 : vector<16xf32>
      %add3A_705 = arith.addf %mul3A_699, %mul3A_704 : vector<16xf32>
      %swap3A_706 = arith.index_cast %scan3A_60 : i32 to index
      %swap3A_707 = arith.constant 624 : index
      %swap3A_708 = tpu.vector_load %arg12[%swap3A_706, %swap3A_707] {strides = array<i32>} : memref<32x1024xf32, #tpu.memory_space<vmem>>, vector<1x16xf32>,
      %swap3A_709 = vector.shape_cast %swap3A_708 : vector<1x16xf32> to vector<16xf32>
      %swap3A_710 = vector.shape_cast %add3A_705 : vector<16xf32> to vector<1x16xf32>
      tpu.vector_store %arg12[%swap3A_706, %swap3A_707], %swap3A_710 {strides = array<i32>} : memref<32x1024xf32, #tpu.memory_space<vmem>>, vector<1x16xf32>,
      %get3A_711 = arith.index_cast %scan3A_60 : i32 to index
      %get3A_712 = arith.constant 640 : index
      %get3A_713 = tpu.vector_load %arg10[%get3A_711, %get3A_712] {strides = array<i32>} : memref<32x1024xf32, #tpu.memory_space<vmem>>, vector<1x16xf32>,
      %get3A_714 = vector.shape_cast %get3A_713 : vector<1x16xf32> to vector<16xf32>
      %mul3A_715 = arith.mulf %get3A_65, %get3A_714 : vector<16xf32>
      %get3A_716 = arith.index_cast %scan3A_60 : i32 to index
      %get3A_717 = arith.constant 640 : index
      %get3A_718 = tpu.vector_load %arg11[%get3A_716, %get3A_717] {strides = array<i32>} : memref<32x1024xf32, #tpu.memory_space<vmem>>, vector<1x16xf32>,
      %get3A_719 = vector.shape_cast %get3A_718 : vector<1x16xf32> to vector<16xf32>
      %mul3A_720 = arith.mulf %get3A_71, %get3A_719 : vector<16xf32>
      %add3A_721 = arith.addf %mul3A_715, %mul3A_720 : vector<16xf32>
      %swap3A_722 = arith.index_cast %scan3A_60 : i32 to index
      %swap3A_723 = arith.constant 640 : index
      %swap3A_724 = tpu.vector_load %arg12[%swap3A_722, %swap3A_723] {strides = array<i32>} : memref<32x1024xf32, #tpu.memory_space<vmem>>, vector<1x16xf32>,
      %swap3A_725 = vector.shape_cast %swap3A_724 : vector<1x16xf32> to vector<16xf32>
      %swap3A_726 = vector.shape_cast %add3A_721 : vector<16xf32> to vector<1x16xf32>
      tpu.vector_store %arg12[%swap3A_722, %swap3A_723], %swap3A_726 {strides = array<i32>} : memref<32x1024xf32, #tpu.memory_space<vmem>>, vector<1x16xf32>,
      %get3A_727 = arith.index_cast %scan3A_60 : i32 to index
      %get3A_728 = arith.constant 656 : index
      %get3A_729 = tpu.vector_load %arg10[%get3A_727, %get3A_728] {strides = array<i32>} : memref<32x1024xf32, #tpu.memory_space<vmem>>, vector<1x16xf32>,
      %get3A_730 = vector.shape_cast %get3A_729 : vector<1x16xf32> to vector<16xf32>
      %mul3A_731 = arith.mulf %get3A_65, %get3A_730 : vector<16xf32>
      %get3A_732 = arith.index_cast %scan3A_60 : i32 to index
      %get3A_733 = arith.constant 656 : index
      %get3A_734 = tpu.vector_load %arg11[%get3A_732, %get3A_733] {strides = array<i32>} : memref<32x1024xf32, #tpu.memory_space<vmem>>, vector<1x16xf32>,
      %get3A_735 = vector.shape_cast %get3A_734 : vector<1x16xf32> to vector<16xf32>
      %mul3A_736 = arith.mulf %get3A_71, %get3A_735 : vector<16xf32>
      %add3A_737 = arith.addf %mul3A_731, %mul3A_736 : vector<16xf32>
      %swap3A_738 = arith.index_cast %scan3A_60 : i32 to index
      %swap3A_739 = arith.constant 656 : index
      %swap3A_740 = tpu.vector_load %arg12[%swap3A_738, %swap3A_739] {strides = array<i32>} : memref<32x1024xf32, #tpu.memory_space<vmem>>, vector<1x16xf32>,
      %swap3A_741 = vector.shape_cast %swap3A_740 : vector<1x16xf32> to vector<16xf32>
      %swap3A_742 = vector.shape_cast %add3A_737 : vector<16xf32> to vector<1x16xf32>
      tpu.vector_store %arg12[%swap3A_738, %swap3A_739], %swap3A_742 {strides = array<i32>} : memref<32x1024xf32, #tpu.memory_space<vmem>>, vector<1x16xf32>,
      %get3A_743 = arith.index_cast %scan3A_60 : i32 to index
      %get3A_744 = arith.constant 672 : index
      %get3A_745 = tpu.vector_load %arg10[%get3A_743, %get3A_744] {strides = array<i32>} : memref<32x1024xf32, #tpu.memory_space<vmem>>, vector<1x16xf32>,
      %get3A_746 = vector.shape_cast %get3A_745 : vector<1x16xf32> to vector<16xf32>
      %mul3A_747 = arith.mulf %get3A_65, %get3A_746 : vector<16xf32>
      %get3A_748 = arith.index_cast %scan3A_60 : i32 to index
      %get3A_749 = arith.constant 672 : index
      %get3A_750 = tpu.vector_load %arg11[%get3A_748, %get3A_749] {strides = array<i32>} : memref<32x1024xf32, #tpu.memory_space<vmem>>, vector<1x16xf32>,
      %get3A_751 = vector.shape_cast %get3A_750 : vector<1x16xf32> to vector<16xf32>
      %mul3A_752 = arith.mulf %get3A_71, %get3A_751 : vector<16xf32>
      %add3A_753 = arith.addf %mul3A_747, %mul3A_752 : vector<16xf32>
      %swap3A_754 = arith.index_cast %scan3A_60 : i32 to index
      %swap3A_755 = arith.constant 672 : index
      %swap3A_756 = tpu.vector_load %arg12[%swap3A_754, %swap3A_755] {strides = array<i32>} : memref<32x1024xf32, #tpu.memory_space<vmem>>, vector<1x16xf32>,
      %swap3A_757 = vector.shape_cast %swap3A_756 : vector<1x16xf32> to vector<16xf32>
      %swap3A_758 = vector.shape_cast %add3A_753 : vector<16xf32> to vector<1x16xf32>
      tpu.vector_store %arg12[%swap3A_754, %swap3A_755], %swap3A_758 {strides = array<i32>} : memref<32x1024xf32, #tpu.memory_space<vmem>>, vector<1x16xf32>,
      %get3A_759 = arith.index_cast %scan3A_60 : i32 to index
      %get3A_760 = arith.constant 688 : index
      %get3A_761 = tpu.vector_load %arg10[%get3A_759, %get3A_760] {strides = array<i32>} : memref<32x1024xf32, #tpu.memory_space<vmem>>, vector<1x16xf32>,
      %get3A_762 = vector.shape_cast %get3A_761 : vector<1x16xf32> to vector<16xf32>
      %mul3A_763 = arith.mulf %get3A_65, %get3A_762 : vector<16xf32>
      %get3A_764 = arith.index_cast %scan3A_60 : i32 to index
      %get3A_765 = arith.constant 688 : index
      %get3A_766 = tpu.vector_load %arg11[%get3A_764, %get3A_765] {strides = array<i32>} : memref<32x1024xf32, #tpu.memory_space<vmem>>, vector<1x16xf32>,
      %get3A_767 = vector.shape_cast %get3A_766 : vector<1x16xf32> to vector<16xf32>
      %mul3A_768 = arith.mulf %get3A_71, %get3A_767 : vector<16xf32>
      %add3A_769 = arith.addf %mul3A_763, %mul3A_768 : vector<16xf32>
      %swap3A_770 = arith.index_cast %scan3A_60 : i32 to index
      %swap3A_771 = arith.constant 688 : index
      %swap3A_772 = tpu.vector_load %arg12[%swap3A_770, %swap3A_771] {strides = array<i32>} : memref<32x1024xf32, #tpu.memory_space<vmem>>, vector<1x16xf32>,
      %swap3A_773 = vector.shape_cast %swap3A_772 : vector<1x16xf32> to vector<16xf32>
      %swap3A_774 = vector.shape_cast %add3A_769 : vector<16xf32> to vector<1x16xf32>
      tpu.vector_store %arg12[%swap3A_770, %swap3A_771], %swap3A_774 {strides = array<i32>} : memref<32x1024xf32, #tpu.memory_space<vmem>>, vector<1x16xf32>,
      %get3A_775 = arith.index_cast %scan3A_60 : i32 to index
      %get3A_776 = arith.constant 704 : index
      %get3A_777 = tpu.vector_load %arg10[%get3A_775, %get3A_776] {strides = array<i32>} : memref<32x1024xf32, #tpu.memory_space<vmem>>, vector<1x16xf32>,
      %get3A_778 = vector.shape_cast %get3A_777 : vector<1x16xf32> to vector<16xf32>
      %mul3A_779 = arith.mulf %get3A_65, %get3A_778 : vector<16xf32>
      %get3A_780 = arith.index_cast %scan3A_60 : i32 to index
      %get3A_781 = arith.constant 704 : index
      %get3A_782 = tpu.vector_load %arg11[%get3A_780, %get3A_781] {strides = array<i32>} : memref<32x1024xf32, #tpu.memory_space<vmem>>, vector<1x16xf32>,
      %get3A_783 = vector.shape_cast %get3A_782 : vector<1x16xf32> to vector<16xf32>
      %mul3A_784 = arith.mulf %get3A_71, %get3A_783 : vector<16xf32>
      %add3A_785 = arith.addf %mul3A_779, %mul3A_784 : vector<16xf32>
      %swap3A_786 = arith.index_cast %scan3A_60 : i32 to index
      %swap3A_787 = arith.constant 704 : index
      %swap3A_788 = tpu.vector_load %arg12[%swap3A_786, %swap3A_787] {strides = array<i32>} : memref<32x1024xf32, #tpu.memory_space<vmem>>, vector<1x16xf32>,
      %swap3A_789 = vector.shape_cast %swap3A_788 : vector<1x16xf32> to vector<16xf32>
      %swap3A_790 = vector.shape_cast %add3A_785 : vector<16xf32> to vector<1x16xf32>
      tpu.vector_store %arg12[%swap3A_786, %swap3A_787], %swap3A_790 {strides = array<i32>} : memref<32x1024xf32, #tpu.memory_space<vmem>>, vector<1x16xf32>,
      %get3A_791 = arith.index_cast %scan3A_60 : i32 to index
      %get3A_792 = arith.constant 720 : index
      %get3A_793 = tpu.vector_load %arg10[%get3A_791, %get3A_792] {strides = array<i32>} : memref<32x1024xf32, #tpu.memory_space<vmem>>, vector<1x16xf32>,
      %get3A_794 = vector.shape_cast %get3A_793 : vector<1x16xf32> to vector<16xf32>
      %mul3A_795 = arith.mulf %get3A_65, %get3A_794 : vector<16xf32>
      %get3A_796 = arith.index_cast %scan3A_60 : i32 to index
      %get3A_797 = arith.constant 720 : index
      %get3A_798 = tpu.vector_load %arg11[%get3A_796, %get3A_797] {strides = array<i32>} : memref<32x1024xf32, #tpu.memory_space<vmem>>, vector<1x16xf32>,
      %get3A_799 = vector.shape_cast %get3A_798 : vector<1x16xf32> to vector<16xf32>
      %mul3A_800 = arith.mulf %get3A_71, %get3A_799 : vector<16xf32>
      %add3A_801 = arith.addf %mul3A_795, %mul3A_800 : vector<16xf32>
      %swap3A_802 = arith.index_cast %scan3A_60 : i32 to index
      %swap3A_803 = arith.constant 720 : index
      %swap3A_804 = tpu.vector_load %arg12[%swap3A_802, %swap3A_803] {strides = array<i32>} : memref<32x1024xf32, #tpu.memory_space<vmem>>, vector<1x16xf32>,
      %swap3A_805 = vector.shape_cast %swap3A_804 : vector<1x16xf32> to vector<16xf32>
      %swap3A_806 = vector.shape_cast %add3A_801 : vector<16xf32> to vector<1x16xf32>
      tpu.vector_store %arg12[%swap3A_802, %swap3A_803], %swap3A_806 {strides = array<i32>} : memref<32x1024xf32, #tpu.memory_space<vmem>>, vector<1x16xf32>,
      %get3A_807 = arith.index_cast %scan3A_60 : i32 to index
      %get3A_808 = arith.constant 736 : index
      %get3A_809 = tpu.vector_load %arg10[%get3A_807, %get3A_808] {strides = array<i32>} : memref<32x1024xf32, #tpu.memory_space<vmem>>, vector<1x16xf32>,
      %get3A_810 = vector.shape_cast %get3A_809 : vector<1x16xf32> to vector<16xf32>
      %mul3A_811 = arith.mulf %get3A_65, %get3A_810 : vector<16xf32>
      %get3A_812 = arith.index_cast %scan3A_60 : i32 to index
      %get3A_813 = arith.constant 736 : index
      %get3A_814 = tpu.vector_load %arg11[%get3A_812, %get3A_813] {strides = array<i32>} : memref<32x1024xf32, #tpu.memory_space<vmem>>, vector<1x16xf32>,
      %get3A_815 = vector.shape_cast %get3A_814 : vector<1x16xf32> to vector<16xf32>
      %mul3A_816 = arith.mulf %get3A_71, %get3A_815 : vector<16xf32>
      %add3A_817 = arith.addf %mul3A_811, %mul3A_816 : vector<16xf32>
      %swap3A_818 = arith.index_cast %scan3A_60 : i32 to index
      %swap3A_819 = arith.constant 736 : index
      %swap3A_820 = tpu.vector_load %arg12[%swap3A_818, %swap3A_819] {strides = array<i32>} : memref<32x1024xf32, #tpu.memory_space<vmem>>, vector<1x16xf32>,
      %swap3A_821 = vector.shape_cast %swap3A_820 : vector<1x16xf32> to vector<16xf32>
      %swap3A_822 = vector.shape_cast %add3A_817 : vector<16xf32> to vector<1x16xf32>
      tpu.vector_store %arg12[%swap3A_818, %swap3A_819], %swap3A_822 {strides = array<i32>} : memref<32x1024xf32, #tpu.memory_space<vmem>>, vector<1x16xf32>,
      %get3A_823 = arith.index_cast %scan3A_60 : i32 to index
      %get3A_824 = arith.constant 752 : index
      %get3A_825 = tpu.vector_load %arg10[%get3A_823, %get3A_824] {strides = array<i32>} : memref<32x1024xf32, #tpu.memory_space<vmem>>, vector<1x16xf32>,
      %get3A_826 = vector.shape_cast %get3A_825 : vector<1x16xf32> to vector<16xf32>
      %mul3A_827 = arith.mulf %get3A_65, %get3A_826 : vector<16xf32>
      %get3A_828 = arith.index_cast %scan3A_60 : i32 to index
      %get3A_829 = arith.constant 752 : index
      %get3A_830 = tpu.vector_load %arg11[%get3A_828, %get3A_829] {strides = array<i32>} : memref<32x1024xf32, #tpu.memory_space<vmem>>, vector<1x16xf32>,
      %get3A_831 = vector.shape_cast %get3A_830 : vector<1x16xf32> to vector<16xf32>
      %mul3A_832 = arith.mulf %get3A_71, %get3A_831 : vector<16xf32>
      %add3A_833 = arith.addf %mul3A_827, %mul3A_832 : vector<16xf32>
      %swap3A_834 = arith.index_cast %scan3A_60 : i32 to index
      %swap3A_835 = arith.constant 752 : index
      %swap3A_836 = tpu.vector_load %arg12[%swap3A_834, %swap3A_835] {strides = array<i32>} : memref<32x1024xf32, #tpu.memory_space<vmem>>, vector<1x16xf32>,
      %swap3A_837 = vector.shape_cast %swap3A_836 : vector<1x16xf32> to vector<16xf32>
      %swap3A_838 = vector.shape_cast %add3A_833 : vector<16xf32> to vector<1x16xf32>
      tpu.vector_store %arg12[%swap3A_834, %swap3A_835], %swap3A_838 {strides = array<i32>} : memref<32x1024xf32, #tpu.memory_space<vmem>>, vector<1x16xf32>,
      %get3A_839 = arith.index_cast %scan3A_60 : i32 to index
      %get3A_840 = arith.constant 768 : index
      %get3A_841 = tpu.vector_load %arg10[%get3A_839, %get3A_840] {strides = array<i32>} : memref<32x1024xf32, #tpu.memory_space<vmem>>, vector<1x16xf32>,
      %get3A_842 = vector.shape_cast %get3A_841 : vector<1x16xf32> to vector<16xf32>
      %mul3A_843 = arith.mulf %get3A_65, %get3A_842 : vector<16xf32>
      %get3A_844 = arith.index_cast %scan3A_60 : i32 to index
      %get3A_845 = arith.constant 768 : index
      %get3A_846 = tpu.vector_load %arg11[%get3A_844, %get3A_845] {strides = array<i32>} : memref<32x1024xf32, #tpu.memory_space<vmem>>, vector<1x16xf32>,
      %get3A_847 = vector.shape_cast %get3A_846 : vector<1x16xf32> to vector<16xf32>
      %mul3A_848 = arith.mulf %get3A_71, %get3A_847 : vector<16xf32>
      %add3A_849 = arith.addf %mul3A_843, %mul3A_848 : vector<16xf32>
      %swap3A_850 = arith.index_cast %scan3A_60 : i32 to index
      %swap3A_851 = arith.constant 768 : index
      %swap3A_852 = tpu.vector_load %arg12[%swap3A_850, %swap3A_851] {strides = array<i32>} : memref<32x1024xf32, #tpu.memory_space<vmem>>, vector<1x16xf32>,
      %swap3A_853 = vector.shape_cast %swap3A_852 : vector<1x16xf32> to vector<16xf32>
      %swap3A_854 = vector.shape_cast %add3A_849 : vector<16xf32> to vector<1x16xf32>
      tpu.vector_store %arg12[%swap3A_850, %swap3A_851], %swap3A_854 {strides = array<i32>} : memref<32x1024xf32, #tpu.memory_space<vmem>>, vector<1x16xf32>,
      %get3A_855 = arith.index_cast %scan3A_60 : i32 to index
      %get3A_856 = arith.constant 784 : index
      %get3A_857 = tpu.vector_load %arg10[%get3A_855, %get3A_856] {strides = array<i32>} : memref<32x1024xf32, #tpu.memory_space<vmem>>, vector<1x16xf32>,
      %get3A_858 = vector.shape_cast %get3A_857 : vector<1x16xf32> to vector<16xf32>
      %mul3A_859 = arith.mulf %get3A_65, %get3A_858 : vector<16xf32>
      %get3A_860 = arith.index_cast %scan3A_60 : i32 to index
      %get3A_861 = arith.constant 784 : index
      %get3A_862 = tpu.vector_load %arg11[%get3A_860, %get3A_861] {strides = array<i32>} : memref<32x1024xf32, #tpu.memory_space<vmem>>, vector<1x16xf32>,
      %get3A_863 = vector.shape_cast %get3A_862 : vector<1x16xf32> to vector<16xf32>
      %mul3A_864 = arith.mulf %get3A_71, %get3A_863 : vector<16xf32>
      %add3A_865 = arith.addf %mul3A_859, %mul3A_864 : vector<16xf32>
      %swap3A_866 = arith.index_cast %scan3A_60 : i32 to index
      %swap3A_867 = arith.constant 784 : index
      %swap3A_868 = tpu.vector_load %arg12[%swap3A_866, %swap3A_867] {strides = array<i32>} : memref<32x1024xf32, #tpu.memory_space<vmem>>, vector<1x16xf32>,
      %swap3A_869 = vector.shape_cast %swap3A_868 : vector<1x16xf32> to vector<16xf32>
      %swap3A_870 = vector.shape_cast %add3A_865 : vector<16xf32> to vector<1x16xf32>
      tpu.vector_store %arg12[%swap3A_866, %swap3A_867], %swap3A_870 {strides = array<i32>} : memref<32x1024xf32, #tpu.memory_space<vmem>>, vector<1x16xf32>,
      %get3A_871 = arith.index_cast %scan3A_60 : i32 to index
      %get3A_872 = arith.constant 800 : index
      %get3A_873 = tpu.vector_load %arg10[%get3A_871, %get3A_872] {strides = array<i32>} : memref<32x1024xf32, #tpu.memory_space<vmem>>, vector<1x16xf32>,
      %get3A_874 = vector.shape_cast %get3A_873 : vector<1x16xf32> to vector<16xf32>
      %mul3A_875 = arith.mulf %get3A_65, %get3A_874 : vector<16xf32>
      %get3A_876 = arith.index_cast %scan3A_60 : i32 to index
      %get3A_877 = arith.constant 800 : index
      %get3A_878 = tpu.vector_load %arg11[%get3A_876, %get3A_877] {strides = array<i32>} : memref<32x1024xf32, #tpu.memory_space<vmem>>, vector<1x16xf32>,
      %get3A_879 = vector.shape_cast %get3A_878 : vector<1x16xf32> to vector<16xf32>
      %mul3A_880 = arith.mulf %get3A_71, %get3A_879 : vector<16xf32>
      %add3A_881 = arith.addf %mul3A_875, %mul3A_880 : vector<16xf32>
      %swap3A_882 = arith.index_cast %scan3A_60 : i32 to index
      %swap3A_883 = arith.constant 800 : index
      %swap3A_884 = tpu.vector_load %arg12[%swap3A_882, %swap3A_883] {strides = array<i32>} : memref<32x1024xf32, #tpu.memory_space<vmem>>, vector<1x16xf32>,
      %swap3A_885 = vector.shape_cast %swap3A_884 : vector<1x16xf32> to vector<16xf32>
      %swap3A_886 = vector.shape_cast %add3A_881 : vector<16xf32> to vector<1x16xf32>
      tpu.vector_store %arg12[%swap3A_882, %swap3A_883], %swap3A_886 {strides = array<i32>} : memref<32x1024xf32, #tpu.memory_space<vmem>>, vector<1x16xf32>,
      %get3A_887 = arith.index_cast %scan3A_60 : i32 to index
      %get3A_888 = arith.constant 816 : index
      %get3A_889 = tpu.vector_load %arg10[%get3A_887, %get3A_888] {strides = array<i32>} : memref<32x1024xf32, #tpu.memory_space<vmem>>, vector<1x16xf32>,
      %get3A_890 = vector.shape_cast %get3A_889 : vector<1x16xf32> to vector<16xf32>
      %mul3A_891 = arith.mulf %get3A_65, %get3A_890 : vector<16xf32>
      %get3A_892 = arith.index_cast %scan3A_60 : i32 to index
      %get3A_893 = arith.constant 816 : index
      %get3A_894 = tpu.vector_load %arg11[%get3A_892, %get3A_893] {strides = array<i32>} : memref<32x1024xf32, #tpu.memory_space<vmem>>, vector<1x16xf32>,
      %get3A_895 = vector.shape_cast %get3A_894 : vector<1x16xf32> to vector<16xf32>
      %mul3A_896 = arith.mulf %get3A_71, %get3A_895 : vector<16xf32>
      %add3A_897 = arith.addf %mul3A_891, %mul3A_896 : vector<16xf32>
      %swap3A_898 = arith.index_cast %scan3A_60 : i32 to index
      %swap3A_899 = arith.constant 816 : index
      %swap3A_900 = tpu.vector_load %arg12[%swap3A_898, %swap3A_899] {strides = array<i32>} : memref<32x1024xf32, #tpu.memory_space<vmem>>, vector<1x16xf32>,
      %swap3A_901 = vector.shape_cast %swap3A_900 : vector<1x16xf32> to vector<16xf32>
      %swap3A_902 = vector.shape_cast %add3A_897 : vector<16xf32> to vector<1x16xf32>
      tpu.vector_store %arg12[%swap3A_898, %swap3A_899], %swap3A_902 {strides = array<i32>} : memref<32x1024xf32, #tpu.memory_space<vmem>>, vector<1x16xf32>,
      %get3A_903 = arith.index_cast %scan3A_60 : i32 to index
      %get3A_904 = arith.constant 832 : index
      %get3A_905 = tpu.vector_load %arg10[%get3A_903, %get3A_904] {strides = array<i32>} : memref<32x1024xf32, #tpu.memory_space<vmem>>, vector<1x16xf32>,
      %get3A_906 = vector.shape_cast %get3A_905 : vector<1x16xf32> to vector<16xf32>
      %mul3A_907 = arith.mulf %get3A_65, %get3A_906 : vector<16xf32>
      %get3A_908 = arith.index_cast %scan3A_60 : i32 to index
      %get3A_909 = arith.constant 832 : index
      %get3A_910 = tpu.vector_load %arg11[%get3A_908, %get3A_909] {strides = array<i32>} : memref<32x1024xf32, #tpu.memory_space<vmem>>, vector<1x16xf32>,
      %get3A_911 = vector.shape_cast %get3A_910 : vector<1x16xf32> to vector<16xf32>
      %mul3A_912 = arith.mulf %get3A_71, %get3A_911 : vector<16xf32>
      %add3A_913 = arith.addf %mul3A_907, %mul3A_912 : vector<16xf32>
      %swap3A_914 = arith.index_cast %scan3A_60 : i32 to index
      %swap3A_915 = arith.constant 832 : index
      %swap3A_916 = tpu.vector_load %arg12[%swap3A_914, %swap3A_915] {strides = array<i32>} : memref<32x1024xf32, #tpu.memory_space<vmem>>, vector<1x16xf32>,
      %swap3A_917 = vector.shape_cast %swap3A_916 : vector<1x16xf32> to vector<16xf32>
      %swap3A_918 = vector.shape_cast %add3A_913 : vector<16xf32> to vector<1x16xf32>
      tpu.vector_store %arg12[%swap3A_914, %swap3A_915], %swap3A_918 {strides = array<i32>} : memref<32x1024xf32, #tpu.memory_space<vmem>>, vector<1x16xf32>,
      %get3A_919 = arith.index_cast %scan3A_60 : i32 to index
      %get3A_920 = arith.constant 848 : index
      %get3A_921 = tpu.vector_load %arg10[%get3A_919, %get3A_920] {strides = array<i32>} : memref<32x1024xf32, #tpu.memory_space<vmem>>, vector<1x16xf32>,
      %get3A_922 = vector.shape_cast %get3A_921 : vector<1x16xf32> to vector<16xf32>
      %mul3A_923 = arith.mulf %get3A_65, %get3A_922 : vector<16xf32>
      %get3A_924 = arith.index_cast %scan3A_60 : i32 to index
      %get3A_925 = arith.constant 848 : index
      %get3A_926 = tpu.vector_load %arg11[%get3A_924, %get3A_925] {strides = array<i32>} : memref<32x1024xf32, #tpu.memory_space<vmem>>, vector<1x16xf32>,
      %get3A_927 = vector.shape_cast %get3A_926 : vector<1x16xf32> to vector<16xf32>
      %mul3A_928 = arith.mulf %get3A_71, %get3A_927 : vector<16xf32>
      %add3A_929 = arith.addf %mul3A_923, %mul3A_928 : vector<16xf32>
      %swap3A_930 = arith.index_cast %scan3A_60 : i32 to index
      %swap3A_931 = arith.constant 848 : index
      %swap3A_932 = tpu.vector_load %arg12[%swap3A_930, %swap3A_931] {strides = array<i32>} : memref<32x1024xf32, #tpu.memory_space<vmem>>, vector<1x16xf32>,
      %swap3A_933 = vector.shape_cast %swap3A_932 : vector<1x16xf32> to vector<16xf32>
      %swap3A_934 = vector.shape_cast %add3A_929 : vector<16xf32> to vector<1x16xf32>
      tpu.vector_store %arg12[%swap3A_930, %swap3A_931], %swap3A_934 {strides = array<i32>} : memref<32x1024xf32, #tpu.memory_space<vmem>>, vector<1x16xf32>,
      %get3A_935 = arith.index_cast %scan3A_60 : i32 to index
      %get3A_936 = arith.constant 864 : index
      %get3A_937 = tpu.vector_load %arg10[%get3A_935, %get3A_936] {strides = array<i32>} : memref<32x1024xf32, #tpu.memory_space<vmem>>, vector<1x16xf32>,
      %get3A_938 = vector.shape_cast %get3A_937 : vector<1x16xf32> to vector<16xf32>
      %mul3A_939 = arith.mulf %get3A_65, %get3A_938 : vector<16xf32>
      %get3A_940 = arith.index_cast %scan3A_60 : i32 to index
      %get3A_941 = arith.constant 864 : index
      %get3A_942 = tpu.vector_load %arg11[%get3A_940, %get3A_941] {strides = array<i32>} : memref<32x1024xf32, #tpu.memory_space<vmem>>, vector<1x16xf32>,
      %get3A_943 = vector.shape_cast %get3A_942 : vector<1x16xf32> to vector<16xf32>
      %mul3A_944 = arith.mulf %get3A_71, %get3A_943 : vector<16xf32>
      %add3A_945 = arith.addf %mul3A_939, %mul3A_944 : vector<16xf32>
      %swap3A_946 = arith.index_cast %scan3A_60 : i32 to index
      %swap3A_947 = arith.constant 864 : index
      %swap3A_948 = tpu.vector_load %arg12[%swap3A_946, %swap3A_947] {strides = array<i32>} : memref<32x1024xf32, #tpu.memory_space<vmem>>, vector<1x16xf32>,
      %swap3A_949 = vector.shape_cast %swap3A_948 : vector<1x16xf32> to vector<16xf32>
      %swap3A_950 = vector.shape_cast %add3A_945 : vector<16xf32> to vector<1x16xf32>
      tpu.vector_store %arg12[%swap3A_946, %swap3A_947], %swap3A_950 {strides = array<i32>} : memref<32x1024xf32, #tpu.memory_space<vmem>>, vector<1x16xf32>,
      %get3A_951 = arith.index_cast %scan3A_60 : i32 to index
      %get3A_952 = arith.constant 880 : index
      %get3A_953 = tpu.vector_load %arg10[%get3A_951, %get3A_952] {strides = array<i32>} : memref<32x1024xf32, #tpu.memory_space<vmem>>, vector<1x16xf32>,
      %get3A_954 = vector.shape_cast %get3A_953 : vector<1x16xf32> to vector<16xf32>
      %mul3A_955 = arith.mulf %get3A_65, %get3A_954 : vector<16xf32>
      %get3A_956 = arith.index_cast %scan3A_60 : i32 to index
      %get3A_957 = arith.constant 880 : index
      %get3A_958 = tpu.vector_load %arg11[%get3A_956, %get3A_957] {strides = array<i32>} : memref<32x1024xf32, #tpu.memory_space<vmem>>, vector<1x16xf32>,
      %get3A_959 = vector.shape_cast %get3A_958 : vector<1x16xf32> to vector<16xf32>
      %mul3A_960 = arith.mulf %get3A_71, %get3A_959 : vector<16xf32>
      %add3A_961 = arith.addf %mul3A_955, %mul3A_960 : vector<16xf32>
      %swap3A_962 = arith.index_cast %scan3A_60 : i32 to index
      %swap3A_963 = arith.constant 880 : index
      %swap3A_964 = tpu.vector_load %arg12[%swap3A_962, %swap3A_963] {strides = array<i32>} : memref<32x1024xf32, #tpu.memory_space<vmem>>, vector<1x16xf32>,
      %swap3A_965 = vector.shape_cast %swap3A_964 : vector<1x16xf32> to vector<16xf32>
      %swap3A_966 = vector.shape_cast %add3A_961 : vector<16xf32> to vector<1x16xf32>
      tpu.vector_store %arg12[%swap3A_962, %swap3A_963], %swap3A_966 {strides = array<i32>} : memref<32x1024xf32, #tpu.memory_space<vmem>>, vector<1x16xf32>,
      %get3A_967 = arith.index_cast %scan3A_60 : i32 to index
      %get3A_968 = arith.constant 896 : index
      %get3A_969 = tpu.vector_load %arg10[%get3A_967, %get3A_968] {strides = array<i32>} : memref<32x1024xf32, #tpu.memory_space<vmem>>, vector<1x16xf32>,
      %get3A_970 = vector.shape_cast %get3A_969 : vector<1x16xf32> to vector<16xf32>
      %mul3A_971 = arith.mulf %get3A_65, %get3A_970 : vector<16xf32>
      %get3A_972 = arith.index_cast %scan3A_60 : i32 to index
      %get3A_973 = arith.constant 896 : index
      %get3A_974 = tpu.vector_load %arg11[%get3A_972, %get3A_973] {strides = array<i32>} : memref<32x1024xf32, #tpu.memory_space<vmem>>, vector<1x16xf32>,
      %get3A_975 = vector.shape_cast %get3A_974 : vector<1x16xf32> to vector<16xf32>
      %mul3A_976 = arith.mulf %get3A_71, %get3A_975 : vector<16xf32>
      %add3A_977 = arith.addf %mul3A_971, %mul3A_976 : vector<16xf32>
      %swap3A_978 = arith.index_cast %scan3A_60 : i32 to index
      %swap3A_979 = arith.constant 896 : index
      %swap3A_980 = tpu.vector_load %arg12[%swap3A_978, %swap3A_979] {strides = array<i32>} : memref<32x1024xf32, #tpu.memory_space<vmem>>, vector<1x16xf32>,
      %swap3A_981 = vector.shape_cast %swap3A_980 : vector<1x16xf32> to vector<16xf32>
      %swap3A_982 = vector.shape_cast %add3A_977 : vector<16xf32> to vector<1x16xf32>
      tpu.vector_store %arg12[%swap3A_978, %swap3A_979], %swap3A_982 {strides = array<i32>} : memref<32x1024xf32, #tpu.memory_space<vmem>>, vector<1x16xf32>,
      %get3A_983 = arith.index_cast %scan3A_60 : i32 to index
      %get3A_984 = arith.constant 912 : index
      %get3A_985 = tpu.vector_load %arg10[%get3A_983, %get3A_984] {strides = array<i32>} : memref<32x1024xf32, #tpu.memory_space<vmem>>, vector<1x16xf32>,
      %get3A_986 = vector.shape_cast %get3A_985 : vector<1x16xf32> to vector<16xf32>
      %mul3A_987 = arith.mulf %get3A_65, %get3A_986 : vector<16xf32>
      %get3A_988 = arith.index_cast %scan3A_60 : i32 to index
      %get3A_989 = arith.constant 912 : index
      %get3A_990 = tpu.vector_load %arg11[%get3A_988, %get3A_989] {strides = array<i32>} : memref<32x1024xf32, #tpu.memory_space<vmem>>, vector<1x16xf32>,
      %get3A_991 = vector.shape_cast %get3A_990 : vector<1x16xf32> to vector<16xf32>
      %mul3A_992 = arith.mulf %get3A_71, %get3A_991 : vector<16xf32>
      %add3A_993 = arith.addf %mul3A_987, %mul3A_992 : vector<16xf32>
      %swap3A_994 = arith.index_cast %scan3A_60 : i32 to index
      %swap3A_995 = arith.constant 912 : index
      %swap3A_996 = tpu.vector_load %arg12[%swap3A_994, %swap3A_995] {strides = array<i32>} : memref<32x1024xf32, #tpu.memory_space<vmem>>, vector<1x16xf32>,
      %swap3A_997 = vector.shape_cast %swap3A_996 : vector<1x16xf32> to vector<16xf32>
      %swap3A_998 = vector.shape_cast %add3A_993 : vector<16xf32> to vector<1x16xf32>
      tpu.vector_store %arg12[%swap3A_994, %swap3A_995], %swap3A_998 {strides = array<i32>} : memref<32x1024xf32, #tpu.memory_space<vmem>>, vector<1x16xf32>,
      %get3A_999 = arith.index_cast %scan3A_60 : i32 to index
      %get3A_1000 = arith.constant 928 : index
      %get3A_1001 = tpu.vector_load %arg10[%get3A_999, %get3A_1000] {strides = array<i32>} : memref<32x1024xf32, #tpu.memory_space<vmem>>, vector<1x16xf32>,
      %get3A_1002 = vector.shape_cast %get3A_1001 : vector<1x16xf32> to vector<16xf32>
      %mul3A_1003 = arith.mulf %get3A_65, %get3A_1002 : vector<16xf32>
      %get3A_1004 = arith.index_cast %scan3A_60 : i32 to index
      %get3A_1005 = arith.constant 928 : index
      %get3A_1006 = tpu.vector_load %arg11[%get3A_1004, %get3A_1005] {strides = array<i32>} : memref<32x1024xf32, #tpu.memory_space<vmem>>, vector<1x16xf32>,
      %get3A_1007 = vector.shape_cast %get3A_1006 : vector<1x16xf32> to vector<16xf32>
      %mul3A_1008 = arith.mulf %get3A_71, %get3A_1007 : vector<16xf32>
      %add3A_1009 = arith.addf %mul3A_1003, %mul3A_1008 : vector<16xf32>
      %swap3A_1010 = arith.index_cast %scan3A_60 : i32 to index
      %swap3A_1011 = arith.constant 928 : index
      %swap3A_1012 = tpu.vector_load %arg12[%swap3A_1010, %swap3A_1011] {strides = array<i32>} : memref<32x1024xf32, #tpu.memory_space<vmem>>, vector<1x16xf32>,
      %swap3A_1013 = vector.shape_cast %swap3A_1012 : vector<1x16xf32> to vector<16xf32>
      %swap3A_1014 = vector.shape_cast %add3A_1009 : vector<16xf32> to vector<1x16xf32>
      tpu.vector_store %arg12[%swap3A_1010, %swap3A_1011], %swap3A_1014 {strides = array<i32>} : memref<32x1024xf32, #tpu.memory_space<vmem>>, vector<1x16xf32>,
      %get3A_1015 = arith.index_cast %scan3A_60 : i32 to index
      %get3A_1016 = arith.constant 944 : index
      %get3A_1017 = tpu.vector_load %arg10[%get3A_1015, %get3A_1016] {strides = array<i32>} : memref<32x1024xf32, #tpu.memory_space<vmem>>, vector<1x16xf32>,
      %get3A_1018 = vector.shape_cast %get3A_1017 : vector<1x16xf32> to vector<16xf32>
      %mul3A_1019 = arith.mulf %get3A_65, %get3A_1018 : vector<16xf32>
      %get3A_1020 = arith.index_cast %scan3A_60 : i32 to index
      %get3A_1021 = arith.constant 944 : index
      %get3A_1022 = tpu.vector_load %arg11[%get3A_1020, %get3A_1021] {strides = array<i32>} : memref<32x1024xf32, #tpu.memory_space<vmem>>, vector<1x16xf32>,
      %get3A_1023 = vector.shape_cast %get3A_1022 : vector<1x16xf32> to vector<16xf32>
      %mul3A_1024 = arith.mulf %get3A_71, %get3A_1023 : vector<16xf32>
      %add3A_1025 = arith.addf %mul3A_1019, %mul3A_1024 : vector<16xf32>
      %swap3A_1026 = arith.index_cast %scan3A_60 : i32 to index
      %swap3A_1027 = arith.constant 944 : index
      %swap3A_1028 = tpu.vector_load %arg12[%swap3A_1026, %swap3A_1027] {strides = array<i32>} : memref<32x1024xf32, #tpu.memory_space<vmem>>, vector<1x16xf32>,
      %swap3A_1029 = vector.shape_cast %swap3A_1028 : vector<1x16xf32> to vector<16xf32>
      %swap3A_1030 = vector.shape_cast %add3A_1025 : vector<16xf32> to vector<1x16xf32>
      tpu.vector_store %arg12[%swap3A_1026, %swap3A_1027], %swap3A_1030 {strides = array<i32>} : memref<32x1024xf32, #tpu.memory_space<vmem>>, vector<1x16xf32>,
      %get3A_1031 = arith.index_cast %scan3A_60 : i32 to index
      %get3A_1032 = arith.constant 960 : index
      %get3A_1033 = tpu.vector_load %arg10[%get3A_1031, %get3A_1032] {strides = array<i32>} : memref<32x1024xf32, #tpu.memory_space<vmem>>, vector<1x16xf32>,
      %get3A_1034 = vector.shape_cast %get3A_1033 : vector<1x16xf32> to vector<16xf32>
      %mul3A_1035 = arith.mulf %get3A_65, %get3A_1034 : vector<16xf32>
      %get3A_1036 = arith.index_cast %scan3A_60 : i32 to index
      %get3A_1037 = arith.constant 960 : index
      %get3A_1038 = tpu.vector_load %arg11[%get3A_1036, %get3A_1037] {strides = array<i32>} : memref<32x1024xf32, #tpu.memory_space<vmem>>, vector<1x16xf32>,
      %get3A_1039 = vector.shape_cast %get3A_1038 : vector<1x16xf32> to vector<16xf32>
      %mul3A_1040 = arith.mulf %get3A_71, %get3A_1039 : vector<16xf32>
      %add3A_1041 = arith.addf %mul3A_1035, %mul3A_1040 : vector<16xf32>
      %swap3A_1042 = arith.index_cast %scan3A_60 : i32 to index
      %swap3A_1043 = arith.constant 960 : index
      %swap3A_1044 = tpu.vector_load %arg12[%swap3A_1042, %swap3A_1043] {strides = array<i32>} : memref<32x1024xf32, #tpu.memory_space<vmem>>, vector<1x16xf32>,
      %swap3A_1045 = vector.shape_cast %swap3A_1044 : vector<1x16xf32> to vector<16xf32>
      %swap3A_1046 = vector.shape_cast %add3A_1041 : vector<16xf32> to vector<1x16xf32>
      tpu.vector_store %arg12[%swap3A_1042, %swap3A_1043], %swap3A_1046 {strides = array<i32>} : memref<32x1024xf32, #tpu.memory_space<vmem>>, vector<1x16xf32>,
      %get3A_1047 = arith.index_cast %scan3A_60 : i32 to index
      %get3A_1048 = arith.constant 976 : index
      %get3A_1049 = tpu.vector_load %arg10[%get3A_1047, %get3A_1048] {strides = array<i32>} : memref<32x1024xf32, #tpu.memory_space<vmem>>, vector<1x16xf32>,
      %get3A_1050 = vector.shape_cast %get3A_1049 : vector<1x16xf32> to vector<16xf32>
      %mul3A_1051 = arith.mulf %get3A_65, %get3A_1050 : vector<16xf32>
      %get3A_1052 = arith.index_cast %scan3A_60 : i32 to index
      %get3A_1053 = arith.constant 976 : index
      %get3A_1054 = tpu.vector_load %arg11[%get3A_1052, %get3A_1053] {strides = array<i32>} : memref<32x1024xf32, #tpu.memory_space<vmem>>, vector<1x16xf32>,
      %get3A_1055 = vector.shape_cast %get3A_1054 : vector<1x16xf32> to vector<16xf32>
      %mul3A_1056 = arith.mulf %get3A_71, %get3A_1055 : vector<16xf32>
      %add3A_1057 = arith.addf %mul3A_1051, %mul3A_1056 : vector<16xf32>
      %swap3A_1058 = arith.index_cast %scan3A_60 : i32 to index
      %swap3A_1059 = arith.constant 976 : index
      %swap3A_1060 = tpu.vector_load %arg12[%swap3A_1058, %swap3A_1059] {strides = array<i32>} : memref<32x1024xf32, #tpu.memory_space<vmem>>, vector<1x16xf32>,
      %swap3A_1061 = vector.shape_cast %swap3A_1060 : vector<1x16xf32> to vector<16xf32>
      %swap3A_1062 = vector.shape_cast %add3A_1057 : vector<16xf32> to vector<1x16xf32>
      tpu.vector_store %arg12[%swap3A_1058, %swap3A_1059], %swap3A_1062 {strides = array<i32>} : memref<32x1024xf32, #tpu.memory_space<vmem>>, vector<1x16xf32>,
      %get3A_1063 = arith.index_cast %scan3A_60 : i32 to index
      %get3A_1064 = arith.constant 992 : index
      %get3A_1065 = tpu.vector_load %arg10[%get3A_1063, %get3A_1064] {strides = array<i32>} : memref<32x1024xf32, #tpu.memory_space<vmem>>, vector<1x16xf32>,
      %get3A_1066 = vector.shape_cast %get3A_1065 : vector<1x16xf32> to vector<16xf32>
      %mul3A_1067 = arith.mulf %get3A_65, %get3A_1066 : vector<16xf32>
      %get3A_1068 = arith.index_cast %scan3A_60 : i32 to index
      %get3A_1069 = arith.constant 992 : index
      %get3A_1070 = tpu.vector_load %arg11[%get3A_1068, %get3A_1069] {strides = array<i32>} : memref<32x1024xf32, #tpu.memory_space<vmem>>, vector<1x16xf32>,
      %get3A_1071 = vector.shape_cast %get3A_1070 : vector<1x16xf32> to vector<16xf32>
      %mul3A_1072 = arith.mulf %get3A_71, %get3A_1071 : vector<16xf32>
      %add3A_1073 = arith.addf %mul3A_1067, %mul3A_1072 : vector<16xf32>
      %swap3A_1074 = arith.index_cast %scan3A_60 : i32 to index
      %swap3A_1075 = arith.constant 992 : index
      %swap3A_1076 = tpu.vector_load %arg12[%swap3A_1074, %swap3A_1075] {strides = array<i32>} : memref<32x1024xf32, #tpu.memory_space<vmem>>, vector<1x16xf32>,
      %swap3A_1077 = vector.shape_cast %swap3A_1076 : vector<1x16xf32> to vector<16xf32>
      %swap3A_1078 = vector.shape_cast %add3A_1073 : vector<16xf32> to vector<1x16xf32>
      tpu.vector_store %arg12[%swap3A_1074, %swap3A_1075], %swap3A_1078 {strides = array<i32>} : memref<32x1024xf32, #tpu.memory_space<vmem>>, vector<1x16xf32>,
      %get3A_1079 = arith.index_cast %scan3A_60 : i32 to index
      %get3A_1080 = arith.constant 1008 : index
      %get3A_1081 = tpu.vector_load %arg10[%get3A_1079, %get3A_1080] {strides = array<i32>} : memref<32x1024xf32, #tpu.memory_space<vmem>>, vector<1x16xf32>,
      %get3A_1082 = vector.shape_cast %get3A_1081 : vector<1x16xf32> to vector<16xf32>
      %mul3A_1083 = arith.mulf %get3A_65, %get3A_1082 : vector<16xf32>
      %get3A_1084 = arith.index_cast %scan3A_60 : i32 to index
      %get3A_1085 = arith.constant 1008 : index
      %get3A_1086 = tpu.vector_load %arg11[%get3A_1084, %get3A_1085] {strides = array<i32>} : memref<32x1024xf32, #tpu.memory_space<vmem>>, vector<1x16xf32>,
      %get3A_1087 = vector.shape_cast %get3A_1086 : vector<1x16xf32> to vector<16xf32>
      %mul3A_1088 = arith.mulf %get3A_71, %get3A_1087 : vector<16xf32>
      %add3A_1089 = arith.addf %mul3A_1083, %mul3A_1088 : vector<16xf32>
      %swap3A_1090 = arith.index_cast %scan3A_60 : i32 to index
      %swap3A_1091 = arith.constant 1008 : index
      %swap3A_1092 = tpu.vector_load %arg12[%swap3A_1090, %swap3A_1091] {strides = array<i32>} : memref<32x1024xf32, #tpu.memory_space<vmem>>, vector<1x16xf32>,
      %swap3A_1093 = vector.shape_cast %swap3A_1092 : vector<1x16xf32> to vector<16xf32>
      %swap3A_1094 = vector.shape_cast %add3A_1089 : vector<16xf32> to vector<1x16xf32>
      tpu.vector_store %arg12[%swap3A_1090, %swap3A_1091], %swap3A_1094 {strides = array<i32>} : memref<32x1024xf32, #tpu.memory_space<vmem>>, vector<1x16xf32>,
    }
    %scan3A_57 = arith.constant 32 : i32
    %add3A_58 = arith.constant 32 : i32
    %add3A_59 = arith.addi %mul3A_2, %add3A_58 : i32
    "tpu.region"() ({
      %run_scoped3A = tpu.sem_alloc : memref<!tpu.dma_semaphore, #tpu.memory_space<semaphore_mem>>
      %dma_start3A_60 = arith.constant 0 : i32
      %dma_start3A_61 = tpu.memref_slice %arg5[%add3A_59, %dma_start3A_60] : memref<2048x1024xf32, #tpu.memory_space<hbm>> -> memref<32x1024xf32, #tpu.memory_space<hbm>>
      %dma_start3A_62 = arith.constant 0 : i32
      %dma_start3A_63 = tpu.memref_slice %arg5[%add3A_59, %dma_start3A_62] : memref<2048x1024xf32, #tpu.memory_space<hbm>> -> memref<32x1024xf32, #tpu.memory_space<hbm>>
      tpu.enqueue_dma source(%arg12 : memref<32x1024xf32, #tpu.memory_space<vmem>>) target(%dma_start3A_63 : memref<32x1024xf32, #tpu.memory_space<hbm>>) target_semaphore(%run_scoped3A : memref<!tpu.dma_semaphore, #tpu.memory_space<semaphore_mem>>)
      %dma_wait3A_64 = arith.constant 0 : i32
      %dma_wait3A_65 = tpu.memref_slice %arg5[%add3A_59, %dma_wait3A_64] : memref<2048x1024xf32, #tpu.memory_space<hbm>> -> memref<32x1024xf32, #tpu.memory_space<hbm>>
      %dma_wait3A_66 = arith.constant 0 : i32
      %dma_wait3A_67 = tpu.memref_slice %arg5[%add3A_59, %dma_wait3A_66] : memref<2048x1024xf32, #tpu.memory_space<hbm>> -> memref<32x1024xf32, #tpu.memory_space<hbm>>
      tpu.wait_dma2 semaphore(%run_scoped3A : memref<!tpu.dma_semaphore, #tpu.memory_space<semaphore_mem>>) src(%arg12 : memref<32x1024xf32, #tpu.memory_space<vmem>>) dst(%dma_wait3A_67 : memref<32x1024xf32, #tpu.memory_space<hbm>>)
      tpu.yield
    }) : () -> ()
    return
  }
}

module attributes {stable_mosaic.version = 14 : i64} {
  func.func @_route_kernel(%arg0: memref<2048x1024xf32, #tpu.memory_space<vmem>>, %arg1: memref<16x1024xf32, #tpu.memory_space<vmem>>, %arg2: memref<16xf32, #tpu.memory_space<vmem>>, %arg3: memref<4096xi32, #tpu.memory_space<vmem>>, %arg4: memref<4096x16xf32, #tpu.memory_space<vmem>>, %arg5: memref<64xi32, #tpu.memory_space<vmem>>) attributes {dimension_semantics = [], scalar_prefetch = 0 : i64, scratch_operands = 0 : i64, tpu.core_type = #tpu.core_type<tc>} {
    %get3A = arith.constant 0 : index
    %get3A_0 = arith.constant 0 : index
    %get3A_1 = vector.load %arg0[%get3A, %get3A_0] : memref<2048x1024xf32, #tpu.memory_space<vmem>>, vector<2048x1024xf32>
    %get3A_2 = arith.constant 0 : index
    %get3A_3 = arith.constant 0 : index
    %get3A_4 = vector.load %arg1[%get3A_2, %get3A_3] : memref<16x1024xf32, #tpu.memory_space<vmem>>, vector<16x1024xf32>
    %dot_general3A = arith.constant dense<0.000000e+00> : vector<2048x16xf32>
    %dot_general3A_5 = tpu.matmul %get3A_1, %get3A_4, %dot_general3A {dimension_numbers = #tpu.dot_dimension_numbers<[1], [1], [0], [0], [0, 0, 1, 0], [], []>, transpose_lhs_hint = false} : vector<2048x1024xf32>, vector<16x1024xf32>, vector<2048x16xf32> -> vector<2048x16xf32>
    %get3A_6 = arith.constant 0 : index
    %get3A_7 = vector.load %arg2[%get3A_6] : memref<16xf32, #tpu.memory_space<vmem>>, vector<16xf32>
    %broadcast_in_dim3A = vector.shape_cast %get3A_7 : vector<16xf32> to vector<1x16xf32>
    %add3A = vector.broadcast %broadcast_in_dim3A : vector<1x16xf32> to vector<2048x16xf32>
    %add3A_8 = arith.addf %dot_general3A_5, %add3A : vector<2048x16xf32>
    %gt3A = arith.constant 1.000000e+00 : f32
    %gt3A_9 = vector.broadcast %gt3A : f32 to vector<2048x16xf32>
    %gt3A_10 = arith.cmpf ogt, %add3A_8, %gt3A_9 : vector<2048x16xf32>
    %convert_element_type3A = arith.extui %gt3A_10 : vector<2048x16xi1> to vector<2048x16xi32>
    %iota3A = tpu.iota {dimensions = array<i32: 1>} : vector<2048x16xi32>
    %sub3A = arith.constant 1 : i32
    %sub3A_11 = vector.broadcast %sub3A : i32 to vector<2048x16xi32>
    %sub3A_12 = arith.subi %sub3A_11, %convert_element_type3A : vector<2048x16xi32>
    %mul3A = arith.constant 16 : i32
    %mul3A_13 = vector.broadcast %mul3A : i32 to vector<2048x16xi32>
    %mul3A_14 = arith.muli %sub3A_12, %mul3A_13 : vector<2048x16xi32>
    %add3A_15 = arith.addi %iota3A, %mul3A_14 : vector<2048x16xi32>
    %reduce_min3A = arith.constant dense<2147483647> : vector<2048xi32>
    %reduce_min3A_16 = vector.multi_reduction <minsi>, %add3A_15, %reduce_min3A [1] : vector<2048x16xi32> to vector<2048xi32>
    %lt3A = arith.constant 16 : i32
    %lt3A_17 = vector.broadcast %lt3A : i32 to vector<2048xi32>
    %lt3A_18 = arith.cmpi slt, %reduce_min3A_16, %lt3A_17 : vector<2048xi32>
    %jit3A = arith.constant 0 : i32
    %broadcast_in_dim3A_19 = vector.broadcast %jit3A : i32 to vector<2048xi32>
    %select_n3A = arith.select %lt3A_18, %reduce_min3A_16, %broadcast_in_dim3A_19 : vector<2048xi1>, vector<2048xi32>
    %lt3A_20 = arith.constant 16 : i32
    %lt3A_21 = vector.broadcast %lt3A_20 : i32 to vector<2048xi32>
    %lt3A_22 = arith.cmpi slt, %reduce_min3A_16, %lt3A_21 : vector<2048xi32>
    %convert_element_type3A_23 = arith.extui %lt3A_22 : vector<2048xi1> to vector<2048xi32>
    %convert_element_type3A_24 = arith.sitofp %convert_element_type3A_23 : vector<2048xi32> to vector<2048xf32>
    %broadcast_in_dim3A_25 = vector.shape_cast %select_n3A : vector<2048xi32> to vector<2048x1xi32>
    %eq3A = vector.broadcast %broadcast_in_dim3A_25 : vector<2048x1xi32> to vector<2048x16xi32>
    %eq3A_26 = arith.cmpi eq, %iota3A, %eq3A : vector<2048x16xi32>
    %jit3A_27 = arith.constant 256 : i32
    %jit3A_28 = arith.constant 0 : i32
    %broadcast_in_dim3A_29 = vector.broadcast %jit3A_27 : i32 to vector<2048x16xi32>
    %broadcast_in_dim3A_30 = vector.broadcast %jit3A_28 : i32 to vector<2048x16xi32>
    %select_n3A_31 = arith.select %eq3A_26, %broadcast_in_dim3A_29, %broadcast_in_dim3A_30 : vector<2048x16xi1>, vector<2048x16xi32>
    %add3A_32 = arith.addi %add3A_15, %select_n3A_31 : vector<2048x16xi32>
    %reduce_min3A_33 = arith.constant dense<2147483647> : vector<2048xi32>
    %reduce_min3A_34 = vector.multi_reduction <minsi>, %add3A_32, %reduce_min3A_33 [1] : vector<2048x16xi32> to vector<2048xi32>
    %lt3A_35 = arith.constant 16 : i32
    %lt3A_36 = vector.broadcast %lt3A_35 : i32 to vector<2048xi32>
    %lt3A_37 = arith.cmpi slt, %reduce_min3A_34, %lt3A_36 : vector<2048xi32>
    %sub3A_38 = arith.constant 16 : i32
    %sub3A_39 = vector.broadcast %sub3A_38 : i32 to vector<2048xi32>
    %sub3A_40 = arith.subi %reduce_min3A_34, %sub3A_39 : vector<2048xi32>
    %select_n3A_41 = arith.select %lt3A_37, %reduce_min3A_34, %sub3A_40 : vector<2048xi1>, vector<2048xi32>
    %lt3A_42 = arith.constant 16 : i32
    %lt3A_43 = vector.broadcast %lt3A_42 : i32 to vector<2048xi32>
    %lt3A_44 = arith.cmpi slt, %reduce_min3A_34, %lt3A_43 : vector<2048xi32>
    %convert_element_type3A_45 = arith.extui %lt3A_44 : vector<2048xi1> to vector<2048xi32>
    %convert_element_type3A_46 = arith.sitofp %convert_element_type3A_45 : vector<2048xi32> to vector<2048xf32>
    %sub3A_47 = arith.subf %convert_element_type3A_46, %convert_element_type3A_24 : vector<2048xf32>
    %exp3A = math.exp %sub3A_47 : vector<2048xf32>
    %add3A_48 = arith.constant 1.000000e+00 : f32
    %add3A_49 = vector.broadcast %add3A_48 : f32 to vector<2048xf32>
    %add3A_50 = arith.addf %add3A_49, %exp3A : vector<2048xf32>
    %div3A = arith.constant 1.000000e+00 : f32
    %div3A_51 = vector.broadcast %div3A : f32 to vector<2048xf32>
    %div3A_52 = arith.divf %div3A_51, %add3A_50 : vector<2048xf32>
    %sub3A_53 = arith.constant 1.000000e+00 : f32
    %sub3A_54 = vector.broadcast %sub3A_53 : f32 to vector<2048xf32>
    %sub3A_55 = arith.subf %sub3A_54, %div3A_52 : vector<2048xf32>
    %broadcast_in_dim3A_56 = vector.shape_cast %select_n3A : vector<2048xi32> to vector<2048x1xi32>
    %eq3A_57 = vector.broadcast %broadcast_in_dim3A_56 : vector<2048x1xi32> to vector<2048x16xi32>
    %eq3A_58 = arith.cmpi eq, %eq3A_57, %iota3A : vector<2048x16xi32>
    %convert_element_type3A_59 = arith.extui %eq3A_58 : vector<2048x16xi1> to vector<2048x16xi32>
    %convert_element_type3A_60 = arith.sitofp %convert_element_type3A_59 : vector<2048x16xi32> to vector<2048x16xf32>
    %broadcast_in_dim3A_61 = vector.shape_cast %select_n3A_41 : vector<2048xi32> to vector<2048x1xi32>
    %eq3A_62 = vector.broadcast %broadcast_in_dim3A_61 : vector<2048x1xi32> to vector<2048x16xi32>
    %eq3A_63 = arith.cmpi eq, %eq3A_62, %iota3A : vector<2048x16xi32>
    %convert_element_type3A_64 = arith.extui %eq3A_63 : vector<2048x16xi1> to vector<2048x16xi32>
    %convert_element_type3A_65 = arith.sitofp %convert_element_type3A_64 : vector<2048x16xi32> to vector<2048x16xf32>
    %concatenate3A = tpu.concatenate %convert_element_type3A_60, %convert_element_type3A_65 in 0 : vector<2048x16xf32>, vector<2048x16xf32> -> vector<4096x16xf32>
    %iota3A_66 = tpu.iota {dimensions = array<i32: 1>} : vector<256x256xi32>
    %iota3A_67 = tpu.iota {dimensions = array<i32: 0>} : vector<256x256xi32>
    %lt3A_68 = arith.cmpi slt, %iota3A_66, %iota3A_67 : vector<256x256xi32>
    %convert_element_type3A_69 = arith.extui %lt3A_68 : vector<256x256xi1> to vector<256x256xi32>
    %convert_element_type3A_70 = arith.sitofp %convert_element_type3A_69 : vector<256x256xi32> to vector<256x256xf32>
    %slice3A = vector.extract_strided_slice %concatenate3A {offsets = [0, 0], sizes = [256, 16], strides = [1, 1]} : vector<4096x16xf32> to vector<256x16xf32>
    %dot_general3A_71 = arith.constant dense<0.000000e+00> : vector<256x16xf32>
    %dot_general3A_72 = tpu.matmul %convert_element_type3A_70, %slice3A, %dot_general3A_71 {dimension_numbers = #tpu.dot_dimension_numbers<[1], [0], [0], [1], [0, 0, 1, 1], [], []>, transpose_lhs_hint = false} : vector<256x256xf32>, vector<256x16xf32>, vector<256x16xf32> -> vector<256x16xf32>
    %reduce_sum3A = arith.constant dense<0.000000e+00> : vector<16xf32>
    %reduce_sum3A_73 = vector.multi_reduction <add>, %slice3A, %reduce_sum3A [0] : vector<256x16xf32> to vector<16xf32>
    %broadcast_in_dim3A_74 = vector.shape_cast %reduce_sum3A_73 : vector<16xf32> to vector<1x16xf32>
    %slice3A_75 = vector.extract_strided_slice %concatenate3A {offsets = [256, 0], sizes = [256, 16], strides = [1, 1]} : vector<4096x16xf32> to vector<256x16xf32>
    %dot_general3A_76 = arith.constant dense<0.000000e+00> : vector<256x16xf32>
    %dot_general3A_77 = tpu.matmul %convert_element_type3A_70, %slice3A_75, %dot_general3A_76 {dimension_numbers = #tpu.dot_dimension_numbers<[1], [0], [0], [1], [0, 0, 1, 1], [], []>, transpose_lhs_hint = false} : vector<256x256xf32>, vector<256x16xf32>, vector<256x16xf32> -> vector<256x16xf32>
    %reduce_sum3A_78 = arith.constant dense<0.000000e+00> : vector<16xf32>
    %reduce_sum3A_79 = vector.multi_reduction <add>, %slice3A_75, %reduce_sum3A_78 [0] : vector<256x16xf32> to vector<16xf32>
    %broadcast_in_dim3A_80 = vector.shape_cast %reduce_sum3A_79 : vector<16xf32> to vector<1x16xf32>
    %slice3A_81 = vector.extract_strided_slice %concatenate3A {offsets = [512, 0], sizes = [256, 16], strides = [1, 1]} : vector<4096x16xf32> to vector<256x16xf32>
    %dot_general3A_82 = arith.constant dense<0.000000e+00> : vector<256x16xf32>
    %dot_general3A_83 = tpu.matmul %convert_element_type3A_70, %slice3A_81, %dot_general3A_82 {dimension_numbers = #tpu.dot_dimension_numbers<[1], [0], [0], [1], [0, 0, 1, 1], [], []>, transpose_lhs_hint = false} : vector<256x256xf32>, vector<256x16xf32>, vector<256x16xf32> -> vector<256x16xf32>
    %reduce_sum3A_84 = arith.constant dense<0.000000e+00> : vector<16xf32>
    %reduce_sum3A_85 = vector.multi_reduction <add>, %slice3A_81, %reduce_sum3A_84 [0] : vector<256x16xf32> to vector<16xf32>
    %broadcast_in_dim3A_86 = vector.shape_cast %reduce_sum3A_85 : vector<16xf32> to vector<1x16xf32>
    %slice3A_87 = vector.extract_strided_slice %concatenate3A {offsets = [768, 0], sizes = [256, 16], strides = [1, 1]} : vector<4096x16xf32> to vector<256x16xf32>
    %dot_general3A_88 = arith.constant dense<0.000000e+00> : vector<256x16xf32>
    %dot_general3A_89 = tpu.matmul %convert_element_type3A_70, %slice3A_87, %dot_general3A_88 {dimension_numbers = #tpu.dot_dimension_numbers<[1], [0], [0], [1], [0, 0, 1, 1], [], []>, transpose_lhs_hint = false} : vector<256x256xf32>, vector<256x16xf32>, vector<256x16xf32> -> vector<256x16xf32>
    %reduce_sum3A_90 = arith.constant dense<0.000000e+00> : vector<16xf32>
    %reduce_sum3A_91 = vector.multi_reduction <add>, %slice3A_87, %reduce_sum3A_90 [0] : vector<256x16xf32> to vector<16xf32>
    %broadcast_in_dim3A_92 = vector.shape_cast %reduce_sum3A_91 : vector<16xf32> to vector<1x16xf32>
    %slice3A_93 = vector.extract_strided_slice %concatenate3A {offsets = [1024, 0], sizes = [256, 16], strides = [1, 1]} : vector<4096x16xf32> to vector<256x16xf32>
    %dot_general3A_94 = arith.constant dense<0.000000e+00> : vector<256x16xf32>
    %dot_general3A_95 = tpu.matmul %convert_element_type3A_70, %slice3A_93, %dot_general3A_94 {dimension_numbers = #tpu.dot_dimension_numbers<[1], [0], [0], [1], [0, 0, 1, 1], [], []>, transpose_lhs_hint = false} : vector<256x256xf32>, vector<256x16xf32>, vector<256x16xf32> -> vector<256x16xf32>
    %reduce_sum3A_96 = arith.constant dense<0.000000e+00> : vector<16xf32>
    %reduce_sum3A_97 = vector.multi_reduction <add>, %slice3A_93, %reduce_sum3A_96 [0] : vector<256x16xf32> to vector<16xf32>
    %broadcast_in_dim3A_98 = vector.shape_cast %reduce_sum3A_97 : vector<16xf32> to vector<1x16xf32>
    %slice3A_99 = vector.extract_strided_slice %concatenate3A {offsets = [1280, 0], sizes = [256, 16], strides = [1, 1]} : vector<4096x16xf32> to vector<256x16xf32>
    %dot_general3A_100 = arith.constant dense<0.000000e+00> : vector<256x16xf32>
    %dot_general3A_101 = tpu.matmul %convert_element_type3A_70, %slice3A_99, %dot_general3A_100 {dimension_numbers = #tpu.dot_dimension_numbers<[1], [0], [0], [1], [0, 0, 1, 1], [], []>, transpose_lhs_hint = false} : vector<256x256xf32>, vector<256x16xf32>, vector<256x16xf32> -> vector<256x16xf32>
    %reduce_sum3A_102 = arith.constant dense<0.000000e+00> : vector<16xf32>
    %reduce_sum3A_103 = vector.multi_reduction <add>, %slice3A_99, %reduce_sum3A_102 [0] : vector<256x16xf32> to vector<16xf32>
    %broadcast_in_dim3A_104 = vector.shape_cast %reduce_sum3A_103 : vector<16xf32> to vector<1x16xf32>
    %slice3A_105 = vector.extract_strided_slice %concatenate3A {offsets = [1536, 0], sizes = [256, 16], strides = [1, 1]} : vector<4096x16xf32> to vector<256x16xf32>
    %dot_general3A_106 = arith.constant dense<0.000000e+00> : vector<256x16xf32>
    %dot_general3A_107 = tpu.matmul %convert_element_type3A_70, %slice3A_105, %dot_general3A_106 {dimension_numbers = #tpu.dot_dimension_numbers<[1], [0], [0], [1], [0, 0, 1, 1], [], []>, transpose_lhs_hint = false} : vector<256x256xf32>, vector<256x16xf32>, vector<256x16xf32> -> vector<256x16xf32>
    %reduce_sum3A_108 = arith.constant dense<0.000000e+00> : vector<16xf32>
    %reduce_sum3A_109 = vector.multi_reduction <add>, %slice3A_105, %reduce_sum3A_108 [0] : vector<256x16xf32> to vector<16xf32>
    %broadcast_in_dim3A_110 = vector.shape_cast %reduce_sum3A_109 : vector<16xf32> to vector<1x16xf32>
    %slice3A_111 = vector.extract_strided_slice %concatenate3A {offsets = [1792, 0], sizes = [256, 16], strides = [1, 1]} : vector<4096x16xf32> to vector<256x16xf32>
    %dot_general3A_112 = arith.constant dense<0.000000e+00> : vector<256x16xf32>
    %dot_general3A_113 = tpu.matmul %convert_element_type3A_70, %slice3A_111, %dot_general3A_112 {dimension_numbers = #tpu.dot_dimension_numbers<[1], [0], [0], [1], [0, 0, 1, 1], [], []>, transpose_lhs_hint = false} : vector<256x256xf32>, vector<256x16xf32>, vector<256x16xf32> -> vector<256x16xf32>
    %reduce_sum3A_114 = arith.constant dense<0.000000e+00> : vector<16xf32>
    %reduce_sum3A_115 = vector.multi_reduction <add>, %slice3A_111, %reduce_sum3A_114 [0] : vector<256x16xf32> to vector<16xf32>
    %broadcast_in_dim3A_116 = vector.shape_cast %reduce_sum3A_115 : vector<16xf32> to vector<1x16xf32>
    %slice3A_117 = vector.extract_strided_slice %concatenate3A {offsets = [2048, 0], sizes = [256, 16], strides = [1, 1]} : vector<4096x16xf32> to vector<256x16xf32>
    %dot_general3A_118 = arith.constant dense<0.000000e+00> : vector<256x16xf32>
    %dot_general3A_119 = tpu.matmul %convert_element_type3A_70, %slice3A_117, %dot_general3A_118 {dimension_numbers = #tpu.dot_dimension_numbers<[1], [0], [0], [1], [0, 0, 1, 1], [], []>, transpose_lhs_hint = false} : vector<256x256xf32>, vector<256x16xf32>, vector<256x16xf32> -> vector<256x16xf32>
    %reduce_sum3A_120 = arith.constant dense<0.000000e+00> : vector<16xf32>
    %reduce_sum3A_121 = vector.multi_reduction <add>, %slice3A_117, %reduce_sum3A_120 [0] : vector<256x16xf32> to vector<16xf32>
    %broadcast_in_dim3A_122 = vector.shape_cast %reduce_sum3A_121 : vector<16xf32> to vector<1x16xf32>
    %slice3A_123 = vector.extract_strided_slice %concatenate3A {offsets = [2304, 0], sizes = [256, 16], strides = [1, 1]} : vector<4096x16xf32> to vector<256x16xf32>
    %dot_general3A_124 = arith.constant dense<0.000000e+00> : vector<256x16xf32>
    %dot_general3A_125 = tpu.matmul %convert_element_type3A_70, %slice3A_123, %dot_general3A_124 {dimension_numbers = #tpu.dot_dimension_numbers<[1], [0], [0], [1], [0, 0, 1, 1], [], []>, transpose_lhs_hint = false} : vector<256x256xf32>, vector<256x16xf32>, vector<256x16xf32> -> vector<256x16xf32>
    %reduce_sum3A_126 = arith.constant dense<0.000000e+00> : vector<16xf32>
    %reduce_sum3A_127 = vector.multi_reduction <add>, %slice3A_123, %reduce_sum3A_126 [0] : vector<256x16xf32> to vector<16xf32>
    %broadcast_in_dim3A_128 = vector.shape_cast %reduce_sum3A_127 : vector<16xf32> to vector<1x16xf32>
    %slice3A_129 = vector.extract_strided_slice %concatenate3A {offsets = [2560, 0], sizes = [256, 16], strides = [1, 1]} : vector<4096x16xf32> to vector<256x16xf32>
    %dot_general3A_130 = arith.constant dense<0.000000e+00> : vector<256x16xf32>
    %dot_general3A_131 = tpu.matmul %convert_element_type3A_70, %slice3A_129, %dot_general3A_130 {dimension_numbers = #tpu.dot_dimension_numbers<[1], [0], [0], [1], [0, 0, 1, 1], [], []>, transpose_lhs_hint = false} : vector<256x256xf32>, vector<256x16xf32>, vector<256x16xf32> -> vector<256x16xf32>
    %reduce_sum3A_132 = arith.constant dense<0.000000e+00> : vector<16xf32>
    %reduce_sum3A_133 = vector.multi_reduction <add>, %slice3A_129, %reduce_sum3A_132 [0] : vector<256x16xf32> to vector<16xf32>
    %broadcast_in_dim3A_134 = vector.shape_cast %reduce_sum3A_133 : vector<16xf32> to vector<1x16xf32>
    %slice3A_135 = vector.extract_strided_slice %concatenate3A {offsets = [2816, 0], sizes = [256, 16], strides = [1, 1]} : vector<4096x16xf32> to vector<256x16xf32>
    %dot_general3A_136 = arith.constant dense<0.000000e+00> : vector<256x16xf32>
    %dot_general3A_137 = tpu.matmul %convert_element_type3A_70, %slice3A_135, %dot_general3A_136 {dimension_numbers = #tpu.dot_dimension_numbers<[1], [0], [0], [1], [0, 0, 1, 1], [], []>, transpose_lhs_hint = false} : vector<256x256xf32>, vector<256x16xf32>, vector<256x16xf32> -> vector<256x16xf32>
    %reduce_sum3A_138 = arith.constant dense<0.000000e+00> : vector<16xf32>
    %reduce_sum3A_139 = vector.multi_reduction <add>, %slice3A_135, %reduce_sum3A_138 [0] : vector<256x16xf32> to vector<16xf32>
    %broadcast_in_dim3A_140 = vector.shape_cast %reduce_sum3A_139 : vector<16xf32> to vector<1x16xf32>
    %slice3A_141 = vector.extract_strided_slice %concatenate3A {offsets = [3072, 0], sizes = [256, 16], strides = [1, 1]} : vector<4096x16xf32> to vector<256x16xf32>
    %dot_general3A_142 = arith.constant dense<0.000000e+00> : vector<256x16xf32>
    %dot_general3A_143 = tpu.matmul %convert_element_type3A_70, %slice3A_141, %dot_general3A_142 {dimension_numbers = #tpu.dot_dimension_numbers<[1], [0], [0], [1], [0, 0, 1, 1], [], []>, transpose_lhs_hint = false} : vector<256x256xf32>, vector<256x16xf32>, vector<256x16xf32> -> vector<256x16xf32>
    %reduce_sum3A_144 = arith.constant dense<0.000000e+00> : vector<16xf32>
    %reduce_sum3A_145 = vector.multi_reduction <add>, %slice3A_141, %reduce_sum3A_144 [0] : vector<256x16xf32> to vector<16xf32>
    %broadcast_in_dim3A_146 = vector.shape_cast %reduce_sum3A_145 : vector<16xf32> to vector<1x16xf32>
    %slice3A_147 = vector.extract_strided_slice %concatenate3A {offsets = [3328, 0], sizes = [256, 16], strides = [1, 1]} : vector<4096x16xf32> to vector<256x16xf32>
    %dot_general3A_148 = arith.constant dense<0.000000e+00> : vector<256x16xf32>
    %dot_general3A_149 = tpu.matmul %convert_element_type3A_70, %slice3A_147, %dot_general3A_148 {dimension_numbers = #tpu.dot_dimension_numbers<[1], [0], [0], [1], [0, 0, 1, 1], [], []>, transpose_lhs_hint = false} : vector<256x256xf32>, vector<256x16xf32>, vector<256x16xf32> -> vector<256x16xf32>
    %reduce_sum3A_150 = arith.constant dense<0.000000e+00> : vector<16xf32>
    %reduce_sum3A_151 = vector.multi_reduction <add>, %slice3A_147, %reduce_sum3A_150 [0] : vector<256x16xf32> to vector<16xf32>
    %broadcast_in_dim3A_152 = vector.shape_cast %reduce_sum3A_151 : vector<16xf32> to vector<1x16xf32>
    %slice3A_153 = vector.extract_strided_slice %concatenate3A {offsets = [3584, 0], sizes = [256, 16], strides = [1, 1]} : vector<4096x16xf32> to vector<256x16xf32>
    %dot_general3A_154 = arith.constant dense<0.000000e+00> : vector<256x16xf32>
    %dot_general3A_155 = tpu.matmul %convert_element_type3A_70, %slice3A_153, %dot_general3A_154 {dimension_numbers = #tpu.dot_dimension_numbers<[1], [0], [0], [1], [0, 0, 1, 1], [], []>, transpose_lhs_hint = false} : vector<256x256xf32>, vector<256x16xf32>, vector<256x16xf32> -> vector<256x16xf32>
    %reduce_sum3A_156 = arith.constant dense<0.000000e+00> : vector<16xf32>
    %reduce_sum3A_157 = vector.multi_reduction <add>, %slice3A_153, %reduce_sum3A_156 [0] : vector<256x16xf32> to vector<16xf32>
    %broadcast_in_dim3A_158 = vector.shape_cast %reduce_sum3A_157 : vector<16xf32> to vector<1x16xf32>
    %slice3A_159 = vector.extract_strided_slice %concatenate3A {offsets = [3840, 0], sizes = [256, 16], strides = [1, 1]} : vector<4096x16xf32> to vector<256x16xf32>
    %dot_general3A_160 = arith.constant dense<0.000000e+00> : vector<256x16xf32>
    %dot_general3A_161 = tpu.matmul %convert_element_type3A_70, %slice3A_159, %dot_general3A_160 {dimension_numbers = #tpu.dot_dimension_numbers<[1], [0], [0], [1], [0, 0, 1, 1], [], []>, transpose_lhs_hint = false} : vector<256x256xf32>, vector<256x16xf32>, vector<256x16xf32> -> vector<256x16xf32>
    %reduce_sum3A_162 = arith.constant dense<0.000000e+00> : vector<16xf32>
    %reduce_sum3A_163 = vector.multi_reduction <add>, %slice3A_159, %reduce_sum3A_162 [0] : vector<256x16xf32> to vector<16xf32>
    %broadcast_in_dim3A_164 = vector.shape_cast %reduce_sum3A_163 : vector<16xf32> to vector<1x16xf32>
    %concatenate3A_165 = tpu.concatenate %dot_general3A_72, %dot_general3A_77, %dot_general3A_83, %dot_general3A_89, %dot_general3A_95, %dot_general3A_101, %dot_general3A_107, %dot_general3A_113, %dot_general3A_119, %dot_general3A_125, %dot_general3A_131, %dot_general3A_137, %dot_general3A_143, %dot_general3A_149, %dot_general3A_155, %dot_general3A_161 in 0 : vector<256x16xf32>, vector<256x16xf32>, vector<256x16xf32>, vector<256x16xf32>, vector<256x16xf32>, vector<256x16xf32>, vector<256x16xf32>, vector<256x16xf32>, vector<256x16xf32>, vector<256x16xf32>, vector<256x16xf32>, vector<256x16xf32>, vector<256x16xf32>, vector<256x16xf32>, vector<256x16xf32>, vector<256x16xf32> -> vector<4096x16xf32>
    %concatenate3A_166 = tpu.concatenate %broadcast_in_dim3A_74, %broadcast_in_dim3A_80, %broadcast_in_dim3A_86, %broadcast_in_dim3A_92, %broadcast_in_dim3A_98, %broadcast_in_dim3A_104, %broadcast_in_dim3A_110, %broadcast_in_dim3A_116, %broadcast_in_dim3A_122, %broadcast_in_dim3A_128, %broadcast_in_dim3A_134, %broadcast_in_dim3A_140, %broadcast_in_dim3A_146, %broadcast_in_dim3A_152, %broadcast_in_dim3A_158, %broadcast_in_dim3A_164 in 0 : vector<1x16xf32>, vector<1x16xf32>, vector<1x16xf32>, vector<1x16xf32>, vector<1x16xf32>, vector<1x16xf32>, vector<1x16xf32>, vector<1x16xf32>, vector<1x16xf32>, vector<1x16xf32>, vector<1x16xf32>, vector<1x16xf32>, vector<1x16xf32>, vector<1x16xf32>, vector<1x16xf32>, vector<1x16xf32> -> vector<16x16xf32>
    %iota3A_167 = tpu.iota {dimensions = array<i32: 1>} : vector<16x16xi32>
    %iota3A_168 = tpu.iota {dimensions = array<i32: 0>} : vector<16x16xi32>
    %lt3A_169 = arith.cmpi slt, %iota3A_167, %iota3A_168 : vector<16x16xi32>
    %convert_element_type3A_170 = arith.extui %lt3A_169 : vector<16x16xi1> to vector<16x16xi32>
    %convert_element_type3A_171 = arith.sitofp %convert_element_type3A_170 : vector<16x16xi32> to vector<16x16xf32>
    %dot_general3A_172 = arith.constant dense<0.000000e+00> : vector<16x16xf32>
    %dot_general3A_173 = tpu.matmul %convert_element_type3A_171, %concatenate3A_166, %dot_general3A_172 {dimension_numbers = #tpu.dot_dimension_numbers<[1], [0], [0], [1], [0, 0, 1, 1], [], []>, transpose_lhs_hint = false} : vector<16x16xf32>, vector<16x16xf32>, vector<16x16xf32> -> vector<16x16xf32>
    %slice3A_174 = vector.extract_strided_slice %dot_general3A_173 {offsets = [0, 0], sizes = [1, 16], strides = [1, 1]} : vector<16x16xf32> to vector<1x16xf32>
    %squeeze3A = vector.shape_cast %slice3A_174 : vector<1x16xf32> to vector<16xf32>
    %broadcast_in_dim3A_175 = vector.shape_cast %squeeze3A : vector<16xf32> to vector<1x16xf32>
    %broadcast_in_dim3A_176 = vector.shape_cast %broadcast_in_dim3A_175 : vector<1x16xf32> to vector<1x16xf32>
    %broadcast_in_dim3A_177 = vector.broadcast %broadcast_in_dim3A_176 : vector<1x16xf32> to vector<256x16xf32>
    %slice3A_178 = vector.extract_strided_slice %dot_general3A_173 {offsets = [1, 0], sizes = [1, 16], strides = [1, 1]} : vector<16x16xf32> to vector<1x16xf32>
    %squeeze3A_179 = vector.shape_cast %slice3A_178 : vector<1x16xf32> to vector<16xf32>
    %broadcast_in_dim3A_180 = vector.shape_cast %squeeze3A_179 : vector<16xf32> to vector<1x16xf32>
    %broadcast_in_dim3A_181 = vector.shape_cast %broadcast_in_dim3A_180 : vector<1x16xf32> to vector<1x16xf32>
    %broadcast_in_dim3A_182 = vector.broadcast %broadcast_in_dim3A_181 : vector<1x16xf32> to vector<256x16xf32>
    %slice3A_183 = vector.extract_strided_slice %dot_general3A_173 {offsets = [2, 0], sizes = [1, 16], strides = [1, 1]} : vector<16x16xf32> to vector<1x16xf32>
    %squeeze3A_184 = vector.shape_cast %slice3A_183 : vector<1x16xf32> to vector<16xf32>
    %broadcast_in_dim3A_185 = vector.shape_cast %squeeze3A_184 : vector<16xf32> to vector<1x16xf32>
    %broadcast_in_dim3A_186 = vector.shape_cast %broadcast_in_dim3A_185 : vector<1x16xf32> to vector<1x16xf32>
    %broadcast_in_dim3A_187 = vector.broadcast %broadcast_in_dim3A_186 : vector<1x16xf32> to vector<256x16xf32>
    %slice3A_188 = vector.extract_strided_slice %dot_general3A_173 {offsets = [3, 0], sizes = [1, 16], strides = [1, 1]} : vector<16x16xf32> to vector<1x16xf32>
    %squeeze3A_189 = vector.shape_cast %slice3A_188 : vector<1x16xf32> to vector<16xf32>
    %broadcast_in_dim3A_190 = vector.shape_cast %squeeze3A_189 : vector<16xf32> to vector<1x16xf32>
    %broadcast_in_dim3A_191 = vector.shape_cast %broadcast_in_dim3A_190 : vector<1x16xf32> to vector<1x16xf32>
    %broadcast_in_dim3A_192 = vector.broadcast %broadcast_in_dim3A_191 : vector<1x16xf32> to vector<256x16xf32>
    %slice3A_193 = vector.extract_strided_slice %dot_general3A_173 {offsets = [4, 0], sizes = [1, 16], strides = [1, 1]} : vector<16x16xf32> to vector<1x16xf32>
    %squeeze3A_194 = vector.shape_cast %slice3A_193 : vector<1x16xf32> to vector<16xf32>
    %broadcast_in_dim3A_195 = vector.shape_cast %squeeze3A_194 : vector<16xf32> to vector<1x16xf32>
    %broadcast_in_dim3A_196 = vector.shape_cast %broadcast_in_dim3A_195 : vector<1x16xf32> to vector<1x16xf32>
    %broadcast_in_dim3A_197 = vector.broadcast %broadcast_in_dim3A_196 : vector<1x16xf32> to vector<256x16xf32>
    %slice3A_198 = vector.extract_strided_slice %dot_general3A_173 {offsets = [5, 0], sizes = [1, 16], strides = [1, 1]} : vector<16x16xf32> to vector<1x16xf32>
    %squeeze3A_199 = vector.shape_cast %slice3A_198 : vector<1x16xf32> to vector<16xf32>
    %broadcast_in_dim3A_200 = vector.shape_cast %squeeze3A_199 : vector<16xf32> to vector<1x16xf32>
    %broadcast_in_dim3A_201 = vector.shape_cast %broadcast_in_dim3A_200 : vector<1x16xf32> to vector<1x16xf32>
    %broadcast_in_dim3A_202 = vector.broadcast %broadcast_in_dim3A_201 : vector<1x16xf32> to vector<256x16xf32>
    %slice3A_203 = vector.extract_strided_slice %dot_general3A_173 {offsets = [6, 0], sizes = [1, 16], strides = [1, 1]} : vector<16x16xf32> to vector<1x16xf32>
    %squeeze3A_204 = vector.shape_cast %slice3A_203 : vector<1x16xf32> to vector<16xf32>
    %broadcast_in_dim3A_205 = vector.shape_cast %squeeze3A_204 : vector<16xf32> to vector<1x16xf32>
    %broadcast_in_dim3A_206 = vector.shape_cast %broadcast_in_dim3A_205 : vector<1x16xf32> to vector<1x16xf32>
    %broadcast_in_dim3A_207 = vector.broadcast %broadcast_in_dim3A_206 : vector<1x16xf32> to vector<256x16xf32>
    %slice3A_208 = vector.extract_strided_slice %dot_general3A_173 {offsets = [7, 0], sizes = [1, 16], strides = [1, 1]} : vector<16x16xf32> to vector<1x16xf32>
    %squeeze3A_209 = vector.shape_cast %slice3A_208 : vector<1x16xf32> to vector<16xf32>
    %broadcast_in_dim3A_210 = vector.shape_cast %squeeze3A_209 : vector<16xf32> to vector<1x16xf32>
    %broadcast_in_dim3A_211 = vector.shape_cast %broadcast_in_dim3A_210 : vector<1x16xf32> to vector<1x16xf32>
    %broadcast_in_dim3A_212 = vector.broadcast %broadcast_in_dim3A_211 : vector<1x16xf32> to vector<256x16xf32>
    %slice3A_213 = vector.extract_strided_slice %dot_general3A_173 {offsets = [8, 0], sizes = [1, 16], strides = [1, 1]} : vector<16x16xf32> to vector<1x16xf32>
    %squeeze3A_214 = vector.shape_cast %slice3A_213 : vector<1x16xf32> to vector<16xf32>
    %broadcast_in_dim3A_215 = vector.shape_cast %squeeze3A_214 : vector<16xf32> to vector<1x16xf32>
    %broadcast_in_dim3A_216 = vector.shape_cast %broadcast_in_dim3A_215 : vector<1x16xf32> to vector<1x16xf32>
    %broadcast_in_dim3A_217 = vector.broadcast %broadcast_in_dim3A_216 : vector<1x16xf32> to vector<256x16xf32>
    %slice3A_218 = vector.extract_strided_slice %dot_general3A_173 {offsets = [9, 0], sizes = [1, 16], strides = [1, 1]} : vector<16x16xf32> to vector<1x16xf32>
    %squeeze3A_219 = vector.shape_cast %slice3A_218 : vector<1x16xf32> to vector<16xf32>
    %broadcast_in_dim3A_220 = vector.shape_cast %squeeze3A_219 : vector<16xf32> to vector<1x16xf32>
    %broadcast_in_dim3A_221 = vector.shape_cast %broadcast_in_dim3A_220 : vector<1x16xf32> to vector<1x16xf32>
    %broadcast_in_dim3A_222 = vector.broadcast %broadcast_in_dim3A_221 : vector<1x16xf32> to vector<256x16xf32>
    %slice3A_223 = vector.extract_strided_slice %dot_general3A_173 {offsets = [10, 0], sizes = [1, 16], strides = [1, 1]} : vector<16x16xf32> to vector<1x16xf32>
    %squeeze3A_224 = vector.shape_cast %slice3A_223 : vector<1x16xf32> to vector<16xf32>
    %broadcast_in_dim3A_225 = vector.shape_cast %squeeze3A_224 : vector<16xf32> to vector<1x16xf32>
    %broadcast_in_dim3A_226 = vector.shape_cast %broadcast_in_dim3A_225 : vector<1x16xf32> to vector<1x16xf32>
    %broadcast_in_dim3A_227 = vector.broadcast %broadcast_in_dim3A_226 : vector<1x16xf32> to vector<256x16xf32>
    %slice3A_228 = vector.extract_strided_slice %dot_general3A_173 {offsets = [11, 0], sizes = [1, 16], strides = [1, 1]} : vector<16x16xf32> to vector<1x16xf32>
    %squeeze3A_229 = vector.shape_cast %slice3A_228 : vector<1x16xf32> to vector<16xf32>
    %broadcast_in_dim3A_230 = vector.shape_cast %squeeze3A_229 : vector<16xf32> to vector<1x16xf32>
    %broadcast_in_dim3A_231 = vector.shape_cast %broadcast_in_dim3A_230 : vector<1x16xf32> to vector<1x16xf32>
    %broadcast_in_dim3A_232 = vector.broadcast %broadcast_in_dim3A_231 : vector<1x16xf32> to vector<256x16xf32>
    %slice3A_233 = vector.extract_strided_slice %dot_general3A_173 {offsets = [12, 0], sizes = [1, 16], strides = [1, 1]} : vector<16x16xf32> to vector<1x16xf32>
    %squeeze3A_234 = vector.shape_cast %slice3A_233 : vector<1x16xf32> to vector<16xf32>
    %broadcast_in_dim3A_235 = vector.shape_cast %squeeze3A_234 : vector<16xf32> to vector<1x16xf32>
    %broadcast_in_dim3A_236 = vector.shape_cast %broadcast_in_dim3A_235 : vector<1x16xf32> to vector<1x16xf32>
    %broadcast_in_dim3A_237 = vector.broadcast %broadcast_in_dim3A_236 : vector<1x16xf32> to vector<256x16xf32>
    %slice3A_238 = vector.extract_strided_slice %dot_general3A_173 {offsets = [13, 0], sizes = [1, 16], strides = [1, 1]} : vector<16x16xf32> to vector<1x16xf32>
    %squeeze3A_239 = vector.shape_cast %slice3A_238 : vector<1x16xf32> to vector<16xf32>
    %broadcast_in_dim3A_240 = vector.shape_cast %squeeze3A_239 : vector<16xf32> to vector<1x16xf32>
    %broadcast_in_dim3A_241 = vector.shape_cast %broadcast_in_dim3A_240 : vector<1x16xf32> to vector<1x16xf32>
    %broadcast_in_dim3A_242 = vector.broadcast %broadcast_in_dim3A_241 : vector<1x16xf32> to vector<256x16xf32>
    %slice3A_243 = vector.extract_strided_slice %dot_general3A_173 {offsets = [14, 0], sizes = [1, 16], strides = [1, 1]} : vector<16x16xf32> to vector<1x16xf32>
    %squeeze3A_244 = vector.shape_cast %slice3A_243 : vector<1x16xf32> to vector<16xf32>
    %broadcast_in_dim3A_245 = vector.shape_cast %squeeze3A_244 : vector<16xf32> to vector<1x16xf32>
    %broadcast_in_dim3A_246 = vector.shape_cast %broadcast_in_dim3A_245 : vector<1x16xf32> to vector<1x16xf32>
    %broadcast_in_dim3A_247 = vector.broadcast %broadcast_in_dim3A_246 : vector<1x16xf32> to vector<256x16xf32>
    %slice3A_248 = vector.extract_strided_slice %dot_general3A_173 {offsets = [15, 0], sizes = [1, 16], strides = [1, 1]} : vector<16x16xf32> to vector<1x16xf32>
    %squeeze3A_249 = vector.shape_cast %slice3A_248 : vector<1x16xf32> to vector<16xf32>
    %broadcast_in_dim3A_250 = vector.shape_cast %squeeze3A_249 : vector<16xf32> to vector<1x16xf32>
    %broadcast_in_dim3A_251 = vector.shape_cast %broadcast_in_dim3A_250 : vector<1x16xf32> to vector<1x16xf32>
    %broadcast_in_dim3A_252 = vector.broadcast %broadcast_in_dim3A_251 : vector<1x16xf32> to vector<256x16xf32>
    %concatenate3A_253 = tpu.concatenate %broadcast_in_dim3A_177, %broadcast_in_dim3A_182, %broadcast_in_dim3A_187, %broadcast_in_dim3A_192, %broadcast_in_dim3A_197, %broadcast_in_dim3A_202, %broadcast_in_dim3A_207, %broadcast_in_dim3A_212, %broadcast_in_dim3A_217, %broadcast_in_dim3A_222, %broadcast_in_dim3A_227, %broadcast_in_dim3A_232, %broadcast_in_dim3A_237, %broadcast_in_dim3A_242, %broadcast_in_dim3A_247, %broadcast_in_dim3A_252 in 0 : vector<256x16xf32>, vector<256x16xf32>, vector<256x16xf32>, vector<256x16xf32>, vector<256x16xf32>, vector<256x16xf32>, vector<256x16xf32>, vector<256x16xf32>, vector<256x16xf32>, vector<256x16xf32>, vector<256x16xf32>, vector<256x16xf32>, vector<256x16xf32>, vector<256x16xf32>, vector<256x16xf32>, vector<256x16xf32> -> vector<4096x16xf32>
    %add3A_254 = arith.addf %concatenate3A_165, %concatenate3A_253 : vector<4096x16xf32>
    %mul3A_255 = arith.mulf %concatenate3A, %add3A_254 : vector<4096x16xf32>
    %reduce_sum3A_256 = arith.constant dense<0.000000e+00> : vector<4096xf32>
    %reduce_sum3A_257 = vector.multi_reduction <add>, %mul3A_255, %reduce_sum3A_256 [1] : vector<4096x16xf32> to vector<4096xf32>
    %reduce_sum3A_258 = arith.constant dense<0.000000e+00> : vector<16xf32>
    %reduce_sum3A_259 = vector.multi_reduction <add>, %concatenate3A, %reduce_sum3A_258 [0] : vector<4096x16xf32> to vector<16xf32>
    %add3A_260 = arith.constant 2.550000e+02 : f32
    %add3A_261 = vector.broadcast %add3A_260 : f32 to vector<16xf32>
    %add3A_262 = arith.addf %reduce_sum3A_259, %add3A_261 : vector<16xf32>
    %mul3A_263 = arith.constant 3.906250e-03 : f32
    %mul3A_264 = vector.broadcast %mul3A_263 : f32 to vector<16xf32>
    %mul3A_265 = arith.mulf %add3A_262, %mul3A_264 : vector<16xf32>
    %floor3A = math.floor %mul3A_265 : vector<16xf32>
    %iota3A_266 = tpu.iota {dimensions = array<i32: 1>} : vector<16x16xi32>
    %iota3A_267 = tpu.iota {dimensions = array<i32: 0>} : vector<16x16xi32>
    %lt3A_268 = arith.cmpi slt, %iota3A_266, %iota3A_267 : vector<16x16xi32>
    %convert_element_type3A_269 = arith.extui %lt3A_268 : vector<16x16xi1> to vector<16x16xi32>
    %convert_element_type3A_270 = arith.sitofp %convert_element_type3A_269 : vector<16x16xi32> to vector<16x16xf32>
    %broadcast_in_dim3A_271 = vector.shape_cast %floor3A : vector<16xf32> to vector<16x1xf32>
    %dot_general3A_272 = arith.constant dense<0.000000e+00> : vector<16x1xf32>
    %dot_general3A_273 = tpu.matmul %convert_element_type3A_270, %broadcast_in_dim3A_271, %dot_general3A_272 {dimension_numbers = #tpu.dot_dimension_numbers<[1], [0], [0], [1], [0, 0, 1, 1], [], []>, transpose_lhs_hint = false} : vector<16x16xf32>, vector<16x1xf32>, vector<16x1xf32> -> vector<16x1xf32>
    %squeeze3A_274 = vector.shape_cast %dot_general3A_273 : vector<16x1xf32> to vector<16xf32>
    %mul3A_275 = arith.constant 2.560000e+02 : f32
    %mul3A_276 = vector.broadcast %mul3A_275 : f32 to vector<16xf32>
    %mul3A_277 = arith.mulf %squeeze3A_274, %mul3A_276 : vector<16xf32>
    %broadcast_in_dim3A_278 = vector.shape_cast %mul3A_277 : vector<16xf32> to vector<1x16xf32>
    %mul3A_279 = vector.broadcast %broadcast_in_dim3A_278 : vector<1x16xf32> to vector<4096x16xf32>
    %mul3A_280 = arith.mulf %concatenate3A, %mul3A_279 : vector<4096x16xf32>
    %reduce_sum3A_281 = arith.constant dense<0.000000e+00> : vector<4096xf32>
    %reduce_sum3A_282 = vector.multi_reduction <add>, %mul3A_280, %reduce_sum3A_281 [1] : vector<4096x16xf32> to vector<4096xf32>
    %add3A_283 = arith.addf %reduce_sum3A_257, %reduce_sum3A_282 : vector<4096xf32>
    %add3A_284 = arith.addf %squeeze3A_274, %floor3A : vector<16xf32>
    %iota3A_285 = tpu.iota {dimensions = array<i32: 0>} : vector<64x16xi32>
    %convert_element_type3A_286 = arith.sitofp %iota3A_285 : vector<64x16xi32> to vector<64x16xf32>
    %broadcast_in_dim3A_287 = vector.shape_cast %add3A_284 : vector<16xf32> to vector<1x16xf32>
    %le3A = vector.broadcast %broadcast_in_dim3A_287 : vector<1x16xf32> to vector<64x16xf32>
    %le3A_288 = arith.cmpf ole, %le3A, %convert_element_type3A_286 : vector<64x16xf32>
    %convert_element_type3A_289 = arith.extui %le3A_288 : vector<64x16xi1> to vector<64x16xi32>
    %convert_element_type3A_290 = arith.sitofp %convert_element_type3A_289 : vector<64x16xi32> to vector<64x16xf32>
    %reduce_sum3A_291 = arith.constant dense<0.000000e+00> : vector<64xf32>
    %reduce_sum3A_292 = vector.multi_reduction <add>, %convert_element_type3A_290, %reduce_sum3A_291 [1] : vector<64x16xf32> to vector<64xf32>
    %min3A = arith.constant 1.500000e+01 : f32
    %min3A_293 = vector.broadcast %min3A : f32 to vector<64xf32>
    %min3A_294 = arith.minimumf %reduce_sum3A_292, %min3A_293 : vector<64xf32>
    %reduce_sum3A_295 = vector.shape_cast %floor3A : vector<16xf32> to vector<1x16xf32>
    %reduce_sum3A_296 = arith.constant dense<0.000000e+00> : vector<1xf32>
    %reduce_sum3A_297 = vector.multi_reduction <add>, %reduce_sum3A_295, %reduce_sum3A_296 [1] : vector<1x16xf32> to vector<1xf32>
    %reduce_sum3A_298 = vector.shape_cast %reduce_sum3A_297 : vector<1xf32> to vector<1x1xf32>
    %reduce_sum3A_299 = vector.extract %reduce_sum3A_298[0, 0] : f32 from vector<1x1xf32>
    %iota3A_300 = tpu.iota {dimensions = array<i32: 1>} : vector<1x64xi32>
    %iota3A_301 = vector.shape_cast %iota3A_300 : vector<1x64xi32> to vector<64xi32>
    %eq3A_302 = arith.constant 63 : i32
    %eq3A_303 = vector.broadcast %eq3A_302 : i32 to vector<64xi32>
    %eq3A_304 = arith.cmpi eq, %iota3A_301, %eq3A_303 : vector<64xi32>
    %broadcast_in_dim3A_305 = vector.broadcast %reduce_sum3A_299 : f32 to vector<64xf32>
    %select_n3A_306 = arith.select %eq3A_304, %broadcast_in_dim3A_305, %min3A_294 : vector<64xi1>, vector<64xf32>
    %convert_element_type3A_307 = arith.fptosi %add3A_283 : vector<4096xf32> to vector<4096xi32>
    %swap3A = arith.constant 0 : index
    %swap3A_308 = vector.load %arg3[%swap3A] : memref<4096xi32, #tpu.memory_space<vmem>>, vector<4096xi32>
    tpu.vector_store %arg3[%swap3A], %convert_element_type3A_307 {strides = array<i32>} : memref<4096xi32, #tpu.memory_space<vmem>>, vector<4096xi32>,
    %concatenate3A_309 = tpu.concatenate %div3A_52, %sub3A_55 in 0 : vector<2048xf32>, vector<2048xf32> -> vector<4096xf32>
    %broadcast_in_dim3A_310 = vector.shape_cast %concatenate3A_309 : vector<4096xf32> to vector<4096x1xf32>
    %broadcast_in_dim3A_311 = vector.shape_cast %broadcast_in_dim3A_310 : vector<4096x1xf32> to vector<4096x1xf32>
    %broadcast_in_dim3A_312 = vector.broadcast %broadcast_in_dim3A_311 : vector<4096x1xf32> to vector<4096x16xf32>
    %swap3A_313 = arith.constant 0 : index
    %swap3A_314 = arith.constant 0 : index
    %swap3A_315 = vector.load %arg4[%swap3A_313, %swap3A_314] : memref<4096x16xf32, #tpu.memory_space<vmem>>, vector<4096x16xf32>
    tpu.vector_store %arg4[%swap3A_313, %swap3A_314], %broadcast_in_dim3A_312 {strides = array<i32>} : memref<4096x16xf32, #tpu.memory_space<vmem>>, vector<4096x16xf32>,
    %convert_element_type3A_316 = arith.fptosi %select_n3A_306 : vector<64xf32> to vector<64xi32>
    %swap3A_317 = arith.constant 0 : index
    %swap3A_318 = vector.load %arg5[%swap3A_317] : memref<64xi32, #tpu.memory_space<vmem>>, vector<64xi32>
    tpu.vector_store %arg5[%swap3A_317], %convert_element_type3A_316 {strides = array<i32>} : memref<64xi32, #tpu.memory_space<vmem>>, vector<64xi32>,
    return
  }
}

module attributes {stable_mosaic.version = 14 : i64} {
  func.func @_ffn_kernel_skip(%arg0: i32, %arg1: memref<64xi32, #tpu.memory_space<smem>>, %arg2: memref<256x1024xf32, #tpu.memory_space<vmem>>, %arg3: memref<1x2048x1024xf32, #tpu.memory_space<vmem>>, %arg4: memref<1x1x2048xf32, #tpu.memory_space<vmem>>, %arg5: memref<1x2048x1024xf32, #tpu.memory_space<vmem>>, %arg6: memref<1x1x2048xf32, #tpu.memory_space<vmem>>, %arg7: memref<1x1024x2048xf32, #tpu.memory_space<vmem>>, %arg8: memref<1x1x1024xf32, #tpu.memory_space<vmem>>, %arg9: memref<256x1024xf32, #tpu.memory_space<vmem>>) attributes {dimension_semantics = [#tpu.dimension_semantics<arbitrary>], iteration_bounds = array<i64: 31>, scalar_prefetch = 1 : i64, scratch_operands = 0 : i64, tpu.core_type = #tpu.core_type<tc>, window_params = [{transform_indices = @transform_0, window_bounds = array<i64: 256, 1024>}, {transform_indices = @transform_1, window_bounds = array<i64: 1, 2048, 1024>}, {transform_indices = @transform_2, window_bounds = array<i64: 1, 1, 2048>}, {transform_indices = @transform_3, window_bounds = array<i64: 1, 2048, 1024>}, {transform_indices = @transform_4, window_bounds = array<i64: 1, 1, 2048>}, {transform_indices = @transform_5, window_bounds = array<i64: 1, 1024, 2048>}, {transform_indices = @transform_6, window_bounds = array<i64: 1, 1, 1024>}, {transform_indices = @transform_7, window_bounds = array<i64: 256, 1024>}]} {
    %get3A = arith.constant 63 : index
    %get3A_0 = memref.load %arg1[%get3A] : memref<64xi32, #tpu.memory_space<smem>>
    %lt3A = arith.cmpi slt, %arg0, %get3A_0 : i32
    %convert_element_type3A = arith.extui %lt3A : i1 to i32
    %cond3A = arith.constant 0 : i32
    %cond3A_1 = arith.cmpi ne, %convert_element_type3A, %cond3A : i32
    scf.if %cond3A_1 {
      %get3A_2 = arith.constant 0 : index
      %get3A_3 = arith.constant 0 : index
      %get3A_4 = vector.load %arg2[%get3A_2, %get3A_3] : memref<256x1024xf32, #tpu.memory_space<vmem>>, vector<256x1024xf32>
      %get3A_5 = arith.constant 0 : index
      %get3A_6 = arith.constant 0 : index
      %get3A_7 = arith.constant 0 : index
      %get3A_8 = vector.load %arg3[%get3A_5, %get3A_6, %get3A_7] : memref<1x2048x1024xf32, #tpu.memory_space<vmem>>, vector<1x2048x1024xf32>
      %get3A_9 = vector.shape_cast %get3A_8 : vector<1x2048x1024xf32> to vector<2048x1024xf32>
      %dot_general3A = arith.constant dense<0.000000e+00> : vector<256x2048xf32>
      %dot_general3A_10 = tpu.matmul %get3A_4, %get3A_9, %dot_general3A {dimension_numbers = #tpu.dot_dimension_numbers<[1], [1], [0], [0], [0, 0, 1, 0], [], []>, transpose_lhs_hint = false} : vector<256x1024xf32>, vector<2048x1024xf32>, vector<256x2048xf32> -> vector<256x2048xf32>
      %get3A_11 = arith.constant 0 : index
      %get3A_12 = arith.constant 0 : index
      %get3A_13 = arith.constant 0 : index
      %get3A_14 = vector.load %arg4[%get3A_11, %get3A_12, %get3A_13] : memref<1x1x2048xf32, #tpu.memory_space<vmem>>, vector<1x1x2048xf32>
      %get3A_15 = vector.shape_cast %get3A_14 : vector<1x1x2048xf32> to vector<1x2048xf32>
      %add3A = vector.broadcast %get3A_15 : vector<1x2048xf32> to vector<256x2048xf32>
      %add3A_16 = arith.addf %dot_general3A_10, %add3A : vector<256x2048xf32>
      %gt3A = arith.constant 1.000000e+00 : f32
      %gt3A_17 = vector.broadcast %gt3A : f32 to vector<256x2048xf32>
      %gt3A_18 = arith.cmpf ogt, %add3A_16, %gt3A_17 : vector<256x2048xf32>
      %convert_element_type3A_19 = arith.extui %gt3A_18 : vector<256x2048xi1> to vector<256x2048xi32>
      %convert_element_type3A_20 = arith.sitofp %convert_element_type3A_19 : vector<256x2048xi32> to vector<256x2048xf32>
      %get3A_21 = arith.constant 0 : index
      %get3A_22 = arith.constant 0 : index
      %get3A_23 = arith.constant 0 : index
      %get3A_24 = vector.load %arg5[%get3A_21, %get3A_22, %get3A_23] : memref<1x2048x1024xf32, #tpu.memory_space<vmem>>, vector<1x2048x1024xf32>
      %get3A_25 = vector.shape_cast %get3A_24 : vector<1x2048x1024xf32> to vector<2048x1024xf32>
      %dot_general3A_26 = arith.constant dense<0.000000e+00> : vector<256x2048xf32>
      %dot_general3A_27 = tpu.matmul %get3A_4, %get3A_25, %dot_general3A_26 {dimension_numbers = #tpu.dot_dimension_numbers<[1], [1], [0], [0], [0, 0, 1, 0], [], []>, transpose_lhs_hint = false} : vector<256x1024xf32>, vector<2048x1024xf32>, vector<256x2048xf32> -> vector<256x2048xf32>
      %get3A_28 = arith.constant 0 : index
      %get3A_29 = arith.constant 0 : index
      %get3A_30 = arith.constant 0 : index
      %get3A_31 = vector.load %arg6[%get3A_28, %get3A_29, %get3A_30] : memref<1x1x2048xf32, #tpu.memory_space<vmem>>, vector<1x1x2048xf32>
      %get3A_32 = vector.shape_cast %get3A_31 : vector<1x1x2048xf32> to vector<1x2048xf32>
      %add3A_33 = vector.broadcast %get3A_32 : vector<1x2048xf32> to vector<256x2048xf32>
      %add3A_34 = arith.addf %dot_general3A_27, %add3A_33 : vector<256x2048xf32>
      %mul3A = arith.mulf %convert_element_type3A_20, %add3A_34 : vector<256x2048xf32>
      %get3A_35 = arith.constant 0 : index
      %get3A_36 = arith.constant 0 : index
      %get3A_37 = arith.constant 0 : index
      %get3A_38 = vector.load %arg7[%get3A_35, %get3A_36, %get3A_37] : memref<1x1024x2048xf32, #tpu.memory_space<vmem>>, vector<1x1024x2048xf32>
      %get3A_39 = vector.shape_cast %get3A_38 : vector<1x1024x2048xf32> to vector<1024x2048xf32>
      %dot_general3A_40 = arith.constant dense<0.000000e+00> : vector<256x1024xf32>
      %dot_general3A_41 = tpu.matmul %mul3A, %get3A_39, %dot_general3A_40 {dimension_numbers = #tpu.dot_dimension_numbers<[1], [1], [0], [0], [0, 0, 1, 0], [], []>, transpose_lhs_hint = false} : vector<256x2048xf32>, vector<1024x2048xf32>, vector<256x1024xf32> -> vector<256x1024xf32>
      %get3A_42 = arith.constant 0 : index
      %get3A_43 = arith.constant 0 : index
      %get3A_44 = arith.constant 0 : index
      %get3A_45 = vector.load %arg8[%get3A_42, %get3A_43, %get3A_44] : memref<1x1x1024xf32, #tpu.memory_space<vmem>>, vector<1x1x1024xf32>
      %get3A_46 = vector.shape_cast %get3A_45 : vector<1x1x1024xf32> to vector<1x1024xf32>
      %add3A_47 = vector.broadcast %get3A_46 : vector<1x1024xf32> to vector<256x1024xf32>
      %add3A_48 = arith.addf %dot_general3A_41, %add3A_47 : vector<256x1024xf32>
      %swap3A = arith.constant 0 : index
      %swap3A_49 = arith.constant 0 : index
      %swap3A_50 = vector.load %arg9[%swap3A, %swap3A_49] : memref<256x1024xf32, #tpu.memory_space<vmem>>, vector<256x1024xf32>
      tpu.vector_store %arg9[%swap3A, %swap3A_49], %add3A_48 {strides = array<i32>} : memref<256x1024xf32, #tpu.memory_space<vmem>>, vector<256x1024xf32>,
    } else {
    }
    return
  }
  func.func @transform_0(%arg0: i32, %arg1: memref<64xi32, #tpu.memory_space<smem>>) -> (i32, i32) {
    %get3A = arith.constant 63 : index
    %get3A_0 = memref.load %arg1[%get3A] : memref<64xi32, #tpu.memory_space<smem>>
    %sub3A = arith.constant 1 : i32
    %sub3A_1 = arith.subi %get3A_0, %sub3A : i32
    %min3A = arith.minsi %arg0, %sub3A_1 : i32
    %c0_i32 = arith.constant 0 : i32
    %c0_i32_2 = arith.constant 0 : i32
    return %min3A, %c0_i32 : i32, i32
  }
  func.func @transform_1(%arg0: i32, %arg1: memref<64xi32, #tpu.memory_space<smem>>) -> (i32, i32, i32) {
    %get3A = arith.constant 63 : index
    %get3A_0 = memref.load %arg1[%get3A] : memref<64xi32, #tpu.memory_space<smem>>
    %sub3A = arith.constant 1 : i32
    %sub3A_1 = arith.subi %get3A_0, %sub3A : i32
    %min3A = arith.minsi %arg0, %sub3A_1 : i32
    %get3A_2 = arith.index_cast %min3A : i32 to index
    %get3A_3 = memref.load %arg1[%get3A_2] : memref<64xi32, #tpu.memory_space<smem>>
    %c0_i32 = arith.constant 0 : i32
    %c0_i32_4 = arith.constant 0 : i32
    %c0_i32_5 = arith.constant 0 : i32
    return %get3A_3, %c0_i32, %c0_i32_4 : i32, i32, i32
  }
  func.func @transform_2(%arg0: i32, %arg1: memref<64xi32, #tpu.memory_space<smem>>) -> (i32, i32, i32) {
    %get3A = arith.constant 63 : index
    %get3A_0 = memref.load %arg1[%get3A] : memref<64xi32, #tpu.memory_space<smem>>
    %sub3A = arith.constant 1 : i32
    %sub3A_1 = arith.subi %get3A_0, %sub3A : i32
    %min3A = arith.minsi %arg0, %sub3A_1 : i32
    %get3A_2 = arith.index_cast %min3A : i32 to index
    %get3A_3 = memref.load %arg1[%get3A_2] : memref<64xi32, #tpu.memory_space<smem>>
    %c0_i32 = arith.constant 0 : i32
    %c0_i32_4 = arith.constant 0 : i32
    %c0_i32_5 = arith.constant 0 : i32
    return %get3A_3, %c0_i32, %c0_i32_4 : i32, i32, i32
  }
  func.func @transform_3(%arg0: i32, %arg1: memref<64xi32, #tpu.memory_space<smem>>) -> (i32, i32, i32) {
    %get3A = arith.constant 63 : index
    %get3A_0 = memref.load %arg1[%get3A] : memref<64xi32, #tpu.memory_space<smem>>
    %sub3A = arith.constant 1 : i32
    %sub3A_1 = arith.subi %get3A_0, %sub3A : i32
    %min3A = arith.minsi %arg0, %sub3A_1 : i32
    %get3A_2 = arith.index_cast %min3A : i32 to index
    %get3A_3 = memref.load %arg1[%get3A_2] : memref<64xi32, #tpu.memory_space<smem>>
    %c0_i32 = arith.constant 0 : i32
    %c0_i32_4 = arith.constant 0 : i32
    %c0_i32_5 = arith.constant 0 : i32
    return %get3A_3, %c0_i32, %c0_i32_4 : i32, i32, i32
  }
  func.func @transform_4(%arg0: i32, %arg1: memref<64xi32, #tpu.memory_space<smem>>) -> (i32, i32, i32) {
    %get3A = arith.constant 63 : index
    %get3A_0 = memref.load %arg1[%get3A] : memref<64xi32, #tpu.memory_space<smem>>
    %sub3A = arith.constant 1 : i32
    %sub3A_1 = arith.subi %get3A_0, %sub3A : i32
    %min3A = arith.minsi %arg0, %sub3A_1 : i32
    %get3A_2 = arith.index_cast %min3A : i32 to index
    %get3A_3 = memref.load %arg1[%get3A_2] : memref<64xi32, #tpu.memory_space<smem>>
    %c0_i32 = arith.constant 0 : i32
    %c0_i32_4 = arith.constant 0 : i32
    %c0_i32_5 = arith.constant 0 : i32
    return %get3A_3, %c0_i32, %c0_i32_4 : i32, i32, i32
  }
  func.func @transform_5(%arg0: i32, %arg1: memref<64xi32, #tpu.memory_space<smem>>) -> (i32, i32, i32) {
    %get3A = arith.constant 63 : index
    %get3A_0 = memref.load %arg1[%get3A] : memref<64xi32, #tpu.memory_space<smem>>
    %sub3A = arith.constant 1 : i32
    %sub3A_1 = arith.subi %get3A_0, %sub3A : i32
    %min3A = arith.minsi %arg0, %sub3A_1 : i32
    %get3A_2 = arith.index_cast %min3A : i32 to index
    %get3A_3 = memref.load %arg1[%get3A_2] : memref<64xi32, #tpu.memory_space<smem>>
    %c0_i32 = arith.constant 0 : i32
    %c0_i32_4 = arith.constant 0 : i32
    %c0_i32_5 = arith.constant 0 : i32
    return %get3A_3, %c0_i32, %c0_i32_4 : i32, i32, i32
  }
  func.func @transform_6(%arg0: i32, %arg1: memref<64xi32, #tpu.memory_space<smem>>) -> (i32, i32, i32) {
    %get3A = arith.constant 63 : index
    %get3A_0 = memref.load %arg1[%get3A] : memref<64xi32, #tpu.memory_space<smem>>
    %sub3A = arith.constant 1 : i32
    %sub3A_1 = arith.subi %get3A_0, %sub3A : i32
    %min3A = arith.minsi %arg0, %sub3A_1 : i32
    %get3A_2 = arith.index_cast %min3A : i32 to index
    %get3A_3 = memref.load %arg1[%get3A_2] : memref<64xi32, #tpu.memory_space<smem>>
    %c0_i32 = arith.constant 0 : i32
    %c0_i32_4 = arith.constant 0 : i32
    %c0_i32_5 = arith.constant 0 : i32
    return %get3A_3, %c0_i32, %c0_i32_4 : i32, i32, i32
  }
  func.func @transform_7(%arg0: i32, %arg1: memref<64xi32, #tpu.memory_space<smem>>) -> (i32, i32) {
    %get3A = arith.constant 63 : index
    %get3A_0 = memref.load %arg1[%get3A] : memref<64xi32, #tpu.memory_space<smem>>
    %sub3A = arith.constant 1 : i32
    %sub3A_1 = arith.subi %get3A_0, %sub3A : i32
    %min3A = arith.minsi %arg0, %sub3A_1 : i32
    %c0_i32 = arith.constant 0 : i32
    %c0_i32_2 = arith.constant 0 : i32
    return %min3A, %c0_i32 : i32, i32
  }
}

</mosaic_0001>

<sc_bundles>
// kernel: kernel.6.cloned.1.call-start
scs
__scs_entry_jumppad:
0x0: {  	(pc) =	sbr.rel $0x88, $3  }
0x1: {  	(tag) =	ssettag $0x0;
	lr =	simm.s32 $0x1  }
0x2: {  	[smem:$0x3F98] =	sst lr;
	_ =	strace $0xD0000000  }
0x3: {  	_ = 	snop  }
0x4: {  	_ = 	snop  }
0x5: {  	_ = 	snop  }
0x6: {  	_ = 	snop  }
0x7: {  	_ = 	snop  }
__scs_overlays_trampoline_lowered:
0x8: {  	[smem:$0x3FA7] =	sst s0  }
0x9: {  	[smem:$0x3FA8] =	sst s1  }
0xa: {  	[smem:$0x3FA9] =	sst s2  }
0xb: {  	[smem:$0x3FAA] =	sst s3  }
0xc: {  	[smem:$0x3FAB] =	sst s4  }
0xd: {  	[smem:$0x3FAC] =	sst s5  }
0xe: {  	[smem:$0x3FAD] =	sst s6  }
0xf: {  	[smem:$0x3FAE] =	sst s7  }
0x10: {  	[smem:$0x3FAF] =	sst s8  }
0x11: {  	[smem:$0x3FB0] =	sst s9;
	s0 =	simm.s32 @!p0 $0x0  }
0x12: {  	s1 =	sld [smem:$0x3F96];
	s0 =	simm.s32 @p0 $0x1  }
0x13: {  	[smem:$0x3FB1] =	sst s0;
	s0 =	simm.s32 @!p1 $0x0  }
0x14: {  	s2 =	sld [smem:$0x3F95];
	s0 =	simm.s32 @p1 $0x1  }
0x15: {  	[smem:$0x3FB2] =	sst s0;
	s0 =	simm.s32 @!p2 $0x0  }
0x16: {  	s3 =	sld [smem:$0x3FDB];
	s0 =	simm.s32 @p2 $0x1  }
0x17: {  	s4 =	simm.s32 $0x1BF5;
	[smem:$0x3FB4] =	sst s0  }
0x18: {  	s0 =	sld [smem:$0x3F97];
	_ =	swait.ge [sflag:s4], $0x0  }
0x19: {  	s7 =	sld [smem:$0x3F98]  }
0x1a: {  	s8 =	sadd.s32 $0xFFFFE003, lr  }
0x1b: {  	s9 =	sadd.s32 $0xFFFFFEF7, lr;
	s5 =	simm.s32 $0xFFFFFFFF;
	p2 =	slt.u32 s8, $0xFFFFF086  }
0x1c: {  	p1 =	slt.u32 s9, $0xF7A;
	s5 =	simm.s32 @!p2 $0x0  }
0x1d: {  	s5 =	simm.s32 @p1 $0x1;
	p0 =	seq.s32 s7, s2  }
0x1e: {  	s7 =	smul.u32 @!p0 $0xF7A, s2;
	p2 =	seq.s32 @!p0 s5, $0x0  }
0x1f: {  	s9 =	smul.u32 $0xF7A, s1;
	s8 =	simm.s32 @!p0 $0x1BF5;
	p2 =	por !p2, p0  }
0x20: {  	[sflag:s8] =	ssyncset.s32 @!p0 $0xFFFFF086;
	s6 =	sadd.s32 @!p0 s3, s7;
	s7 =	simm.s32 @!p0 $0x108  }
0x21: {  	s3 =	sadd.s32 s3, s9;
	s6 =	sadd.s32 @!p0 $0x88, s6;
	s7 =	simm.s32 @p2 $0x1082  }
0x22: {  	[simem:s7], [sflag:s8] =	dma.local @!p0 [hbm:s6], $0xF7A  }
0x23: {  	s9 =	sor.u32 $0xD0000000, s2;
	s6 =	simm.s32 $0x108;
	_ =	swait.ge @!p0 [sflag:s8], $0x0  }
0x24: {  	s3 =	sadd.s32 $0x88, s3;
	s6 =	simm.s32 @!p1 $0x1082;
	[sflag:s4] =	ssyncset.s32 $0xFFFFF086  }
0x25: {  	[simem:s6], [sflag:s4] =	dma.local [hbm:s3], $0xF7A  }
0x26: {  	[smem:$0x3F98] =	sst s1;
	(tag) =	ssettag s2;
	_ =	strace s9  }
0x27: {  	s1 =	sld [smem:$0x3FA8]  }
0x28: {  	s2 =	sld [smem:$0x3FA9]  }
0x29: {  	s4 =	sld [smem:$0x3FAB]  }
0x2a: {  	p0 =	seq.s32 s5, $0x0;
	s5 =	sld [smem:$0x3FAC]  }
0x2b: {  	s6 =	sld [smem:$0x3FAD]  }
0x2c: {  	s7 =	sld [smem:$0x3FAE]  }
0x2d: {  	s3 =	simm.s32 $0x108;
	s8 =	sld [smem:$0x3FAF]  }
0x2e: {  	s3 =	simm.s32 @!p0 $0x1082;
	s9 =	sld [smem:$0x3FB0]  }
0x2f: {  	lr =	sadd.s32 s0, s3;
	s0 =	sld [smem:$0x3FA7]  }
0x30: {  	s3 =	sld [smem:$0x3FAA]  }
0x31: {  	[smem:$0x3FB3] =	sst s10  }
0x32: {  	s10 =	sld [smem:$0x3FB1];
	_ =	sdelay $0x3  }
0x33: {  	p0 =	seq.s32 s10, $0x1;
	s10 =	sld [smem:$0x3FB3];
	_ =	sdelay $0x3  }
0x34: {  	[smem:$0x3FB3] =	sst s10  }
0x35: {  	s10 =	sld [smem:$0x3FB2];
	_ =	sdelay $0x3  }
0x36: {  	p1 =	seq.s32 s10, $0x1;
	s10 =	sld [smem:$0x3FB3];
	_ =	sdelay $0x3  }
0x37: {  	[smem:$0x3FB3] =	sst s10  }
0x38: {  	s10 =	sld [smem:$0x3FB4]  }
0x39: {  	_ = 	snop;
	(pc) =	sbr.ind lr, $3  }
0x3a: {  	_ = 	snop  }
0x3b: {  	_ = 	snop  }
0x3c: {  	p2 =	seq.s32 s10, $0x1;
	s10 =	sld [smem:$0x3FB3]  }
0x3d: {  	_ =	shalt  }
0x3e: {  	_ =	shalt  }
0x3f: {  	_ =	shalt  }
0x40: {  	_ =	shalt  }
0x41: {  	_ =	shalt  }
0x42: {  	_ =	shalt  }
0x43: {  	_ =	shalt  }
0x44: {  	_ =	shalt  }
0x45: {  	_ =	shalt  }
0x46: {  	_ =	shalt  }
0x47: {  	_ =	shalt  }
0x48: {  	_ =	shalt  }
0x49: {  	_ =	shalt  }
0x4a: {  	_ =	shalt  }
0x4b: {  	_ =	shalt  }
0x4c: {  	_ =	shalt  }
0x4d: {  	_ =	shalt  }
0x4e: {  	_ =	shalt  }
0x4f: {  	_ =	shalt  }
0x50: {  	_ =	shalt  }
0x51: {  	_ =	shalt  }
0x52: {  	_ =	shalt  }
0x53: {  	_ =	shalt  }
0x54: {  	_ =	shalt  }
0x55: {  	_ =	shalt  }
0x56: {  	_ =	shalt  }
0x57: {  	_ =	shalt  }
0x58: {  	_ =	shalt  }
0x59: {  	_ =	shalt  }
0x5a: {  	_ =	shalt  }
0x5b: {  	_ =	shalt  }
0x5c: {  	_ =	shalt  }
0x5d: {  	_ =	shalt  }
0x5e: {  	_ =	shalt  }
0x5f: {  	_ =	shalt  }
0x60: {  	_ =	shalt  }
0x61: {  	_ =	shalt  }
0x62: {  	_ =	shalt  }
0x63: {  	_ =	shalt  }
0x64: {  	_ =	shalt  }
0x65: {  	_ =	shalt  }
0x66: {  	_ =	shalt  }
0x67: {  	_ =	shalt  }
0x68: {  	_ =	shalt  }
0x69: {  	_ =	shalt  }
0x6a: {  	_ =	shalt  }
0x6b: {  	_ =	shalt  }
0x6c: {  	_ =	shalt  }
0x6d: {  	_ =	shalt  }
0x6e: {  	_ =	shalt  }
0x6f: {  	_ =	shalt  }
0x70: {  	_ =	shalt  }
0x71: {  	_ =	shalt  }
0x72: {  	_ =	shalt  }
0x73: {  	_ =	shalt  }
0x74: {  	_ =	shalt  }
0x75: {  	_ =	shalt  }
0x76: {  	_ =	shalt  }
0x77: {  	_ =	shalt  }
0x78: {  	_ =	shalt  }
0x79: {  	_ =	shalt  }
0x7a: {  	_ =	shalt  }
0x7b: {  	_ =	shalt  }
0x7c: {  	_ =	shalt  }
0x7d: {  	_ =	shalt  }
0x7e: {  	_ =	shalt  }
0x7f: {  	_ =	shalt  }
0x80: {  	_ =	shalt  }
0x81: {  	_ =	shalt  }
0x82: {  	_ =	shalt  }
0x83: {  	_ =	shalt  }
0x84: {  	_ =	shalt  }
0x85: {  	_ =	shalt  }
0x86: {  	_ =	shalt  }
0x87: {  	_ =	shalt  }
.Lfunc_end0:
.L_simem_size_0:
called_computation_lowered:
.L_overlay_start_0:
0x88: {  	s2 =	sld [smem:$0x3FD9]  }
0x89: {  	s3 =	sld [smem:$0x3FFE];
	_ =	sdelay $0x1  }
0x8a: {  	s1 =	srdreg.scid  }
0x8b: {  	s0 =	sand.u32 $0x1, s1  }
0x8c: {  	s17 =	sshll.u32 s0, $0xA;
	s2 =	sadd.s32 s3, s2  }
0x8d: {  	s2 =	sadd.s32 s2, s17  }
0x8e: {  	[smem:$0x3FBF] =	sst s2  }
0x8f: {  	_ = 	snop  }
0x90: {  	s2 =	sld [smem:$0x3FC9];
	(tm) =	ssettm $0x1  }
0x91: {  	s18 =	sld [smem:$0x3FFB];
	_ =	sdelay $0x3  }
0x92: {  	_ =	strace s18  }
0x93: {  	s3 =	sld [smem:$0x3FFC];
	_ =	sdelay $0x3  }
0x94: {  	_ =	strace s3  }
0x95: {  	s3 =	sld [smem:$0x3FFD];
	_ =	sdelay $0x3  }
0x96: {  	_ =	strace s3  }
0x97: {  	_ =	strace $0x8FFFFFFF  }
0x98: {  	s19 =	sld [smem:$0x3FDB];
	_ =	sdelay $0x1  }
0x99: {  	s4 =	simm.s32 $_scs_section_size  }
0x9a: {  	s5 =	simm.s32 $_size__tile_overlayer_lowered;
	s6 =	simm.s32 $_tile_overlayer_lowered  }
0x9b: {  	s22 =	simm.s32 $0x1BFF;
	s21 =	sshll.u32 s6, $0x1;
	s3 =	sadd.s32 s4, s19  }
0x9c: {  	s7 =	simm.s32 $0x0;
	s20 =	sshll.u32 s5, $0x1;
	s5 =	sadd.s32 s21, s3  }
0x9d: {  	[timem:s7], [sflag:s22] =	dma.local [hbm:s5], s20  }
0x9e: {  	_ =	swait.ge [sflag:s22], s20  }
0x9f: {  	s4 =	ssub.s32 $0x0, s20;
	[sflag:s22] =	ssyncset.done $0x0  }
0xa0: {  	[sflag:s22] =	ssyncadd.s32 s4;
	_ =	sdelay $0x1  }
0xa1: {  	s23 =	simm.s32 $0x1B8B  }
0xa2: {  	_ =	swait.ge [sflag:s23], $0x1  }
0xa3: {  	[sflag:s23] =	ssyncset.done $0x0  }
0xa4: {  	s25 =	simm.s32 $0x1B8E;
	s24 =	sld [smem:$0x3FFE];
	[sflag:s23] =	ssyncadd.s32 $0xFFFFFFFF  }
0xa5: {  	s26 =	simm.s32 $execute0_lowered;
	[smem:$0x3FD2] =	sst s25  }
0xa6: {  	s5 =	sshll.u32 s26, $0x1;
	_ =	strace $0x80000046;
	[dreg:$0x1] =	wrdreg $0xFFFFFFFF  }
0xa7: {  	s28 =	simm.s32 $_size_execute0_lowered;
	s3 =	sadd.s32 s3, s5;
	[dreg:$0x0] =	wrdreg $0x0  }
0xa8: {  	s5 =	sshll.u32 s28, $0x1;
	[dreg:$0x2] =	wrdreg s3  }
0xa9: {  	[dreg:$0x3] =	wrdreg s5  }
0xaa: {  	[dreg:$0x4] =	wrdreg $0xC0  }
0xab: {  	_ =	task [dreg:s7], $0x5FFFF  }
0xac: {  	[dreg:$0x1] =	wrdreg $0xFFFFFFFF  }
0xad: {  	[dreg:$0x0] =	wrdreg $0x60  }
0xae: {  	[dreg:$0x2] =	wrdreg s24  }
0xaf: {  	[dreg:$0x3] =	wrdreg s2  }
0xb0: {  	[dreg:$0x4] =	wrdreg $0x9  }
0xb1: {  	_ =	task.clear_ibuf [dreg:s7], $0x5FFFF;
	_ =	strace $0x90000046  }
0xb2: {  	s29 =	simm.s32 $0x9;
	_ =	strace $0x80000048  }
0xb3: {  	_ =	swait.ge [sflag:s29], $0x1  }
0xb4: {  	[sflag:s29] =	ssyncadd.s32 $0xFFFFFFFF  }
0xb5: {  	_ =	strace $0x90000048  }
0xb6: {  	_ =	sfence  }
0xb7: {  	s30 =	sld [smem:$0x0];
	_ =	sdelay $0x2  }
0xb8: {  	s31 =	sshll.u32 s1, $0xD;
	s1 =	sshrl.u32 s1, $0x2  }
0xb9: {  	s3 =	sand.u32 $0x4000, s31;
	s1 =	sadd.s32 s1, s30  }
0xba: {  	s0 =	sor.u32 s3, s0;
	s1 =	sshll.u32 s1, $0x11  }
0xbb: {  	s0 =	sor.u32 s1, s0  }
0xbc: {  	s0 =	sadd.s32 $0x8F2B, s0  }
0xbd: {  	[sflag:s0] =	ssyncadd.remote.s32 $0x1  }
0xbe: {  	_ =	sfence.sel $0xFFFF  }
0xbf: {  	[dreg:$0x0] =	wrdreg $0xFFFFFFFF;
	(pc) =	sbr.abs _section_cstart, $3  }
0xc0: {  	[dreg:$0x1] =	wrdreg $0xFFFFFFFF  }
0xc1: {  	_ =	task.clear_ibuf [dreg:s7], $0x2FFFF;
	_ =	strace $0x9FFFFFFF  }
0xc2: {  	(tm) =	ssettm $0x7FFFFFFF  }
0xc3: {  	_ =	shalt  }
tec
execute0_lowered:
.L_overlay_start_1:
0x0: {  	(tag) =	ssettag $0x1  }
0x1: {  	s0 =	rddreg [dreg:$0x0];
	s1 =	srdreg.scid  }
0x2: {  	s2 =	stileid.u32;
	s4 =	rddreg [dreg:$0x1];
	s9 =	simm.s32 $0x2  }
0x3: {  	s19 =	simm.s32 $0x1;
	s21 =	simm.s32 $0x900;
	s22 =	simm.s32 $0x1100  }
0x4: {  	s23 =	simm.s32 $0x1900;
	s24 =	simm.s32 $0x2100;
	s25 =	simm.s32 $0x2900  }
0x5: {  	s28 =	simm.s32 $0x3900;
	s29 =	simm.s32 $0x4100;
	s30 =	simm.s32 $0x4900  }
0x6: {  	s31 =	simm.s32 $0x5100;
	s11 =	simm.s32 $0x6900;
	s12 =	simm.s32 $0x7100  }
0x7: {  	s13 =	simm.s32 $0x8100;
	s14 =	simm.s32 $0x8900;
	s15 =	simm.s32 $0x9100  }
0x8: {  	s16 =	simm.s32 $0x9900;
	s17 =	simm.s32 $0xA100;
	s18 =	simm.s32 $0xA900  }
0x9: {  	s1 =	sand.u32 $0x1, s1;
	s3 =	sshll.u32 s2, $0x1;
	s2 =	simm.s32 $0x0  }
0xa: {  	s10 =	simm.s32 $0xB100;
	s5 =	sor.u32 s1, s3;
	[smem:$0x7FF] =	sst s2  }
0xb: {  	s1 =	ssub.s32 $0x2, s1;
	s3 =	sshll.u32 s5, $0x5;
	_ =	strace $0x80000047  }
0xc: {  	s7 =	sshrl.u32 s1, $0x1;
	s5 =	sshll.u32 s5, $0xE;
	s6 =	sadd.s32 s3, s0  }
0xd: {  	s3 =	sadd.s32 $0x12400, s0;
	s1 =	ssub.s32 s1, s7;
	s5 =	sand.u32 $0x3C000, s5  }
0xe: {  	s7 =	sadd.s32 $0x12700, s0;
	s6 =	sadd.s32 $0x12000, s6;
	s4 =	sadd.s32 s4, s5  }
0xf: {  	v2 =	vlaneseq.u32;
	s5 =	sadd.s32 $0x12500, s0;
	s8 =	smax.u32 s1, $0x1;
	[dreg:$0x3] =	wrdreg s6  }
0x10: {  	vm0 =	vmmov $0xffff;
	v1 =	vshrl.u32 v2, $0x3;
	s1 =	simm.s32 $0x5900;
	[dreg:$0x5] =	wrdreg s4;
	s26 =	sadd.s32 $0x2000, s4  }
0x11: {  	v0 =	vand.u32 $0x7, v2;
	v2 =	vor.u32 $0x8, v2;
	v1 =	vmul.u32 $0x8, v1;
	s6 =	sadd.s32 $0x12600, s0;
	[dreg:$0x4] =	wrdreg s26;
	s26 =	simm.s32 $0x3100  }
.LBB2_1:
0x12: {  	s20 =	rddreg [dreg:$0x3]  }
0x13: {  	[tilespmem:s2], [sflag:$0x2] =	stream.linear.gather [hbm4b:s20+s2], $0x100, $0x38;
	[tilespmem:$0x10100] =	vst v63  }
0x14: {  	_ =	swait.ge [sflag:s9], $0x100  }
0x15: {  	[sflag:s9] =	ssyncset.done $0x0  }
0x16: {  	s0 =	simm.s32 $0x100;
	s4 =	rddreg [dreg:$0x5];
	[sflag:s9] =	ssyncadd.s32 $0xFFFFFF00  }
0x17: {  	[tilespmem:s0], [sflag:$0x2] =	stream.linear.gather [hbm4b:s4+s2], $0x10000, $0x38;
	[tilespmem:$0x10100] =	vst v63  }
0x18: {  	_ =	swait.ge [sflag:s9], $0x10000  }
0x19: {  	[sflag:s9] =	ssyncset.done $0x0  }
0x1a: {  	[sflag:s9] =	ssyncadd.s32 $0xFFFF0000  }
0x1b: {  	v3 =	vld [tilespmem:$0x0];
	_ =	sdelay $0x4  }
0x1c: {  	v4 =	vshll.u32 v3, $0x3  }
0x1d: {  	v3 =	vand.u32 $0x7, v3;
	v4 =	vand.u32 $0xFFFFFFC0, v4  }
0x1e: {  	v3 =	vor.u32 v3, v4  }
0x1f: {  	v4 =	vperm.xlane v3, v0;
	_ =	sdelay $0x1  }
0x20: {  	v4 =	vadd.s32 v1, v4;
	_ =	sdelay $0x4  }
0x21: {  	[hbm4b:s3+s2] =	stream.indirect_vreg.scatter [tilespmem:s0], [sflag:$0x1], $0x80, v4, vm0, $0xb8;
	[tilespmem:$0x10100] =	vst v63  }
0x22: {  	v3 =	vperm.xlane v3, v2  }
0x23: {  	[hbm4b:s5+s2] =	stream.indirect_vreg.scatter [tilespmem:s21], [sflag:$0x1], $0x80, v4, vm0, $0xb8;
	[tilespmem:$0x10100] =	vst v63  }
0x24: {  	v3 =	vadd.s32 v1, v3  }
0x25: {  	[hbm4b:s6+s2] =	stream.indirect_vreg.scatter [tilespmem:s22], [sflag:$0x1], $0x80, v4, vm0, $0xb8;
	[tilespmem:$0x10100] =	vst v63  }
0x26: {  	_ = 	snop  }
0x27: {  	[hbm4b:s7+s2] =	stream.indirect_vreg.scatter [tilespmem:s23], [sflag:$0x1], $0x80, v4, vm0, $0xb8;
	[tilespmem:$0x10100] =	vst v63  }
0x28: {  	_ = 	snop  }
0x29: {  	[hbm4b:s3+s2] =	stream.indirect_vreg.scatter [tilespmem:s24], [sflag:$0x1], $0x80, v3, vm0, $0xb8;
	[tilespmem:$0x10100] =	vst v63  }
0x2a: {  	_ = 	snop  }
0x2b: {  	[hbm4b:s5+s2] =	stream.indirect_vreg.scatter [tilespmem:s25], [sflag:$0x1], $0x80, v3, vm0, $0xb8;
	[tilespmem:$0x10100] =	vst v63  }
0x2c: {  	_ = 	snop  }
0x2d: {  	[hbm4b:s6+s2] =	stream.indirect_vreg.scatter [tilespmem:s26], [sflag:$0x1], $0x80, v3, vm0, $0xb8;
	[tilespmem:$0x10100] =	vst v63  }
0x2e: {  	_ = 	snop  }
0x2f: {  	[hbm4b:s7+s2] =	stream.indirect_vreg.scatter [tilespmem:s28], [sflag:$0x1], $0x80, v3, vm0, $0xb8;
	[tilespmem:$0x10100] =	vst v63  }
0x30: {  	v3 =	vld [tilespmem:$0x10];
	_ =	sdelay $0x4  }
0x31: {  	v57 =	vshll.u32 v3, $0x3  }
0x32: {  	v3 =	vand.u32 $0x7, v3;
	v4 =	vand.u32 $0xFFFFFFC0, v57  }
0x33: {  	v3 =	vor.u32 v3, v4  }
0x34: {  	v4 =	vperm.xlane v3, v0;
	_ =	sdelay $0x1  }
0x35: {  	v4 =	vadd.s32 v1, v4;
	_ =	sdelay $0x4  }
0x36: {  	[hbm4b:s3+s2] =	stream.indirect_vreg.scatter [tilespmem:s29], [sflag:$0x1], $0x80, v4, vm0, $0xb8;
	[tilespmem:$0x10100] =	vst v63  }
0x37: {  	v3 =	vperm.xlane v3, v2  }
0x38: {  	[hbm4b:s5+s2] =	stream.indirect_vreg.scatter [tilespmem:s30], [sflag:$0x1], $0x80, v4, vm0, $0xb8;
	[tilespmem:$0x10100] =	vst v63  }
0x39: {  	v3 =	vadd.s32 v1, v3  }
0x3a: {  	[hbm4b:s6+s2] =	stream.indirect_vreg.scatter [tilespmem:s31], [sflag:$0x1], $0x80, v4, vm0, $0xb8;
	[tilespmem:$0x10100] =	vst v63  }
0x3b: {  	_ = 	snop  }
0x3c: {  	[hbm4b:s7+s2] =	stream.indirect_vreg.scatter [tilespmem:s1], [sflag:$0x1], $0x80, v4, vm0, $0xb8;
	[tilespmem:$0x10100] =	vst v63  }
0x3d: {  	s4 =	simm.s32 $0x6100  }
0x3e: {  	[hbm4b:s3+s2] =	stream.indirect_vreg.scatter [tilespmem:s4], [sflag:$0x1], $0x80, v3, vm0, $0xb8;
	[tilespmem:$0x10100] =	vst v63  }
0x3f: {  	_ = 	snop  }
0x40: {  	[hbm4b:s5+s2] =	stream.indirect_vreg.scatter [tilespmem:s11], [sflag:$0x1], $0x80, v3, vm0, $0xb8;
	[tilespmem:$0x10100] =	vst v63  }
0x41: {  	_ = 	snop  }
0x42: {  	[hbm4b:s6+s2] =	stream.indirect_vreg.scatter [tilespmem:s12], [sflag:$0x1], $0x80, v3, vm0, $0xb8;
	[tilespmem:$0x10100] =	vst v63  }
0x43: {  	s4 =	simm.s32 $0x7900  }
0x44: {  	[hbm4b:s7+s2] =	stream.indirect_vreg.scatter [tilespmem:s4], [sflag:$0x1], $0x80, v3, vm0, $0xb8;
	[tilespmem:$0x10100] =	vst v63  }
0x45: {  	v3 =	vld [tilespmem:$0x20];
	_ =	sdelay $0x4  }
0x46: {  	v58 =	vshll.u32 v3, $0x3  }
0x47: {  	v3 =	vand.u32 $0x7, v3;
	v4 =	vand.u32 $0xFFFFFFC0, v58  }
0x48: {  	v3 =	vor.u32 v3, v4  }
0x49: {  	v4 =	vperm.xlane v3, v0;
	_ =	sdelay $0x1  }
0x4a: {  	v4 =	vadd.s32 v1, v4;
	_ =	sdelay $0x4  }
0x4b: {  	[hbm4b:s3+s2] =	stream.indirect_vreg.scatter [tilespmem:s13], [sflag:$0x1], $0x80, v4, vm0, $0xb8;
	[tilespmem:$0x10100] =	vst v63  }
0x4c: {  	v3 =	vperm.xlane v3, v2  }
0x4d: {  	[hbm4b:s5+s2] =	stream.indirect_vreg.scatter [tilespmem:s14], [sflag:$0x1], $0x80, v4, vm0, $0xb8;
	[tilespmem:$0x10100] =	vst v63  }
0x4e: {  	v3 =	vadd.s32 v1, v3  }
0x4f: {  	[hbm4b:s6+s2] =	stream.indirect_vreg.scatter [tilespmem:s15], [sflag:$0x1], $0x80, v4, vm0, $0xb8;
	[tilespmem:$0x10100] =	vst v63  }
0x50: {  	_ = 	snop  }
0x51: {  	[hbm4b:s7+s2] =	stream.indirect_vreg.scatter [tilespmem:s16], [sflag:$0x1], $0x80, v4, vm0, $0xb8;
	[tilespmem:$0x10100] =	vst v63  }
0x52: {  	_ = 	snop  }
0x53: {  	[hbm4b:s3+s2] =	stream.indirect_vreg.scatter [tilespmem:s17], [sflag:$0x1], $0x80, v3, vm0, $0xb8;
	[tilespmem:$0x10100] =	vst v63  }
0x54: {  	_ = 	snop  }
0x55: {  	[hbm4b:s5+s2] =	stream.indirect_vreg.scatter [tilespmem:s18], [sflag:$0x1], $0x80, v3, vm0, $0xb8;
	[tilespmem:$0x10100] =	vst v63  }
0x56: {  	_ = 	snop  }
0x57: {  	[hbm4b:s6+s2] =	stream.indirect_vreg.scatter [tilespmem:s10], [sflag:$0x1], $0x80, v3, vm0, $0xb8;
	[tilespmem:$0x10100] =	vst v63  }
0x58: {  	s20 =	simm.s32 $0xB900  }
0x59: {  	[hbm4b:s7+s2] =	stream.indirect_vreg.scatter [tilespmem:s20], [sflag:$0x1], $0x80, v3, vm0, $0xb8;
	[tilespmem:$0x10100] =	vst v63  }
0x5a: {  	v3 =	vld [tilespmem:$0x30];
	_ =	sdelay $0x4  }
0x5b: {  	v59 =	vshll.u32 v3, $0x3  }
0x5c: {  	v3 =	vand.u32 $0x7, v3;
	v4 =	vand.u32 $0xFFFFFFC0, v59  }
0x5d: {  	v3 =	vor.u32 v3, v4  }
0x5e: {  	v4 =	vperm.xlane v3, v0;
	_ =	sdelay $0x1  }
0x5f: {  	v4 =	vadd.s32 v1, v4;
	_ =	sdelay $0x3  }
0x60: {  	s20 =	simm.s32 $0xC100  }
0x61: {  	[hbm4b:s3+s2] =	stream.indirect_vreg.scatter [tilespmem:s20], [sflag:$0x1], $0x80, v4, vm0, $0xb8;
	[tilespmem:$0x10100] =	vst v63  }
0x62: {  	v3 =	vperm.xlane v3, v2;
	s20 =	simm.s32 $0xC900  }
0x63: {  	[hbm4b:s5+s2] =	stream.indirect_vreg.scatter [tilespmem:s20], [sflag:$0x1], $0x80, v4, vm0, $0xb8;
	[tilespmem:$0x10100] =	vst v63  }
0x64: {  	v3 =	vadd.s32 v1, v3;
	s20 =	simm.s32 $0xD100  }
0x65: {  	[hbm4b:s6+s2] =	stream.indirect_vreg.scatter [tilespmem:s20], [sflag:$0x1], $0x80, v4, vm0, $0xb8;
	[tilespmem:$0x10100] =	vst v63  }
0x66: {  	s20 =	simm.s32 $0xD900  }
0x67: {  	[hbm4b:s7+s2] =	stream.indirect_vreg.scatter [tilespmem:s20], [sflag:$0x1], $0x80, v4, vm0, $0xb8;
	[tilespmem:$0x10100] =	vst v63  }
0x68: {  	s20 =	simm.s32 $0xE100  }
0x69: {  	[hbm4b:s3+s2] =	stream.indirect_vreg.scatter [tilespmem:s20], [sflag:$0x1], $0x80, v3, vm0, $0xb8;
	[tilespmem:$0x10100] =	vst v63  }
0x6a: {  	s20 =	simm.s32 $0xE900  }
0x6b: {  	[hbm4b:s5+s2] =	stream.indirect_vreg.scatter [tilespmem:s20], [sflag:$0x1], $0x80, v3, vm0, $0xb8;
	[tilespmem:$0x10100] =	vst v63  }
0x6c: {  	s20 =	simm.s32 $0xF100  }
0x6d: {  	[hbm4b:s6+s2] =	stream.indirect_vreg.scatter [tilespmem:s20], [sflag:$0x1], $0x80, v3, vm0, $0xb8;
	[tilespmem:$0x10100] =	vst v63  }
0x6e: {  	s20 =	simm.s32 $0xF900  }
0x6f: {  	[hbm4b:s7+s2] =	stream.indirect_vreg.scatter [tilespmem:s20], [sflag:$0x1], $0x80, v3, vm0, $0xb8;
	[tilespmem:$0x10100] =	vst v63  }
0x70: {  	_ =	swait.ge [sflag:s19], $0x10000  }
0x71: {  	[sflag:s19] =	ssyncset.done $0x0  }
0x72: {  	s20 =	rddreg [dreg:$0x4];
	[sflag:s19] =	ssyncadd.s32 $0xFFFF0000  }
0x73: {  	[tilespmem:s0], [sflag:$0x2] =	stream.linear.gather [hbm4b:s20+s2], $0x10000, $0x38;
	[tilespmem:$0x10100] =	vst v63  }
0x74: {  	_ =	swait.ge [sflag:s9], $0x10000  }
0x75: {  	[sflag:s9] =	ssyncset.done $0x0  }
0x76: {  	[sflag:s9] =	ssyncadd.s32 $0xFFFF0000  }
0x77: {  	v3 =	vld [tilespmem:$0x80];
	_ =	sdelay $0x4  }
0x78: {  	v60 =	vshll.u32 v3, $0x3  }
0x79: {  	v3 =	vand.u32 $0x7, v3;
	v4 =	vand.u32 $0xFFFFFFC0, v60  }
0x7a: {  	v3 =	vor.u32 v3, v4  }
0x7b: {  	v4 =	vperm.xlane v3, v0;
	_ =	sdelay $0x1  }
0x7c: {  	v4 =	vadd.s32 v1, v4;
	_ =	sdelay $0x4  }
0x7d: {  	[hbm4b:s3+s2] =	stream.indirect_vreg.scatter [tilespmem:s0], [sflag:$0x1], $0x80, v4, vm0, $0xb8;
	[tilespmem:$0x10100] =	vst v63  }
0x7e: {  	v3 =	vperm.xlane v3, v2  }
0x7f: {  	[hbm4b:s5+s2] =	stream.indirect_vreg.scatter [tilespmem:s21], [sflag:$0x1], $0x80, v4, vm0, $0xb8;
	[tilespmem:$0x10100] =	vst v63  }
0x80: {  	v3 =	vadd.s32 v1, v3  }
0x81: {  	[hbm4b:s6+s2] =	stream.indirect_vreg.scatter [tilespmem:s22], [sflag:$0x1], $0x80, v4, vm0, $0xb8;
	[tilespmem:$0x10100] =	vst v63  }
0x82: {  	_ = 	snop  }
0x83: {  	[hbm4b:s7+s2] =	stream.indirect_vreg.scatter [tilespmem:s23], [sflag:$0x1], $0x80, v4, vm0, $0xb8;
	[tilespmem:$0x10100] =	vst v63  }
0x84: {  	_ = 	snop  }
0x85: {  	[hbm4b:s3+s2] =	stream.indirect_vreg.scatter [tilespmem:s24], [sflag:$0x1], $0x80, v3, vm0, $0xb8;
	[tilespmem:$0x10100] =	vst v63  }
0x86: {  	_ = 	snop  }
0x87: {  	[hbm4b:s5+s2] =	stream.indirect_vreg.scatter [tilespmem:s25], [sflag:$0x1], $0x80, v3, vm0, $0xb8;
	[tilespmem:$0x10100] =	vst v63  }
0x88: {  	_ = 	snop  }
0x89: {  	[hbm4b:s6+s2] =	stream.indirect_vreg.scatter [tilespmem:s26], [sflag:$0x1], $0x80, v3, vm0, $0xb8;
	[tilespmem:$0x10100] =	vst v63  }
0x8a: {  	_ = 	snop  }
0x8b: {  	[hbm4b:s7+s2] =	stream.indirect_vreg.scatter [tilespmem:s28], [sflag:$0x1], $0x80, v3, vm0, $0xb8;
	[tilespmem:$0x10100] =	vst v63  }
0x8c: {  	v3 =	vld [tilespmem:$0x90];
	_ =	sdelay $0x4  }
0x8d: {  	v61 =	vshll.u32 v3, $0x3  }
0x8e: {  	v3 =	vand.u32 $0x7, v3;
	v4 =	vand.u32 $0xFFFFFFC0, v61  }
0x8f: {  	v3 =	vor.u32 v3, v4  }
0x90: {  	v4 =	vperm.xlane v3, v0;
	_ =	sdelay $0x1  }
0x91: {  	v4 =	vadd.s32 v1, v4;
	_ =	sdelay $0x4  }
0x92: {  	[hbm4b:s3+s2] =	stream.indirect_vreg.scatter [tilespmem:s29], [sflag:$0x1], $0x80, v4, vm0, $0xb8;
	[tilespmem:$0x10100] =	vst v63  }
0x93: {  	v3 =	vperm.xlane v3, v2  }
0x94: {  	[hbm4b:s5+s2] =	stream.indirect_vreg.scatter [tilespmem:s30], [sflag:$0x1], $0x80, v4, vm0, $0xb8;
	[tilespmem:$0x10100] =	vst v63  }
0x95: {  	v3 =	vadd.s32 v1, v3  }
0x96: {  	[hbm4b:s6+s2] =	stream.indirect_vreg.scatter [tilespmem:s31], [sflag:$0x1], $0x80, v4, vm0, $0xb8;
	[tilespmem:$0x10100] =	vst v63  }
0x97: {  	_ = 	snop  }
0x98: {  	[hbm4b:s7+s2] =	stream.indirect_vreg.scatter [tilespmem:s1], [sflag:$0x1], $0x80, v4, vm0, $0xb8;
	[tilespmem:$0x10100] =	vst v63  }
0x99: {  	s20 =	simm.s32 $0x6100  }
0x9a: {  	[hbm4b:s3+s2] =	stream.indirect_vreg.scatter [tilespmem:s20], [sflag:$0x1], $0x80, v3, vm0, $0xb8;
	[tilespmem:$0x10100] =	vst v63  }
0x9b: {  	_ = 	snop  }
0x9c: {  	[hbm4b:s5+s2] =	stream.indirect_vreg.scatter [tilespmem:s11], [sflag:$0x1], $0x80, v3, vm0, $0xb8;
	[tilespmem:$0x10100] =	vst v63  }
0x9d: {  	_ = 	snop  }
0x9e: {  	[hbm4b:s6+s2] =	stream.indirect_vreg.scatter [tilespmem:s12], [sflag:$0x1], $0x80, v3, vm0, $0xb8;
	[tilespmem:$0x10100] =	vst v63  }
0x9f: {  	_ = 	snop  }
0xa0: {  	[hbm4b:s7+s2] =	stream.indirect_vreg.scatter [tilespmem:s4], [sflag:$0x1], $0x80, v3, vm0, $0xb8;
	[tilespmem:$0x10100] =	vst v63  }
0xa1: {  	v3 =	vld [tilespmem:$0xA0];
	_ =	sdelay $0x4  }
0xa2: {  	v62 =	vshll.u32 v3, $0x3  }
0xa3: {  	v3 =	vand.u32 $0x7, v3;
	v4 =	vand.u32 $0xFFFFFFC0, v62  }
0xa4: {  	v3 =	vor.u32 v3, v4  }
0xa5: {  	v4 =	vperm.xlane v3, v0;
	_ =	sdelay $0x1  }
0xa6: {  	v4 =	vadd.s32 v1, v4;
	_ =	sdelay $0x4  }
0xa7: {  	[hbm4b:s3+s2] =	stream.indirect_vreg.scatter [tilespmem:s13], [sflag:$0x1], $0x80, v4, vm0, $0xb8;
	[tilespmem:$0x10100] =	vst v63  }
0xa8: {  	v3 =	vperm.xlane v3, v2  }
0xa9: {  	[hbm4b:s5+s2] =	stream.indirect_vreg.scatter [tilespmem:s14], [sflag:$0x1], $0x80, v4, vm0, $0xb8;
	[tilespmem:$0x10100] =	vst v63  }
0xaa: {  	v3 =	vadd.s32 v1, v3  }
0xab: {  	[hbm4b:s6+s2] =	stream.indirect_vreg.scatter [tilespmem:s15], [sflag:$0x1], $0x80, v4, vm0, $0xb8;
	[tilespmem:$0x10100] =	vst v63  }
0xac: {  	_ = 	snop  }
0xad: {  	[hbm4b:s7+s2] =	stream.indirect_vreg.scatter [tilespmem:s16], [sflag:$0x1], $0x80, v4, vm0, $0xb8;
	[tilespmem:$0x10100] =	vst v63  }
0xae: {  	_ = 	snop  }
0xaf: {  	[hbm4b:s3+s2] =	stream.indirect_vreg.scatter [tilespmem:s17], [sflag:$0x1], $0x80, v3, vm0, $0xb8;
	[tilespmem:$0x10100] =	vst v63  }
0xb0: {  	_ = 	snop  }
0xb1: {  	[hbm4b:s5+s2] =	stream.indirect_vreg.scatter [tilespmem:s18], [sflag:$0x1], $0x80, v3, vm0, $0xb8;
	[tilespmem:$0x10100] =	vst v63  }
0xb2: {  	_ = 	snop  }
0xb3: {  	[hbm4b:s6+s2] =	stream.indirect_vreg.scatter [tilespmem:s10], [sflag:$0x1], $0x80, v3, vm0, $0xb8;
	[tilespmem:$0x10100] =	vst v63  }
0xb4: {  	s20 =	simm.s32 $0xB900  }
0xb5: {  	[hbm4b:s7+s2] =	stream.indirect_vreg.scatter [tilespmem:s20], [sflag:$0x1], $0x80, v3, vm0, $0xb8;
	[tilespmem:$0x10100] =	vst v63  }
0xb6: {  	v3 =	vld [tilespmem:$0xB0];
	_ =	sdelay $0x4  }
0xb7: {  	v63 =	vshll.u32 v3, $0x3  }
0xb8: {  	v3 =	vand.u32 $0x7, v3;
	v4 =	vand.u32 $0xFFFFFFC0, v63  }
0xb9: {  	v3 =	vor.u32 v3, v4  }
0xba: {  	v4 =	vperm.xlane v3, v0;
	_ =	sdelay $0x1  }
0xbb: {  	v4 =	vadd.s32 v1, v4;
	_ =	sdelay $0x3  }
0xbc: {  	s4 =	simm.s32 $0xC100  }
0xbd: {  	[hbm4b:s3+s2] =	stream.indirect_vreg.scatter [tilespmem:s4], [sflag:$0x1], $0x80, v4, vm0, $0xb8;
	[tilespmem:$0x10100] =	vst v63  }
0xbe: {  	s20 =	simm.s32 $0xC900;
	v3 =	vperm.xlane v3, v2  }
0xbf: {  	[hbm4b:s5+s2] =	stream.indirect_vreg.scatter [tilespmem:s20], [sflag:$0x1], $0x80, v4, vm0, $0xb8;
	[tilespmem:$0x10100] =	vst v63  }
0xc0: {  	v3 =	vadd.s32 v1, v3;
	s4 =	simm.s32 $0xD100  }
0xc1: {  	[hbm4b:s6+s2] =	stream.indirect_vreg.scatter [tilespmem:s4], [sflag:$0x1], $0x80, v4, vm0, $0xb8;
	[tilespmem:$0x10100] =	vst v63  }
0xc2: {  	s20 =	simm.s32 $0xD900  }
0xc3: {  	[hbm4b:s7+s2] =	stream.indirect_vreg.scatter [tilespmem:s20], [sflag:$0x1], $0x80, v4, vm0, $0xb8;
	[tilespmem:$0x10100] =	vst v63  }
0xc4: {  	s4 =	simm.s32 $0xE100  }
0xc5: {  	[hbm4b:s3+s2] =	stream.indirect_vreg.scatter [tilespmem:s4], [sflag:$0x1], $0x80, v3, vm0, $0xb8;
	[tilespmem:$0x10100] =	vst v63  }
0xc6: {  	s20 =	simm.s32 $0xE900  }
0xc7: {  	[hbm4b:s5+s2] =	stream.indirect_vreg.scatter [tilespmem:s20], [sflag:$0x1], $0x80, v3, vm0, $0xb8;
	[tilespmem:$0x10100] =	vst v63  }
0xc8: {  	p0 =	sne.s32 s8, $0x1;
	s4 =	simm.s32 $0xF100  }
0xc9: {  	[hbm4b:s6+s2] =	stream.indirect_vreg.scatter [tilespmem:s4], [sflag:$0x1], $0x80, v3, vm0, $0xb8;
	[tilespmem:$0x10100] =	vst v63  }
.Ltmp0:
0xca: {  	s20 =	simm.s32 $0xF900;
	(pc) =	sbr.rel @p0 .LBB2_1-.Ltmp0, $4  }
0xcb: {  	[hbm4b:s7+s2] =	stream.indirect_vreg.scatter [tilespmem:s20], [sflag:$0x1], $0x80, v3, vm0, $0xb8;
	[tilespmem:$0x10100] =	vst v63  }
0xcc: {  	_ =	swait.ge [sflag:s19], $0x10000  }
0xcd: {  	[sflag:s19] =	ssyncset.done $0x0  }
0xce: {  	s8 =	sadd.s32 $0xFFFFFFFF, s8;
	[sflag:s19] =	ssyncadd.s32 $0xFFFF0000  }
0xcf: {  	_ =	sfence.sel $0x180000  }
0xd0: {  	[bflag:$0x0] =	sbarrier.arrive $0xFFFF  }
0xd1: {  	_ =	strace $0x90000047  }
0xd2: {  	s0 =	stileid.u32;
	[bflag:$0x2] =	sbarrier.arrive $0xFFFF  }
0xd3: {  	p0 =	sne.s32 s0, $0x0;
	s0 =	rddreg [dreg:$0x2]  }
0xd4: {  	s0 =	sadd.s32 @!p0 $0x100000, s0  }
0xd5: {  	[sflag:s0] =	ssyncadd.tile.s32 @!p0 $0x1;
	_ =	shalt  }
.Lfunc_end2:
_tile_overlayer_lowered:
.L_overlay_start_2:
0xd6: {  	(tag) =	ssettag $0x2  }
0xd7: {  	s0 =	rddreg [dreg:$0x0];
	s2 =	stileid.u32  }
0xd8: {  	s1 =	rddreg [dreg:$0x1];
	p0 =	sne.s32 s2, $0x0  }
0xd9: {  	s3 =	rddreg [dreg:$0x2];
	[bflag:$0x3] =	sbarrier.arrive $0xFFFF;
	s2 =	simm.s32 @!p0 $0x1C02  }
0xda: {  	[timem:s3], [sflag:s2] =	dma.local @!p0 [hbm:s0], s1  }
0xdb: {  	s0 =	simm.s32 @!p0 $0x2  }
0xdc: {  	_ =	swait.ge @!p0 [sflag:s0], s1  }
0xdd: {  	s1 =	ssub.s32 @!p0 $0x0, s1;
	[sflag:s0] =	ssyncset.done @!p0 $0x0  }
0xde: {  	[sflag:s0] =	ssyncadd.s32 @!p0 s1  }
0xdf: {  	[bflag:$0x3] =	sbarrier.arrive $0xFFFF  }
0xe0: {  	_ =	shalt  }

// kernel: kernel.9.cloned.1.call-start
scs
__scs_entry_jumppad:
0x0: {  	(pc) =	sbr.rel $0x88, $3  }
0x1: {  	(tag) =	ssettag $0x0;
	lr =	simm.s32 $0x1  }
0x2: {  	[smem:$0x3F98] =	sst lr;
	_ =	strace $0xD0000000  }
0x3: {  	_ = 	snop  }
0x4: {  	_ = 	snop  }
0x5: {  	_ = 	snop  }
0x6: {  	_ = 	snop  }
0x7: {  	_ = 	snop  }
__scs_overlays_trampoline_lowered:
0x8: {  	[smem:$0x3FA7] =	sst s0  }
0x9: {  	[smem:$0x3FA8] =	sst s1  }
0xa: {  	[smem:$0x3FA9] =	sst s2  }
0xb: {  	[smem:$0x3FAA] =	sst s3  }
0xc: {  	[smem:$0x3FAB] =	sst s4  }
0xd: {  	[smem:$0x3FAC] =	sst s5  }
0xe: {  	[smem:$0x3FAD] =	sst s6  }
0xf: {  	[smem:$0x3FAE] =	sst s7  }
0x10: {  	[smem:$0x3FAF] =	sst s8  }
0x11: {  	[smem:$0x3FB0] =	sst s9;
	s0 =	simm.s32 @!p0 $0x0  }
0x12: {  	s1 =	sld [smem:$0x3F96];
	s0 =	simm.s32 @p0 $0x1  }
0x13: {  	[smem:$0x3FB1] =	sst s0;
	s0 =	simm.s32 @!p1 $0x0  }
0x14: {  	s2 =	sld [smem:$0x3F95];
	s0 =	simm.s32 @p1 $0x1  }
0x15: {  	[smem:$0x3FB2] =	sst s0;
	s0 =	simm.s32 @!p2 $0x0  }
0x16: {  	s3 =	sld [smem:$0x3FDB];
	s0 =	simm.s32 @p2 $0x1  }
0x17: {  	s4 =	simm.s32 $0x1BF5;
	[smem:$0x3FB4] =	sst s0  }
0x18: {  	s0 =	sld [smem:$0x3F97];
	_ =	swait.ge [sflag:s4], $0x0  }
0x19: {  	s7 =	sld [smem:$0x3F98]  }
0x1a: {  	s8 =	sadd.s32 $0xFFFFE003, lr  }
0x1b: {  	s9 =	sadd.s32 $0xFFFFFEF7, lr;
	s5 =	simm.s32 $0xFFFFFFFF;
	p2 =	slt.u32 s8, $0xFFFFF086  }
0x1c: {  	p1 =	slt.u32 s9, $0xF7A;
	s5 =	simm.s32 @!p2 $0x0  }
0x1d: {  	s5 =	simm.s32 @p1 $0x1;
	p0 =	seq.s32 s7, s2  }
0x1e: {  	s7 =	smul.u32 @!p0 $0xF7A, s2;
	p2 =	seq.s32 @!p0 s5, $0x0  }
0x1f: {  	s9 =	smul.u32 $0xF7A, s1;
	s8 =	simm.s32 @!p0 $0x1BF5;
	p2 =	por !p2, p0  }
0x20: {  	[sflag:s8] =	ssyncset.s32 @!p0 $0xFFFFF086;
	s6 =	sadd.s32 @!p0 s3, s7;
	s7 =	simm.s32 @!p0 $0x108  }
0x21: {  	s3 =	sadd.s32 s3, s9;
	s6 =	sadd.s32 @!p0 $0x88, s6;
	s7 =	simm.s32 @p2 $0x1082  }
0x22: {  	[simem:s7], [sflag:s8] =	dma.local @!p0 [hbm:s6], $0xF7A  }
0x23: {  	s9 =	sor.u32 $0xD0000000, s2;
	s6 =	simm.s32 $0x108;
	_ =	swait.ge @!p0 [sflag:s8], $0x0  }
0x24: {  	s3 =	sadd.s32 $0x88, s3;
	s6 =	simm.s32 @!p1 $0x1082;
	[sflag:s4] =	ssyncset.s32 $0xFFFFF086  }
0x25: {  	[simem:s6], [sflag:s4] =	dma.local [hbm:s3], $0xF7A  }
0x26: {  	[smem:$0x3F98] =	sst s1;
	(tag) =	ssettag s2;
	_ =	strace s9  }
0x27: {  	s1 =	sld [smem:$0x3FA8]  }
0x28: {  	s2 =	sld [smem:$0x3FA9]  }
0x29: {  	s4 =	sld [smem:$0x3FAB]  }
0x2a: {  	p0 =	seq.s32 s5, $0x0;
	s5 =	sld [smem:$0x3FAC]  }
0x2b: {  	s6 =	sld [smem:$0x3FAD]  }
0x2c: {  	s7 =	sld [smem:$0x3FAE]  }
0x2d: {  	s3 =	simm.s32 $0x108;
	s8 =	sld [smem:$0x3FAF]  }
0x2e: {  	s3 =	simm.s32 @!p0 $0x1082;
	s9 =	sld [smem:$0x3FB0]  }
0x2f: {  	lr =	sadd.s32 s0, s3;
	s0 =	sld [smem:$0x3FA7]  }
0x30: {  	s3 =	sld [smem:$0x3FAA]  }
0x31: {  	[smem:$0x3FB3] =	sst s10  }
0x32: {  	s10 =	sld [smem:$0x3FB1];
	_ =	sdelay $0x3  }
0x33: {  	p0 =	seq.s32 s10, $0x1;
	s10 =	sld [smem:$0x3FB3];
	_ =	sdelay $0x3  }
0x34: {  	[smem:$0x3FB3] =	sst s10  }
0x35: {  	s10 =	sld [smem:$0x3FB2];
	_ =	sdelay $0x3  }
0x36: {  	p1 =	seq.s32 s10, $0x1;
	s10 =	sld [smem:$0x3FB3];
	_ =	sdelay $0x3  }
0x37: {  	[smem:$0x3FB3] =	sst s10  }
0x38: {  	s10 =	sld [smem:$0x3FB4]  }
0x39: {  	_ = 	snop;
	(pc) =	sbr.ind lr, $3  }
0x3a: {  	_ = 	snop  }
0x3b: {  	_ = 	snop  }
0x3c: {  	p2 =	seq.s32 s10, $0x1;
	s10 =	sld [smem:$0x3FB3]  }
0x3d: {  	_ =	shalt  }
0x3e: {  	_ =	shalt  }
0x3f: {  	_ =	shalt  }
0x40: {  	_ =	shalt  }
0x41: {  	_ =	shalt  }
0x42: {  	_ =	shalt  }
0x43: {  	_ =	shalt  }
0x44: {  	_ =	shalt  }
0x45: {  	_ =	shalt  }
0x46: {  	_ =	shalt  }
0x47: {  	_ =	shalt  }
0x48: {  	_ =	shalt  }
0x49: {  	_ =	shalt  }
0x4a: {  	_ =	shalt  }
0x4b: {  	_ =	shalt  }
0x4c: {  	_ =	shalt  }
0x4d: {  	_ =	shalt  }
0x4e: {  	_ =	shalt  }
0x4f: {  	_ =	shalt  }
0x50: {  	_ =	shalt  }
0x51: {  	_ =	shalt  }
0x52: {  	_ =	shalt  }
0x53: {  	_ =	shalt  }
0x54: {  	_ =	shalt  }
0x55: {  	_ =	shalt  }
0x56: {  	_ =	shalt  }
0x57: {  	_ =	shalt  }
0x58: {  	_ =	shalt  }
0x59: {  	_ =	shalt  }
0x5a: {  	_ =	shalt  }
0x5b: {  	_ =	shalt  }
0x5c: {  	_ =	shalt  }
0x5d: {  	_ =	shalt  }
0x5e: {  	_ =	shalt  }
0x5f: {  	_ =	shalt  }
0x60: {  	_ =	shalt  }
0x61: {  	_ =	shalt  }
0x62: {  	_ =	shalt  }
0x63: {  	_ =	shalt  }
0x64: {  	_ =	shalt  }
0x65: {  	_ =	shalt  }
0x66: {  	_ =	shalt  }
0x67: {  	_ =	shalt  }
0x68: {  	_ =	shalt  }
0x69: {  	_ =	shalt  }
0x6a: {  	_ =	shalt  }
0x6b: {  	_ =	shalt  }
0x6c: {  	_ =	shalt  }
0x6d: {  	_ =	shalt  }
0x6e: {  	_ =	shalt  }
0x6f: {  	_ =	shalt  }
0x70: {  	_ =	shalt  }
0x71: {  	_ =	shalt  }
0x72: {  	_ =	shalt  }
0x73: {  	_ =	shalt  }
0x74: {  	_ =	shalt  }
0x75: {  	_ =	shalt  }
0x76: {  	_ =	shalt  }
0x77: {  	_ =	shalt  }
0x78: {  	_ =	shalt  }
0x79: {  	_ =	shalt  }
0x7a: {  	_ =	shalt  }
0x7b: {  	_ =	shalt  }
0x7c: {  	_ =	shalt  }
0x7d: {  	_ =	shalt  }
0x7e: {  	_ =	shalt  }
0x7f: {  	_ =	shalt  }
0x80: {  	_ =	shalt  }
0x81: {  	_ =	shalt  }
0x82: {  	_ =	shalt  }
0x83: {  	_ =	shalt  }
0x84: {  	_ =	shalt  }
0x85: {  	_ =	shalt  }
0x86: {  	_ =	shalt  }
0x87: {  	_ =	shalt  }
.Lfunc_end0:
.L_simem_size_0:
called_computation.1_lowered:
.L_overlay_start_0:
0x88: {  	s2 =	sld [smem:$0x3FD9]  }
0x89: {  	s3 =	sld [smem:$0x3FFE];
	_ =	sdelay $0x1  }
0x8a: {  	s1 =	srdreg.scid  }
0x8b: {  	s0 =	sand.u32 $0x1, s1  }
0x8c: {  	s17 =	sshll.u32 s0, $0xA;
	s2 =	sadd.s32 s3, s2  }
0x8d: {  	s2 =	sadd.s32 s2, s17  }
0x8e: {  	[smem:$0x3FBF] =	sst s2  }
0x8f: {  	_ = 	snop  }
0x90: {  	s2 =	sld [smem:$0x3FD0];
	(tm) =	ssettm $0x1  }
0x91: {  	s18 =	sld [smem:$0x3FFB];
	_ =	sdelay $0x3  }
0x92: {  	_ =	strace s18  }
0x93: {  	s3 =	sld [smem:$0x3FFC];
	_ =	sdelay $0x3  }
0x94: {  	_ =	strace s3  }
0x95: {  	s3 =	sld [smem:$0x3FFD];
	_ =	sdelay $0x3  }
0x96: {  	_ =	strace s3  }
0x97: {  	_ =	strace $0x8FFFFFFF  }
0x98: {  	s19 =	sld [smem:$0x3FDB];
	_ =	sdelay $0x1  }
0x99: {  	s4 =	simm.s32 $_scs_section_size  }
0x9a: {  	s5 =	simm.s32 $_size__tile_overlayer_lowered;
	s6 =	simm.s32 $_tile_overlayer_lowered  }
0x9b: {  	s22 =	simm.s32 $0x1BFF;
	s21 =	sshll.u32 s6, $0x1;
	s3 =	sadd.s32 s4, s19  }
0x9c: {  	s7 =	simm.s32 $0x0;
	s20 =	sshll.u32 s5, $0x1;
	s5 =	sadd.s32 s21, s3  }
0x9d: {  	[timem:s7], [sflag:s22] =	dma.local [hbm:s5], s20  }
0x9e: {  	_ =	swait.ge [sflag:s22], s20  }
0x9f: {  	s4 =	ssub.s32 $0x0, s20;
	[sflag:s22] =	ssyncset.done $0x0  }
0xa0: {  	[sflag:s22] =	ssyncadd.s32 s4;
	_ =	sdelay $0x1  }
0xa1: {  	s23 =	simm.s32 $0x1B8B  }
0xa2: {  	_ =	swait.ge [sflag:s23], $0x1  }
0xa3: {  	[sflag:s23] =	ssyncset.done $0x0  }
0xa4: {  	s25 =	simm.s32 $0x1B8E;
	s24 =	sld [smem:$0x3FFE];
	[sflag:s23] =	ssyncadd.s32 $0xFFFFFFFF  }
0xa5: {  	s26 =	simm.s32 $execute0_lowered;
	[smem:$0x3FD2] =	sst s25  }
0xa6: {  	s5 =	sshll.u32 s26, $0x1;
	_ =	strace $0x80000049;
	[dreg:$0x1] =	wrdreg $0xFFFFFFFF  }
0xa7: {  	s28 =	simm.s32 $_size_execute0_lowered;
	s3 =	sadd.s32 s3, s5;
	[dreg:$0x0] =	wrdreg $0x0  }
0xa8: {  	s5 =	sshll.u32 s28, $0x1;
	[dreg:$0x2] =	wrdreg s3  }
0xa9: {  	[dreg:$0x3] =	wrdreg s5  }
0xaa: {  	[dreg:$0x4] =	wrdreg $0xC0  }
0xab: {  	_ =	task [dreg:s7], $0x5FFFF  }
0xac: {  	[dreg:$0x1] =	wrdreg $0xFFFFFFFF  }
0xad: {  	[dreg:$0x0] =	wrdreg $0x60  }
0xae: {  	[dreg:$0x2] =	wrdreg s24  }
0xaf: {  	[dreg:$0x3] =	wrdreg s2  }
0xb0: {  	[dreg:$0x4] =	wrdreg $0x9  }
0xb1: {  	_ =	task.clear_ibuf [dreg:s7], $0x5FFFF;
	_ =	strace $0x90000049  }
0xb2: {  	s29 =	simm.s32 $0x9;
	_ =	strace $0x8000004B  }
0xb3: {  	_ =	swait.ge [sflag:s29], $0x1  }
0xb4: {  	[sflag:s29] =	ssyncadd.s32 $0xFFFFFFFF  }
0xb5: {  	_ =	strace $0x9000004B  }
0xb6: {  	_ =	sfence  }
0xb7: {  	s30 =	sld [smem:$0x0];
	_ =	sdelay $0x2  }
0xb8: {  	s31 =	sshll.u32 s1, $0xD;
	s1 =	sshrl.u32 s1, $0x2  }
0xb9: {  	s3 =	sand.u32 $0x4000, s31;
	s1 =	sadd.s32 s1, s30  }
0xba: {  	s0 =	sor.u32 s3, s0;
	s1 =	sshll.u32 s1, $0x11  }
0xbb: {  	s0 =	sor.u32 s1, s0  }
0xbc: {  	s0 =	sadd.s32 $0x8F2B, s0  }
0xbd: {  	[sflag:s0] =	ssyncadd.remote.s32 $0x1  }
0xbe: {  	_ =	sfence.sel $0xFFFF  }
0xbf: {  	[dreg:$0x0] =	wrdreg $0xFFFFFFFF;
	(pc) =	sbr.abs _section_cstart, $3  }
0xc0: {  	[dreg:$0x1] =	wrdreg $0xFFFFFFFF  }
0xc1: {  	_ =	task.clear_ibuf [dreg:s7], $0x2FFFF;
	_ =	strace $0x9FFFFFFF  }
0xc2: {  	(tm) =	ssettm $0x7FFFFFFF  }
0xc3: {  	_ =	shalt  }
tec
execute0_lowered:
.L_overlay_start_1:
0x0: {  	(tag) =	ssettag $0x1  }
0x1: {  	s0 =	rddreg [dreg:$0x0]  }
0x2: {  	s2 =	rddreg [dreg:$0x1];
	s1 =	simm.s32 $0x0  }
0x3: {  	s3 =	srdreg.scid;
	s7 =	stileid.u32;
	s14 =	simm.s32 $0x2  }
0x4: {  	s17 =	simm.s32 $0xD900;
	s18 =	simm.s32 $0xE100;
	s19 =	simm.s32 $0xE900  }
0x5: {  	s20 =	simm.s32 $0xF900;
	s21 =	simm.s32 $0x10900;
	s28 =	simm.s32 $0x14100  }
0x6: {  	s29 =	simm.s32 $0x0;
	[smem:$0x7FF] =	sst s1;
	s4 =	sadd.s32 $0x11C00, s0  }
0x7: {  	s5 =	sadd.s32 $0x1C00, s0;
	s3 =	sand.u32 $0x1, s3;
	s7 =	sshll.u32 s7, $0x7  }
0x8: {  	_ =	strace $0x8000004A;
	s6 =	ssub.s32 $0x2, s3;
	s8 =	sshll.u32 s3, $0x6  }
0x9: {  	s3 =	sadd.s32 $0x10BC00, s0;
	s9 =	sshrl.u32 s6, $0x1;
	s7 =	sor.u32 s8, s7  }
0xa: {  	s6 =	ssub.s32 s6, s9;
	s8 =	sshrl.u32 s7, $0x3;
	s22 =	sor.u32 $0x800, s7  }
0xb: {  	s10 =	sshll.u32 s7, $0x4;
	s26 =	sshll.u32 s7, $0x7;
	s9 =	sadd.s32 $0x10BE00, s0  }
0xc: {  	s7 =	simm.s32 $0x11900;
	s8 =	sadd.s32 s4, s8;
	s23 =	sshrl.u32 s22, $0x3  }
0xd: {  	s24 =	sadd.s32 s5, s10;
	s25 =	sshll.u32 s22, $0x4;
	s10 =	sadd.s32 $0x10BF00, s0  }
0xe: {  	s11 =	sadd.s32 s2, s26;
	s31 =	smax.u32 s6, $0x1;
	s2 =	simm.s32 $0x1  }
0xf: {  	s6 =	simm.s32 $0x10100;
	s22 =	simm.s32 $0x11100;
	[dreg:$0x3] =	wrdreg s8  }
0x10: {  	v2 =	vlaneseq.u32;
	s26 =	simm.s32 $0x13900;
	s4 =	sadd.s32 s4, s23;
	[dreg:$0x5] =	wrdreg s24  }
0x11: {  	v0 =	vand.u32 $0x7, v2;
	v1 =	vshrl.u32 v2, $0x3;
	s8 =	sadd.s32 $0x10BD00, s0;
	s30 =	sadd.s32 $0x1000, s11;
	[dreg:$0x8] =	wrdreg s31  }
0x12: {  	v63 =	vor.u32 $0x8, v2;
	[tilespmem:$0x1FFD0] =	vst v0;
	v62 =	vmul.u32 $0x8, v1;
	s23 =	simm.s32 $0x12100;
	s24 =	simm.s32 $0x12900;
	[dreg:$0x4] =	wrdreg s4  }
0x13: {  	[tilespmem:$0x1FFF0] =	vst v63;
	s4 =	sadd.s32 s5, s25;
	[dreg:$0x7] =	wrdreg s30;
	s5 =	simm.s32 $0xF100  }
0x14: {  	vm0 =	vmmov $0xffff;
	[tilespmem:$0x1FFE0] =	vst v62;
	s25 =	simm.s32 $0x13100;
	[dreg:$0x6] =	wrdreg s4;
	s4 =	simm.s32 $0xD100  }
.LBB2_1:
0x15: {  	s0 =	rddreg [dreg:$0x3]  }
0x16: {  	[tilespmem:s1], [sflag:$0x2] =	stream.linear.gather [hbm4b:s0+s1], $0x40, $0x38;
	[tilespmem:$0x1C100] =	vst v63  }
0x17: {  	_ =	swait.ge [sflag:s14], $0x40  }
0x18: {  	[sflag:s14] =	ssyncset.done $0x0  }
0x19: {  	s12 =	simm.s32 $0x80;
	s13 =	rddreg [dreg:$0x4];
	[sflag:s14] =	ssyncadd.s32 $0xFFFFFFC0  }
0x1a: {  	[tilespmem:s12], [sflag:$0x2] =	stream.linear.gather [hbm4b:s13+s1], $0x40, $0x38;
	[tilespmem:$0x1C100] =	vst v63  }
0x1b: {  	_ =	swait.ge [sflag:s14], $0x40  }
0x1c: {  	[sflag:s14] =	ssyncset.done $0x0  }
0x1d: {  	s12 =	simm.s32 $0x100;
	s15 =	rddreg [dreg:$0x5];
	[sflag:s14] =	ssyncadd.s32 $0xFFFFFFC0  }
0x1e: {  	[tilespmem:s12], [sflag:$0x2] =	stream.linear.gather [hbm4b:s15+s1], $0x2000, $0x38;
	[tilespmem:$0x1C100] =	vst v63  }
0x1f: {  	_ =	swait.ge [sflag:s14], $0x2000  }
0x20: {  	[sflag:s14] =	ssyncset.done $0x0  }
0x21: {  	s30 =	simm.s32 $0x2100;
	s16 =	rddreg [dreg:$0x6];
	[sflag:s14] =	ssyncadd.s32 $0xFFFFE000  }
0x22: {  	[tilespmem:s30], [sflag:$0x2] =	stream.linear.gather [hbm4b:s16+s1], $0x2000, $0x38;
	[tilespmem:$0x1C100] =	vst v63  }
0x23: {  	_ =	swait.ge [sflag:s14], $0x2000  }
0x24: {  	[sflag:s14] =	ssyncset.done $0x0  }
0x25: {  	[sflag:s14] =	ssyncadd.s32 $0xFFFFE000  }
0x26: {  	v3 =	vld [tilespmem:$0x0];
	_ =	sdelay $0x2  }
0x27: {  	v0 =	vld [tilespmem:$0x1FFD0];
	_ =	sdelay $0x1  }
0x28: {  	v1 =	vld [tilespmem:$0x1FFE0];
	v4 =	vshll.u32 v3, $0x3  }
0x29: {  	v3 =	vand.u32 $0x7, v3;
	v4 =	vand.u32 $0xFFFFFFC0, v4  }
0x2a: {  	v3 =	vor.u32 v3, v4  }
0x2b: {  	v4 =	vperm.xlane v3, v0;
	_ =	sdelay $0x1  }
0x2c: {  	v4 =	vadd.s32 v1, v4  }
0x2d: {  	v2 =	vld [tilespmem:$0x1FFF0];
	_ =	sdelay $0x2  }
0x2e: {  	s13 =	simm.s32 $0x4100  }
0x2f: {  	[tilespmem:s13], [sflag:$0x1] =	stream.indirect_vreg.gather [hbm4b:s3+s1], $0x80, v4, vm0, $0xb8;
	[tilespmem:$0x1C100] =	vst v63  }
0x30: {  	s15 =	simm.s32 $0x4900;
	v3 =	vperm.xlane v3, v2  }
0x31: {  	[tilespmem:s15], [sflag:$0x1] =	stream.indirect_vreg.gather [hbm4b:s8+s1], $0x80, v4, vm0, $0xb8;
	[tilespmem:$0x1C100] =	vst v63  }
0x32: {  	s16 =	simm.s32 $0x5100;
	v3 =	vadd.s32 v1, v3  }
0x33: {  	[tilespmem:s16], [sflag:$0x1] =	stream.indirect_vreg.gather [hbm4b:s9+s1], $0x80, v4, vm0, $0xb8;
	[tilespmem:$0x1C100] =	vst v63  }
0x34: {  	s13 =	simm.s32 $0x5900  }
0x35: {  	[tilespmem:s13], [sflag:$0x1] =	stream.indirect_vreg.gather [hbm4b:s10+s1], $0x80, v4, vm0, $0xb8;
	[tilespmem:$0x1C100] =	vst v63  }
0x36: {  	s15 =	simm.s32 $0x6100  }
0x37: {  	[tilespmem:s15], [sflag:$0x1] =	stream.indirect_vreg.gather [hbm4b:s3+s1], $0x80, v3, vm0, $0xb8;
	[tilespmem:$0x1C100] =	vst v63  }
0x38: {  	s16 =	simm.s32 $0x6900  }
0x39: {  	[tilespmem:s16], [sflag:$0x1] =	stream.indirect_vreg.gather [hbm4b:s8+s1], $0x80, v3, vm0, $0xb8;
	[tilespmem:$0x1C100] =	vst v63  }
0x3a: {  	s13 =	simm.s32 $0x7100  }
0x3b: {  	[tilespmem:s13], [sflag:$0x1] =	stream.indirect_vreg.gather [hbm4b:s9+s1], $0x80, v3, vm0, $0xb8;
	[tilespmem:$0x1C100] =	vst v63  }
0x3c: {  	s15 =	simm.s32 $0x7900  }
0x3d: {  	[tilespmem:s15], [sflag:$0x1] =	stream.indirect_vreg.gather [hbm4b:s10+s1], $0x80, v3, vm0, $0xb8;
	[tilespmem:$0x1C100] =	vst v63  }
0x3e: {  	v3 =	vld [tilespmem:$0x10];
	_ =	sdelay $0x4  }
0x3f: {  	v60 =	vshll.u32 v3, $0x3  }
0x40: {  	v3 =	vand.u32 $0x7, v3;
	v4 =	vand.u32 $0xFFFFFFC0, v60  }
0x41: {  	v3 =	vor.u32 v3, v4  }
0x42: {  	v4 =	vperm.xlane v3, v0;
	_ =	sdelay $0x1  }
0x43: {  	v4 =	vadd.s32 v1, v4;
	_ =	sdelay $0x3  }
0x44: {  	s16 =	simm.s32 $0x8100  }
0x45: {  	[tilespmem:s16], [sflag:$0x1] =	stream.indirect_vreg.gather [hbm4b:s3+s1], $0x80, v4, vm0, $0xb8;
	[tilespmem:$0x1C100] =	vst v63  }
0x46: {  	s13 =	simm.s32 $0x8900;
	v3 =	vperm.xlane v3, v2  }
0x47: {  	[tilespmem:s13], [sflag:$0x1] =	stream.indirect_vreg.gather [hbm4b:s8+s1], $0x80, v4, vm0, $0xb8;
	[tilespmem:$0x1C100] =	vst v63  }
0x48: {  	s15 =	simm.s32 $0x9100;
	v3 =	vadd.s32 v1, v3  }
0x49: {  	[tilespmem:s15], [sflag:$0x1] =	stream.indirect_vreg.gather [hbm4b:s9+s1], $0x80, v4, vm0, $0xb8;
	[tilespmem:$0x1C100] =	vst v63  }
0x4a: {  	s16 =	simm.s32 $0x9900  }
0x4b: {  	[tilespmem:s16], [sflag:$0x1] =	stream.indirect_vreg.gather [hbm4b:s10+s1], $0x80, v4, vm0, $0xb8;
	[tilespmem:$0x1C100] =	vst v63  }
0x4c: {  	s13 =	simm.s32 $0xA100  }
0x4d: {  	[tilespmem:s13], [sflag:$0x1] =	stream.indirect_vreg.gather [hbm4b:s3+s1], $0x80, v3, vm0, $0xb8;
	[tilespmem:$0x1C100] =	vst v63  }
0x4e: {  	s15 =	simm.s32 $0xA900  }
0x4f: {  	[tilespmem:s15], [sflag:$0x1] =	stream.indirect_vreg.gather [hbm4b:s8+s1], $0x80, v3, vm0, $0xb8;
	[tilespmem:$0x1C100] =	vst v63  }
0x50: {  	s16 =	simm.s32 $0xB100  }
0x51: {  	[tilespmem:s16], [sflag:$0x1] =	stream.indirect_vreg.gather [hbm4b:s9+s1], $0x80, v3, vm0, $0xb8;
	[tilespmem:$0x1C100] =	vst v63  }
0x52: {  	s13 =	simm.s32 $0xB900  }
0x53: {  	[tilespmem:s13], [sflag:$0x1] =	stream.indirect_vreg.gather [hbm4b:s10+s1], $0x80, v3, vm0, $0xb8;
	[tilespmem:$0x1C100] =	vst v63  }
0x54: {  	_ =	swait.ge [sflag:s2], $0x8000  }
0x55: {  	[sflag:s2] =	ssyncset.done $0x0  }
0x56: {  	[sflag:s2] =	ssyncadd.s32 $0xFFFF8000  }
0x57: {  	v61 =	vld [tilespmem:$0x80];
	_ =	sdelay $0x4  }
0x58: {  	v62 =	vshll.u32 v61, $0x3  }
0x59: {  	v3 =	vand.u32 $0x7, v61;
	v4 =	vand.u32 $0xFFFFFFC0, v62  }
0x5a: {  	v3 =	vor.u32 v3, v4  }
0x5b: {  	v4 =	vperm.xlane v3, v0;
	_ =	sdelay $0x1  }
0x5c: {  	v4 =	vadd.s32 v1, v4;
	_ =	sdelay $0x3  }
0x5d: {  	s15 =	simm.s32 $0xC100  }
0x5e: {  	[tilespmem:s15], [sflag:$0x1] =	stream.indirect_vreg.gather [hbm4b:s3+s1], $0x80, v4, vm0, $0xb8;
	[tilespmem:$0x1C100] =	vst v63  }
0x5f: {  	s16 =	simm.s32 $0xC900;
	v3 =	vperm.xlane v3, v2  }
0x60: {  	[tilespmem:s16], [sflag:$0x1] =	stream.indirect_vreg.gather [hbm4b:s8+s1], $0x80, v4, vm0, $0xb8;
	[tilespmem:$0x1C100] =	vst v63  }
0x61: {  	v3 =	vadd.s32 v1, v3  }
0x62: {  	[tilespmem:s4], [sflag:$0x1] =	stream.indirect_vreg.gather [hbm4b:s9+s1], $0x80, v4, vm0, $0xb8;
	[tilespmem:$0x1C100] =	vst v63  }
0x63: {  	_ = 	snop  }
0x64: {  	[tilespmem:s17], [sflag:$0x1] =	stream.indirect_vreg.gather [hbm4b:s10+s1], $0x80, v4, vm0, $0xb8;
	[tilespmem:$0x1C100] =	vst v63  }
0x65: {  	_ = 	snop  }
0x66: {  	[tilespmem:s18], [sflag:$0x1] =	stream.indirect_vreg.gather [hbm4b:s3+s1], $0x80, v3, vm0, $0xb8;
	[tilespmem:$0x1C100] =	vst v63  }
0x67: {  	_ = 	snop  }
0x68: {  	[tilespmem:s19], [sflag:$0x1] =	stream.indirect_vreg.gather [hbm4b:s8+s1], $0x80, v3, vm0, $0xb8;
	[tilespmem:$0x1C100] =	vst v63  }
0x69: {  	_ = 	snop  }
0x6a: {  	[tilespmem:s5], [sflag:$0x1] =	stream.indirect_vreg.gather [hbm4b:s9+s1], $0x80, v3, vm0, $0xb8;
	[tilespmem:$0x1C100] =	vst v63  }
0x6b: {  	_ = 	snop  }
0x6c: {  	[tilespmem:s20], [sflag:$0x1] =	stream.indirect_vreg.gather [hbm4b:s10+s1], $0x80, v3, vm0, $0xb8;
	[tilespmem:$0x1C100] =	vst v63  }
0x6d: {  	v3 =	vld [tilespmem:$0x90];
	_ =	sdelay $0x4  }
0x6e: {  	v63 =	vshll.u32 v3, $0x3  }
0x6f: {  	v3 =	vand.u32 $0x7, v3;
	v4 =	vand.u32 $0xFFFFFFC0, v63  }
0x70: {  	v3 =	vor.u32 v3, v4  }
0x71: {  	v4 =	vperm.xlane v3, v0;
	_ =	sdelay $0x1  }
0x72: {  	v4 =	vadd.s32 v1, v4;
	_ =	sdelay $0x4  }
0x73: {  	[tilespmem:s6], [sflag:$0x1] =	stream.indirect_vreg.gather [hbm4b:s3+s1], $0x80, v4, vm0, $0xb8;
	[tilespmem:$0x1C100] =	vst v63  }
0x74: {  	v3 =	vperm.xlane v3, v2  }
0x75: {  	[tilespmem:s21], [sflag:$0x1] =	stream.indirect_vreg.gather [hbm4b:s8+s1], $0x80, v4, vm0, $0xb8;
	[tilespmem:$0x1C100] =	vst v63  }
0x76: {  	v3 =	vadd.s32 v1, v3  }
0x77: {  	[tilespmem:s22], [sflag:$0x1] =	stream.indirect_vreg.gather [hbm4b:s9+s1], $0x80, v4, vm0, $0xb8;
	[tilespmem:$0x1C100] =	vst v63  }
0x78: {  	_ = 	snop  }
0x79: {  	[tilespmem:s7], [sflag:$0x1] =	stream.indirect_vreg.gather [hbm4b:s10+s1], $0x80, v4, vm0, $0xb8;
	[tilespmem:$0x1C100] =	vst v63  }
0x7a: {  	_ = 	snop  }
0x7b: {  	[tilespmem:s23], [sflag:$0x1] =	stream.indirect_vreg.gather [hbm4b:s3+s1], $0x80, v3, vm0, $0xb8;
	[tilespmem:$0x1C100] =	vst v63  }
0x7c: {  	_ = 	snop  }
0x7d: {  	[tilespmem:s24], [sflag:$0x1] =	stream.indirect_vreg.gather [hbm4b:s8+s1], $0x80, v3, vm0, $0xb8;
	[tilespmem:$0x1C100] =	vst v63  }
0x7e: {  	_ = 	snop  }
0x7f: {  	[tilespmem:s25], [sflag:$0x1] =	stream.indirect_vreg.gather [hbm4b:s9+s1], $0x80, v3, vm0, $0xb8;
	[tilespmem:$0x1C100] =	vst v63  }
0x80: {  	_ = 	snop  }
0x81: {  	[tilespmem:s26], [sflag:$0x1] =	stream.indirect_vreg.gather [hbm4b:s10+s1], $0x80, v3, vm0, $0xb8;
	[tilespmem:$0x1C100] =	vst v63  }
0x82: {  	_ =	swait.ge [sflag:s2], $0x8000  }
0x83: {  	s31 =	simm.s32 $0x0;
	[sflag:s2] =	ssyncset.done $0x0  }
0x84: {  	s0 =	simm.s32 $0x0;
	s13 =	simm.s32 $0x0;
	[sflag:s2] =	ssyncadd.s32 $0xFFFF8000  }
.LBB2_2:
0x85: {  	v3 =	vld [tilespmem:s12+$0x0];
	s15 =	sand.u32 $0x6000, s31;
	s16 =	sand.u32 $0x380, s0  }
0x86: {  	v4 =	vld [tilespmem:s30+$0x0];
	s15 =	sor.u32 s16, s15  }
0x87: {  	v6 =	vld [tilespmem:s15+$0x4100]  }
0x88: {  	v7 =	vld [tilespmem:s15+$0xC100]  }
0x89: {  	v10 =	vld [tilespmem:s15+$0x4110]  }
0x8a: {  	v11 =	vld [tilespmem:s15+$0xC110]  }
0x8b: {  	v14 =	vld [tilespmem:s15+$0x4120]  }
0x8c: {  	v17 =	vld [tilespmem:s15+$0xC120]  }
0x8d: {  	v20 =	vld [tilespmem:s15+$0x4130]  }
0x8e: {  	v21 =	vld [tilespmem:s15+$0xC130]  }
0x8f: {  	v26 =	vld [tilespmem:s15+$0x4140]  }
0x90: {  	v27 =	vld [tilespmem:s15+$0xC140]  }
0x91: {  	v28 =	vld [tilespmem:s15+$0x4150]  }
0x92: {  	v29 =	vld [tilespmem:s15+$0xC150]  }
0x93: {  	v30 =	vld [tilespmem:s15+$0x4160]  }
0x94: {  	v31 =	vld [tilespmem:s15+$0xC160]  }
0x95: {  	v32 =	vld [tilespmem:s15+$0x4170]  }
0x96: {  	v33 =	vld [tilespmem:s15+$0xC170]  }
0x97: {  	v34 =	vld [tilespmem:s15+$0x4500]  }
0x98: {  	v35 =	vld [tilespmem:s15+$0xC500]  }
0x99: {  	v36 =	vld [tilespmem:s15+$0x4510]  }
0x9a: {  	v37 =	vld [tilespmem:s15+$0xC510]  }
0x9b: {  	v38 =	vld [tilespmem:s15+$0x4520]  }
0x9c: {  	v39 =	vld [tilespmem:s15+$0xC520]  }
0x9d: {  	v40 =	vld [tilespmem:s15+$0x4530]  }
0x9e: {  	v41 =	vld [tilespmem:s15+$0xC530]  }
0x9f: {  	v42 =	vld [tilespmem:s15+$0x4540]  }
0xa0: {  	v43 =	vld [tilespmem:s15+$0xC540]  }
0xa1: {  	v44 =	vld [tilespmem:s15+$0x4550]  }
0xa2: {  	v45 =	vld [tilespmem:s15+$0xC550]  }
0xa3: {  	v46 =	vld [tilespmem:s15+$0x4560]  }
0xa4: {  	v47 =	vld [tilespmem:s15+$0xC560]  }
0xa5: {  	v48 =	vld [tilespmem:s15+$0x4570]  }
0xa6: {  	v49 =	vld [tilespmem:s15+$0xC570]  }
0xa7: {  	v50 =	vld [tilespmem:s15+$0x4900]  }
0xa8: {  	v51 =	vld [tilespmem:s15+$0xC900]  }
0xa9: {  	v52 =	vld [tilespmem:s15+$0x4910]  }
0xaa: {  	v53 =	vld [tilespmem:s15+$0xC910]  }
0xab: {  	v54 =	vld [tilespmem:s15+$0x4920]  }
0xac: {  	v55 =	vld [tilespmem:s15+$0xC920]  }
0xad: {  	v56 =	vld [tilespmem:s15+$0x4930]  }
0xae: {  	v57 =	vld [tilespmem:s15+$0xC930]  }
0xaf: {  	v58 =	vld [tilespmem:s15+$0x4940]  }
0xb0: {  	v59 =	vld [tilespmem:s15+$0xC940]  }
0xb1: {  	v60 =	vld [tilespmem:s15+$0x4950]  }
0xb2: {  	v61 =	vld [tilespmem:s15+$0xC950]  }
0xb3: {  	v62 =	vld [tilespmem:s15+$0x4960]  }
0xb4: {  	v63 =	vld [tilespmem:s15+$0xC960]  }
0xb5: {  	v5 =	vld [tilespmem:s15+$0x4970]  }
0xb6: {  	v2 =	vld [tilespmem:s15+$0xC970]  }
0xb7: {  	v24 =	vld [tilespmem:s15+$0x4D00]  }
0xb8: {  	v25 =	vld [tilespmem:s15+$0xCD00]  }
0xb9: {  	v22 =	vld [tilespmem:s15+$0x4D10]  }
0xba: {  	v23 =	vld [tilespmem:s15+$0xCD10]  }
0xbb: {  	v18 =	vld [tilespmem:s15+$0x4D20]  }
0xbc: {  	v19 =	vld [tilespmem:s15+$0xCD20]  }
0xbd: {  	v15 =	vld [tilespmem:s15+$0x4D30]  }
0xbe: {  	v0 =	vld [tilespmem:s15+$0x4D60]  }
0xbf: {  	v16 =	vld [tilespmem:s15+$0xCD30]  }
0xc0: {  	v12 =	vld [tilespmem:s15+$0x4D40]  }
0xc1: {  	v13 =	vld [tilespmem:s15+$0xCD40]  }
0xc2: {  	v8 =	vld [tilespmem:s15+$0x4D50];
	v1 =	vmul.f32 v6, v3  }
0xc3: {  	v9 =	vld [tilespmem:s15+$0xCD50];
	[tilespmem:$0x1FFC0] =	vst v0;
	v0 =	vmul.f32 v7, v4;
	v10 =	vmul.f32 v10, v3  }
0xc4: {  	v7 =	vld [tilespmem:s15+$0xCD60];
	v11 =	vmul.f32 v11, v4;
	v14 =	vmul.f32 v14, v3  }
0xc5: {  	v6 =	vld [tilespmem:s15+$0x4D70];
	v17 =	vmul.f32 v17, v4;
	v20 =	vmul.f32 v20, v3  }
0xc6: {  	v21 =	vmul.f32 v21, v4;
	v26 =	vmul.f32 v26, v3;
	v1 =	vadd.f32 v0, v1;
	v0 =	vld [tilespmem:s15+$0xCD70]  }
0xc7: {  	v5 =	vmul.f32 v5, v3;
	v2 =	vmul.f32 v2, v4;
	v10 =	vadd.f32 v11, v10;
	v11 =	vld [tilespmem:s15+$0x5100]  }
0xc8: {  	v24 =	vmul.f32 v24, v3;
	v25 =	vmul.f32 v25, v4;
	[tilespmem:s15+$0x14100] =	vst v1;
	v1 =	vadd.f32 v17, v14;
	v14 =	vld [tilespmem:s15+$0xD100]  }
0xc9: {  	[tilespmem:s15+$0x14110] =	vst v10;
	v10 =	vadd.f32 v21, v20;
	v21 =	vmul.f32 v28, v3;
	v28 =	vmul.f32 v29, v4;
	v17 =	vld [tilespmem:s15+$0x5110]  }
0xca: {  	v27 =	vmul.f32 v27, v4;
	v34 =	vmul.f32 v34, v3;
	v2 =	vadd.f32 v2, v5;
	v20 =	vld [tilespmem:s15+$0xD110]  }
0xcb: {  	v35 =	vmul.f32 v35, v4;
	v25 =	vadd.f32 v25, v24;
	[tilespmem:s15+$0x14130] =	vst v10;
	v10 =	vadd.f32 v28, v21;
	v21 =	vld [tilespmem:s15+$0x5120]  }
0xcc: {  	v29 =	vmul.f32 v33, v4;
	[tilespmem:s15+$0x14120] =	vst v1;
	v1 =	vadd.f32 v27, v26;
	v27 =	vmul.f32 v31, v4;
	v31 =	vld [tilespmem:s15+$0x5130]  }
0xcd: {  	[tilespmem:s15+$0x14970] =	vst v2;
	v26 =	vmul.f32 v30, v3;
	v28 =	vmul.f32 v32, v3;
	v32 =	vld [tilespmem:s15+$0xD130]  }
0xce: {  	v38 =	vmul.f32 v38, v3;
	[tilespmem:s15+$0x14D00] =	vst v25;
	v30 =	vmul.f32 v15, v3;
	v15 =	vld [tilespmem:s15+$0x5540]  }
0xcf: {  	v39 =	vmul.f32 v39, v4;
	v33 =	vadd.f32 v27, v26;
	v26 =	vld [tilespmem:s15+$0xD120];
	[tilespmem:s15+$0x14150] =	vst v10;
	v10 =	vadd.f32 v29, v28  }
0xd0: {  	[tilespmem:s15+$0x14140] =	vst v1;
	v28 =	vmul.f32 v36, v3;
	v36 =	vmul.f32 v37, v4;
	v37 =	vadd.f32 v35, v34;
	v34 =	vld [tilespmem:s15+$0xD140]  }
0xd1: {  	v40 =	vmul.f32 v40, v3;
	v52 =	vmul.f32 v52, v3;
	v35 =	vld [tilespmem:s15+$0x5150];
	[tilespmem:s15+$0x14160] =	vst v33  }
0xd2: {  	v18 =	vmul.f32 v18, v3;
	v27 =	vld [tilespmem:s15+$0xD520];
	[tilespmem:s15+$0x14170] =	vst v10;
	v10 =	vadd.f32 v36, v28;
	v36 =	vmul.f32 v41, v4  }
0xd3: {  	v33 =	vld [tilespmem:s15+$0x5140];
	[tilespmem:s15+$0x14500] =	vst v37;
	v37 =	vadd.f32 v39, v38;
	v38 =	vmul.f32 v42, v3;
	v39 =	vmul.f32 v43, v4  }
0xd4: {  	v41 =	vmul.f32 v45, v4;
	v28 =	vld [tilespmem:s15+$0x5520];
	[tilespmem:s15+$0x14510] =	vst v10;
	v10 =	vadd.f32 v36, v40;
	v40 =	vmul.f32 v44, v3  }
0xd5: {  	v43 =	vmul.f32 v46, v3;
	[tilespmem:s15+$0x14520] =	vst v37;
	v42 =	vadd.f32 v39, v38;
	v44 =	vmul.f32 v47, v4;
	v36 =	vld [tilespmem:s15+$0xD150]  }
0xd6: {  	v46 =	vmul.f32 v48, v3;
	v47 =	vmul.f32 v49, v4;
	v37 =	vld [tilespmem:s15+$0x5160];
	[tilespmem:s15+$0x14530] =	vst v10;
	v45 =	vadd.f32 v41, v40  }
0xd7: {  	v49 =	vmul.f32 v50, v3;
	v50 =	vmul.f32 v51, v4;
	v38 =	vld [tilespmem:s15+$0xD160];
	[tilespmem:s15+$0x14540] =	vst v42;
	v48 =	vadd.f32 v44, v43  }
0xd8: {  	v19 =	vmul.f32 v19, v4;
	v39 =	vld [tilespmem:s15+$0x5170];
	v51 =	vadd.f32 v47, v46;
	v44 =	vmul.f32 v53, v4;
	[tilespmem:s15+$0x14550] =	vst v45  }
0xd9: {  	v46 =	vmul.f32 v54, v3;
	v47 =	vmul.f32 v55, v4;
	v40 =	vld [tilespmem:s15+$0xD170];
	[tilespmem:s15+$0x14560] =	vst v48;
	v45 =	vadd.f32 v50, v49  }
0xda: {  	v41 =	vld [tilespmem:s15+$0x5500];
	v53 =	vmul.f32 v59, v4;
	v55 =	vmul.f32 v60, v3;
	[tilespmem:s15+$0x14570] =	vst v51;
	v48 =	vadd.f32 v44, v52  }
0xdb: {  	v42 =	vld [tilespmem:s15+$0xD500];
	v49 =	vmul.f32 v56, v3;
	v50 =	vmul.f32 v57, v4;
	v51 =	vadd.f32 v47, v46;
	[tilespmem:s15+$0x14900] =	vst v45  }
0xdc: {  	v43 =	vld [tilespmem:s15+$0x5510];
	v59 =	vmul.f32 v63, v4;
	v52 =	vmul.f32 v58, v3;
	v46 =	vadd.f32 v19, v18;
	[tilespmem:s15+$0x14910] =	vst v48  }
0xdd: {  	v63 =	vmul.f32 v23, v4;
	v23 =	vld [tilespmem:s15+$0xD530];
	v56 =	vmul.f32 v61, v4;
	v54 =	vadd.f32 v50, v49;
	[tilespmem:s15+$0x14920] =	vst v51  }
0xde: {  	v58 =	vmul.f32 v62, v3;
	v44 =	vld [tilespmem:s15+$0xD510];
	v57 =	vadd.f32 v53, v52;
	[tilespmem:s15+$0x14D20] =	vst v46  }
0xdf: {  	v62 =	vmul.f32 v22, v3;
	v22 =	vld [tilespmem:s15+$0x5530];
	v60 =	vadd.f32 v56, v55;
	[tilespmem:s15+$0x14930] =	vst v54  }
0xe0: {  	v12 =	vmul.f32 v12, v3;
	v13 =	vmul.f32 v13, v4;
	v18 =	vld [tilespmem:s15+$0x5910];
	v61 =	vadd.f32 v59, v58;
	[tilespmem:s15+$0x14940] =	vst v57  }
0xe1: {  	v25 =	vmul.f32 v34, v4;
	v24 =	vmul.f32 v33, v3;
	v19 =	vld [tilespmem:s15+$0xD910];
	v29 =	vadd.f32 v63, v62;
	[tilespmem:s15+$0x14950] =	vst v60  }
0xe2: {  	v45 =	vmul.f32 v16, v4;
	v16 =	vld [tilespmem:s15+$0xD540];
	v48 =	vmul.f32 v8, v3;
	v50 =	vadd.f32 v13, v12;
	[tilespmem:s15+$0x14960] =	vst v61  }
0xe3: {  	v49 =	vmul.f32 v9, v4;
	v9 =	vld [tilespmem:s15+$0x5550];
	v63 =	vmul.f32 v31, v3;
	v31 =	vadd.f32 v25, v24;
	[tilespmem:s15+$0x14D10] =	vst v29  }
0xe4: {  	v0 =	vmul.f32 v0, v4;
	v51 =	vld [tilespmem:$0x1FFC0];
	v53 =	vmul.f32 v6, v3;
	v47 =	vadd.f32 v45, v30;
	[tilespmem:s15+$0x14D40] =	vst v50  }
0xe5: {  	v12 =	vld [tilespmem:s15+$0xD550];
	v55 =	vmul.f32 v11, v3;
	v56 =	vmul.f32 v14, v4;
	v52 =	vadd.f32 v49, v48;
	[tilespmem:s15+$0x15140] =	vst v31  }
0xe6: {  	v6 =	vld [tilespmem:s15+$0x5560];
	v58 =	vmul.f32 v20, v4;
	v20 =	vmul.f32 v32, v4;
	v0 =	vadd.f32 v0, v53;
	[tilespmem:s15+$0x14D30] =	vst v47  }
0xe7: {  	v33 =	vmul.f32 v38, v4;
	v11 =	vld [tilespmem:s15+$0x5570];
	v32 =	vmul.f32 v37, v3;
	v59 =	vadd.f32 v56, v55;
	[tilespmem:s15+$0x14D50] =	vst v52  }
0xe8: {  	v13 =	vld [tilespmem:s15+$0xD570];
	v57 =	vmul.f32 v17, v3;
	v61 =	vmul.f32 v26, v4;
	v26 =	vadd.f32 v20, v63;
	[tilespmem:s15+$0x14D70] =	vst v0  }
0xe9: {  	v7 =	vmul.f32 v7, v4;
	v14 =	vld [tilespmem:s15+$0x5900];
	v60 =	vmul.f32 v21, v3;
	v37 =	vadd.f32 v33, v32;
	[tilespmem:s15+$0x15100] =	vst v59  }
0xea: {  	v17 =	vld [tilespmem:s15+$0xD900];
	v29 =	vmul.f32 v35, v3;
	v30 =	vmul.f32 v36, v4;
	v62 =	vadd.f32 v58, v57;
	[tilespmem:s15+$0x15130] =	vst v26  }
0xeb: {  	v35 =	vmul.f32 v39, v3;
	v36 =	vmul.f32 v40, v4;
	v20 =	vld [tilespmem:s15+$0x5920];
	v21 =	vadd.f32 v61, v60;
	[tilespmem:s15+$0x15160] =	vst v37  }
0xec: {  	v38 =	vmul.f32 v41, v3;
	v39 =	vmul.f32 v42, v4;
	v40 =	vld [tilespmem:s15+$0xD920];
	v34 =	vadd.f32 v30, v29;
	[tilespmem:s15+$0x15110] =	vst v62  }
0xed: {  	v42 =	vmul.f32 v43, v3;
	v48 =	vld [tilespmem:s15+$0xD930];
	v43 =	vmul.f32 v44, v4;
	v41 =	vadd.f32 v36, v35;
	[tilespmem:s15+$0x15120] =	vst v21  }
0xee: {  	v46 =	vmul.f32 v28, v3;
	v56 =	vld [tilespmem:s15+$0xD940];
	v45 =	vadd.f32 v39, v38;
	v47 =	vmul.f32 v27, v4;
	[tilespmem:s15+$0x15150] =	vst v34  }
0xef: {  	v63 =	vld [tilespmem:s15+$0xD950];
	v50 =	vmul.f32 v22, v3;
	v10 =	vmul.f32 v51, v3;
	v49 =	vadd.f32 v43, v42;
	[tilespmem:s15+$0x15170] =	vst v41  }
0xf0: {  	v31 =	vld [tilespmem:s15+$0xD960];
	v33 =	vmul.f32 v18, v3;
	v51 =	vmul.f32 v23, v4;
	[tilespmem:s15+$0x15500] =	vst v45;
	v53 =	vadd.f32 v47, v46  }
0xf1: {  	v44 =	vld [tilespmem:s15+$0x5930];
	v58 =	vmul.f32 v9, v3;
	v59 =	vmul.f32 v12, v4;
	v54 =	vadd.f32 v7, v10;
	[tilespmem:s15+$0x15510] =	vst v49  }
0xf2: {  	v52 =	vld [tilespmem:s15+$0x5940];
	v23 =	vmul.f32 v11, v3;
	v26 =	vmul.f32 v13, v4;
	v57 =	vadd.f32 v51, v50;
	[tilespmem:s15+$0x15520] =	vst v53  }
0xf3: {  	v60 =	vld [tilespmem:s15+$0x5950];
	v55 =	vmul.f32 v16, v4;
	v34 =	vmul.f32 v19, v4;
	v16 =	vadd.f32 v59, v58;
	[tilespmem:s15+$0x14D60] =	vst v54  }
0xf4: {  	v27 =	vld [tilespmem:s15+$0x5960];
	v29 =	vmul.f32 v14, v3;
	v30 =	vmul.f32 v17, v4;
	v32 =	vadd.f32 v26, v23;
	[tilespmem:s15+$0x15530] =	vst v57  }
0xf5: {  	v35 =	vld [tilespmem:s15+$0x5970];
	v37 =	vmul.f32 v20, v3;
	v38 =	vmul.f32 v40, v4;
	v40 =	vadd.f32 v34, v33;
	[tilespmem:s15+$0x15550] =	vst v16  }
0xf6: {  	v39 =	vld [tilespmem:s15+$0xD970];
	v42 =	vmul.f32 v48, v4;
	v41 =	vmul.f32 v44, v3;
	v36 =	vadd.f32 v30, v29;
	[tilespmem:s15+$0x15570] =	vst v32  }
0xf7: {  	v10 =	vld [tilespmem:s15+$0xD560];
	v54 =	vmul.f32 v15, v3;
	v43 =	vadd.f32 v38, v37;
	[tilespmem:s15+$0x15910] =	vst v40  }
0xf8: {  	v45 =	vmul.f32 v56, v4;
	v44 =	vmul.f32 v52, v3;
	v46 =	vadd.f32 v42, v41;
	[tilespmem:s15+$0x15900] =	vst v36  }
0xf9: {  	v48 =	vmul.f32 v63, v4;
	v47 =	vmul.f32 v60, v3;
	v61 =	vadd.f32 v55, v54;
	[tilespmem:s15+$0x15920] =	vst v43  }
0xfa: {  	v51 =	vmul.f32 v31, v4;
	v50 =	vmul.f32 v27, v3;
	v49 =	vadd.f32 v45, v44;
	[tilespmem:s15+$0x15930] =	vst v46  }
0xfb: {  	v53 =	vmul.f32 v35, v3;
	v52 =	vadd.f32 v48, v47;
	v54 =	vmul.f32 v39, v4;
	[tilespmem:s15+$0x15540] =	vst v61  }
0xfc: {  	v6 =	vmul.f32 v6, v3;
	v55 =	vadd.f32 v51, v50;
	v62 =	vmul.f32 v10, v4;
	[tilespmem:s15+$0x15940] =	vst v49  }
0xfd: {  	s16 =	sand.u32 $0x7, s13;
	[tilespmem:s15+$0x15950] =	vst v52;
	v56 =	vadd.f32 v54, v53  }
0xfe: {  	s16 =	sshll.u32 s16, $0x7;
	[tilespmem:s15+$0x15960] =	vst v55;
	v28 =	vadd.f32 v62, v6  }
0xff: {  	s16 =	sadd.s32 s16, s31;
	[tilespmem:s15+$0x15970] =	vst v56  }
0x100: {  	[tilespmem:s15+$0x15560] =	vst v28;
	s15 =	sor.u32 $0x1C00, s16  }
0x101: {  	v0 =	vld [tilespmem:s15+$0x4100]  }
0x102: {  	v1 =	vld [tilespmem:s15+$0xC100];
	_ =	sdelay $0x4  }
0x103: {  	v0 =	vmul.f32 v0, v3;
	v1 =	vmul.f32 v1, v4;
	_ =	sdelay $0x1  }
0x104: {  	v0 =	vadd.f32 v1, v0;
	_ =	sdelay $0x1  }
0x105: {  	[tilespmem:s15+$0x14100] =	vst v0;
	s15 =	sor.u32 $0x1C10, s16  }
0x106: {  	v0 =	vld [tilespmem:s15+$0x4100]  }
0x107: {  	v57 =	vld [tilespmem:s15+$0xC100];
	_ =	sdelay $0x4  }
0x108: {  	v0 =	vmul.f32 v0, v3;
	v1 =	vmul.f32 v57, v4;
	_ =	sdelay $0x1  }
0x109: {  	v0 =	vadd.f32 v1, v0;
	_ =	sdelay $0x1  }
0x10a: {  	[tilespmem:s15+$0x14100] =	vst v0;
	s15 =	sor.u32 $0x1C20, s16  }
0x10b: {  	v0 =	vld [tilespmem:s15+$0x4100]  }
0x10c: {  	v58 =	vld [tilespmem:s15+$0xC100];
	_ =	sdelay $0x4  }
0x10d: {  	v0 =	vmul.f32 v0, v3;
	v1 =	vmul.f32 v58, v4;
	_ =	sdelay $0x1  }
0x10e: {  	v0 =	vadd.f32 v1, v0;
	_ =	sdelay $0x1  }
0x10f: {  	[tilespmem:s15+$0x14100] =	vst v0;
	s15 =	sor.u32 $0x1C30, s16  }
0x110: {  	v0 =	vld [tilespmem:s15+$0x4100]  }
0x111: {  	v59 =	vld [tilespmem:s15+$0xC100];
	_ =	sdelay $0x4  }
0x112: {  	v0 =	vmul.f32 v0, v3;
	v1 =	vmul.f32 v59, v4;
	_ =	sdelay $0x1  }
0x113: {  	v0 =	vadd.f32 v1, v0;
	_ =	sdelay $0x1  }
0x114: {  	[tilespmem:s15+$0x14100] =	vst v0;
	s15 =	sor.u32 $0x1C40, s16  }
0x115: {  	v0 =	vld [tilespmem:s15+$0x4100]  }
0x116: {  	v60 =	vld [tilespmem:s15+$0xC100];
	_ =	sdelay $0x4  }
0x117: {  	v0 =	vmul.f32 v0, v3;
	v1 =	vmul.f32 v60, v4;
	_ =	sdelay $0x1  }
0x118: {  	v0 =	vadd.f32 v1, v0;
	_ =	sdelay $0x1  }
0x119: {  	[tilespmem:s15+$0x14100] =	vst v0;
	s15 =	sor.u32 $0x1C50, s16  }
0x11a: {  	v0 =	vld [tilespmem:s15+$0x4100]  }
0x11b: {  	v61 =	vld [tilespmem:s15+$0xC100];
	_ =	sdelay $0x4  }
0x11c: {  	v0 =	vmul.f32 v0, v3;
	v1 =	vmul.f32 v61, v4;
	_ =	sdelay $0x1  }
0x11d: {  	v0 =	vadd.f32 v1, v0;
	_ =	sdelay $0x1  }
0x11e: {  	[tilespmem:s15+$0x14100] =	vst v0;
	s15 =	sor.u32 $0x1C60, s16  }
0x11f: {  	v0 =	vld [tilespmem:s15+$0x4100]  }
0x120: {  	v62 =	vld [tilespmem:s15+$0xC100];
	_ =	sdelay $0x4  }
0x121: {  	v0 =	vmul.f32 v0, v3;
	v1 =	vmul.f32 v62, v4;
	_ =	sdelay $0x1  }
0x122: {  	v0 =	vadd.f32 v1, v0;
	_ =	sdelay $0x1  }
0x123: {  	s16 =	sor.u32 $0x1C70, s16;
	[tilespmem:s15+$0x14100] =	vst v0  }
0x124: {  	v0 =	vld [tilespmem:s16+$0x4100]  }
0x125: {  	v63 =	vld [tilespmem:s16+$0xC100];
	_ =	sdelay $0x3  }
0x126: {  	p0 =	sne.s32 s0, $0xF80  }
.Ltmp0:
0x127: {  	v0 =	vmul.f32 v0, v3;
	v1 =	vmul.f32 v63, v4;
	(pc) =	sbr.rel @p0 .LBB2_2-.Ltmp0, $4  }
0x128: {  	_ = 	snop  }
0x129: {  	v0 =	vadd.f32 v1, v0  }
0x12a: {  	s12 =	sadd.s32 $0x80, s12;
	s30 =	sadd.s32 $0x80, s30  }
0x12b: {  	s0 =	sadd.s32 $0x80, s0;
	s13 =	sadd.s32 $0x1, s13;
	s31 =	sadd.s32 $0x400, s31;
	[tilespmem:s16+$0x14100] =	vst v0  }
0x12c: {  	s12 =	simm.s32 $0x0  }
0x12d: {  	[hbm4b:s11+s12] =	stream.linear.scatter [tilespmem:s28], [sflag:$0x2], $0x8000, $0x38;
	[tilespmem:$0x1C100] =	vst v63  }
0x12e: {  	_ =	swait.ge [sflag:s14], $0x8000  }
0x12f: {  	[sflag:s14] =	ssyncset.done $0x0  }
0x130: {  	[sflag:s14] =	ssyncadd.s32 $0xFFFF8000  }
0x131: {  	v0 =	vld [tilespmem:$0x20];
	_ =	sdelay $0x2  }
0x132: {  	v2 =	vld [tilespmem:$0x1FFD0];
	_ =	sdelay $0x1  }
0x133: {  	v3 =	vld [tilespmem:$0x1FFE0];
	v1 =	vshll.u32 v0, $0x3  }
0x134: {  	v0 =	vand.u32 $0x7, v0;
	v1 =	vand.u32 $0xFFFFFFC0, v1  }
0x135: {  	v0 =	vor.u32 v0, v1  }
0x136: {  	v1 =	vperm.xlane v0, v2;
	_ =	sdelay $0x1  }
0x137: {  	v1 =	vadd.s32 v3, v1  }
0x138: {  	v4 =	vld [tilespmem:$0x1FFF0];
	_ =	sdelay $0x2  }
0x139: {  	s0 =	simm.s32 $0x4100  }
0x13a: {  	[tilespmem:s0], [sflag:$0x1] =	stream.indirect_vreg.gather [hbm4b:s3+s12], $0x80, v1, vm0, $0xb8;
	[tilespmem:$0x1C100] =	vst v63  }
0x13b: {  	s15 =	simm.s32 $0x4900;
	v0 =	vperm.xlane v0, v4  }
0x13c: {  	[tilespmem:s15], [sflag:$0x1] =	stream.indirect_vreg.gather [hbm4b:s8+s12], $0x80, v1, vm0, $0xb8;
	[tilespmem:$0x1C100] =	vst v63  }
0x13d: {  	s16 =	simm.s32 $0x5100;
	v0 =	vadd.s32 v3, v0  }
0x13e: {  	[tilespmem:s16], [sflag:$0x1] =	stream.indirect_vreg.gather [hbm4b:s9+s12], $0x80, v1, vm0, $0xb8;
	[tilespmem:$0x1C100] =	vst v63  }
0x13f: {  	s13 =	simm.s32 $0x5900  }
0x140: {  	[tilespmem:s13], [sflag:$0x1] =	stream.indirect_vreg.gather [hbm4b:s10+s12], $0x80, v1, vm0, $0xb8;
	[tilespmem:$0x1C100] =	vst v63  }
0x141: {  	s15 =	simm.s32 $0x6100  }
0x142: {  	[tilespmem:s15], [sflag:$0x1] =	stream.indirect_vreg.gather [hbm4b:s3+s12], $0x80, v0, vm0, $0xb8;
	[tilespmem:$0x1C100] =	vst v63  }
0x143: {  	s16 =	simm.s32 $0x6900  }
0x144: {  	[tilespmem:s16], [sflag:$0x1] =	stream.indirect_vreg.gather [hbm4b:s8+s12], $0x80, v0, vm0, $0xb8;
	[tilespmem:$0x1C100] =	vst v63  }
0x145: {  	s13 =	simm.s32 $0x7100  }
0x146: {  	[tilespmem:s13], [sflag:$0x1] =	stream.indirect_vreg.gather [hbm4b:s9+s12], $0x80, v0, vm0, $0xb8;
	[tilespmem:$0x1C100] =	vst v63  }
0x147: {  	s15 =	simm.s32 $0x7900  }
0x148: {  	[tilespmem:s15], [sflag:$0x1] =	stream.indirect_vreg.gather [hbm4b:s10+s12], $0x80, v0, vm0, $0xb8;
	[tilespmem:$0x1C100] =	vst v63  }
0x149: {  	v0 =	vld [tilespmem:$0x30];
	_ =	sdelay $0x4  }
0x14a: {  	v60 =	vshll.u32 v0, $0x3  }
0x14b: {  	v0 =	vand.u32 $0x7, v0;
	v1 =	vand.u32 $0xFFFFFFC0, v60  }
0x14c: {  	v0 =	vor.u32 v0, v1  }
0x14d: {  	v1 =	vperm.xlane v0, v2;
	_ =	sdelay $0x1  }
0x14e: {  	v1 =	vadd.s32 v3, v1;
	_ =	sdelay $0x3  }
0x14f: {  	s16 =	simm.s32 $0x8100  }
0x150: {  	[tilespmem:s16], [sflag:$0x1] =	stream.indirect_vreg.gather [hbm4b:s3+s12], $0x80, v1, vm0, $0xb8;
	[tilespmem:$0x1C100] =	vst v63  }
0x151: {  	s13 =	simm.s32 $0x8900;
	v0 =	vperm.xlane v0, v4  }
0x152: {  	[tilespmem:s13], [sflag:$0x1] =	stream.indirect_vreg.gather [hbm4b:s8+s12], $0x80, v1, vm0, $0xb8;
	[tilespmem:$0x1C100] =	vst v63  }
0x153: {  	s15 =	simm.s32 $0x9100;
	v0 =	vadd.s32 v3, v0  }
0x154: {  	[tilespmem:s15], [sflag:$0x1] =	stream.indirect_vreg.gather [hbm4b:s9+s12], $0x80, v1, vm0, $0xb8;
	[tilespmem:$0x1C100] =	vst v63  }
0x155: {  	s16 =	simm.s32 $0x9900  }
0x156: {  	[tilespmem:s16], [sflag:$0x1] =	stream.indirect_vreg.gather [hbm4b:s10+s12], $0x80, v1, vm0, $0xb8;
	[tilespmem:$0x1C100] =	vst v63  }
0x157: {  	s13 =	simm.s32 $0xA100  }
0x158: {  	[tilespmem:s13], [sflag:$0x1] =	stream.indirect_vreg.gather [hbm4b:s3+s12], $0x80, v0, vm0, $0xb8;
	[tilespmem:$0x1C100] =	vst v63  }
0x159: {  	s15 =	simm.s32 $0xA900  }
0x15a: {  	[tilespmem:s15], [sflag:$0x1] =	stream.indirect_vreg.gather [hbm4b:s8+s12], $0x80, v0, vm0, $0xb8;
	[tilespmem:$0x1C100] =	vst v63  }
0x15b: {  	s16 =	simm.s32 $0xB100  }
0x15c: {  	[tilespmem:s16], [sflag:$0x1] =	stream.indirect_vreg.gather [hbm4b:s9+s12], $0x80, v0, vm0, $0xb8;
	[tilespmem:$0x1C100] =	vst v63  }
0x15d: {  	s13 =	simm.s32 $0xB900  }
0x15e: {  	[tilespmem:s13], [sflag:$0x1] =	stream.indirect_vreg.gather [hbm4b:s10+s12], $0x80, v0, vm0, $0xb8;
	[tilespmem:$0x1C100] =	vst v63  }
0x15f: {  	_ =	swait.ge [sflag:s2], $0x8000  }
0x160: {  	[sflag:s2] =	ssyncset.done $0x0  }
0x161: {  	[sflag:s2] =	ssyncadd.s32 $0xFFFF8000  }
0x162: {  	v61 =	vld [tilespmem:$0xA0];
	_ =	sdelay $0x4  }
0x163: {  	v62 =	vshll.u32 v61, $0x3  }
0x164: {  	v0 =	vand.u32 $0x7, v61;
	v1 =	vand.u32 $0xFFFFFFC0, v62  }
0x165: {  	v0 =	vor.u32 v0, v1  }
0x166: {  	v1 =	vperm.xlane v0, v2;
	_ =	sdelay $0x1  }
0x167: {  	v1 =	vadd.s32 v3, v1;
	_ =	sdelay $0x3  }
0x168: {  	s15 =	simm.s32 $0xC100  }
0x169: {  	[tilespmem:s15], [sflag:$0x1] =	stream.indirect_vreg.gather [hbm4b:s3+s12], $0x80, v1, vm0, $0xb8;
	[tilespmem:$0x1C100] =	vst v63  }
0x16a: {  	s16 =	simm.s32 $0xC900;
	v0 =	vperm.xlane v0, v4  }
0x16b: {  	[tilespmem:s16], [sflag:$0x1] =	stream.indirect_vreg.gather [hbm4b:s8+s12], $0x80, v1, vm0, $0xb8;
	[tilespmem:$0x1C100] =	vst v63  }
0x16c: {  	v0 =	vadd.s32 v3, v0  }
0x16d: {  	[tilespmem:s4], [sflag:$0x1] =	stream.indirect_vreg.gather [hbm4b:s9+s12], $0x80, v1, vm0, $0xb8;
	[tilespmem:$0x1C100] =	vst v63  }
0x16e: {  	_ = 	snop  }
0x16f: {  	[tilespmem:s17], [sflag:$0x1] =	stream.indirect_vreg.gather [hbm4b:s10+s12], $0x80, v1, vm0, $0xb8;
	[tilespmem:$0x1C100] =	vst v63  }
0x170: {  	_ = 	snop  }
0x171: {  	[tilespmem:s18], [sflag:$0x1] =	stream.indirect_vreg.gather [hbm4b:s3+s12], $0x80, v0, vm0, $0xb8;
	[tilespmem:$0x1C100] =	vst v63  }
0x172: {  	_ = 	snop  }
0x173: {  	[tilespmem:s19], [sflag:$0x1] =	stream.indirect_vreg.gather [hbm4b:s8+s12], $0x80, v0, vm0, $0xb8;
	[tilespmem:$0x1C100] =	vst v63  }
0x174: {  	_ = 	snop  }
0x175: {  	[tilespmem:s5], [sflag:$0x1] =	stream.indirect_vreg.gather [hbm4b:s9+s12], $0x80, v0, vm0, $0xb8;
	[tilespmem:$0x1C100] =	vst v63  }
0x176: {  	_ = 	snop  }
0x177: {  	[tilespmem:s20], [sflag:$0x1] =	stream.indirect_vreg.gather [hbm4b:s10+s12], $0x80, v0, vm0, $0xb8;
	[tilespmem:$0x1C100] =	vst v63  }
0x178: {  	v0 =	vld [tilespmem:$0xB0];
	_ =	sdelay $0x4  }
0x179: {  	v63 =	vshll.u32 v0, $0x3  }
0x17a: {  	v0 =	vand.u32 $0x7, v0;
	v1 =	vand.u32 $0xFFFFFFC0, v63  }
0x17b: {  	v0 =	vor.u32 v0, v1  }
0x17c: {  	v1 =	vperm.xlane v0, v2;
	_ =	sdelay $0x1  }
0x17d: {  	v1 =	vadd.s32 v3, v1;
	_ =	sdelay $0x4  }
0x17e: {  	[tilespmem:s6], [sflag:$0x1] =	stream.indirect_vreg.gather [hbm4b:s3+s12], $0x80, v1, vm0, $0xb8;
	[tilespmem:$0x1C100] =	vst v63  }
0x17f: {  	v0 =	vperm.xlane v0, v4  }
0x180: {  	[tilespmem:s21], [sflag:$0x1] =	stream.indirect_vreg.gather [hbm4b:s8+s12], $0x80, v1, vm0, $0xb8;
	[tilespmem:$0x1C100] =	vst v63  }
0x181: {  	v0 =	vadd.s32 v3, v0  }
0x182: {  	[tilespmem:s22], [sflag:$0x1] =	stream.indirect_vreg.gather [hbm4b:s9+s12], $0x80, v1, vm0, $0xb8;
	[tilespmem:$0x1C100] =	vst v63  }
0x183: {  	_ = 	snop  }
0x184: {  	[tilespmem:s7], [sflag:$0x1] =	stream.indirect_vreg.gather [hbm4b:s10+s12], $0x80, v1, vm0, $0xb8;
	[tilespmem:$0x1C100] =	vst v63  }
0x185: {  	_ = 	snop  }
0x186: {  	[tilespmem:s23], [sflag:$0x1] =	stream.indirect_vreg.gather [hbm4b:s3+s12], $0x80, v0, vm0, $0xb8;
	[tilespmem:$0x1C100] =	vst v63  }
0x187: {  	_ = 	snop  }
0x188: {  	[tilespmem:s24], [sflag:$0x1] =	stream.indirect_vreg.gather [hbm4b:s8+s12], $0x80, v0, vm0, $0xb8;
	[tilespmem:$0x1C100] =	vst v63  }
0x189: {  	_ = 	snop  }
0x18a: {  	[tilespmem:s25], [sflag:$0x1] =	stream.indirect_vreg.gather [hbm4b:s9+s12], $0x80, v0, vm0, $0xb8;
	[tilespmem:$0x1C100] =	vst v63  }
0x18b: {  	_ = 	snop  }
0x18c: {  	[tilespmem:s26], [sflag:$0x1] =	stream.indirect_vreg.gather [hbm4b:s10+s12], $0x80, v0, vm0, $0xb8;
	[tilespmem:$0x1C100] =	vst v63  }
0x18d: {  	_ =	swait.ge [sflag:s2], $0x8000  }
0x18e: {  	s30 =	simm.s32 $0x1100;
	s31 =	simm.s32 $0x0;
	[sflag:s2] =	ssyncset.done $0x0  }
0x18f: {  	s0 =	simm.s32 $0x0;
	s13 =	simm.s32 $0x3100;
	[sflag:s2] =	ssyncadd.s32 $0xFFFF8000  }
.LBB2_4:
0x190: {  	v3 =	vld [tilespmem:s30+$0x0];
	s15 =	sand.u32 $0x6000, s31;
	s16 =	sand.u32 $0x380, s0  }
0x191: {  	v4 =	vld [tilespmem:s13+$0x0];
	s15 =	sor.u32 s16, s15  }
0x192: {  	v0 =	vld [tilespmem:s15+$0x4100]  }
0x193: {  	v1 =	vld [tilespmem:s15+$0xC100]  }
0x194: {  	v2 =	vld [tilespmem:s15+$0x4110]  }
0x195: {  	v6 =	vld [tilespmem:s15+$0xC110]  }
0x196: {  	v10 =	vld [tilespmem:s15+$0x4120]  }
0x197: {  	v11 =	vld [tilespmem:s15+$0xC120]  }
0x198: {  	v14 =	vld [tilespmem:s15+$0x4130]  }
0x199: {  	v17 =	vld [tilespmem:s15+$0xC130]  }
0x19a: {  	v20 =	vld [tilespmem:s15+$0x4140]  }
0x19b: {  	v21 =	vld [tilespmem:s15+$0xC140]  }
0x19c: {  	v26 =	vld [tilespmem:s15+$0x4150]  }
0x19d: {  	v27 =	vld [tilespmem:s15+$0xC150]  }
0x19e: {  	v28 =	vld [tilespmem:s15+$0x4160]  }
0x19f: {  	v29 =	vld [tilespmem:s15+$0xC160]  }
0x1a0: {  	v30 =	vld [tilespmem:s15+$0x4170]  }
0x1a1: {  	v31 =	vld [tilespmem:s15+$0xC170]  }
0x1a2: {  	v32 =	vld [tilespmem:s15+$0x4500]  }
0x1a3: {  	v33 =	vld [tilespmem:s15+$0xC500]  }
0x1a4: {  	v34 =	vld [tilespmem:s15+$0x4510]  }
0x1a5: {  	v35 =	vld [tilespmem:s15+$0xC510]  }
0x1a6: {  	v36 =	vld [tilespmem:s15+$0x4520]  }
0x1a7: {  	v37 =	vld [tilespmem:s15+$0xC520]  }
0x1a8: {  	v38 =	vld [tilespmem:s15+$0x4530]  }
0x1a9: {  	v39 =	vld [tilespmem:s15+$0xC530]  }
0x1aa: {  	v40 =	vld [tilespmem:s15+$0x4540]  }
0x1ab: {  	v41 =	vld [tilespmem:s15+$0xC540]  }
0x1ac: {  	v42 =	vld [tilespmem:s15+$0x4550]  }
0x1ad: {  	v43 =	vld [tilespmem:s15+$0xC550]  }
0x1ae: {  	v44 =	vld [tilespmem:s15+$0x4560]  }
0x1af: {  	v45 =	vld [tilespmem:s15+$0xC560]  }
0x1b0: {  	v46 =	vld [tilespmem:s15+$0x4570]  }
0x1b1: {  	v47 =	vld [tilespmem:s15+$0xC570]  }
0x1b2: {  	v48 =	vld [tilespmem:s15+$0x4900]  }
0x1b3: {  	v49 =	vld [tilespmem:s15+$0xC900]  }
0x1b4: {  	v50 =	vld [tilespmem:s15+$0x4910]  }
0x1b5: {  	v51 =	vld [tilespmem:s15+$0xC910]  }
0x1b6: {  	v52 =	vld [tilespmem:s15+$0x4920]  }
0x1b7: {  	v53 =	vld [tilespmem:s15+$0xC920]  }
0x1b8: {  	v54 =	vld [tilespmem:s15+$0x4930]  }
0x1b9: {  	v55 =	vld [tilespmem:s15+$0xC930]  }
0x1ba: {  	v56 =	vld [tilespmem:s15+$0x4940]  }
0x1bb: {  	v57 =	vld [tilespmem:s15+$0xC940]  }
0x1bc: {  	v58 =	vld [tilespmem:s15+$0x4950]  }
0x1bd: {  	v59 =	vld [tilespmem:s15+$0xC950]  }
0x1be: {  	v60 =	vld [tilespmem:s15+$0x4960]  }
0x1bf: {  	v61 =	vld [tilespmem:s15+$0xC960]  }
0x1c0: {  	v62 =	vld [tilespmem:s15+$0x4970]  }
0x1c1: {  	v63 =	vld [tilespmem:s15+$0xC970]  }
0x1c2: {  	v24 =	vld [tilespmem:s15+$0x4D00]  }
0x1c3: {  	v25 =	vld [tilespmem:s15+$0xCD00]  }
0x1c4: {  	v22 =	vld [tilespmem:s15+$0x4D10]  }
0x1c5: {  	v23 =	vld [tilespmem:s15+$0xCD10]  }
0x1c6: {  	v18 =	vld [tilespmem:s15+$0x4D20]  }
0x1c7: {  	v19 =	vld [tilespmem:s15+$0xCD20]  }
0x1c8: {  	v15 =	vld [tilespmem:s15+$0x4D30]  }
0x1c9: {  	v16 =	vld [tilespmem:s15+$0xCD30]  }
0x1ca: {  	v5 =	vld [tilespmem:s15+$0x4D60]  }
0x1cb: {  	v12 =	vld [tilespmem:s15+$0x4D40]  }
0x1cc: {  	v13 =	vld [tilespmem:s15+$0xCD40]  }
0x1cd: {  	v8 =	vld [tilespmem:s15+$0x4D50]  }
0x1ce: {  	v9 =	vld [tilespmem:s15+$0xCD50];
	v0 =	vmul.f32 v0, v3;
	v1 =	vmul.f32 v1, v4  }
0x1cf: {  	v7 =	vld [tilespmem:s15+$0xCD60];
	[tilespmem:$0x1FFA0] =	vst v5;
	v5 =	vmul.f32 v2, v3;
	v2 =	vmul.f32 v6, v4  }
0x1d0: {  	v6 =	vld [tilespmem:s15+$0x4D70];
	v17 =	vmul.f32 v17, v4;
	v0 =	vadd.f32 v1, v0  }
0x1d1: {  	v1 =	vmul.f32 v10, v3;
	v10 =	vld [tilespmem:s15+$0xCD70];
	v5 =	vadd.f32 v2, v5;
	v2 =	vmul.f32 v14, v3  }
0x1d2: {  	v11 =	vmul.f32 v11, v4;
	v14 =	vld [tilespmem:s15+$0xD100]  }
0x1d3: {  	v26 =	vmul.f32 v26, v3;
	v2 =	vadd.f32 v17, v2;
	v17 =	vld [tilespmem:s15+$0x5110]  }
0x1d4: {  	[tilespmem:s15+$0x14100] =	vst v0;
	v0 =	vadd.f32 v11, v1;
	v1 =	vmul.f32 v20, v3;
	v11 =	vmul.f32 v21, v4;
	v20 =	vld [tilespmem:s15+$0xD110]  }
0x1d5: {  	v27 =	vmul.f32 v27, v4;
	v30 =	vmul.f32 v30, v3;
	v21 =	vld [tilespmem:s15+$0x5120];
	[tilespmem:$0x1FFB0] =	vst v6  }
0x1d6: {  	v31 =	vmul.f32 v31, v4;
	v33 =	vmul.f32 v33, v4;
	v6 =	vld [tilespmem:s15+$0x5100];
	[tilespmem:s15+$0x14120] =	vst v0;
	v0 =	vadd.f32 v11, v1  }
0x1d7: {  	v1 =	vmul.f32 v28, v3;
	v11 =	vmul.f32 v29, v4;
	[tilespmem:s15+$0x14130] =	vst v2;
	v2 =	vadd.f32 v27, v26;
	v26 =	vld [tilespmem:s15+$0xD120]  }
0x1d8: {  	[tilespmem:s15+$0x14110] =	vst v5;
	v5 =	vmul.f32 v34, v3;
	v34 =	vmul.f32 v37, v4;
	v28 =	vld [tilespmem:s15+$0x5130]  }
0x1d9: {  	v37 =	vmul.f32 v39, v4;
	v29 =	vld [tilespmem:s15+$0xD130];
	[tilespmem:s15+$0x14140] =	vst v0;
	v0 =	vadd.f32 v11, v1;
	v1 =	vmul.f32 v32, v3  }
0x1da: {  	v27 =	vmul.f32 v16, v4;
	v16 =	vld [tilespmem:s15+$0x5540];
	[tilespmem:s15+$0x14150] =	vst v2;
	v2 =	vadd.f32 v31, v30;
	v32 =	vmul.f32 v35, v4  }
0x1db: {  	v30 =	vld [tilespmem:s15+$0x5140];
	[tilespmem:s15+$0x14160] =	vst v0;
	v0 =	vadd.f32 v33, v1;
	v33 =	vmul.f32 v36, v3;
	v36 =	vmul.f32 v38, v3  }
0x1dc: {  	v39 =	vmul.f32 v40, v3;
	v40 =	vmul.f32 v41, v4;
	v31 =	vld [tilespmem:s15+$0xD140];
	[tilespmem:s15+$0x14170] =	vst v2;
	v35 =	vadd.f32 v32, v5  }
0x1dd: {  	v42 =	vmul.f32 v42, v3;
	v11 =	vld [tilespmem:s15+$0xD550];
	[tilespmem:s15+$0x14500] =	vst v0;
	v38 =	vadd.f32 v34, v33;
	v41 =	vadd.f32 v37, v36  }
0x1de: {  	v32 =	vld [tilespmem:s15+$0x5150];
	[tilespmem:s15+$0x14510] =	vst v35;
	v36 =	vmul.f32 v43, v4;
	v37 =	vadd.f32 v40, v39;
	v39 =	vmul.f32 v45, v4  }
0x1df: {  	v33 =	vld [tilespmem:s15+$0xD150];
	v45 =	vmul.f32 v49, v4;
	[tilespmem:s15+$0x14520] =	vst v38;
	v38 =	vmul.f32 v44, v3  }
0x1e0: {  	v34 =	vld [tilespmem:s15+$0x5160];
	[tilespmem:s15+$0x14530] =	vst v41;
	v40 =	vadd.f32 v36, v42;
	v41 =	vmul.f32 v46, v3;
	v42 =	vmul.f32 v47, v4  }
0x1e1: {  	v35 =	vld [tilespmem:s15+$0xD160];
	[tilespmem:s15+$0x14540] =	vst v37;
	v44 =	vmul.f32 v48, v3;
	v47 =	vmul.f32 v50, v3;
	v43 =	vadd.f32 v39, v38  }
0x1e2: {  	v48 =	vmul.f32 v51, v4;
	v36 =	vld [tilespmem:s15+$0x5170];
	v50 =	vmul.f32 v52, v3;
	[tilespmem:s15+$0x14550] =	vst v40;
	v46 =	vadd.f32 v42, v41  }
0x1e3: {  	v51 =	vmul.f32 v53, v4;
	v37 =	vld [tilespmem:s15+$0xD170];
	v53 =	vmul.f32 v54, v3;
	v49 =	vadd.f32 v45, v44;
	[tilespmem:s15+$0x14560] =	vst v43  }
0x1e4: {  	v54 =	vmul.f32 v55, v4;
	v52 =	vadd.f32 v48, v47;
	v38 =	vld [tilespmem:s15+$0x5500];
	v44 =	vmul.f32 v56, v3;
	[tilespmem:s15+$0x14570] =	vst v46  }
0x1e5: {  	v55 =	vadd.f32 v51, v50;
	v45 =	vmul.f32 v57, v4;
	v39 =	vld [tilespmem:s15+$0xD500];
	v47 =	vmul.f32 v58, v3;
	[tilespmem:s15+$0x14900] =	vst v49  }
0x1e6: {  	v48 =	vmul.f32 v59, v4;
	v40 =	vld [tilespmem:s15+$0x5510];
	v50 =	vmul.f32 v60, v3;
	[tilespmem:s15+$0x14910] =	vst v52;
	v46 =	vadd.f32 v54, v53  }
0x1e7: {  	v51 =	vmul.f32 v61, v4;
	v41 =	vld [tilespmem:s15+$0xD510];
	v56 =	vmul.f32 v24, v3;
	[tilespmem:s15+$0x14920] =	vst v55;
	v49 =	vadd.f32 v45, v44  }
0x1e8: {  	v42 =	vld [tilespmem:s15+$0x5520];
	v57 =	vmul.f32 v25, v4;
	v59 =	vmul.f32 v22, v3;
	v52 =	vadd.f32 v48, v47;
	[tilespmem:s15+$0x14930] =	vst v46  }
0x1e9: {  	v24 =	vld [tilespmem:s15+$0xD520];
	v60 =	vmul.f32 v23, v4;
	v25 =	vmul.f32 v15, v3;
	v55 =	vadd.f32 v51, v50;
	[tilespmem:s15+$0x14940] =	vst v49  }
0x1ea: {  	v23 =	vld [tilespmem:s15+$0x5530];
	v53 =	vmul.f32 v62, v3;
	v54 =	vmul.f32 v63, v4;
	v61 =	vadd.f32 v57, v56;
	[tilespmem:s15+$0x14950] =	vst v52  }
0x1eb: {  	v15 =	vld [tilespmem:s15+$0x5900];
	v62 =	vmul.f32 v18, v3;
	v63 =	vmul.f32 v19, v4;
	v22 =	vadd.f32 v60, v59;
	[tilespmem:s15+$0x14960] =	vst v55  }
0x1ec: {  	v18 =	vld [tilespmem:s15+$0xD530];
	v44 =	vmul.f32 v12, v3;
	v45 =	vmul.f32 v13, v4;
	v58 =	vadd.f32 v54, v53;
	[tilespmem:s15+$0x14D00] =	vst v61  }
0x1ed: {  	v12 =	vld [tilespmem:s15+$0xD540];
	v47 =	vmul.f32 v8, v3;
	v48 =	vmul.f32 v9, v4;
	v43 =	vadd.f32 v63, v62;
	[tilespmem:s15+$0x14D10] =	vst v22  }
0x1ee: {  	v9 =	vld [tilespmem:s15+$0x5550];
	v56 =	vmul.f32 v14, v4;
	v59 =	vmul.f32 v20, v4;
	v46 =	vadd.f32 v27, v25;
	[tilespmem:s15+$0x14970] =	vst v58  }
0x1ef: {  	v50 =	vld [tilespmem:$0x1FFA0];
	v20 =	vmul.f32 v28, v3;
	v49 =	vadd.f32 v45, v44;
	v55 =	vmul.f32 v6, v3;
	[tilespmem:s15+$0x14D20] =	vst v43  }
0x1f0: {  	v13 =	vld [tilespmem:s15+$0x5570];
	v51 =	vadd.f32 v48, v47;
	v61 =	vmul.f32 v21, v3;
	v62 =	vmul.f32 v26, v4;
	[tilespmem:s15+$0x14D30] =	vst v46  }
0x1f1: {  	v14 =	vld [tilespmem:s15+$0xD570];
	v28 =	vmul.f32 v32, v3;
	v21 =	vmul.f32 v29, v4;
	[tilespmem:s15+$0x14D40] =	vst v49;
	v60 =	vadd.f32 v56, v55  }
0x1f2: {  	v19 =	vld [tilespmem:s15+$0x5910];
	v25 =	vmul.f32 v30, v3;
	v26 =	vmul.f32 v31, v4;
	[tilespmem:s15+$0x14D50] =	vst v51;
	v22 =	vadd.f32 v62, v61  }
0x1f3: {  	v32 =	vmul.f32 v35, v4;
	v52 =	vld [tilespmem:$0x1FFB0];
	v29 =	vmul.f32 v33, v4;
	v27 =	vadd.f32 v21, v20;
	[tilespmem:s15+$0x15100] =	vst v60  }
0x1f4: {  	v53 =	vmul.f32 v10, v4;
	v10 =	vld [tilespmem:s15+$0x5560];
	v31 =	vmul.f32 v34, v3;
	v30 =	vadd.f32 v26, v25;
	[tilespmem:s15+$0x15120] =	vst v22  }
0x1f5: {  	v35 =	vmul.f32 v37, v4;
	v34 =	vmul.f32 v36, v3;
	v44 =	vld [tilespmem:s15+$0x5930];
	v33 =	vadd.f32 v29, v28;
	[tilespmem:s15+$0x15130] =	vst v27  }
0x1f6: {  	v48 =	vld [tilespmem:s15+$0xD930];
	v37 =	vmul.f32 v38, v3;
	v38 =	vmul.f32 v39, v4;
	v36 =	vadd.f32 v32, v31;
	[tilespmem:s15+$0x15140] =	vst v30  }
0x1f7: {  	v58 =	vmul.f32 v17, v3;
	v17 =	vld [tilespmem:s15+$0xD900];
	v39 =	vadd.f32 v35, v34;
	[tilespmem:s15+$0x15150] =	vst v33  }
0x1f8: {  	v40 =	vmul.f32 v40, v3;
	v20 =	vld [tilespmem:s15+$0xD910];
	v43 =	vmul.f32 v41, v4;
	v45 =	vadd.f32 v38, v37;
	[tilespmem:s15+$0x15160] =	vst v36  }
0x1f9: {  	v7 =	vmul.f32 v7, v4;
	v21 =	vld [tilespmem:s15+$0x5920];
	v1 =	vmul.f32 v50, v3;
	v63 =	vadd.f32 v59, v58;
	[tilespmem:s15+$0x15170] =	vst v39  }
0x1fa: {  	v56 =	vld [tilespmem:s15+$0xD940];
	v49 =	vadd.f32 v43, v40;
	v58 =	vmul.f32 v9, v3;
	v59 =	vmul.f32 v11, v4;
	[tilespmem:s15+$0x15500] =	vst v45  }
0x1fb: {  	v28 =	vld [tilespmem:s15+$0x5960];
	v26 =	vmul.f32 v13, v3;
	v27 =	vmul.f32 v14, v4;
	v54 =	vadd.f32 v7, v1;
	[tilespmem:s15+$0x15110] =	vst v63  }
0x1fc: {  	v32 =	vld [tilespmem:s15+$0xD960];
	v50 =	vmul.f32 v23, v3;
	v5 =	vmul.f32 v52, v3;
	[tilespmem:s15+$0x15510] =	vst v49;
	v23 =	vadd.f32 v59, v58  }
0x1fd: {  	v47 =	vmul.f32 v24, v4;
	v46 =	vmul.f32 v42, v3;
	v22 =	vld [tilespmem:s15+$0xD920];
	v33 =	vadd.f32 v27, v26;
	[tilespmem:s15+$0x14D60] =	vst v54  }
0x1fe: {  	v60 =	vld [tilespmem:s15+$0x5950];
	v42 =	vmul.f32 v44, v3;
	v43 =	vmul.f32 v48, v4;
	v57 =	vadd.f32 v53, v5;
	[tilespmem:s15+$0x15550] =	vst v23  }
0x1ff: {  	v51 =	vmul.f32 v18, v4;
	v36 =	vld [tilespmem:s15+$0x5970];
	v53 =	vadd.f32 v47, v46;
	[tilespmem:s15+$0x15570] =	vst v33  }
0x200: {  	v55 =	vmul.f32 v12, v4;
	v40 =	vld [tilespmem:s15+$0xD970];
	v54 =	vmul.f32 v16, v3;
	v47 =	vadd.f32 v43, v42;
	[tilespmem:s15+$0x14D70] =	vst v57  }
0x201: {  	v30 =	vmul.f32 v15, v3;
	v7 =	vld [tilespmem:s15+$0xD560];
	v31 =	vmul.f32 v17, v4;
	v57 =	vadd.f32 v51, v50;
	[tilespmem:s15+$0x15520] =	vst v53  }
0x202: {  	v34 =	vmul.f32 v19, v3;
	v52 =	vld [tilespmem:s15+$0x5940];
	v35 =	vmul.f32 v20, v4;
	v61 =	vadd.f32 v55, v54;
	[tilespmem:s15+$0x15930] =	vst v47  }
0x203: {  	v16 =	vld [tilespmem:s15+$0xD950];
	v38 =	vmul.f32 v21, v3;
	v37 =	vadd.f32 v31, v30;
	v39 =	vmul.f32 v22, v4;
	[tilespmem:s15+$0x15530] =	vst v57  }
0x204: {  	v41 =	vadd.f32 v35, v34;
	v50 =	vmul.f32 v28, v3;
	v51 =	vmul.f32 v32, v4;
	[tilespmem:s15+$0x15540] =	vst v61  }
0x205: {  	v53 =	vmul.f32 v36, v3;
	v54 =	vmul.f32 v40, v4;
	[tilespmem:s15+$0x15900] =	vst v37;
	v44 =	vadd.f32 v39, v38  }
0x206: {  	v62 =	vmul.f32 v10, v3;
	v63 =	vmul.f32 v7, v4;
	[tilespmem:s15+$0x15910] =	vst v41;
	v55 =	vadd.f32 v51, v50  }
0x207: {  	v46 =	vmul.f32 v56, v4;
	v45 =	vmul.f32 v52, v3;
	v56 =	vadd.f32 v54, v53;
	[tilespmem:s15+$0x15920] =	vst v44  }
0x208: {  	v48 =	vmul.f32 v60, v3;
	v29 =	vadd.f32 v63, v62;
	v7 =	vmul.f32 v16, v4;
	[tilespmem:s15+$0x15960] =	vst v55  }
0x209: {  	s16 =	sand.u32 $0x7, s12;
	v49 =	vadd.f32 v46, v45;
	[tilespmem:s15+$0x15970] =	vst v56  }
0x20a: {  	s16 =	sshll.u32 s16, $0x7;
	[tilespmem:s15+$0x15560] =	vst v29;
	v52 =	vadd.f32 v7, v48  }
0x20b: {  	s16 =	sadd.s32 s16, s31;
	[tilespmem:s15+$0x15940] =	vst v49  }
0x20c: {  	[tilespmem:s15+$0x15950] =	vst v52;
	s15 =	sor.u32 $0x1C00, s16  }
0x20d: {  	v0 =	vld [tilespmem:s15+$0x4100]  }
0x20e: {  	v1 =	vld [tilespmem:s15+$0xC100];
	_ =	sdelay $0x4  }
0x20f: {  	v0 =	vmul.f32 v0, v3;
	v1 =	vmul.f32 v1, v4;
	_ =	sdelay $0x1  }
0x210: {  	v0 =	vadd.f32 v1, v0;
	_ =	sdelay $0x1  }
0x211: {  	[tilespmem:s15+$0x14100] =	vst v0;
	s15 =	sor.u32 $0x1C10, s16  }
0x212: {  	v0 =	vld [tilespmem:s15+$0x4100]  }
0x213: {  	v57 =	vld [tilespmem:s15+$0xC100];
	_ =	sdelay $0x4  }
0x214: {  	v0 =	vmul.f32 v0, v3;
	v1 =	vmul.f32 v57, v4;
	_ =	sdelay $0x1  }
0x215: {  	v0 =	vadd.f32 v1, v0;
	_ =	sdelay $0x1  }
0x216: {  	[tilespmem:s15+$0x14100] =	vst v0;
	s15 =	sor.u32 $0x1C20, s16  }
0x217: {  	v0 =	vld [tilespmem:s15+$0x4100]  }
0x218: {  	v58 =	vld [tilespmem:s15+$0xC100];
	_ =	sdelay $0x4  }
0x219: {  	v0 =	vmul.f32 v0, v3;
	v1 =	vmul.f32 v58, v4;
	_ =	sdelay $0x1  }
0x21a: {  	v0 =	vadd.f32 v1, v0;
	_ =	sdelay $0x1  }
0x21b: {  	[tilespmem:s15+$0x14100] =	vst v0;
	s15 =	sor.u32 $0x1C30, s16  }
0x21c: {  	v0 =	vld [tilespmem:s15+$0x4100]  }
0x21d: {  	v59 =	vld [tilespmem:s15+$0xC100];
	_ =	sdelay $0x4  }
0x21e: {  	v0 =	vmul.f32 v0, v3;
	v1 =	vmul.f32 v59, v4;
	_ =	sdelay $0x1  }
0x21f: {  	v0 =	vadd.f32 v1, v0;
	_ =	sdelay $0x1  }
0x220: {  	[tilespmem:s15+$0x14100] =	vst v0;
	s15 =	sor.u32 $0x1C40, s16  }
0x221: {  	v0 =	vld [tilespmem:s15+$0x4100]  }
0x222: {  	v60 =	vld [tilespmem:s15+$0xC100];
	_ =	sdelay $0x4  }
0x223: {  	v0 =	vmul.f32 v0, v3;
	v1 =	vmul.f32 v60, v4;
	_ =	sdelay $0x1  }
0x224: {  	v0 =	vadd.f32 v1, v0;
	_ =	sdelay $0x1  }
0x225: {  	[tilespmem:s15+$0x14100] =	vst v0;
	s15 =	sor.u32 $0x1C50, s16  }
0x226: {  	v0 =	vld [tilespmem:s15+$0x4100]  }
0x227: {  	v61 =	vld [tilespmem:s15+$0xC100];
	_ =	sdelay $0x4  }
0x228: {  	v0 =	vmul.f32 v0, v3;
	v1 =	vmul.f32 v61, v4;
	_ =	sdelay $0x1  }
0x229: {  	v0 =	vadd.f32 v1, v0;
	_ =	sdelay $0x1  }
0x22a: {  	[tilespmem:s15+$0x14100] =	vst v0;
	s15 =	sor.u32 $0x1C60, s16  }
0x22b: {  	v0 =	vld [tilespmem:s15+$0x4100]  }
0x22c: {  	v62 =	vld [tilespmem:s15+$0xC100];
	_ =	sdelay $0x4  }
0x22d: {  	v0 =	vmul.f32 v0, v3;
	v1 =	vmul.f32 v62, v4;
	_ =	sdelay $0x1  }
0x22e: {  	v0 =	vadd.f32 v1, v0;
	_ =	sdelay $0x1  }
0x22f: {  	s16 =	sor.u32 $0x1C70, s16;
	[tilespmem:s15+$0x14100] =	vst v0  }
0x230: {  	v0 =	vld [tilespmem:s16+$0x4100]  }
0x231: {  	v63 =	vld [tilespmem:s16+$0xC100];
	_ =	sdelay $0x3  }
0x232: {  	p0 =	sne.s32 s0, $0xF80  }
.Ltmp1:
0x233: {  	v0 =	vmul.f32 v0, v3;
	v1 =	vmul.f32 v63, v4;
	(pc) =	sbr.rel @p0 .LBB2_4-.Ltmp1, $4  }
0x234: {  	_ = 	snop  }
0x235: {  	v0 =	vadd.f32 v1, v0  }
0x236: {  	s30 =	sadd.s32 $0x80, s30;
	s13 =	sadd.s32 $0x80, s13  }
0x237: {  	s0 =	sadd.s32 $0x80, s0;
	s12 =	sadd.s32 $0x1, s12;
	s31 =	sadd.s32 $0x400, s31;
	[tilespmem:s16+$0x14100] =	vst v0  }
0x238: {  	s0 =	rddreg [dreg:$0x7]  }
0x239: {  	[hbm4b:s0+s1] =	stream.linear.scatter [tilespmem:s28], [sflag:$0x2], $0x8000, $0x38;
	[tilespmem:$0x1C100] =	vst v63  }
0x23a: {  	_ =	swait.ge [sflag:s14], $0x8000  }
0x23b: {  	s29 =	sadd.s32 $0x1, s29;
	s31 =	rddreg [dreg:$0x8]  }
0x23c: {  	p0 =	sne.s32 s29, s31  }
.Ltmp2:
0x23d: {  	_ = 	snop;
	(pc) =	sbr.rel @p0 .LBB2_1-.Ltmp2, $3  }
0x23e: {  	_ =	sdelay $0x1  }
0x23f: {  	[sflag:s14] =	ssyncset.done $0x0  }
0x240: {  	[sflag:s14] =	ssyncadd.s32 $0xFFFF8000  }
0x241: {  	_ =	sfence.sel $0x180000  }
0x242: {  	[bflag:$0x0] =	sbarrier.arrive $0xFFFF  }
0x243: {  	_ =	strace $0x9000004A  }
0x244: {  	s0 =	stileid.u32;
	[bflag:$0x2] =	sbarrier.arrive $0xFFFF  }
0x245: {  	p0 =	sne.s32 s0, $0x0;
	s0 =	rddreg [dreg:$0x2]  }
0x246: {  	s0 =	sadd.s32 @!p0 $0x100000, s0  }
0x247: {  	[sflag:s0] =	ssyncadd.tile.s32 @!p0 $0x1;
	_ =	shalt  }
.Lfunc_end2:
_tile_overlayer_lowered:
.L_overlay_start_2:
0x248: {  	(tag) =	ssettag $0x2  }
0x249: {  	s0 =	rddreg [dreg:$0x0];
	s2 =	stileid.u32  }
0x24a: {  	s1 =	rddreg [dreg:$0x1];
	p0 =	sne.s32 s2, $0x0  }
0x24b: {  	s3 =	rddreg [dreg:$0x2];
	[bflag:$0x3] =	sbarrier.arrive $0xFFFF;
	s2 =	simm.s32 @!p0 $0x1C02  }
0x24c: {  	[timem:s3], [sflag:s2] =	dma.local @!p0 [hbm:s0], s1  }
0x24d: {  	s0 =	simm.s32 @!p0 $0x2  }
0x24e: {  	_ =	swait.ge @!p0 [sflag:s0], s1  }
0x24f: {  	s1 =	ssub.s32 @!p0 $0x0, s1;
	[sflag:s0] =	ssyncset.done @!p0 $0x0  }
0x250: {  	[sflag:s0] =	ssyncadd.s32 @!p0 s1  }
0x251: {  	[bflag:$0x3] =	sbarrier.arrive $0xFFFF  }
0x252: {  	_ =	shalt  }

</sc_bundles>
